<compile_context>
chip_gen: v7x
topology: tpu7x:2x2x1
jax: 0.10.2.dev20260603
libtpu: 0.0.44.dev20260713+nightly
codegen_flags: <defaults>
</compile_context>

<pallas_src>
import functools

import jax
import jax.numpy as jnp
from jax import lax
from jax.experimental import pallas as pl
from jax.experimental.pallas import tpu as pltpu
from jax.experimental.pallas import tpu_sc as plsc

N = 10000
D = 128
NC = 2
NS = 16
NW = NC * NS
CHUNK = 128
CPW = 80
G = 8
NG = CPW // G
E_PAD = NW * CPW * CHUNK
ACC = 10112
RPT = ACC // NS




def _deg_body(dst3_hbm, ones_hbm, zeros_hbm, out_hbm, dst_v, ones_v, dacc, sem):
    cid = lax.axis_index("c")
    sid = lax.axis_index("s")
    wid = sid * NC + cid
    rows = pl.ds(sid * RPT, RPT)

    pltpu.sync_copy(ones_hbm, ones_v)
    pltpu.sync_copy(zeros_hbm.at[rows], dacc.at[rows])
    pltpu.sync_copy(dst3_hbm.at[wid], dst_v)
    plsc.subcore_barrier()

    @pl.loop(0, CPW)
    def _(j):
        pltpu.sync_copy(ones_v, dacc.at[dst_v.at[j]], add=True)

    plsc.subcore_barrier()
    pltpu.sync_copy(dacc.at[rows], out_hbm.at[cid, rows])




def _agg_body(hs_hbm, src4_hbm, dst3_hbm, zeros_hbm, out_hbm,
              dst_v, sg0, sg1, ga, gb, acc,
              sem_a, sem_b, sem_s0, sem_s1):
    cid = lax.axis_index("c")
    sid = lax.axis_index("s")
    wid = sid * NC + cid
    rows = pl.ds(sid * RPT, RPT)

    @pl.when(cid == 0)
    def _():
        pltpu.sync_copy(hs_hbm.at[rows], acc.at[rows])

    @pl.when(cid == 1)
    def _():
        pltpu.sync_copy(zeros_hbm.at[rows], acc.at[rows])

    pltpu.sync_copy(dst3_hbm.at[wid], dst_v)
    pltpu.sync_copy(src4_hbm.at[wid, 0], sg0)
    plsc.subcore_barrier()

    def wait_gather(buf, sem):
        pltpu.make_async_copy(hs_hbm.at[pl.ds(0, CHUNK)], buf, sem).wait()

    def wait_idx(sg, sem):
        pltpu.make_async_copy(src4_hbm.at[0, 0], sg, sem).wait()

    H = CHUNK // 2

    def gather(row, buf, sem):
        pltpu.async_copy(hs_hbm.at[row.at[pl.ds(0, H)]], buf.at[pl.ds(0, H)], sem)
        pltpu.async_copy(hs_hbm.at[row.at[pl.ds(H, H)]], buf.at[pl.ds(H, H)], sem)

    gather(sg0.at[0], ga, sem_a)
    gather(sg0.at[1], gb, sem_b)
    pltpu.async_copy(src4_hbm.at[wid, 1], sg1, sem_s1)

    @pl.loop(0, NG, step=2)
    def _(g):
        for half in range(2):
            s_cur = (sg0, sg1)[half]
            s_nxt = (sg1, sg0)[half]
            sem_cur = (sem_s0, sem_s1)[half]
            sem_nxt = (sem_s1, sem_s0)[half]
            gg = g + half
            for k in range(G):
                buf, semg = ((ga, sem_a), (gb, sem_b))[k % 2]
                wait_gather(buf, semg)
                pltpu.sync_copy(buf, acc.at[dst_v.at[gg * G + k]], add=True)
                if k < G - 2:
                    gather(s_cur.at[k + 2], buf, semg)
                elif k == G - 2:
                    @pl.when(gg + 1 < NG)
                    def _():
                        wait_idx(s_nxt, sem_nxt)
                        gather(s_nxt.at[0], buf, semg)
                else:
                    @pl.when(gg + 1 < NG)
                    def _():
                        gather(s_nxt.at[1], buf, semg)

                    @pl.when(gg + 2 < NG)
                    def _():
                        pltpu.async_copy(src4_hbm.at[wid, gg + 2], s_cur, sem_cur)

    plsc.subcore_barrier()
    pltpu.sync_copy(acc.at[rows], out_hbm.at[cid, rows])


@functools.cache
def _sc_kernels():
    mesh = plsc.VectorSubcoreMesh(
        core_axis_name="c", subcore_axis_name="s", num_cores=NC, num_subcores=NS
    )
    deg = pl.kernel(
        _deg_body,
        out_type=jax.ShapeDtypeStruct((NC, ACC, D), jnp.float32),
        mesh=mesh,
        scratch_types=[
            pltpu.VMEM((CPW, CHUNK), jnp.int32),
            pltpu.VMEM((CHUNK, D), jnp.float32),
            pltpu.VMEM_SHARED((ACC, D), jnp.float32),
            pltpu.SemaphoreType.DMA,
        ],
    )
    agg = pl.kernel(
        _agg_body,
        out_type=jax.ShapeDtypeStruct((NC, ACC, D), jnp.float32),
        mesh=mesh,
        scratch_types=[
            pltpu.VMEM((CPW, CHUNK), jnp.int32),
            pltpu.VMEM((G, CHUNK), jnp.int32),
            pltpu.VMEM((G, CHUNK), jnp.int32),
            pltpu.VMEM((CHUNK, D), jnp.float32),
            pltpu.VMEM((CHUNK, D), jnp.float32),
            pltpu.VMEM_SHARED((ACC, D), jnp.float32),
            pltpu.SemaphoreType.DMA,
            pltpu.SemaphoreType.DMA,
            pltpu.SemaphoreType.DMA,
            pltpu.SemaphoreType.DMA,
        ],
    )
    return deg, agg



R_TC = 512


def _mm_scale_body(x_ref, w_ref, dp_ref, o_ref, dis_ref):
    h = jnp.dot(x_ref[...], w_ref[...], preferred_element_type=jnp.float32)
    deg = dp_ref[0, :, 0] + dp_ref[1, :, 0] + 1.0
    dis = lax.rsqrt(deg)
    o_ref[...] = h * dis[:, None]
    dis_ref[...] = jnp.broadcast_to(dis[:, None], (dis.shape[0], 16))


def _combine_body(p_ref, dis_ref, b_ref, w_ref, o_ref):
    dis = dis_ref[:, 0]
    s = p_ref[0] + p_ref[1]
    z = jnp.maximum(s * dis[:, None] + b_ref[...], 0.0)
    h2 = jnp.dot(z, w_ref[...], preferred_element_type=jnp.float32)
    o_ref[...] = h2 * dis[:, None]


def _final_body(p_ref, dis_ref, b_ref, o_ref):
    dis = dis_ref[:, 0]
    s = p_ref[0] + p_ref[1]
    o_ref[...] = jnp.maximum(s * dis[:, None] + b_ref[...], 0.0)


def _mm_scale(x_pad, w, degp):
    r = R_TC
    grid = (ACC + r - 1) // r
    return pl.pallas_call(
        _mm_scale_body,
        grid=(grid,),
        in_specs=[
            pl.BlockSpec((r, D), lambda i: (i, 0)),
            pl.BlockSpec((D, D), lambda i: (0, 0)),
            pl.BlockSpec((NC, r, D), lambda i: (0, i, 0)),
        ],
        out_specs=[
            pl.BlockSpec((r, D), lambda i: (i, 0)),
            pl.BlockSpec((r, 16), lambda i: (i, 0)),
        ],
        out_shape=[
            jax.ShapeDtypeStruct((ACC, D), jnp.float32),
            jax.ShapeDtypeStruct((ACC, 16), jnp.float32),
        ],
    )(x_pad, w, degp)


def _combine(parts, dis16, b, w):
    r = R_TC
    grid = (ACC + r - 1) // r
    return pl.pallas_call(
        _combine_body,
        grid=(grid,),
        in_specs=[
            pl.BlockSpec((NC, r, D), lambda i: (0, i, 0)),
            pl.BlockSpec((r, 16), lambda i: (i, 0)),
            pl.BlockSpec((1, D), lambda i: (0, 0)),
            pl.BlockSpec((D, D), lambda i: (0, 0)),
        ],
        out_specs=pl.BlockSpec((r, D), lambda i: (i, 0)),
        out_shape=jax.ShapeDtypeStruct((ACC, D), jnp.float32),
    )(parts, dis16, b, w)


def _final(parts, dis16, b):
    r = 1000
    grid = N // r
    return pl.pallas_call(
        _final_body,
        grid=(grid,),
        in_specs=[
            pl.BlockSpec((NC, r, D), lambda i: (0, i, 0)),
            pl.BlockSpec((r, 16), lambda i: (i, 0)),
            pl.BlockSpec((1, D), lambda i: (0, 0)),
        ],
        out_specs=pl.BlockSpec((r, D), lambda i: (i, 0)),
        out_shape=jax.ShapeDtypeStruct((N, D), jnp.float32),
    )(parts, dis16, b)




def kernel(x, edge_index, W1, b1, W2, b2):
    src = edge_index[0].astype(jnp.int32)
    dst = edge_index[1].astype(jnp.int32)
    pad = E_PAD - src.shape[0]
    src4 = jnp.concatenate([src, jnp.zeros((pad,), jnp.int32)]).reshape(NW, NG, G, CHUNK)
    trash = N + (jnp.arange(pad, dtype=jnp.int32) % (ACC - N))
    dst3 = jnp.concatenate([dst, trash]).reshape(NW, CPW, CHUNK)

    zeros_big = jnp.zeros((ACC, D), jnp.float32)
    ones_big = jnp.ones((CHUNK, D), jnp.float32)
    x_pad = jnp.concatenate([x, jnp.zeros((ACC - N, D), jnp.float32)], axis=0)

    deg_kernel, agg_kernel = _sc_kernels()
    degp = deg_kernel(dst3, ones_big, zeros_big)
    hs1, dis16 = _mm_scale(x_pad, W1, degp)
    p1 = agg_kernel(hs1, src4, dst3, zeros_big)
    hs2 = _combine(p1, dis16, b1.reshape(1, D), W2)
    p2 = agg_kernel(hs2, src4, dst3, zeros_big)
    return _final(p2, dis16, b2.reshape(1, D))

# --- scband reference (transcript-rebuilt; emitter-appended) ---
"""Pipeline reference for scband-gconv-51307679318311 (READ-ONLY COPY).

The authoritative reference and input builder live on the scoring server;
editing this copy changes nothing except your own understanding.
"""

import jax, jax.numpy as jnp
import numpy as np

N_NODES = 10000
N_EDGES = 320000
D_IN = 128
D_HID = 128


def setup_inputs(seed: int = 0) -> dict:
    key = jax.random.key(seed)
    k1, k2, k3, k4, k5, k6 = jax.random.split(key, 6)
    x = jax.random.normal(k1, (N_NODES, D_IN), dtype=jnp.float32)
    edge_index = jax.random.randint(k2, (2, N_EDGES), 0, N_NODES, dtype=jnp.int64)
    # Glorot init like PyG GCNConv
    s1 = float(np.sqrt(6.0 / (D_IN + D_HID)))
    s2 = float(np.sqrt(6.0 / (D_HID + D_HID)))
    W1 = jax.random.uniform(k3, (D_IN, D_HID), dtype=jnp.float32, minval=-s1, maxval=s1)
    b1 = jnp.zeros((D_HID,), dtype=jnp.float32)
    W2 = jax.random.uniform(k4, (D_HID, D_HID), dtype=jnp.float32, minval=-s2, maxval=s2)
    b2 = jnp.zeros((D_HID,), dtype=jnp.float32)
    return {"x": x, "edge_index": edge_index, "W1": W1, "b1": b1, "W2": W2, "b2": b2}


def _gcn_layer(x, W, b, src, dst, n_nodes):
    # GCNConv: x' = D^{-1/2}(A+I)D^{-1/2} (x W) + b, with self-loops, edge_weight=1
    h = x @ W
    loop = jnp.arange(n_nodes, dtype=src.dtype)
    src_f = jnp.concatenate([src, loop])
    dst_f = jnp.concatenate([dst, loop])
    ew = jnp.ones((src_f.shape[0],), dtype=x.dtype)
    deg = jnp.zeros((n_nodes,), dtype=x.dtype).at[dst_f].add(ew)
    deg_inv_sqrt = jnp.where(deg > 0, jax.lax.rsqrt(jnp.maximum(deg, 1e-12)), 0.0)
    norm = deg_inv_sqrt[src_f] * ew * deg_inv_sqrt[dst_f]
    msg = h[src_f] * norm[:, None]
    out = jnp.zeros_like(h).at[dst_f].add(msg)
    return out + b


def reference(x, edge_index, W1, b1, W2, b2):
    src = edge_index[0]
    dst = edge_index[1]
    z = _gcn_layer(x, W1, b1, src, dst, N_NODES)
    z = jax.nn.relu(z)
    z = _gcn_layer(z, W2, b2, src, dst, N_NODES)
    z = jax.nn.relu(z)
    return z

if __name__ == "__main__":
    import jax
    _d = setup_inputs()
    print(jax.jit(kernel)(*tuple(_d.values())))

</pallas_src>

<mosaic_0001>
#map = affine_map<(d0, d1) -> (0, 0)>
#map1 = affine_map<(d0, d1) -> (0, 0, 0, 0)>
#map2 = affine_map<(d0, d1) -> (0, 0, 0)>
module attributes {stable_mosaic.version = 14 : i64} {
  func.func @_agg_body(%arg0: i32, %arg1: i32, %arg2: memref<10112x128xf32, #tpu.memory_space<hbm>>, %arg3: memref<32x10x8x128xi32, #tpu.memory_space<hbm>>, %arg4: memref<32x80x128xi32, #tpu.memory_space<hbm>>, %arg5: memref<10112x128xf32, #tpu.memory_space<hbm>>, %arg6: memref<2x10112x128xf32, #tpu.memory_space<hbm>>, %arg7: memref<80x128xi32, #tpu.memory_space<vmem>>, %arg8: memref<8x128xi32, #tpu.memory_space<vmem>>, %arg9: memref<8x128xi32, #tpu.memory_space<vmem>>, %arg10: memref<128x128xf32, #tpu.memory_space<vmem>>, %arg11: memref<128x128xf32, #tpu.memory_space<vmem>>, %arg12: memref<10112x128xf32, #tpu.memory_space<vmem_shared>>, %arg13: memref<!tpu.dma_semaphore, #tpu.memory_space<semaphore_mem>>, %arg14: memref<!tpu.dma_semaphore, #tpu.memory_space<semaphore_mem>>, %arg15: memref<!tpu.dma_semaphore, #tpu.memory_space<semaphore_mem>>, %arg16: memref<!tpu.dma_semaphore, #tpu.memory_space<semaphore_mem>>) attributes {dimension_semantics = [#tpu.dimension_semantics<core_parallel>, #tpu.dimension_semantics<subcore_parallel>], iteration_bounds = array<i64: 2, 16>, scalar_prefetch = 0 : i64, scratch_operands = 10 : i64, tpu.core_type = #tpu.core_type<sc_vector_subcore>, window_params = [{transform_indices = #map}, {transform_indices = #map1}, {transform_indices = #map2}, {transform_indices = #map}, {transform_indices = #map2}]} {
    %mul3A = arith.constant 2 : i32
    %mul3A_0 = arith.muli %arg1, %mul3A : i32
    %add3A = arith.addi %mul3A_0, %arg0 : i32
    %mul3A_1 = arith.constant 632 : i32
    %mul3A_2 = arith.muli %arg1, %mul3A_1 : i32
    %eq3A = arith.constant 0 : i32
    %eq3A_3 = arith.cmpi eq, %arg0, %eq3A : i32
    %convert_element_type3A = arith.extui %eq3A_3 : i1 to i32
    %cond3A = arith.constant 0 : i32
    %cond3A_4 = arith.cmpi ne, %convert_element_type3A, %cond3A : i32
    scf.if %cond3A_4 {
      "tpu.region"() ({
        %run_scoped3A_71 = tpu.sem_alloc : memref<!tpu.dma_semaphore, #tpu.memory_space<semaphore_mem>>
        %dma_start3A_72 = arith.constant 0 : i32
        %dma_start3A_73 = tpu.memref_slice %arg12[%mul3A_2, %dma_start3A_72] : memref<10112x128xf32, #tpu.memory_space<vmem_shared>> -> memref<632x128xf32, #tpu.memory_space<vmem_shared>>
        %dma_start3A_74 = arith.constant 0 : i32
        %dma_start3A_75 = tpu.memref_slice %arg2[%mul3A_2, %dma_start3A_74] : memref<10112x128xf32, #tpu.memory_space<hbm>> -> memref<632x128xf32, #tpu.memory_space<hbm>>
        tpu.enqueue_dma source(%dma_start3A_75 : memref<632x128xf32, #tpu.memory_space<hbm>>) target(%dma_start3A_73 : memref<632x128xf32, #tpu.memory_space<vmem_shared>>) target_semaphore(%run_scoped3A_71 : memref<!tpu.dma_semaphore, #tpu.memory_space<semaphore_mem>>)
        %dma_wait3A = arith.constant 0 : i32
        %dma_wait3A_76 = tpu.memref_slice %arg12[%mul3A_2, %dma_wait3A] : memref<10112x128xf32, #tpu.memory_space<vmem_shared>> -> memref<632x128xf32, #tpu.memory_space<vmem_shared>>
        %dma_wait3A_77 = arith.constant 0 : i32
        %dma_wait3A_78 = tpu.memref_slice %arg2[%mul3A_2, %dma_wait3A_77] : memref<10112x128xf32, #tpu.memory_space<hbm>> -> memref<632x128xf32, #tpu.memory_space<hbm>>
        tpu.wait_dma2 semaphore(%run_scoped3A_71 : memref<!tpu.dma_semaphore, #tpu.memory_space<semaphore_mem>>) src(%dma_wait3A_78 : memref<632x128xf32, #tpu.memory_space<hbm>>) dst(%dma_wait3A_76 : memref<632x128xf32, #tpu.memory_space<vmem_shared>>)
        tpu.yield
      }) : () -> ()
    } else {
    }
    %eq3A_5 = arith.constant 1 : i32
    %eq3A_6 = arith.cmpi eq, %arg0, %eq3A_5 : i32
    %convert_element_type3A_7 = arith.extui %eq3A_6 : i1 to i32
    %cond3A_8 = arith.constant 0 : i32
    %cond3A_9 = arith.cmpi ne, %convert_element_type3A_7, %cond3A_8 : i32
    scf.if %cond3A_9 {
      "tpu.region"() ({
        %run_scoped3A_71 = tpu.sem_alloc : memref<!tpu.dma_semaphore, #tpu.memory_space<semaphore_mem>>
        %dma_start3A_72 = arith.constant 0 : i32
        %dma_start3A_73 = tpu.memref_slice %arg12[%mul3A_2, %dma_start3A_72] : memref<10112x128xf32, #tpu.memory_space<vmem_shared>> -> memref<632x128xf32, #tpu.memory_space<vmem_shared>>
        %dma_start3A_74 = arith.constant 0 : i32
        %dma_start3A_75 = tpu.memref_slice %arg5[%mul3A_2, %dma_start3A_74] : memref<10112x128xf32, #tpu.memory_space<hbm>> -> memref<632x128xf32, #tpu.memory_space<hbm>>
        tpu.enqueue_dma source(%dma_start3A_75 : memref<632x128xf32, #tpu.memory_space<hbm>>) target(%dma_start3A_73 : memref<632x128xf32, #tpu.memory_space<vmem_shared>>) target_semaphore(%run_scoped3A_71 : memref<!tpu.dma_semaphore, #tpu.memory_space<semaphore_mem>>)
        %dma_wait3A = arith.constant 0 : i32
        %dma_wait3A_76 = tpu.memref_slice %arg12[%mul3A_2, %dma_wait3A] : memref<10112x128xf32, #tpu.memory_space<vmem_shared>> -> memref<632x128xf32, #tpu.memory_space<vmem_shared>>
        %dma_wait3A_77 = arith.constant 0 : i32
        %dma_wait3A_78 = tpu.memref_slice %arg5[%mul3A_2, %dma_wait3A_77] : memref<10112x128xf32, #tpu.memory_space<hbm>> -> memref<632x128xf32, #tpu.memory_space<hbm>>
        tpu.wait_dma2 semaphore(%run_scoped3A_71 : memref<!tpu.dma_semaphore, #tpu.memory_space<semaphore_mem>>) src(%dma_wait3A_78 : memref<632x128xf32, #tpu.memory_space<hbm>>) dst(%dma_wait3A_76 : memref<632x128xf32, #tpu.memory_space<vmem_shared>>)
        tpu.yield
      }) : () -> ()
    } else {
    }
    "tpu.region"() ({
      %run_scoped3A_71 = tpu.sem_alloc : memref<!tpu.dma_semaphore, #tpu.memory_space<semaphore_mem>>
      %dma_start3A_72 = arith.constant 0 : i32
      %dma_start3A_73 = arith.constant 0 : i32
      %dma_start3A_74 = tpu.memref_slice %arg4[%add3A, %dma_start3A_72, %dma_start3A_73] : memref<32x80x128xi32, #tpu.memory_space<hbm>> -> memref<1x80x128xi32, #tpu.memory_space<hbm>>
      %dma_start3A_75 = tpu.memref_squeeze %dma_start3A_74 : memref<1x80x128xi32, #tpu.memory_space<hbm>> -> memref<80x128xi32, #tpu.memory_space<hbm>>
      %dma_start3A_76 = arith.constant 0 : i32
      %dma_start3A_77 = arith.constant 0 : i32
      %dma_start3A_78 = tpu.memref_slice %arg4[%add3A, %dma_start3A_76, %dma_start3A_77] : memref<32x80x128xi32, #tpu.memory_space<hbm>> -> memref<1x80x128xi32, #tpu.memory_space<hbm>>
      %dma_start3A_79 = tpu.memref_squeeze %dma_start3A_78 : memref<1x80x128xi32, #tpu.memory_space<hbm>> -> memref<80x128xi32, #tpu.memory_space<hbm>>
      tpu.enqueue_dma source(%dma_start3A_79 : memref<80x128xi32, #tpu.memory_space<hbm>>) target(%arg7 : memref<80x128xi32, #tpu.memory_space<vmem>>) target_semaphore(%run_scoped3A_71 : memref<!tpu.dma_semaphore, #tpu.memory_space<semaphore_mem>>)
      %dma_wait3A = arith.constant 0 : i32
      %dma_wait3A_80 = arith.constant 0 : i32
      %dma_wait3A_81 = tpu.memref_slice %arg4[%add3A, %dma_wait3A, %dma_wait3A_80] : memref<32x80x128xi32, #tpu.memory_space<hbm>> -> memref<1x80x128xi32, #tpu.memory_space<hbm>>
      %dma_wait3A_82 = tpu.memref_squeeze %dma_wait3A_81 : memref<1x80x128xi32, #tpu.memory_space<hbm>> -> memref<80x128xi32, #tpu.memory_space<hbm>>
      %dma_wait3A_83 = arith.constant 0 : i32
      %dma_wait3A_84 = arith.constant 0 : i32
      %dma_wait3A_85 = tpu.memref_slice %arg4[%add3A, %dma_wait3A_83, %dma_wait3A_84] : memref<32x80x128xi32, #tpu.memory_space<hbm>> -> memref<1x80x128xi32, #tpu.memory_space<hbm>>
      %dma_wait3A_86 = tpu.memref_squeeze %dma_wait3A_85 : memref<1x80x128xi32, #tpu.memory_space<hbm>> -> memref<80x128xi32, #tpu.memory_space<hbm>>
      tpu.wait_dma2 semaphore(%run_scoped3A_71 : memref<!tpu.dma_semaphore, #tpu.memory_space<semaphore_mem>>) src(%dma_wait3A_86 : memref<80x128xi32, #tpu.memory_space<hbm>>) dst(%arg7 : memref<80x128xi32, #tpu.memory_space<vmem>>)
      tpu.yield
    }) : () -> ()
    %run_scoped3A = arith.constant 0 : i32
    "tpu.region"() ({
      %run_scoped3A_71 = tpu.sem_alloc : memref<!tpu.dma_semaphore, #tpu.memory_space<semaphore_mem>>
      %dma_start3A_72 = arith.constant 0 : i32
      %dma_start3A_73 = arith.constant 0 : i32
      %dma_start3A_74 = tpu.memref_slice %arg3[%add3A, %run_scoped3A, %dma_start3A_72, %dma_start3A_73] : memref<32x10x8x128xi32, #tpu.memory_space<hbm>> -> memref<1x1x8x128xi32, #tpu.memory_space<hbm>>
      %dma_start3A_75 = tpu.memref_squeeze %dma_start3A_74 : memref<1x1x8x128xi32, #tpu.memory_space<hbm>> -> memref<8x128xi32, #tpu.memory_space<hbm>>
      %dma_start3A_76 = arith.constant 0 : i32
      %dma_start3A_77 = arith.constant 0 : i32
      %dma_start3A_78 = tpu.memref_slice %arg3[%add3A, %run_scoped3A, %dma_start3A_76, %dma_start3A_77] : memref<32x10x8x128xi32, #tpu.memory_space<hbm>> -> memref<1x1x8x128xi32, #tpu.memory_space<hbm>>
      %dma_start3A_79 = tpu.memref_squeeze %dma_start3A_78 : memref<1x1x8x128xi32, #tpu.memory_space<hbm>> -> memref<8x128xi32, #tpu.memory_space<hbm>>
      tpu.enqueue_dma source(%dma_start3A_79 : memref<8x128xi32, #tpu.memory_space<hbm>>) target(%arg8 : memref<8x128xi32, #tpu.memory_space<vmem>>) target_semaphore(%run_scoped3A_71 : memref<!tpu.dma_semaphore, #tpu.memory_space<semaphore_mem>>)
      %dma_wait3A = arith.constant 0 : i32
      %dma_wait3A_80 = arith.constant 0 : i32
      %dma_wait3A_81 = tpu.memref_slice %arg3[%add3A, %run_scoped3A, %dma_wait3A, %dma_wait3A_80] : memref<32x10x8x128xi32, #tpu.memory_space<hbm>> -> memref<1x1x8x128xi32, #tpu.memory_space<hbm>>
      %dma_wait3A_82 = tpu.memref_squeeze %dma_wait3A_81 : memref<1x1x8x128xi32, #tpu.memory_space<hbm>> -> memref<8x128xi32, #tpu.memory_space<hbm>>
      %dma_wait3A_83 = arith.constant 0 : i32
      %dma_wait3A_84 = arith.constant 0 : i32
      %dma_wait3A_85 = tpu.memref_slice %arg3[%add3A, %run_scoped3A, %dma_wait3A_83, %dma_wait3A_84] : memref<32x10x8x128xi32, #tpu.memory_space<hbm>> -> memref<1x1x8x128xi32, #tpu.memory_space<hbm>>
      %dma_wait3A_86 = tpu.memref_squeeze %dma_wait3A_85 : memref<1x1x8x128xi32, #tpu.memory_space<hbm>> -> memref<8x128xi32, #tpu.memory_space<hbm>>
      tpu.wait_dma2 semaphore(%run_scoped3A_71 : memref<!tpu.dma_semaphore, #tpu.memory_space<semaphore_mem>>) src(%dma_wait3A_86 : memref<8x128xi32, #tpu.memory_space<hbm>>) dst(%arg8 : memref<8x128xi32, #tpu.memory_space<vmem>>)
      tpu.yield
    }) : () -> ()
    %barrier3A = arith.constant 0 : index
    tpu.barrier barrier_id(%barrier3A)
    %dma_start3A = arith.constant 0 : i32
    %dma_start3A_10 = arith.constant 0 : i32
    %dma_start3A_11 = arith.constant 0 : i32
    %dma_start3A_12 = tpu.memref_slice %arg10[%dma_start3A_10, %dma_start3A_11] : memref<128x128xf32, #tpu.memory_space<vmem>> -> memref<64x128xf32, #tpu.memory_space<vmem>>
    %dma_start3A_13 = arith.constant 0 : i32
    %dma_start3A_14 = tpu.memref_slice %arg8[%dma_start3A, %dma_start3A_13] : memref<8x128xi32, #tpu.memory_space<vmem>> -> memref<1x128xi32, #tpu.memory_space<vmem>>
    %dma_start3A_15 = tpu.memref_squeeze %dma_start3A_14 : memref<1x128xi32, #tpu.memory_space<vmem>> -> memref<128xi32, #tpu.memory_space<vmem>>
    %dma_start3A_16 = arith.constant 0 : i32
    %dma_start3A_17 = tpu.memref_slice %dma_start3A_15[%dma_start3A_16] : memref<128xi32, #tpu.memory_space<vmem>> -> memref<64xi32, #tpu.memory_space<vmem>>
    %dma_start3A_18 = arith.constant 0 : i32
    %dma_start3A_19 = arith.constant 0 : i32
    %dma_start3A_20 = tpu.memref_slice %arg2[%dma_start3A_18, %dma_start3A_19] : memref<10112x128xf32, #tpu.memory_space<hbm>> -> memref<10112x128xf32, #tpu.memory_space<hbm>>
    tpu.enqueue_indirect_dma source(%dma_start3A_20 : memref<10112x128xf32, #tpu.memory_space<hbm>>) target(%dma_start3A_12 : memref<64x128xf32, #tpu.memory_space<vmem>>) offsets(%dma_start3A_17 : memref<64xi32, #tpu.memory_space<vmem>>) semaphore(%arg13 : memref<!tpu.dma_semaphore, #tpu.memory_space<semaphore_mem>>)
    %dma_start3A_21 = arith.constant 0 : i32
    %dma_start3A_22 = arith.constant 64 : i32
    %dma_start3A_23 = arith.constant 0 : i32
    %dma_start3A_24 = tpu.memref_slice %arg10[%dma_start3A_22, %dma_start3A_23] : memref<128x128xf32, #tpu.memory_space<vmem>> -> memref<64x128xf32, #tpu.memory_space<vmem>>
    %dma_start3A_25 = arith.constant 0 : i32
    %dma_start3A_26 = tpu.memref_slice %arg8[%dma_start3A_21, %dma_start3A_25] : memref<8x128xi32, #tpu.memory_space<vmem>> -> memref<1x128xi32, #tpu.memory_space<vmem>>
    %dma_start3A_27 = tpu.memref_squeeze %dma_start3A_26 : memref<1x128xi32, #tpu.memory_space<vmem>> -> memref<128xi32, #tpu.memory_space<vmem>>
    %dma_start3A_28 = arith.constant 64 : i32
    %dma_start3A_29 = tpu.memref_slice %dma_start3A_27[%dma_start3A_28] : memref<128xi32, #tpu.memory_space<vmem>> -> memref<64xi32, #tpu.memory_space<vmem>>
    %dma_start3A_30 = arith.constant 0 : i32
    %dma_start3A_31 = arith.constant 0 : i32
    %dma_start3A_32 = tpu.memref_slice %arg2[%dma_start3A_30, %dma_start3A_31] : memref<10112x128xf32, #tpu.memory_space<hbm>> -> memref<10112x128xf32, #tpu.memory_space<hbm>>
    tpu.enqueue_indirect_dma source(%dma_start3A_32 : memref<10112x128xf32, #tpu.memory_space<hbm>>) target(%dma_start3A_24 : memref<64x128xf32, #tpu.memory_space<vmem>>) offsets(%dma_start3A_29 : memref<64xi32, #tpu.memory_space<vmem>>) semaphore(%arg13 : memref<!tpu.dma_semaphore, #tpu.memory_space<semaphore_mem>>)
    %dma_start3A_33 = arith.constant 1 : i32
    %dma_start3A_34 = arith.constant 0 : i32
    %dma_start3A_35 = arith.constant 0 : i32
    %dma_start3A_36 = tpu.memref_slice %arg11[%dma_start3A_34, %dma_start3A_35] : memref<128x128xf32, #tpu.memory_space<vmem>> -> memref<64x128xf32, #tpu.memory_space<vmem>>
    %dma_start3A_37 = arith.constant 0 : i32
    %dma_start3A_38 = tpu.memref_slice %arg8[%dma_start3A_33, %dma_start3A_37] : memref<8x128xi32, #tpu.memory_space<vmem>> -> memref<1x128xi32, #tpu.memory_space<vmem>>
    %dma_start3A_39 = tpu.memref_squeeze %dma_start3A_38 : memref<1x128xi32, #tpu.memory_space<vmem>> -> memref<128xi32, #tpu.memory_space<vmem>>
    %dma_start3A_40 = arith.constant 0 : i32
    %dma_start3A_41 = tpu.memref_slice %dma_start3A_39[%dma_start3A_40] : memref<128xi32, #tpu.memory_space<vmem>> -> memref<64xi32, #tpu.memory_space<vmem>>
    %dma_start3A_42 = arith.constant 0 : i32
    %dma_start3A_43 = arith.constant 0 : i32
    %dma_start3A_44 = tpu.memref_slice %arg2[%dma_start3A_42, %dma_start3A_43] : memref<10112x128xf32, #tpu.memory_space<hbm>> -> memref<10112x128xf32, #tpu.memory_space<hbm>>
    tpu.enqueue_indirect_dma source(%dma_start3A_44 : memref<10112x128xf32, #tpu.memory_space<hbm>>) target(%dma_start3A_36 : memref<64x128xf32, #tpu.memory_space<vmem>>) offsets(%dma_start3A_41 : memref<64xi32, #tpu.memory_space<vmem>>) semaphore(%arg14 : memref<!tpu.dma_semaphore, #tpu.memory_space<semaphore_mem>>)
    %dma_start3A_45 = arith.constant 1 : i32
    %dma_start3A_46 = arith.constant 64 : i32
    %dma_start3A_47 = arith.constant 0 : i32
    %dma_start3A_48 = tpu.memref_slice %arg11[%dma_start3A_46, %dma_start3A_47] : memref<128x128xf32, #tpu.memory_space<vmem>> -> memref<64x128xf32, #tpu.memory_space<vmem>>
    %dma_start3A_49 = arith.constant 0 : i32
    %dma_start3A_50 = tpu.memref_slice %arg8[%dma_start3A_45, %dma_start3A_49] : memref<8x128xi32, #tpu.memory_space<vmem>> -> memref<1x128xi32, #tpu.memory_space<vmem>>
    %dma_start3A_51 = tpu.memref_squeeze %dma_start3A_50 : memref<1x128xi32, #tpu.memory_space<vmem>> -> memref<128xi32, #tpu.memory_space<vmem>>
    %dma_start3A_52 = arith.constant 64 : i32
    %dma_start3A_53 = tpu.memref_slice %dma_start3A_51[%dma_start3A_52] : memref<128xi32, #tpu.memory_space<vmem>> -> memref<64xi32, #tpu.memory_space<vmem>>
    %dma_start3A_54 = arith.constant 0 : i32
    %dma_start3A_55 = arith.constant 0 : i32
    %dma_start3A_56 = tpu.memref_slice %arg2[%dma_start3A_54, %dma_start3A_55] : memref<10112x128xf32, #tpu.memory_space<hbm>> -> memref<10112x128xf32, #tpu.memory_space<hbm>>
    tpu.enqueue_indirect_dma source(%dma_start3A_56 : memref<10112x128xf32, #tpu.memory_space<hbm>>) target(%dma_start3A_48 : memref<64x128xf32, #tpu.memory_space<vmem>>) offsets(%dma_start3A_53 : memref<64xi32, #tpu.memory_space<vmem>>) semaphore(%arg14 : memref<!tpu.dma_semaphore, #tpu.memory_space<semaphore_mem>>)
    %dma_start3A_57 = arith.constant 1 : i32
    %dma_start3A_58 = arith.constant 0 : i32
    %dma_start3A_59 = arith.constant 0 : i32
    %dma_start3A_60 = tpu.memref_slice %arg3[%add3A, %dma_start3A_57, %dma_start3A_58, %dma_start3A_59] : memref<32x10x8x128xi32, #tpu.memory_space<hbm>> -> memref<1x1x8x128xi32, #tpu.memory_space<hbm>>
    %dma_start3A_61 = tpu.memref_squeeze %dma_start3A_60 : memref<1x1x8x128xi32, #tpu.memory_space<hbm>> -> memref<8x128xi32, #tpu.memory_space<hbm>>
    %dma_start3A_62 = arith.constant 0 : i32
    %dma_start3A_63 = arith.constant 0 : i32
    %dma_start3A_64 = tpu.memref_slice %arg3[%add3A, %dma_start3A_57, %dma_start3A_62, %dma_start3A_63] : memref<32x10x8x128xi32, #tpu.memory_space<hbm>> -> memref<1x1x8x128xi32, #tpu.memory_space<hbm>>
    %dma_start3A_65 = tpu.memref_squeeze %dma_start3A_64 : memref<1x1x8x128xi32, #tpu.memory_space<hbm>> -> memref<8x128xi32, #tpu.memory_space<hbm>>
    tpu.enqueue_dma source(%dma_start3A_65 : memref<8x128xi32, #tpu.memory_space<hbm>>) target(%arg9 : memref<8x128xi32, #tpu.memory_space<vmem>>) target_semaphore(%arg16 : memref<!tpu.dma_semaphore, #tpu.memory_space<semaphore_mem>>)
    %scan3A = arith.constant 0 : i32
    %scan3A_66 = arith.constant 5 : i32
    %scan3A_67 = arith.addi %scan3A, %scan3A_66 : i32
    %scan3A_68 = arith.constant 1 : i32
    scf.for %scan3A_71 = %scan3A to %scan3A_67 step %scan3A_68  : i32 {
      %mul3A_72 = arith.constant 2 : i32
      %mul3A_73 = arith.muli %scan3A_71, %mul3A_72 : i32
      %add3A_74 = arith.constant 0 : i32
      %add3A_75 = arith.addi %add3A_74, %mul3A_73 : i32
      %add3A_76 = arith.constant 0 : i32
      %add3A_77 = arith.addi %add3A_75, %add3A_76 : i32
      %dma_wait3A = arith.constant 0 : i32
      %dma_wait3A_78 = arith.constant 0 : i32
      %dma_wait3A_79 = tpu.memref_slice %arg2[%dma_wait3A, %dma_wait3A_78] : memref<10112x128xf32, #tpu.memory_space<hbm>> -> memref<128x128xf32, #tpu.memory_space<hbm>>
      %dma_wait3A_80 = arith.constant 0 : i32
      %dma_wait3A_81 = arith.constant 0 : i32
      %dma_wait3A_82 = tpu.memref_slice %arg2[%dma_wait3A_80, %dma_wait3A_81] : memref<10112x128xf32, #tpu.memory_space<hbm>> -> memref<128x128xf32, #tpu.memory_space<hbm>>
      tpu.wait_dma2 semaphore(%arg13 : memref<!tpu.dma_semaphore, #tpu.memory_space<semaphore_mem>>) src(%dma_wait3A_82 : memref<128x128xf32, #tpu.memory_space<hbm>>) dst(%arg10 : memref<128x128xf32, #tpu.memory_space<vmem>>)
      %mul3A_83 = arith.constant 8 : i32
      %mul3A_84 = arith.muli %add3A_77, %mul3A_83 : i32
      %add3A_85 = arith.constant 0 : i32
      %add3A_86 = arith.addi %mul3A_84, %add3A_85 : i32
      "tpu.region"() ({
        %run_scoped3A_568 = tpu.sem_alloc : memref<!tpu.dma_semaphore, #tpu.memory_space<semaphore_mem>>
        %dma_start3A_569 = arith.constant 0 : i32
        %dma_start3A_570 = tpu.memref_slice %arg7[%add3A_86, %dma_start3A_569] : memref<80x128xi32, #tpu.memory_space<vmem>> -> memref<1x128xi32, #tpu.memory_space<vmem>>
        %dma_start3A_571 = tpu.memref_squeeze %dma_start3A_570 : memref<1x128xi32, #tpu.memory_space<vmem>> -> memref<128xi32, #tpu.memory_space<vmem>>
        %dma_start3A_572 = arith.constant 0 : i32
        %dma_start3A_573 = arith.constant 0 : i32
        %dma_start3A_574 = tpu.memref_slice %arg12[%dma_start3A_572, %dma_start3A_573] : memref<10112x128xf32, #tpu.memory_space<vmem_shared>> -> memref<10112x128xf32, #tpu.memory_space<vmem_shared>>
        tpu.enqueue_indirect_dma source(%arg10 : memref<128x128xf32, #tpu.memory_space<vmem>>) target(%dma_start3A_574 : memref<10112x128xf32, #tpu.memory_space<vmem_shared>>) offsets(%dma_start3A_571 : memref<128xi32, #tpu.memory_space<vmem>>) semaphore(%run_scoped3A_568 : memref<!tpu.dma_semaphore, #tpu.memory_space<semaphore_mem>>) {add = true}
        %dma_wait3A_575 = arith.constant 0 : i32
        %dma_wait3A_576 = tpu.memref_slice %arg7[%add3A_86, %dma_wait3A_575] : memref<80x128xi32, #tpu.memory_space<vmem>> -> memref<1x128xi32, #tpu.memory_space<vmem>>
        %dma_wait3A_577 = tpu.memref_squeeze %dma_wait3A_576 : memref<1x128xi32, #tpu.memory_space<vmem>> -> memref<128xi32, #tpu.memory_space<vmem>>
        %dma_wait3A_578 = arith.constant 0 : i32
        %dma_wait3A_579 = arith.constant 0 : i32
        %dma_wait3A_580 = tpu.memref_slice %arg12[%dma_wait3A_578, %dma_wait3A_579] : memref<10112x128xf32, #tpu.memory_space<vmem_shared>> -> memref<10112x128xf32, #tpu.memory_space<vmem_shared>>
        tpu.wait_indirect_dma semaphore(%run_scoped3A_568 : memref<!tpu.dma_semaphore, #tpu.memory_space<semaphore_mem>>) src(%arg10 : memref<128x128xf32, #tpu.memory_space<vmem>>) dst(%dma_wait3A_580 : memref<10112x128xf32, #tpu.memory_space<vmem_shared>>)
        tpu.yield
      }) : () -> ()
      %dma_start3A_87 = arith.constant 2 : i32
      %dma_start3A_88 = arith.constant 0 : i32
      %dma_start3A_89 = arith.constant 0 : i32
      %dma_start3A_90 = tpu.memref_slice %arg10[%dma_start3A_88, %dma_start3A_89] : memref<128x128xf32, #tpu.memory_space<vmem>> -> memref<64x128xf32, #tpu.memory_space<vmem>>
      %dma_start3A_91 = arith.constant 0 : i32
      %dma_start3A_92 = tpu.memref_slice %arg8[%dma_start3A_87, %dma_start3A_91] : memref<8x128xi32, #tpu.memory_space<vmem>> -> memref<1x128xi32, #tpu.memory_space<vmem>>
      %dma_start3A_93 = tpu.memref_squeeze %dma_start3A_92 : memref<1x128xi32, #tpu.memory_space<vmem>> -> memref<128xi32, #tpu.memory_space<vmem>>
      %dma_start3A_94 = arith.constant 0 : i32
      %dma_start3A_95 = tpu.memref_slice %dma_start3A_93[%dma_start3A_94] : memref<128xi32, #tpu.memory_space<vmem>> -> memref<64xi32, #tpu.memory_space<vmem>>
      %dma_start3A_96 = arith.constant 0 : i32
      %dma_start3A_97 = arith.constant 0 : i32
      %dma_start3A_98 = tpu.memref_slice %arg2[%dma_start3A_96, %dma_start3A_97] : memref<10112x128xf32, #tpu.memory_space<hbm>> -> memref<10112x128xf32, #tpu.memory_space<hbm>>
      tpu.enqueue_indirect_dma source(%dma_start3A_98 : memref<10112x128xf32, #tpu.memory_space<hbm>>) target(%dma_start3A_90 : memref<64x128xf32, #tpu.memory_space<vmem>>) offsets(%dma_start3A_95 : memref<64xi32, #tpu.memory_space<vmem>>) semaphore(%arg13 : memref<!tpu.dma_semaphore, #tpu.memory_space<semaphore_mem>>)
      %dma_start3A_99 = arith.constant 2 : i32
      %dma_start3A_100 = arith.constant 64 : i32
      %dma_start3A_101 = arith.constant 0 : i32
      %dma_start3A_102 = tpu.memref_slice %arg10[%dma_start3A_100, %dma_start3A_101] : memref<128x128xf32, #tpu.memory_space<vmem>> -> memref<64x128xf32, #tpu.memory_space<vmem>>
      %dma_start3A_103 = arith.constant 0 : i32
      %dma_start3A_104 = tpu.memref_slice %arg8[%dma_start3A_99, %dma_start3A_103] : memref<8x128xi32, #tpu.memory_space<vmem>> -> memref<1x128xi32, #tpu.memory_space<vmem>>
      %dma_start3A_105 = tpu.memref_squeeze %dma_start3A_104 : memref<1x128xi32, #tpu.memory_space<vmem>> -> memref<128xi32, #tpu.memory_space<vmem>>
      %dma_start3A_106 = arith.constant 64 : i32
      %dma_start3A_107 = tpu.memref_slice %dma_start3A_105[%dma_start3A_106] : memref<128xi32, #tpu.memory_space<vmem>> -> memref<64xi32, #tpu.memory_space<vmem>>
      %dma_start3A_108 = arith.constant 0 : i32
      %dma_start3A_109 = arith.constant 0 : i32
      %dma_start3A_110 = tpu.memref_slice %arg2[%dma_start3A_108, %dma_start3A_109] : memref<10112x128xf32, #tpu.memory_space<hbm>> -> memref<10112x128xf32, #tpu.memory_space<hbm>>
      tpu.enqueue_indirect_dma source(%dma_start3A_110 : memref<10112x128xf32, #tpu.memory_space<hbm>>) target(%dma_start3A_102 : memref<64x128xf32, #tpu.memory_space<vmem>>) offsets(%dma_start3A_107 : memref<64xi32, #tpu.memory_space<vmem>>) semaphore(%arg13 : memref<!tpu.dma_semaphore, #tpu.memory_space<semaphore_mem>>)
      %dma_wait3A_111 = arith.constant 0 : i32
      %dma_wait3A_112 = arith.constant 0 : i32
      %dma_wait3A_113 = tpu.memref_slice %arg2[%dma_wait3A_111, %dma_wait3A_112] : memref<10112x128xf32, #tpu.memory_space<hbm>> -> memref<128x128xf32, #tpu.memory_space<hbm>>
      %dma_wait3A_114 = arith.constant 0 : i32
      %dma_wait3A_115 = arith.constant 0 : i32
      %dma_wait3A_116 = tpu.memref_slice %arg2[%dma_wait3A_114, %dma_wait3A_115] : memref<10112x128xf32, #tpu.memory_space<hbm>> -> memref<128x128xf32, #tpu.memory_space<hbm>>
      tpu.wait_dma2 semaphore(%arg14 : memref<!tpu.dma_semaphore, #tpu.memory_space<semaphore_mem>>) src(%dma_wait3A_116 : memref<128x128xf32, #tpu.memory_space<hbm>>) dst(%arg11 : memref<128x128xf32, #tpu.memory_space<vmem>>)
      %mul3A_117 = arith.constant 8 : i32
      %mul3A_118 = arith.muli %add3A_77, %mul3A_117 : i32
      %add3A_119 = arith.constant 1 : i32
      %add3A_120 = arith.addi %mul3A_118, %add3A_119 : i32
      "tpu.region"() ({
        %run_scoped3A_568 = tpu.sem_alloc : memref<!tpu.dma_semaphore, #tpu.memory_space<semaphore_mem>>
        %dma_start3A_569 = arith.constant 0 : i32
        %dma_start3A_570 = tpu.memref_slice %arg7[%add3A_120, %dma_start3A_569] : memref<80x128xi32, #tpu.memory_space<vmem>> -> memref<1x128xi32, #tpu.memory_space<vmem>>
        %dma_start3A_571 = tpu.memref_squeeze %dma_start3A_570 : memref<1x128xi32, #tpu.memory_space<vmem>> -> memref<128xi32, #tpu.memory_space<vmem>>
        %dma_start3A_572 = arith.constant 0 : i32
        %dma_start3A_573 = arith.constant 0 : i32
        %dma_start3A_574 = tpu.memref_slice %arg12[%dma_start3A_572, %dma_start3A_573] : memref<10112x128xf32, #tpu.memory_space<vmem_shared>> -> memref<10112x128xf32, #tpu.memory_space<vmem_shared>>
        tpu.enqueue_indirect_dma source(%arg11 : memref<128x128xf32, #tpu.memory_space<vmem>>) target(%dma_start3A_574 : memref<10112x128xf32, #tpu.memory_space<vmem_shared>>) offsets(%dma_start3A_571 : memref<128xi32, #tpu.memory_space<vmem>>) semaphore(%run_scoped3A_568 : memref<!tpu.dma_semaphore, #tpu.memory_space<semaphore_mem>>) {add = true}
        %dma_wait3A_575 = arith.constant 0 : i32
        %dma_wait3A_576 = tpu.memref_slice %arg7[%add3A_120, %dma_wait3A_575] : memref<80x128xi32, #tpu.memory_space<vmem>> -> memref<1x128xi32, #tpu.memory_space<vmem>>
        %dma_wait3A_577 = tpu.memref_squeeze %dma_wait3A_576 : memref<1x128xi32, #tpu.memory_space<vmem>> -> memref<128xi32, #tpu.memory_space<vmem>>
        %dma_wait3A_578 = arith.constant 0 : i32
        %dma_wait3A_579 = arith.constant 0 : i32
        %dma_wait3A_580 = tpu.memref_slice %arg12[%dma_wait3A_578, %dma_wait3A_579] : memref<10112x128xf32, #tpu.memory_space<vmem_shared>> -> memref<10112x128xf32, #tpu.memory_space<vmem_shared>>
        tpu.wait_indirect_dma semaphore(%run_scoped3A_568 : memref<!tpu.dma_semaphore, #tpu.memory_space<semaphore_mem>>) src(%arg11 : memref<128x128xf32, #tpu.memory_space<vmem>>) dst(%dma_wait3A_580 : memref<10112x128xf32, #tpu.memory_space<vmem_shared>>)
        tpu.yield
      }) : () -> ()
      %dma_start3A_121 = arith.constant 3 : i32
      %dma_start3A_122 = arith.constant 0 : i32
      %dma_start3A_123 = arith.constant 0 : i32
      %dma_start3A_124 = tpu.memref_slice %arg11[%dma_start3A_122, %dma_start3A_123] : memref<128x128xf32, #tpu.memory_space<vmem>> -> memref<64x128xf32, #tpu.memory_space<vmem>>
      %dma_start3A_125 = arith.constant 0 : i32
      %dma_start3A_126 = tpu.memref_slice %arg8[%dma_start3A_121, %dma_start3A_125] : memref<8x128xi32, #tpu.memory_space<vmem>> -> memref<1x128xi32, #tpu.memory_space<vmem>>
      %dma_start3A_127 = tpu.memref_squeeze %dma_start3A_126 : memref<1x128xi32, #tpu.memory_space<vmem>> -> memref<128xi32, #tpu.memory_space<vmem>>
      %dma_start3A_128 = arith.constant 0 : i32
      %dma_start3A_129 = tpu.memref_slice %dma_start3A_127[%dma_start3A_128] : memref<128xi32, #tpu.memory_space<vmem>> -> memref<64xi32, #tpu.memory_space<vmem>>
      %dma_start3A_130 = arith.constant 0 : i32
      %dma_start3A_131 = arith.constant 0 : i32
      %dma_start3A_132 = tpu.memref_slice %arg2[%dma_start3A_130, %dma_start3A_131] : memref<10112x128xf32, #tpu.memory_space<hbm>> -> memref<10112x128xf32, #tpu.memory_space<hbm>>
      tpu.enqueue_indirect_dma source(%dma_start3A_132 : memref<10112x128xf32, #tpu.memory_space<hbm>>) target(%dma_start3A_124 : memref<64x128xf32, #tpu.memory_space<vmem>>) offsets(%dma_start3A_129 : memref<64xi32, #tpu.memory_space<vmem>>) semaphore(%arg14 : memref<!tpu.dma_semaphore, #tpu.memory_space<semaphore_mem>>)
      %dma_start3A_133 = arith.constant 3 : i32
      %dma_start3A_134 = arith.constant 64 : i32
      %dma_start3A_135 = arith.constant 0 : i32
      %dma_start3A_136 = tpu.memref_slice %arg11[%dma_start3A_134, %dma_start3A_135] : memref<128x128xf32, #tpu.memory_space<vmem>> -> memref<64x128xf32, #tpu.memory_space<vmem>>
      %dma_start3A_137 = arith.constant 0 : i32
      %dma_start3A_138 = tpu.memref_slice %arg8[%dma_start3A_133, %dma_start3A_137] : memref<8x128xi32, #tpu.memory_space<vmem>> -> memref<1x128xi32, #tpu.memory_space<vmem>>
      %dma_start3A_139 = tpu.memref_squeeze %dma_start3A_138 : memref<1x128xi32, #tpu.memory_space<vmem>> -> memref<128xi32, #tpu.memory_space<vmem>>
      %dma_start3A_140 = arith.constant 64 : i32
      %dma_start3A_141 = tpu.memref_slice %dma_start3A_139[%dma_start3A_140] : memref<128xi32, #tpu.memory_space<vmem>> -> memref<64xi32, #tpu.memory_space<vmem>>
      %dma_start3A_142 = arith.constant 0 : i32
      %dma_start3A_143 = arith.constant 0 : i32
      %dma_start3A_144 = tpu.memref_slice %arg2[%dma_start3A_142, %dma_start3A_143] : memref<10112x128xf32, #tpu.memory_space<hbm>> -> memref<10112x128xf32, #tpu.memory_space<hbm>>
      tpu.enqueue_indirect_dma source(%dma_start3A_144 : memref<10112x128xf32, #tpu.memory_space<hbm>>) target(%dma_start3A_136 : memref<64x128xf32, #tpu.memory_space<vmem>>) offsets(%dma_start3A_141 : memref<64xi32, #tpu.memory_space<vmem>>) semaphore(%arg14 : memref<!tpu.dma_semaphore, #tpu.memory_space<semaphore_mem>>)
      %dma_wait3A_145 = arith.constant 0 : i32
      %dma_wait3A_146 = arith.constant 0 : i32
      %dma_wait3A_147 = tpu.memref_slice %arg2[%dma_wait3A_145, %dma_wait3A_146] : memref<10112x128xf32, #tpu.memory_space<hbm>> -> memref<128x128xf32, #tpu.memory_space<hbm>>
      %dma_wait3A_148 = arith.constant 0 : i32
      %dma_wait3A_149 = arith.constant 0 : i32
      %dma_wait3A_150 = tpu.memref_slice %arg2[%dma_wait3A_148, %dma_wait3A_149] : memref<10112x128xf32, #tpu.memory_space<hbm>> -> memref<128x128xf32, #tpu.memory_space<hbm>>
      tpu.wait_dma2 semaphore(%arg13 : memref<!tpu.dma_semaphore, #tpu.memory_space<semaphore_mem>>) src(%dma_wait3A_150 : memref<128x128xf32, #tpu.memory_space<hbm>>) dst(%arg10 : memref<128x128xf32, #tpu.memory_space<vmem>>)
      %mul3A_151 = arith.constant 8 : i32
      %mul3A_152 = arith.muli %add3A_77, %mul3A_151 : i32
      %add3A_153 = arith.constant 2 : i32
      %add3A_154 = arith.addi %mul3A_152, %add3A_153 : i32
      "tpu.region"() ({
        %run_scoped3A_568 = tpu.sem_alloc : memref<!tpu.dma_semaphore, #tpu.memory_space<semaphore_mem>>
        %dma_start3A_569 = arith.constant 0 : i32
        %dma_start3A_570 = tpu.memref_slice %arg7[%add3A_154, %dma_start3A_569] : memref<80x128xi32, #tpu.memory_space<vmem>> -> memref<1x128xi32, #tpu.memory_space<vmem>>
        %dma_start3A_571 = tpu.memref_squeeze %dma_start3A_570 : memref<1x128xi32, #tpu.memory_space<vmem>> -> memref<128xi32, #tpu.memory_space<vmem>>
        %dma_start3A_572 = arith.constant 0 : i32
        %dma_start3A_573 = arith.constant 0 : i32
        %dma_start3A_574 = tpu.memref_slice %arg12[%dma_start3A_572, %dma_start3A_573] : memref<10112x128xf32, #tpu.memory_space<vmem_shared>> -> memref<10112x128xf32, #tpu.memory_space<vmem_shared>>
        tpu.enqueue_indirect_dma source(%arg10 : memref<128x128xf32, #tpu.memory_space<vmem>>) target(%dma_start3A_574 : memref<10112x128xf32, #tpu.memory_space<vmem_shared>>) offsets(%dma_start3A_571 : memref<128xi32, #tpu.memory_space<vmem>>) semaphore(%run_scoped3A_568 : memref<!tpu.dma_semaphore, #tpu.memory_space<semaphore_mem>>) {add = true}
        %dma_wait3A_575 = arith.constant 0 : i32
        %dma_wait3A_576 = tpu.memref_slice %arg7[%add3A_154, %dma_wait3A_575] : memref<80x128xi32, #tpu.memory_space<vmem>> -> memref<1x128xi32, #tpu.memory_space<vmem>>
        %dma_wait3A_577 = tpu.memref_squeeze %dma_wait3A_576 : memref<1x128xi32, #tpu.memory_space<vmem>> -> memref<128xi32, #tpu.memory_space<vmem>>
        %dma_wait3A_578 = arith.constant 0 : i32
        %dma_wait3A_579 = arith.constant 0 : i32
        %dma_wait3A_580 = tpu.memref_slice %arg12[%dma_wait3A_578, %dma_wait3A_579] : memref<10112x128xf32, #tpu.memory_space<vmem_shared>> -> memref<10112x128xf32, #tpu.memory_space<vmem_shared>>
        tpu.wait_indirect_dma semaphore(%run_scoped3A_568 : memref<!tpu.dma_semaphore, #tpu.memory_space<semaphore_mem>>) src(%arg10 : memref<128x128xf32, #tpu.memory_space<vmem>>) dst(%dma_wait3A_580 : memref<10112x128xf32, #tpu.memory_space<vmem_shared>>)
        tpu.yield
      }) : () -> ()
      %dma_start3A_155 = arith.constant 4 : i32
      %dma_start3A_156 = arith.constant 0 : i32
      %dma_start3A_157 = arith.constant 0 : i32
      %dma_start3A_158 = tpu.memref_slice %arg10[%dma_start3A_156, %dma_start3A_157] : memref<128x128xf32, #tpu.memory_space<vmem>> -> memref<64x128xf32, #tpu.memory_space<vmem>>
      %dma_start3A_159 = arith.constant 0 : i32
      %dma_start3A_160 = tpu.memref_slice %arg8[%dma_start3A_155, %dma_start3A_159] : memref<8x128xi32, #tpu.memory_space<vmem>> -> memref<1x128xi32, #tpu.memory_space<vmem>>
      %dma_start3A_161 = tpu.memref_squeeze %dma_start3A_160 : memref<1x128xi32, #tpu.memory_space<vmem>> -> memref<128xi32, #tpu.memory_space<vmem>>
      %dma_start3A_162 = arith.constant 0 : i32
      %dma_start3A_163 = tpu.memref_slice %dma_start3A_161[%dma_start3A_162] : memref<128xi32, #tpu.memory_space<vmem>> -> memref<64xi32, #tpu.memory_space<vmem>>
      %dma_start3A_164 = arith.constant 0 : i32
      %dma_start3A_165 = arith.constant 0 : i32
      %dma_start3A_166 = tpu.memref_slice %arg2[%dma_start3A_164, %dma_start3A_165] : memref<10112x128xf32, #tpu.memory_space<hbm>> -> memref<10112x128xf32, #tpu.memory_space<hbm>>
      tpu.enqueue_indirect_dma source(%dma_start3A_166 : memref<10112x128xf32, #tpu.memory_space<hbm>>) target(%dma_start3A_158 : memref<64x128xf32, #tpu.memory_space<vmem>>) offsets(%dma_start3A_163 : memref<64xi32, #tpu.memory_space<vmem>>) semaphore(%arg13 : memref<!tpu.dma_semaphore, #tpu.memory_space<semaphore_mem>>)
      %dma_start3A_167 = arith.constant 4 : i32
      %dma_start3A_168 = arith.constant 64 : i32
      %dma_start3A_169 = arith.constant 0 : i32
      %dma_start3A_170 = tpu.memref_slice %arg10[%dma_start3A_168, %dma_start3A_169] : memref<128x128xf32, #tpu.memory_space<vmem>> -> memref<64x128xf32, #tpu.memory_space<vmem>>
      %dma_start3A_171 = arith.constant 0 : i32
      %dma_start3A_172 = tpu.memref_slice %arg8[%dma_start3A_167, %dma_start3A_171] : memref<8x128xi32, #tpu.memory_space<vmem>> -> memref<1x128xi32, #tpu.memory_space<vmem>>
      %dma_start3A_173 = tpu.memref_squeeze %dma_start3A_172 : memref<1x128xi32, #tpu.memory_space<vmem>> -> memref<128xi32, #tpu.memory_space<vmem>>
      %dma_start3A_174 = arith.constant 64 : i32
      %dma_start3A_175 = tpu.memref_slice %dma_start3A_173[%dma_start3A_174] : memref<128xi32, #tpu.memory_space<vmem>> -> memref<64xi32, #tpu.memory_space<vmem>>
      %dma_start3A_176 = arith.constant 0 : i32
      %dma_start3A_177 = arith.constant 0 : i32
      %dma_start3A_178 = tpu.memref_slice %arg2[%dma_start3A_176, %dma_start3A_177] : memref<10112x128xf32, #tpu.memory_space<hbm>> -> memref<10112x128xf32, #tpu.memory_space<hbm>>
      tpu.enqueue_indirect_dma source(%dma_start3A_178 : memref<10112x128xf32, #tpu.memory_space<hbm>>) target(%dma_start3A_170 : memref<64x128xf32, #tpu.memory_space<vmem>>) offsets(%dma_start3A_175 : memref<64xi32, #tpu.memory_space<vmem>>) semaphore(%arg13 : memref<!tpu.dma_semaphore, #tpu.memory_space<semaphore_mem>>)
      %dma_wait3A_179 = arith.constant 0 : i32
      %dma_wait3A_180 = arith.constant 0 : i32
      %dma_wait3A_181 = tpu.memref_slice %arg2[%dma_wait3A_179, %dma_wait3A_180] : memref<10112x128xf32, #tpu.memory_space<hbm>> -> memref<128x128xf32, #tpu.memory_space<hbm>>
      %dma_wait3A_182 = arith.constant 0 : i32
      %dma_wait3A_183 = arith.constant 0 : i32
      %dma_wait3A_184 = tpu.memref_slice %arg2[%dma_wait3A_182, %dma_wait3A_183] : memref<10112x128xf32, #tpu.memory_space<hbm>> -> memref<128x128xf32, #tpu.memory_space<hbm>>
      tpu.wait_dma2 semaphore(%arg14 : memref<!tpu.dma_semaphore, #tpu.memory_space<semaphore_mem>>) src(%dma_wait3A_184 : memref<128x128xf32, #tpu.memory_space<hbm>>) dst(%arg11 : memref<128x128xf32, #tpu.memory_space<vmem>>)
      %mul3A_185 = arith.constant 8 : i32
      %mul3A_186 = arith.muli %add3A_77, %mul3A_185 : i32
      %add3A_187 = arith.constant 3 : i32
      %add3A_188 = arith.addi %mul3A_186, %add3A_187 : i32
      "tpu.region"() ({
        %run_scoped3A_568 = tpu.sem_alloc : memref<!tpu.dma_semaphore, #tpu.memory_space<semaphore_mem>>
        %dma_start3A_569 = arith.constant 0 : i32
        %dma_start3A_570 = tpu.memref_slice %arg7[%add3A_188, %dma_start3A_569] : memref<80x128xi32, #tpu.memory_space<vmem>> -> memref<1x128xi32, #tpu.memory_space<vmem>>
        %dma_start3A_571 = tpu.memref_squeeze %dma_start3A_570 : memref<1x128xi32, #tpu.memory_space<vmem>> -> memref<128xi32, #tpu.memory_space<vmem>>
        %dma_start3A_572 = arith.constant 0 : i32
        %dma_start3A_573 = arith.constant 0 : i32
        %dma_start3A_574 = tpu.memref_slice %arg12[%dma_start3A_572, %dma_start3A_573] : memref<10112x128xf32, #tpu.memory_space<vmem_shared>> -> memref<10112x128xf32, #tpu.memory_space<vmem_shared>>
        tpu.enqueue_indirect_dma source(%arg11 : memref<128x128xf32, #tpu.memory_space<vmem>>) target(%dma_start3A_574 : memref<10112x128xf32, #tpu.memory_space<vmem_shared>>) offsets(%dma_start3A_571 : memref<128xi32, #tpu.memory_space<vmem>>) semaphore(%run_scoped3A_568 : memref<!tpu.dma_semaphore, #tpu.memory_space<semaphore_mem>>) {add = true}
        %dma_wait3A_575 = arith.constant 0 : i32
        %dma_wait3A_576 = tpu.memref_slice %arg7[%add3A_188, %dma_wait3A_575] : memref<80x128xi32, #tpu.memory_space<vmem>> -> memref<1x128xi32, #tpu.memory_space<vmem>>
        %dma_wait3A_577 = tpu.memref_squeeze %dma_wait3A_576 : memref<1x128xi32, #tpu.memory_space<vmem>> -> memref<128xi32, #tpu.memory_space<vmem>>
        %dma_wait3A_578 = arith.constant 0 : i32
        %dma_wait3A_579 = arith.constant 0 : i32
        %dma_wait3A_580 = tpu.memref_slice %arg12[%dma_wait3A_578, %dma_wait3A_579] : memref<10112x128xf32, #tpu.memory_space<vmem_shared>> -> memref<10112x128xf32, #tpu.memory_space<vmem_shared>>
        tpu.wait_indirect_dma semaphore(%run_scoped3A_568 : memref<!tpu.dma_semaphore, #tpu.memory_space<semaphore_mem>>) src(%arg11 : memref<128x128xf32, #tpu.memory_space<vmem>>) dst(%dma_wait3A_580 : memref<10112x128xf32, #tpu.memory_space<vmem_shared>>)
        tpu.yield
      }) : () -> ()
      %dma_start3A_189 = arith.constant 5 : i32
      %dma_start3A_190 = arith.constant 0 : i32
      %dma_start3A_191 = arith.constant 0 : i32
      %dma_start3A_192 = tpu.memref_slice %arg11[%dma_start3A_190, %dma_start3A_191] : memref<128x128xf32, #tpu.memory_space<vmem>> -> memref<64x128xf32, #tpu.memory_space<vmem>>
      %dma_start3A_193 = arith.constant 0 : i32
      %dma_start3A_194 = tpu.memref_slice %arg8[%dma_start3A_189, %dma_start3A_193] : memref<8x128xi32, #tpu.memory_space<vmem>> -> memref<1x128xi32, #tpu.memory_space<vmem>>
      %dma_start3A_195 = tpu.memref_squeeze %dma_start3A_194 : memref<1x128xi32, #tpu.memory_space<vmem>> -> memref<128xi32, #tpu.memory_space<vmem>>
      %dma_start3A_196 = arith.constant 0 : i32
      %dma_start3A_197 = tpu.memref_slice %dma_start3A_195[%dma_start3A_196] : memref<128xi32, #tpu.memory_space<vmem>> -> memref<64xi32, #tpu.memory_space<vmem>>
      %dma_start3A_198 = arith.constant 0 : i32
      %dma_start3A_199 = arith.constant 0 : i32
      %dma_start3A_200 = tpu.memref_slice %arg2[%dma_start3A_198, %dma_start3A_199] : memref<10112x128xf32, #tpu.memory_space<hbm>> -> memref<10112x128xf32, #tpu.memory_space<hbm>>
      tpu.enqueue_indirect_dma source(%dma_start3A_200 : memref<10112x128xf32, #tpu.memory_space<hbm>>) target(%dma_start3A_192 : memref<64x128xf32, #tpu.memory_space<vmem>>) offsets(%dma_start3A_197 : memref<64xi32, #tpu.memory_space<vmem>>) semaphore(%arg14 : memref<!tpu.dma_semaphore, #tpu.memory_space<semaphore_mem>>)
      %dma_start3A_201 = arith.constant 5 : i32
      %dma_start3A_202 = arith.constant 64 : i32
      %dma_start3A_203 = arith.constant 0 : i32
      %dma_start3A_204 = tpu.memref_slice %arg11[%dma_start3A_202, %dma_start3A_203] : memref<128x128xf32, #tpu.memory_space<vmem>> -> memref<64x128xf32, #tpu.memory_space<vmem>>
      %dma_start3A_205 = arith.constant 0 : i32
      %dma_start3A_206 = tpu.memref_slice %arg8[%dma_start3A_201, %dma_start3A_205] : memref<8x128xi32, #tpu.memory_space<vmem>> -> memref<1x128xi32, #tpu.memory_space<vmem>>
      %dma_start3A_207 = tpu.memref_squeeze %dma_start3A_206 : memref<1x128xi32, #tpu.memory_space<vmem>> -> memref<128xi32, #tpu.memory_space<vmem>>
      %dma_start3A_208 = arith.constant 64 : i32
      %dma_start3A_209 = tpu.memref_slice %dma_start3A_207[%dma_start3A_208] : memref<128xi32, #tpu.memory_space<vmem>> -> memref<64xi32, #tpu.memory_space<vmem>>
      %dma_start3A_210 = arith.constant 0 : i32
      %dma_start3A_211 = arith.constant 0 : i32
      %dma_start3A_212 = tpu.memref_slice %arg2[%dma_start3A_210, %dma_start3A_211] : memref<10112x128xf32, #tpu.memory_space<hbm>> -> memref<10112x128xf32, #tpu.memory_space<hbm>>
      tpu.enqueue_indirect_dma source(%dma_start3A_212 : memref<10112x128xf32, #tpu.memory_space<hbm>>) target(%dma_start3A_204 : memref<64x128xf32, #tpu.memory_space<vmem>>) offsets(%dma_start3A_209 : memref<64xi32, #tpu.memory_space<vmem>>) semaphore(%arg14 : memref<!tpu.dma_semaphore, #tpu.memory_space<semaphore_mem>>)
      %dma_wait3A_213 = arith.constant 0 : i32
      %dma_wait3A_214 = arith.constant 0 : i32
      %dma_wait3A_215 = tpu.memref_slice %arg2[%dma_wait3A_213, %dma_wait3A_214] : memref<10112x128xf32, #tpu.memory_space<hbm>> -> memref<128x128xf32, #tpu.memory_space<hbm>>
      %dma_wait3A_216 = arith.constant 0 : i32
      %dma_wait3A_217 = arith.constant 0 : i32
      %dma_wait3A_218 = tpu.memref_slice %arg2[%dma_wait3A_216, %dma_wait3A_217] : memref<10112x128xf32, #tpu.memory_space<hbm>> -> memref<128x128xf32, #tpu.memory_space<hbm>>
      tpu.wait_dma2 semaphore(%arg13 : memref<!tpu.dma_semaphore, #tpu.memory_space<semaphore_mem>>) src(%dma_wait3A_218 : memref<128x128xf32, #tpu.memory_space<hbm>>) dst(%arg10 : memref<128x128xf32, #tpu.memory_space<vmem>>)
      %mul3A_219 = arith.constant 8 : i32
      %mul3A_220 = arith.muli %add3A_77, %mul3A_219 : i32
      %add3A_221 = arith.constant 4 : i32
      %add3A_222 = arith.addi %mul3A_220, %add3A_221 : i32
      "tpu.region"() ({
        %run_scoped3A_568 = tpu.sem_alloc : memref<!tpu.dma_semaphore, #tpu.memory_space<semaphore_mem>>
        %dma_start3A_569 = arith.constant 0 : i32
        %dma_start3A_570 = tpu.memref_slice %arg7[%add3A_222, %dma_start3A_569] : memref<80x128xi32, #tpu.memory_space<vmem>> -> memref<1x128xi32, #tpu.memory_space<vmem>>
        %dma_start3A_571 = tpu.memref_squeeze %dma_start3A_570 : memref<1x128xi32, #tpu.memory_space<vmem>> -> memref<128xi32, #tpu.memory_space<vmem>>
        %dma_start3A_572 = arith.constant 0 : i32
        %dma_start3A_573 = arith.constant 0 : i32
        %dma_start3A_574 = tpu.memref_slice %arg12[%dma_start3A_572, %dma_start3A_573] : memref<10112x128xf32, #tpu.memory_space<vmem_shared>> -> memref<10112x128xf32, #tpu.memory_space<vmem_shared>>
        tpu.enqueue_indirect_dma source(%arg10 : memref<128x128xf32, #tpu.memory_space<vmem>>) target(%dma_start3A_574 : memref<10112x128xf32, #tpu.memory_space<vmem_shared>>) offsets(%dma_start3A_571 : memref<128xi32, #tpu.memory_space<vmem>>) semaphore(%run_scoped3A_568 : memref<!tpu.dma_semaphore, #tpu.memory_space<semaphore_mem>>) {add = true}
        %dma_wait3A_575 = arith.constant 0 : i32
        %dma_wait3A_576 = tpu.memref_slice %arg7[%add3A_222, %dma_wait3A_575] : memref<80x128xi32, #tpu.memory_space<vmem>> -> memref<1x128xi32, #tpu.memory_space<vmem>>
        %dma_wait3A_577 = tpu.memref_squeeze %dma_wait3A_576 : memref<1x128xi32, #tpu.memory_space<vmem>> -> memref<128xi32, #tpu.memory_space<vmem>>
        %dma_wait3A_578 = arith.constant 0 : i32
        %dma_wait3A_579 = arith.constant 0 : i32
        %dma_wait3A_580 = tpu.memref_slice %arg12[%dma_wait3A_578, %dma_wait3A_579] : memref<10112x128xf32, #tpu.memory_space<vmem_shared>> -> memref<10112x128xf32, #tpu.memory_space<vmem_shared>>
        tpu.wait_indirect_dma semaphore(%run_scoped3A_568 : memref<!tpu.dma_semaphore, #tpu.memory_space<semaphore_mem>>) src(%arg10 : memref<128x128xf32, #tpu.memory_space<vmem>>) dst(%dma_wait3A_580 : memref<10112x128xf32, #tpu.memory_space<vmem_shared>>)
        tpu.yield
      }) : () -> ()
      %dma_start3A_223 = arith.constant 6 : i32
      %dma_start3A_224 = arith.constant 0 : i32
      %dma_start3A_225 = arith.constant 0 : i32
      %dma_start3A_226 = tpu.memref_slice %arg10[%dma_start3A_224, %dma_start3A_225] : memref<128x128xf32, #tpu.memory_space<vmem>> -> memref<64x128xf32, #tpu.memory_space<vmem>>
      %dma_start3A_227 = arith.constant 0 : i32
      %dma_start3A_228 = tpu.memref_slice %arg8[%dma_start3A_223, %dma_start3A_227] : memref<8x128xi32, #tpu.memory_space<vmem>> -> memref<1x128xi32, #tpu.memory_space<vmem>>
      %dma_start3A_229 = tpu.memref_squeeze %dma_start3A_228 : memref<1x128xi32, #tpu.memory_space<vmem>> -> memref<128xi32, #tpu.memory_space<vmem>>
      %dma_start3A_230 = arith.constant 0 : i32
      %dma_start3A_231 = tpu.memref_slice %dma_start3A_229[%dma_start3A_230] : memref<128xi32, #tpu.memory_space<vmem>> -> memref<64xi32, #tpu.memory_space<vmem>>
      %dma_start3A_232 = arith.constant 0 : i32
      %dma_start3A_233 = arith.constant 0 : i32
      %dma_start3A_234 = tpu.memref_slice %arg2[%dma_start3A_232, %dma_start3A_233] : memref<10112x128xf32, #tpu.memory_space<hbm>> -> memref<10112x128xf32, #tpu.memory_space<hbm>>
      tpu.enqueue_indirect_dma source(%dma_start3A_234 : memref<10112x128xf32, #tpu.memory_space<hbm>>) target(%dma_start3A_226 : memref<64x128xf32, #tpu.memory_space<vmem>>) offsets(%dma_start3A_231 : memref<64xi32, #tpu.memory_space<vmem>>) semaphore(%arg13 : memref<!tpu.dma_semaphore, #tpu.memory_space<semaphore_mem>>)
      %dma_start3A_235 = arith.constant 6 : i32
      %dma_start3A_236 = arith.constant 64 : i32
      %dma_start3A_237 = arith.constant 0 : i32
      %dma_start3A_238 = tpu.memref_slice %arg10[%dma_start3A_236, %dma_start3A_237] : memref<128x128xf32, #tpu.memory_space<vmem>> -> memref<64x128xf32, #tpu.memory_space<vmem>>
      %dma_start3A_239 = arith.constant 0 : i32
      %dma_start3A_240 = tpu.memref_slice %arg8[%dma_start3A_235, %dma_start3A_239] : memref<8x128xi32, #tpu.memory_space<vmem>> -> memref<1x128xi32, #tpu.memory_space<vmem>>
      %dma_start3A_241 = tpu.memref_squeeze %dma_start3A_240 : memref<1x128xi32, #tpu.memory_space<vmem>> -> memref<128xi32, #tpu.memory_space<vmem>>
      %dma_start3A_242 = arith.constant 64 : i32
      %dma_start3A_243 = tpu.memref_slice %dma_start3A_241[%dma_start3A_242] : memref<128xi32, #tpu.memory_space<vmem>> -> memref<64xi32, #tpu.memory_space<vmem>>
      %dma_start3A_244 = arith.constant 0 : i32
      %dma_start3A_245 = arith.constant 0 : i32
      %dma_start3A_246 = tpu.memref_slice %arg2[%dma_start3A_244, %dma_start3A_245] : memref<10112x128xf32, #tpu.memory_space<hbm>> -> memref<10112x128xf32, #tpu.memory_space<hbm>>
      tpu.enqueue_indirect_dma source(%dma_start3A_246 : memref<10112x128xf32, #tpu.memory_space<hbm>>) target(%dma_start3A_238 : memref<64x128xf32, #tpu.memory_space<vmem>>) offsets(%dma_start3A_243 : memref<64xi32, #tpu.memory_space<vmem>>) semaphore(%arg13 : memref<!tpu.dma_semaphore, #tpu.memory_space<semaphore_mem>>)
      %dma_wait3A_247 = arith.constant 0 : i32
      %dma_wait3A_248 = arith.constant 0 : i32
      %dma_wait3A_249 = tpu.memref_slice %arg2[%dma_wait3A_247, %dma_wait3A_248] : memref<10112x128xf32, #tpu.memory_space<hbm>> -> memref<128x128xf32, #tpu.memory_space<hbm>>
      %dma_wait3A_250 = arith.constant 0 : i32
      %dma_wait3A_251 = arith.constant 0 : i32
      %dma_wait3A_252 = tpu.memref_slice %arg2[%dma_wait3A_250, %dma_wait3A_251] : memref<10112x128xf32, #tpu.memory_space<hbm>> -> memref<128x128xf32, #tpu.memory_space<hbm>>
      tpu.wait_dma2 semaphore(%arg14 : memref<!tpu.dma_semaphore, #tpu.memory_space<semaphore_mem>>) src(%dma_wait3A_252 : memref<128x128xf32, #tpu.memory_space<hbm>>) dst(%arg11 : memref<128x128xf32, #tpu.memory_space<vmem>>)
      %mul3A_253 = arith.constant 8 : i32
      %mul3A_254 = arith.muli %add3A_77, %mul3A_253 : i32
      %add3A_255 = arith.constant 5 : i32
      %add3A_256 = arith.addi %mul3A_254, %add3A_255 : i32
      "tpu.region"() ({
        %run_scoped3A_568 = tpu.sem_alloc : memref<!tpu.dma_semaphore, #tpu.memory_space<semaphore_mem>>
        %dma_start3A_569 = arith.constant 0 : i32
        %dma_start3A_570 = tpu.memref_slice %arg7[%add3A_256, %dma_start3A_569] : memref<80x128xi32, #tpu.memory_space<vmem>> -> memref<1x128xi32, #tpu.memory_space<vmem>>
        %dma_start3A_571 = tpu.memref_squeeze %dma_start3A_570 : memref<1x128xi32, #tpu.memory_space<vmem>> -> memref<128xi32, #tpu.memory_space<vmem>>
        %dma_start3A_572 = arith.constant 0 : i32
        %dma_start3A_573 = arith.constant 0 : i32
        %dma_start3A_574 = tpu.memref_slice %arg12[%dma_start3A_572, %dma_start3A_573] : memref<10112x128xf32, #tpu.memory_space<vmem_shared>> -> memref<10112x128xf32, #tpu.memory_space<vmem_shared>>
        tpu.enqueue_indirect_dma source(%arg11 : memref<128x128xf32, #tpu.memory_space<vmem>>) target(%dma_start3A_574 : memref<10112x128xf32, #tpu.memory_space<vmem_shared>>) offsets(%dma_start3A_571 : memref<128xi32, #tpu.memory_space<vmem>>) semaphore(%run_scoped3A_568 : memref<!tpu.dma_semaphore, #tpu.memory_space<semaphore_mem>>) {add = true}
        %dma_wait3A_575 = arith.constant 0 : i32
        %dma_wait3A_576 = tpu.memref_slice %arg7[%add3A_256, %dma_wait3A_575] : memref<80x128xi32, #tpu.memory_space<vmem>> -> memref<1x128xi32, #tpu.memory_space<vmem>>
        %dma_wait3A_577 = tpu.memref_squeeze %dma_wait3A_576 : memref<1x128xi32, #tpu.memory_space<vmem>> -> memref<128xi32, #tpu.memory_space<vmem>>
        %dma_wait3A_578 = arith.constant 0 : i32
        %dma_wait3A_579 = arith.constant 0 : i32
        %dma_wait3A_580 = tpu.memref_slice %arg12[%dma_wait3A_578, %dma_wait3A_579] : memref<10112x128xf32, #tpu.memory_space<vmem_shared>> -> memref<10112x128xf32, #tpu.memory_space<vmem_shared>>
        tpu.wait_indirect_dma semaphore(%run_scoped3A_568 : memref<!tpu.dma_semaphore, #tpu.memory_space<semaphore_mem>>) src(%arg11 : memref<128x128xf32, #tpu.memory_space<vmem>>) dst(%dma_wait3A_580 : memref<10112x128xf32, #tpu.memory_space<vmem_shared>>)
        tpu.yield
      }) : () -> ()
      %dma_start3A_257 = arith.constant 7 : i32
      %dma_start3A_258 = arith.constant 0 : i32
      %dma_start3A_259 = arith.constant 0 : i32
      %dma_start3A_260 = tpu.memref_slice %arg11[%dma_start3A_258, %dma_start3A_259] : memref<128x128xf32, #tpu.memory_space<vmem>> -> memref<64x128xf32, #tpu.memory_space<vmem>>
      %dma_start3A_261 = arith.constant 0 : i32
      %dma_start3A_262 = tpu.memref_slice %arg8[%dma_start3A_257, %dma_start3A_261] : memref<8x128xi32, #tpu.memory_space<vmem>> -> memref<1x128xi32, #tpu.memory_space<vmem>>
      %dma_start3A_263 = tpu.memref_squeeze %dma_start3A_262 : memref<1x128xi32, #tpu.memory_space<vmem>> -> memref<128xi32, #tpu.memory_space<vmem>>
      %dma_start3A_264 = arith.constant 0 : i32
      %dma_start3A_265 = tpu.memref_slice %dma_start3A_263[%dma_start3A_264] : memref<128xi32, #tpu.memory_space<vmem>> -> memref<64xi32, #tpu.memory_space<vmem>>
      %dma_start3A_266 = arith.constant 0 : i32
      %dma_start3A_267 = arith.constant 0 : i32
      %dma_start3A_268 = tpu.memref_slice %arg2[%dma_start3A_266, %dma_start3A_267] : memref<10112x128xf32, #tpu.memory_space<hbm>> -> memref<10112x128xf32, #tpu.memory_space<hbm>>
      tpu.enqueue_indirect_dma source(%dma_start3A_268 : memref<10112x128xf32, #tpu.memory_space<hbm>>) target(%dma_start3A_260 : memref<64x128xf32, #tpu.memory_space<vmem>>) offsets(%dma_start3A_265 : memref<64xi32, #tpu.memory_space<vmem>>) semaphore(%arg14 : memref<!tpu.dma_semaphore, #tpu.memory_space<semaphore_mem>>)
      %dma_start3A_269 = arith.constant 7 : i32
      %dma_start3A_270 = arith.constant 64 : i32
      %dma_start3A_271 = arith.constant 0 : i32
      %dma_start3A_272 = tpu.memref_slice %arg11[%dma_start3A_270, %dma_start3A_271] : memref<128x128xf32, #tpu.memory_space<vmem>> -> memref<64x128xf32, #tpu.memory_space<vmem>>
      %dma_start3A_273 = arith.constant 0 : i32
      %dma_start3A_274 = tpu.memref_slice %arg8[%dma_start3A_269, %dma_start3A_273] : memref<8x128xi32, #tpu.memory_space<vmem>> -> memref<1x128xi32, #tpu.memory_space<vmem>>
      %dma_start3A_275 = tpu.memref_squeeze %dma_start3A_274 : memref<1x128xi32, #tpu.memory_space<vmem>> -> memref<128xi32, #tpu.memory_space<vmem>>
      %dma_start3A_276 = arith.constant 64 : i32
      %dma_start3A_277 = tpu.memref_slice %dma_start3A_275[%dma_start3A_276] : memref<128xi32, #tpu.memory_space<vmem>> -> memref<64xi32, #tpu.memory_space<vmem>>
      %dma_start3A_278 = arith.constant 0 : i32
      %dma_start3A_279 = arith.constant 0 : i32
      %dma_start3A_280 = tpu.memref_slice %arg2[%dma_start3A_278, %dma_start3A_279] : memref<10112x128xf32, #tpu.memory_space<hbm>> -> memref<10112x128xf32, #tpu.memory_space<hbm>>
      tpu.enqueue_indirect_dma source(%dma_start3A_280 : memref<10112x128xf32, #tpu.memory_space<hbm>>) target(%dma_start3A_272 : memref<64x128xf32, #tpu.memory_space<vmem>>) offsets(%dma_start3A_277 : memref<64xi32, #tpu.memory_space<vmem>>) semaphore(%arg14 : memref<!tpu.dma_semaphore, #tpu.memory_space<semaphore_mem>>)
      %dma_wait3A_281 = arith.constant 0 : i32
      %dma_wait3A_282 = arith.constant 0 : i32
      %dma_wait3A_283 = tpu.memref_slice %arg2[%dma_wait3A_281, %dma_wait3A_282] : memref<10112x128xf32, #tpu.memory_space<hbm>> -> memref<128x128xf32, #tpu.memory_space<hbm>>
      %dma_wait3A_284 = arith.constant 0 : i32
      %dma_wait3A_285 = arith.constant 0 : i32
      %dma_wait3A_286 = tpu.memref_slice %arg2[%dma_wait3A_284, %dma_wait3A_285] : memref<10112x128xf32, #tpu.memory_space<hbm>> -> memref<128x128xf32, #tpu.memory_space<hbm>>
      tpu.wait_dma2 semaphore(%arg13 : memref<!tpu.dma_semaphore, #tpu.memory_space<semaphore_mem>>) src(%dma_wait3A_286 : memref<128x128xf32, #tpu.memory_space<hbm>>) dst(%arg10 : memref<128x128xf32, #tpu.memory_space<vmem>>)
      %mul3A_287 = arith.constant 8 : i32
      %mul3A_288 = arith.muli %add3A_77, %mul3A_287 : i32
      %add3A_289 = arith.constant 6 : i32
      %add3A_290 = arith.addi %mul3A_288, %add3A_289 : i32
      "tpu.region"() ({
        %run_scoped3A_568 = tpu.sem_alloc : memref<!tpu.dma_semaphore, #tpu.memory_space<semaphore_mem>>
        %dma_start3A_569 = arith.constant 0 : i32
        %dma_start3A_570 = tpu.memref_slice %arg7[%add3A_290, %dma_start3A_569] : memref<80x128xi32, #tpu.memory_space<vmem>> -> memref<1x128xi32, #tpu.memory_space<vmem>>
        %dma_start3A_571 = tpu.memref_squeeze %dma_start3A_570 : memref<1x128xi32, #tpu.memory_space<vmem>> -> memref<128xi32, #tpu.memory_space<vmem>>
        %dma_start3A_572 = arith.constant 0 : i32
        %dma_start3A_573 = arith.constant 0 : i32
        %dma_start3A_574 = tpu.memref_slice %arg12[%dma_start3A_572, %dma_start3A_573] : memref<10112x128xf32, #tpu.memory_space<vmem_shared>> -> memref<10112x128xf32, #tpu.memory_space<vmem_shared>>
        tpu.enqueue_indirect_dma source(%arg10 : memref<128x128xf32, #tpu.memory_space<vmem>>) target(%dma_start3A_574 : memref<10112x128xf32, #tpu.memory_space<vmem_shared>>) offsets(%dma_start3A_571 : memref<128xi32, #tpu.memory_space<vmem>>) semaphore(%run_scoped3A_568 : memref<!tpu.dma_semaphore, #tpu.memory_space<semaphore_mem>>) {add = true}
        %dma_wait3A_575 = arith.constant 0 : i32
        %dma_wait3A_576 = tpu.memref_slice %arg7[%add3A_290, %dma_wait3A_575] : memref<80x128xi32, #tpu.memory_space<vmem>> -> memref<1x128xi32, #tpu.memory_space<vmem>>
        %dma_wait3A_577 = tpu.memref_squeeze %dma_wait3A_576 : memref<1x128xi32, #tpu.memory_space<vmem>> -> memref<128xi32, #tpu.memory_space<vmem>>
        %dma_wait3A_578 = arith.constant 0 : i32
        %dma_wait3A_579 = arith.constant 0 : i32
        %dma_wait3A_580 = tpu.memref_slice %arg12[%dma_wait3A_578, %dma_wait3A_579] : memref<10112x128xf32, #tpu.memory_space<vmem_shared>> -> memref<10112x128xf32, #tpu.memory_space<vmem_shared>>
        tpu.wait_indirect_dma semaphore(%run_scoped3A_568 : memref<!tpu.dma_semaphore, #tpu.memory_space<semaphore_mem>>) src(%arg10 : memref<128x128xf32, #tpu.memory_space<vmem>>) dst(%dma_wait3A_580 : memref<10112x128xf32, #tpu.memory_space<vmem_shared>>)
        tpu.yield
      }) : () -> ()
      %add3A_291 = arith.constant 1 : i32
      %add3A_292 = arith.addi %add3A_77, %add3A_291 : i32
      %lt3A = arith.constant 10 : i32
      %lt3A_293 = arith.cmpi slt, %add3A_292, %lt3A : i32
      %convert_element_type3A_294 = arith.extui %lt3A_293 : i1 to i32
      %cond3A_295 = arith.constant 0 : i32
      %cond3A_296 = arith.cmpi ne, %convert_element_type3A_294, %cond3A_295 : i32
      scf.if %cond3A_296 {
        %dma_wait3A_568 = arith.constant 0 : i32
        %dma_wait3A_569 = arith.constant 0 : i32
        %dma_wait3A_570 = arith.constant 0 : i32
        %dma_wait3A_571 = arith.constant 0 : i32
        %dma_wait3A_572 = tpu.memref_slice %arg3[%dma_wait3A_568, %dma_wait3A_569, %dma_wait3A_570, %dma_wait3A_571] : memref<32x10x8x128xi32, #tpu.memory_space<hbm>> -> memref<1x1x8x128xi32, #tpu.memory_space<hbm>>
        %dma_wait3A_573 = tpu.memref_squeeze %dma_wait3A_572 : memref<1x1x8x128xi32, #tpu.memory_space<hbm>> -> memref<8x128xi32, #tpu.memory_space<hbm>>
        %dma_wait3A_574 = arith.constant 0 : i32
        %dma_wait3A_575 = arith.constant 0 : i32
        %dma_wait3A_576 = tpu.memref_slice %arg3[%dma_wait3A_568, %dma_wait3A_569, %dma_wait3A_574, %dma_wait3A_575] : memref<32x10x8x128xi32, #tpu.memory_space<hbm>> -> memref<1x1x8x128xi32, #tpu.memory_space<hbm>>
        %dma_wait3A_577 = tpu.memref_squeeze %dma_wait3A_576 : memref<1x1x8x128xi32, #tpu.memory_space<hbm>> -> memref<8x128xi32, #tpu.memory_space<hbm>>
        tpu.wait_dma2 semaphore(%arg16 : memref<!tpu.dma_semaphore, #tpu.memory_space<semaphore_mem>>) src(%dma_wait3A_577 : memref<8x128xi32, #tpu.memory_space<hbm>>) dst(%arg9 : memref<8x128xi32, #tpu.memory_space<vmem>>)
        %dma_start3A_578 = arith.constant 0 : i32
        %dma_start3A_579 = arith.constant 0 : i32
        %dma_start3A_580 = arith.constant 0 : i32
        %dma_start3A_581 = tpu.memref_slice %arg10[%dma_start3A_579, %dma_start3A_580] : memref<128x128xf32, #tpu.memory_space<vmem>> -> memref<64x128xf32, #tpu.memory_space<vmem>>
        %dma_start3A_582 = arith.constant 0 : i32
        %dma_start3A_583 = tpu.memref_slice %arg9[%dma_start3A_578, %dma_start3A_582] : memref<8x128xi32, #tpu.memory_space<vmem>> -> memref<1x128xi32, #tpu.memory_space<vmem>>
        %dma_start3A_584 = tpu.memref_squeeze %dma_start3A_583 : memref<1x128xi32, #tpu.memory_space<vmem>> -> memref<128xi32, #tpu.memory_space<vmem>>
        %dma_start3A_585 = arith.constant 0 : i32
        %dma_start3A_586 = tpu.memref_slice %dma_start3A_584[%dma_start3A_585] : memref<128xi32, #tpu.memory_space<vmem>> -> memref<64xi32, #tpu.memory_space<vmem>>
        %dma_start3A_587 = arith.constant 0 : i32
        %dma_start3A_588 = arith.constant 0 : i32
        %dma_start3A_589 = tpu.memref_slice %arg2[%dma_start3A_587, %dma_start3A_588] : memref<10112x128xf32, #tpu.memory_space<hbm>> -> memref<10112x128xf32, #tpu.memory_space<hbm>>
        tpu.enqueue_indirect_dma source(%dma_start3A_589 : memref<10112x128xf32, #tpu.memory_space<hbm>>) target(%dma_start3A_581 : memref<64x128xf32, #tpu.memory_space<vmem>>) offsets(%dma_start3A_586 : memref<64xi32, #tpu.memory_space<vmem>>) semaphore(%arg13 : memref<!tpu.dma_semaphore, #tpu.memory_space<semaphore_mem>>)
        %dma_start3A_590 = arith.constant 0 : i32
        %dma_start3A_591 = arith.constant 64 : i32
        %dma_start3A_592 = arith.constant 0 : i32
        %dma_start3A_593 = tpu.memref_slice %arg10[%dma_start3A_591, %dma_start3A_592] : memref<128x128xf32, #tpu.memory_space<vmem>> -> memref<64x128xf32, #tpu.memory_space<vmem>>
        %dma_start3A_594 = arith.constant 0 : i32
        %dma_start3A_595 = tpu.memref_slice %arg9[%dma_start3A_590, %dma_start3A_594] : memref<8x128xi32, #tpu.memory_space<vmem>> -> memref<1x128xi32, #tpu.memory_space<vmem>>
        %dma_start3A_596 = tpu.memref_squeeze %dma_start3A_595 : memref<1x128xi32, #tpu.memory_space<vmem>> -> memref<128xi32, #tpu.memory_space<vmem>>
        %dma_start3A_597 = arith.constant 64 : i32
        %dma_start3A_598 = tpu.memref_slice %dma_start3A_596[%dma_start3A_597] : memref<128xi32, #tpu.memory_space<vmem>> -> memref<64xi32, #tpu.memory_space<vmem>>
        %dma_start3A_599 = arith.constant 0 : i32
        %dma_start3A_600 = arith.constant 0 : i32
        %dma_start3A_601 = tpu.memref_slice %arg2[%dma_start3A_599, %dma_start3A_600] : memref<10112x128xf32, #tpu.memory_space<hbm>> -> memref<10112x128xf32, #tpu.memory_space<hbm>>
        tpu.enqueue_indirect_dma source(%dma_start3A_601 : memref<10112x128xf32, #tpu.memory_space<hbm>>) target(%dma_start3A_593 : memref<64x128xf32, #tpu.memory_space<vmem>>) offsets(%dma_start3A_598 : memref<64xi32, #tpu.memory_space<vmem>>) semaphore(%arg13 : memref<!tpu.dma_semaphore, #tpu.memory_space<semaphore_mem>>)
      } else {
      }
      %dma_wait3A_297 = arith.constant 0 : i32
      %dma_wait3A_298 = arith.constant 0 : i32
      %dma_wait3A_299 = tpu.memref_slice %arg2[%dma_wait3A_297, %dma_wait3A_298] : memref<10112x128xf32, #tpu.memory_space<hbm>> -> memref<128x128xf32, #tpu.memory_space<hbm>>
      %dma_wait3A_300 = arith.constant 0 : i32
      %dma_wait3A_301 = arith.constant 0 : i32
      %dma_wait3A_302 = tpu.memref_slice %arg2[%dma_wait3A_300, %dma_wait3A_301] : memref<10112x128xf32, #tpu.memory_space<hbm>> -> memref<128x128xf32, #tpu.memory_space<hbm>>
      tpu.wait_dma2 semaphore(%arg14 : memref<!tpu.dma_semaphore, #tpu.memory_space<semaphore_mem>>) src(%dma_wait3A_302 : memref<128x128xf32, #tpu.memory_space<hbm>>) dst(%arg11 : memref<128x128xf32, #tpu.memory_space<vmem>>)
      %mul3A_303 = arith.constant 8 : i32
      %mul3A_304 = arith.muli %add3A_77, %mul3A_303 : i32
      %add3A_305 = arith.constant 7 : i32
      %add3A_306 = arith.addi %mul3A_304, %add3A_305 : i32
      "tpu.region"() ({
        %run_scoped3A_568 = tpu.sem_alloc : memref<!tpu.dma_semaphore, #tpu.memory_space<semaphore_mem>>
        %dma_start3A_569 = arith.constant 0 : i32
        %dma_start3A_570 = tpu.memref_slice %arg7[%add3A_306, %dma_start3A_569] : memref<80x128xi32, #tpu.memory_space<vmem>> -> memref<1x128xi32, #tpu.memory_space<vmem>>
        %dma_start3A_571 = tpu.memref_squeeze %dma_start3A_570 : memref<1x128xi32, #tpu.memory_space<vmem>> -> memref<128xi32, #tpu.memory_space<vmem>>
        %dma_start3A_572 = arith.constant 0 : i32
        %dma_start3A_573 = arith.constant 0 : i32
        %dma_start3A_574 = tpu.memref_slice %arg12[%dma_start3A_572, %dma_start3A_573] : memref<10112x128xf32, #tpu.memory_space<vmem_shared>> -> memref<10112x128xf32, #tpu.memory_space<vmem_shared>>
        tpu.enqueue_indirect_dma source(%arg11 : memref<128x128xf32, #tpu.memory_space<vmem>>) target(%dma_start3A_574 : memref<10112x128xf32, #tpu.memory_space<vmem_shared>>) offsets(%dma_start3A_571 : memref<128xi32, #tpu.memory_space<vmem>>) semaphore(%run_scoped3A_568 : memref<!tpu.dma_semaphore, #tpu.memory_space<semaphore_mem>>) {add = true}
        %dma_wait3A_575 = arith.constant 0 : i32
        %dma_wait3A_576 = tpu.memref_slice %arg7[%add3A_306, %dma_wait3A_575] : memref<80x128xi32, #tpu.memory_space<vmem>> -> memref<1x128xi32, #tpu.memory_space<vmem>>
        %dma_wait3A_577 = tpu.memref_squeeze %dma_wait3A_576 : memref<1x128xi32, #tpu.memory_space<vmem>> -> memref<128xi32, #tpu.memory_space<vmem>>
        %dma_wait3A_578 = arith.constant 0 : i32
        %dma_wait3A_579 = arith.constant 0 : i32
        %dma_wait3A_580 = tpu.memref_slice %arg12[%dma_wait3A_578, %dma_wait3A_579] : memref<10112x128xf32, #tpu.memory_space<vmem_shared>> -> memref<10112x128xf32, #tpu.memory_space<vmem_shared>>
        tpu.wait_indirect_dma semaphore(%run_scoped3A_568 : memref<!tpu.dma_semaphore, #tpu.memory_space<semaphore_mem>>) src(%arg11 : memref<128x128xf32, #tpu.memory_space<vmem>>) dst(%dma_wait3A_580 : memref<10112x128xf32, #tpu.memory_space<vmem_shared>>)
        tpu.yield
      }) : () -> ()
      %add3A_307 = arith.constant 1 : i32
      %add3A_308 = arith.addi %add3A_77, %add3A_307 : i32
      %lt3A_309 = arith.constant 10 : i32
      %lt3A_310 = arith.cmpi slt, %add3A_308, %lt3A_309 : i32
      %convert_element_type3A_311 = arith.extui %lt3A_310 : i1 to i32
      %cond3A_312 = arith.constant 0 : i32
      %cond3A_313 = arith.cmpi ne, %convert_element_type3A_311, %cond3A_312 : i32
      scf.if %cond3A_313 {
        %dma_start3A_568 = arith.constant 1 : i32
        %dma_start3A_569 = arith.constant 0 : i32
        %dma_start3A_570 = arith.constant 0 : i32
        %dma_start3A_571 = tpu.memref_slice %arg11[%dma_start3A_569, %dma_start3A_570] : memref<128x128xf32, #tpu.memory_space<vmem>> -> memref<64x128xf32, #tpu.memory_space<vmem>>
        %dma_start3A_572 = arith.constant 0 : i32
        %dma_start3A_573 = tpu.memref_slice %arg9[%dma_start3A_568, %dma_start3A_572] : memref<8x128xi32, #tpu.memory_space<vmem>> -> memref<1x128xi32, #tpu.memory_space<vmem>>
        %dma_start3A_574 = tpu.memref_squeeze %dma_start3A_573 : memref<1x128xi32, #tpu.memory_space<vmem>> -> memref<128xi32, #tpu.memory_space<vmem>>
        %dma_start3A_575 = arith.constant 0 : i32
        %dma_start3A_576 = tpu.memref_slice %dma_start3A_574[%dma_start3A_575] : memref<128xi32, #tpu.memory_space<vmem>> -> memref<64xi32, #tpu.memory_space<vmem>>
        %dma_start3A_577 = arith.constant 0 : i32
        %dma_start3A_578 = arith.constant 0 : i32
        %dma_start3A_579 = tpu.memref_slice %arg2[%dma_start3A_577, %dma_start3A_578] : memref<10112x128xf32, #tpu.memory_space<hbm>> -> memref<10112x128xf32, #tpu.memory_space<hbm>>
        tpu.enqueue_indirect_dma source(%dma_start3A_579 : memref<10112x128xf32, #tpu.memory_space<hbm>>) target(%dma_start3A_571 : memref<64x128xf32, #tpu.memory_space<vmem>>) offsets(%dma_start3A_576 : memref<64xi32, #tpu.memory_space<vmem>>) semaphore(%arg14 : memref<!tpu.dma_semaphore, #tpu.memory_space<semaphore_mem>>)
        %dma_start3A_580 = arith.constant 1 : i32
        %dma_start3A_581 = arith.constant 64 : i32
        %dma_start3A_582 = arith.constant 0 : i32
        %dma_start3A_583 = tpu.memref_slice %arg11[%dma_start3A_581, %dma_start3A_582] : memref<128x128xf32, #tpu.memory_space<vmem>> -> memref<64x128xf32, #tpu.memory_space<vmem>>
        %dma_start3A_584 = arith.constant 0 : i32
        %dma_start3A_585 = tpu.memref_slice %arg9[%dma_start3A_580, %dma_start3A_584] : memref<8x128xi32, #tpu.memory_space<vmem>> -> memref<1x128xi32, #tpu.memory_space<vmem>>
        %dma_start3A_586 = tpu.memref_squeeze %dma_start3A_585 : memref<1x128xi32, #tpu.memory_space<vmem>> -> memref<128xi32, #tpu.memory_space<vmem>>
        %dma_start3A_587 = arith.constant 64 : i32
        %dma_start3A_588 = tpu.memref_slice %dma_start3A_586[%dma_start3A_587] : memref<128xi32, #tpu.memory_space<vmem>> -> memref<64xi32, #tpu.memory_space<vmem>>
        %dma_start3A_589 = arith.constant 0 : i32
        %dma_start3A_590 = arith.constant 0 : i32
        %dma_start3A_591 = tpu.memref_slice %arg2[%dma_start3A_589, %dma_start3A_590] : memref<10112x128xf32, #tpu.memory_space<hbm>> -> memref<10112x128xf32, #tpu.memory_space<hbm>>
        tpu.enqueue_indirect_dma source(%dma_start3A_591 : memref<10112x128xf32, #tpu.memory_space<hbm>>) target(%dma_start3A_583 : memref<64x128xf32, #tpu.memory_space<vmem>>) offsets(%dma_start3A_588 : memref<64xi32, #tpu.memory_space<vmem>>) semaphore(%arg14 : memref<!tpu.dma_semaphore, #tpu.memory_space<semaphore_mem>>)
      } else {
      }
      %add3A_314 = arith.constant 2 : i32
      %add3A_315 = arith.addi %add3A_77, %add3A_314 : i32
      %lt3A_316 = arith.constant 10 : i32
      %lt3A_317 = arith.cmpi slt, %add3A_315, %lt3A_316 : i32
      %convert_element_type3A_318 = arith.extui %lt3A_317 : i1 to i32
      %cond3A_319 = arith.constant 0 : i32
      %cond3A_320 = arith.cmpi ne, %convert_element_type3A_318, %cond3A_319 : i32
      scf.if %cond3A_320 {
        %add3A_568 = arith.constant 2 : i32
        %add3A_569 = arith.addi %add3A_77, %add3A_568 : i32
        %dma_start3A_570 = arith.constant 0 : i32
        %dma_start3A_571 = arith.constant 0 : i32
        %dma_start3A_572 = tpu.memref_slice %arg3[%add3A, %add3A_569, %dma_start3A_570, %dma_start3A_571] : memref<32x10x8x128xi32, #tpu.memory_space<hbm>> -> memref<1x1x8x128xi32, #tpu.memory_space<hbm>>
        %dma_start3A_573 = tpu.memref_squeeze %dma_start3A_572 : memref<1x1x8x128xi32, #tpu.memory_space<hbm>> -> memref<8x128xi32, #tpu.memory_space<hbm>>
        %dma_start3A_574 = arith.constant 0 : i32
        %dma_start3A_575 = arith.constant 0 : i32
        %dma_start3A_576 = tpu.memref_slice %arg3[%add3A, %add3A_569, %dma_start3A_574, %dma_start3A_575] : memref<32x10x8x128xi32, #tpu.memory_space<hbm>> -> memref<1x1x8x128xi32, #tpu.memory_space<hbm>>
        %dma_start3A_577 = tpu.memref_squeeze %dma_start3A_576 : memref<1x1x8x128xi32, #tpu.memory_space<hbm>> -> memref<8x128xi32, #tpu.memory_space<hbm>>
        tpu.enqueue_dma source(%dma_start3A_577 : memref<8x128xi32, #tpu.memory_space<hbm>>) target(%arg8 : memref<8x128xi32, #tpu.memory_space<vmem>>) target_semaphore(%arg15 : memref<!tpu.dma_semaphore, #tpu.memory_space<semaphore_mem>>)
      } else {
      }
      %add3A_321 = arith.constant 1 : i32
      %add3A_322 = arith.addi %add3A_75, %add3A_321 : i32
      %dma_wait3A_323 = arith.constant 0 : i32
      %dma_wait3A_324 = arith.constant 0 : i32
      %dma_wait3A_325 = tpu.memref_slice %arg2[%dma_wait3A_323, %dma_wait3A_324] : memref<10112x128xf32, #tpu.memory_space<hbm>> -> memref<128x128xf32, #tpu.memory_space<hbm>>
      %dma_wait3A_326 = arith.constant 0 : i32
      %dma_wait3A_327 = arith.constant 0 : i32
      %dma_wait3A_328 = tpu.memref_slice %arg2[%dma_wait3A_326, %dma_wait3A_327] : memref<10112x128xf32, #tpu.memory_space<hbm>> -> memref<128x128xf32, #tpu.memory_space<hbm>>
      tpu.wait_dma2 semaphore(%arg13 : memref<!tpu.dma_semaphore, #tpu.memory_space<semaphore_mem>>) src(%dma_wait3A_328 : memref<128x128xf32, #tpu.memory_space<hbm>>) dst(%arg10 : memref<128x128xf32, #tpu.memory_space<vmem>>)
      %mul3A_329 = arith.constant 8 : i32
      %mul3A_330 = arith.muli %add3A_322, %mul3A_329 : i32
      %add3A_331 = arith.constant 0 : i32
      %add3A_332 = arith.addi %mul3A_330, %add3A_331 : i32
      "tpu.region"() ({
        %run_scoped3A_568 = tpu.sem_alloc : memref<!tpu.dma_semaphore, #tpu.memory_space<semaphore_mem>>
        %dma_start3A_569 = arith.constant 0 : i32
        %dma_start3A_570 = tpu.memref_slice %arg7[%add3A_332, %dma_start3A_569] : memref<80x128xi32, #tpu.memory_space<vmem>> -> memref<1x128xi32, #tpu.memory_space<vmem>>
        %dma_start3A_571 = tpu.memref_squeeze %dma_start3A_570 : memref<1x128xi32, #tpu.memory_space<vmem>> -> memref<128xi32, #tpu.memory_space<vmem>>
        %dma_start3A_572 = arith.constant 0 : i32
        %dma_start3A_573 = arith.constant 0 : i32
        %dma_start3A_574 = tpu.memref_slice %arg12[%dma_start3A_572, %dma_start3A_573] : memref<10112x128xf32, #tpu.memory_space<vmem_shared>> -> memref<10112x128xf32, #tpu.memory_space<vmem_shared>>
        tpu.enqueue_indirect_dma source(%arg10 : memref<128x128xf32, #tpu.memory_space<vmem>>) target(%dma_start3A_574 : memref<10112x128xf32, #tpu.memory_space<vmem_shared>>) offsets(%dma_start3A_571 : memref<128xi32, #tpu.memory_space<vmem>>) semaphore(%run_scoped3A_568 : memref<!tpu.dma_semaphore, #tpu.memory_space<semaphore_mem>>) {add = true}
        %dma_wait3A_575 = arith.constant 0 : i32
        %dma_wait3A_576 = tpu.memref_slice %arg7[%add3A_332, %dma_wait3A_575] : memref<80x128xi32, #tpu.memory_space<vmem>> -> memref<1x128xi32, #tpu.memory_space<vmem>>
        %dma_wait3A_577 = tpu.memref_squeeze %dma_wait3A_576 : memref<1x128xi32, #tpu.memory_space<vmem>> -> memref<128xi32, #tpu.memory_space<vmem>>
        %dma_wait3A_578 = arith.constant 0 : i32
        %dma_wait3A_579 = arith.constant 0 : i32
        %dma_wait3A_580 = tpu.memref_slice %arg12[%dma_wait3A_578, %dma_wait3A_579] : memref<10112x128xf32, #tpu.memory_space<vmem_shared>> -> memref<10112x128xf32, #tpu.memory_space<vmem_shared>>
        tpu.wait_indirect_dma semaphore(%run_scoped3A_568 : memref<!tpu.dma_semaphore, #tpu.memory_space<semaphore_mem>>) src(%arg10 : memref<128x128xf32, #tpu.memory_space<vmem>>) dst(%dma_wait3A_580 : memref<10112x128xf32, #tpu.memory_space<vmem_shared>>)
        tpu.yield
      }) : () -> ()
      %dma_start3A_333 = arith.constant 2 : i32
      %dma_start3A_334 = arith.constant 0 : i32
      %dma_start3A_335 = arith.constant 0 : i32
      %dma_start3A_336 = tpu.memref_slice %arg10[%dma_start3A_334, %dma_start3A_335] : memref<128x128xf32, #tpu.memory_space<vmem>> -> memref<64x128xf32, #tpu.memory_space<vmem>>
      %dma_start3A_337 = arith.constant 0 : i32
      %dma_start3A_338 = tpu.memref_slice %arg9[%dma_start3A_333, %dma_start3A_337] : memref<8x128xi32, #tpu.memory_space<vmem>> -> memref<1x128xi32, #tpu.memory_space<vmem>>
      %dma_start3A_339 = tpu.memref_squeeze %dma_start3A_338 : memref<1x128xi32, #tpu.memory_space<vmem>> -> memref<128xi32, #tpu.memory_space<vmem>>
      %dma_start3A_340 = arith.constant 0 : i32
      %dma_start3A_341 = tpu.memref_slice %dma_start3A_339[%dma_start3A_340] : memref<128xi32, #tpu.memory_space<vmem>> -> memref<64xi32, #tpu.memory_space<vmem>>
      %dma_start3A_342 = arith.constant 0 : i32
      %dma_start3A_343 = arith.constant 0 : i32
      %dma_start3A_344 = tpu.memref_slice %arg2[%dma_start3A_342, %dma_start3A_343] : memref<10112x128xf32, #tpu.memory_space<hbm>> -> memref<10112x128xf32, #tpu.memory_space<hbm>>
      tpu.enqueue_indirect_dma source(%dma_start3A_344 : memref<10112x128xf32, #tpu.memory_space<hbm>>) target(%dma_start3A_336 : memref<64x128xf32, #tpu.memory_space<vmem>>) offsets(%dma_start3A_341 : memref<64xi32, #tpu.memory_space<vmem>>) semaphore(%arg13 : memref<!tpu.dma_semaphore, #tpu.memory_space<semaphore_mem>>)
      %dma_start3A_345 = arith.constant 2 : i32
      %dma_start3A_346 = arith.constant 64 : i32
      %dma_start3A_347 = arith.constant 0 : i32
      %dma_start3A_348 = tpu.memref_slice %arg10[%dma_start3A_346, %dma_start3A_347] : memref<128x128xf32, #tpu.memory_space<vmem>> -> memref<64x128xf32, #tpu.memory_space<vmem>>
      %dma_start3A_349 = arith.constant 0 : i32
      %dma_start3A_350 = tpu.memref_slice %arg9[%dma_start3A_345, %dma_start3A_349] : memref<8x128xi32, #tpu.memory_space<vmem>> -> memref<1x128xi32, #tpu.memory_space<vmem>>
      %dma_start3A_351 = tpu.memref_squeeze %dma_start3A_350 : memref<1x128xi32, #tpu.memory_space<vmem>> -> memref<128xi32, #tpu.memory_space<vmem>>
      %dma_start3A_352 = arith.constant 64 : i32
      %dma_start3A_353 = tpu.memref_slice %dma_start3A_351[%dma_start3A_352] : memref<128xi32, #tpu.memory_space<vmem>> -> memref<64xi32, #tpu.memory_space<vmem>>
      %dma_start3A_354 = arith.constant 0 : i32
      %dma_start3A_355 = arith.constant 0 : i32
      %dma_start3A_356 = tpu.memref_slice %arg2[%dma_start3A_354, %dma_start3A_355] : memref<10112x128xf32, #tpu.memory_space<hbm>> -> memref<10112x128xf32, #tpu.memory_space<hbm>>
      tpu.enqueue_indirect_dma source(%dma_start3A_356 : memref<10112x128xf32, #tpu.memory_space<hbm>>) target(%dma_start3A_348 : memref<64x128xf32, #tpu.memory_space<vmem>>) offsets(%dma_start3A_353 : memref<64xi32, #tpu.memory_space<vmem>>) semaphore(%arg13 : memref<!tpu.dma_semaphore, #tpu.memory_space<semaphore_mem>>)
      %dma_wait3A_357 = arith.constant 0 : i32
      %dma_wait3A_358 = arith.constant 0 : i32
      %dma_wait3A_359 = tpu.memref_slice %arg2[%dma_wait3A_357, %dma_wait3A_358] : memref<10112x128xf32, #tpu.memory_space<hbm>> -> memref<128x128xf32, #tpu.memory_space<hbm>>
      %dma_wait3A_360 = arith.constant 0 : i32
      %dma_wait3A_361 = arith.constant 0 : i32
      %dma_wait3A_362 = tpu.memref_slice %arg2[%dma_wait3A_360, %dma_wait3A_361] : memref<10112x128xf32, #tpu.memory_space<hbm>> -> memref<128x128xf32, #tpu.memory_space<hbm>>
      tpu.wait_dma2 semaphore(%arg14 : memref<!tpu.dma_semaphore, #tpu.memory_space<semaphore_mem>>) src(%dma_wait3A_362 : memref<128x128xf32, #tpu.memory_space<hbm>>) dst(%arg11 : memref<128x128xf32, #tpu.memory_space<vmem>>)
      %mul3A_363 = arith.constant 8 : i32
      %mul3A_364 = arith.muli %add3A_322, %mul3A_363 : i32
      %add3A_365 = arith.constant 1 : i32
      %add3A_366 = arith.addi %mul3A_364, %add3A_365 : i32
      "tpu.region"() ({
        %run_scoped3A_568 = tpu.sem_alloc : memref<!tpu.dma_semaphore, #tpu.memory_space<semaphore_mem>>
        %dma_start3A_569 = arith.constant 0 : i32
        %dma_start3A_570 = tpu.memref_slice %arg7[%add3A_366, %dma_start3A_569] : memref<80x128xi32, #tpu.memory_space<vmem>> -> memref<1x128xi32, #tpu.memory_space<vmem>>
        %dma_start3A_571 = tpu.memref_squeeze %dma_start3A_570 : memref<1x128xi32, #tpu.memory_space<vmem>> -> memref<128xi32, #tpu.memory_space<vmem>>
        %dma_start3A_572 = arith.constant 0 : i32
        %dma_start3A_573 = arith.constant 0 : i32
        %dma_start3A_574 = tpu.memref_slice %arg12[%dma_start3A_572, %dma_start3A_573] : memref<10112x128xf32, #tpu.memory_space<vmem_shared>> -> memref<10112x128xf32, #tpu.memory_space<vmem_shared>>
        tpu.enqueue_indirect_dma source(%arg11 : memref<128x128xf32, #tpu.memory_space<vmem>>) target(%dma_start3A_574 : memref<10112x128xf32, #tpu.memory_space<vmem_shared>>) offsets(%dma_start3A_571 : memref<128xi32, #tpu.memory_space<vmem>>) semaphore(%run_scoped3A_568 : memref<!tpu.dma_semaphore, #tpu.memory_space<semaphore_mem>>) {add = true}
        %dma_wait3A_575 = arith.constant 0 : i32
        %dma_wait3A_576 = tpu.memref_slice %arg7[%add3A_366, %dma_wait3A_575] : memref<80x128xi32, #tpu.memory_space<vmem>> -> memref<1x128xi32, #tpu.memory_space<vmem>>
        %dma_wait3A_577 = tpu.memref_squeeze %dma_wait3A_576 : memref<1x128xi32, #tpu.memory_space<vmem>> -> memref<128xi32, #tpu.memory_space<vmem>>
        %dma_wait3A_578 = arith.constant 0 : i32
        %dma_wait3A_579 = arith.constant 0 : i32
        %dma_wait3A_580 = tpu.memref_slice %arg12[%dma_wait3A_578, %dma_wait3A_579] : memref<10112x128xf32, #tpu.memory_space<vmem_shared>> -> memref<10112x128xf32, #tpu.memory_space<vmem_shared>>
        tpu.wait_indirect_dma semaphore(%run_scoped3A_568 : memref<!tpu.dma_semaphore, #tpu.memory_space<semaphore_mem>>) src(%arg11 : memref<128x128xf32, #tpu.memory_space<vmem>>) dst(%dma_wait3A_580 : memref<10112x128xf32, #tpu.memory_space<vmem_shared>>)
        tpu.yield
      }) : () -> ()
      %dma_start3A_367 = arith.constant 3 : i32
      %dma_start3A_368 = arith.constant 0 : i32
      %dma_start3A_369 = arith.constant 0 : i32
      %dma_start3A_370 = tpu.memref_slice %arg11[%dma_start3A_368, %dma_start3A_369] : memref<128x128xf32, #tpu.memory_space<vmem>> -> memref<64x128xf32, #tpu.memory_space<vmem>>
      %dma_start3A_371 = arith.constant 0 : i32
      %dma_start3A_372 = tpu.memref_slice %arg9[%dma_start3A_367, %dma_start3A_371] : memref<8x128xi32, #tpu.memory_space<vmem>> -> memref<1x128xi32, #tpu.memory_space<vmem>>
      %dma_start3A_373 = tpu.memref_squeeze %dma_start3A_372 : memref<1x128xi32, #tpu.memory_space<vmem>> -> memref<128xi32, #tpu.memory_space<vmem>>
      %dma_start3A_374 = arith.constant 0 : i32
      %dma_start3A_375 = tpu.memref_slice %dma_start3A_373[%dma_start3A_374] : memref<128xi32, #tpu.memory_space<vmem>> -> memref<64xi32, #tpu.memory_space<vmem>>
      %dma_start3A_376 = arith.constant 0 : i32
      %dma_start3A_377 = arith.constant 0 : i32
      %dma_start3A_378 = tpu.memref_slice %arg2[%dma_start3A_376, %dma_start3A_377] : memref<10112x128xf32, #tpu.memory_space<hbm>> -> memref<10112x128xf32, #tpu.memory_space<hbm>>
      tpu.enqueue_indirect_dma source(%dma_start3A_378 : memref<10112x128xf32, #tpu.memory_space<hbm>>) target(%dma_start3A_370 : memref<64x128xf32, #tpu.memory_space<vmem>>) offsets(%dma_start3A_375 : memref<64xi32, #tpu.memory_space<vmem>>) semaphore(%arg14 : memref<!tpu.dma_semaphore, #tpu.memory_space<semaphore_mem>>)
      %dma_start3A_379 = arith.constant 3 : i32
      %dma_start3A_380 = arith.constant 64 : i32
      %dma_start3A_381 = arith.constant 0 : i32
      %dma_start3A_382 = tpu.memref_slice %arg11[%dma_start3A_380, %dma_start3A_381] : memref<128x128xf32, #tpu.memory_space<vmem>> -> memref<64x128xf32, #tpu.memory_space<vmem>>
      %dma_start3A_383 = arith.constant 0 : i32
      %dma_start3A_384 = tpu.memref_slice %arg9[%dma_start3A_379, %dma_start3A_383] : memref<8x128xi32, #tpu.memory_space<vmem>> -> memref<1x128xi32, #tpu.memory_space<vmem>>
      %dma_start3A_385 = tpu.memref_squeeze %dma_start3A_384 : memref<1x128xi32, #tpu.memory_space<vmem>> -> memref<128xi32, #tpu.memory_space<vmem>>
      %dma_start3A_386 = arith.constant 64 : i32
      %dma_start3A_387 = tpu.memref_slice %dma_start3A_385[%dma_start3A_386] : memref<128xi32, #tpu.memory_space<vmem>> -> memref<64xi32, #tpu.memory_space<vmem>>
      %dma_start3A_388 = arith.constant 0 : i32
      %dma_start3A_389 = arith.constant 0 : i32
      %dma_start3A_390 = tpu.memref_slice %arg2[%dma_start3A_388, %dma_start3A_389] : memref<10112x128xf32, #tpu.memory_space<hbm>> -> memref<10112x128xf32, #tpu.memory_space<hbm>>
      tpu.enqueue_indirect_dma source(%dma_start3A_390 : memref<10112x128xf32, #tpu.memory_space<hbm>>) target(%dma_start3A_382 : memref<64x128xf32, #tpu.memory_space<vmem>>) offsets(%dma_start3A_387 : memref<64xi32, #tpu.memory_space<vmem>>) semaphore(%arg14 : memref<!tpu.dma_semaphore, #tpu.memory_space<semaphore_mem>>)
      %dma_wait3A_391 = arith.constant 0 : i32
      %dma_wait3A_392 = arith.constant 0 : i32
      %dma_wait3A_393 = tpu.memref_slice %arg2[%dma_wait3A_391, %dma_wait3A_392] : memref<10112x128xf32, #tpu.memory_space<hbm>> -> memref<128x128xf32, #tpu.memory_space<hbm>>
      %dma_wait3A_394 = arith.constant 0 : i32
      %dma_wait3A_395 = arith.constant 0 : i32
      %dma_wait3A_396 = tpu.memref_slice %arg2[%dma_wait3A_394, %dma_wait3A_395] : memref<10112x128xf32, #tpu.memory_space<hbm>> -> memref<128x128xf32, #tpu.memory_space<hbm>>
      tpu.wait_dma2 semaphore(%arg13 : memref<!tpu.dma_semaphore, #tpu.memory_space<semaphore_mem>>) src(%dma_wait3A_396 : memref<128x128xf32, #tpu.memory_space<hbm>>) dst(%arg10 : memref<128x128xf32, #tpu.memory_space<vmem>>)
      %mul3A_397 = arith.constant 8 : i32
      %mul3A_398 = arith.muli %add3A_322, %mul3A_397 : i32
      %add3A_399 = arith.constant 2 : i32
      %add3A_400 = arith.addi %mul3A_398, %add3A_399 : i32
      "tpu.region"() ({
        %run_scoped3A_568 = tpu.sem_alloc : memref<!tpu.dma_semaphore, #tpu.memory_space<semaphore_mem>>
        %dma_start3A_569 = arith.constant 0 : i32
        %dma_start3A_570 = tpu.memref_slice %arg7[%add3A_400, %dma_start3A_569] : memref<80x128xi32, #tpu.memory_space<vmem>> -> memref<1x128xi32, #tpu.memory_space<vmem>>
        %dma_start3A_571 = tpu.memref_squeeze %dma_start3A_570 : memref<1x128xi32, #tpu.memory_space<vmem>> -> memref<128xi32, #tpu.memory_space<vmem>>
        %dma_start3A_572 = arith.constant 0 : i32
        %dma_start3A_573 = arith.constant 0 : i32
        %dma_start3A_574 = tpu.memref_slice %arg12[%dma_start3A_572, %dma_start3A_573] : memref<10112x128xf32, #tpu.memory_space<vmem_shared>> -> memref<10112x128xf32, #tpu.memory_space<vmem_shared>>
        tpu.enqueue_indirect_dma source(%arg10 : memref<128x128xf32, #tpu.memory_space<vmem>>) target(%dma_start3A_574 : memref<10112x128xf32, #tpu.memory_space<vmem_shared>>) offsets(%dma_start3A_571 : memref<128xi32, #tpu.memory_space<vmem>>) semaphore(%run_scoped3A_568 : memref<!tpu.dma_semaphore, #tpu.memory_space<semaphore_mem>>) {add = true}
        %dma_wait3A_575 = arith.constant 0 : i32
        %dma_wait3A_576 = tpu.memref_slice %arg7[%add3A_400, %dma_wait3A_575] : memref<80x128xi32, #tpu.memory_space<vmem>> -> memref<1x128xi32, #tpu.memory_space<vmem>>
        %dma_wait3A_577 = tpu.memref_squeeze %dma_wait3A_576 : memref<1x128xi32, #tpu.memory_space<vmem>> -> memref<128xi32, #tpu.memory_space<vmem>>
        %dma_wait3A_578 = arith.constant 0 : i32
        %dma_wait3A_579 = arith.constant 0 : i32
        %dma_wait3A_580 = tpu.memref_slice %arg12[%dma_wait3A_578, %dma_wait3A_579] : memref<10112x128xf32, #tpu.memory_space<vmem_shared>> -> memref<10112x128xf32, #tpu.memory_space<vmem_shared>>
        tpu.wait_indirect_dma semaphore(%run_scoped3A_568 : memref<!tpu.dma_semaphore, #tpu.memory_space<semaphore_mem>>) src(%arg10 : memref<128x128xf32, #tpu.memory_space<vmem>>) dst(%dma_wait3A_580 : memref<10112x128xf32, #tpu.memory_space<vmem_shared>>)
        tpu.yield
      }) : () -> ()
      %dma_start3A_401 = arith.constant 4 : i32
      %dma_start3A_402 = arith.constant 0 : i32
      %dma_start3A_403 = arith.constant 0 : i32
      %dma_start3A_404 = tpu.memref_slice %arg10[%dma_start3A_402, %dma_start3A_403] : memref<128x128xf32, #tpu.memory_space<vmem>> -> memref<64x128xf32, #tpu.memory_space<vmem>>
      %dma_start3A_405 = arith.constant 0 : i32
      %dma_start3A_406 = tpu.memref_slice %arg9[%dma_start3A_401, %dma_start3A_405] : memref<8x128xi32, #tpu.memory_space<vmem>> -> memref<1x128xi32, #tpu.memory_space<vmem>>
      %dma_start3A_407 = tpu.memref_squeeze %dma_start3A_406 : memref<1x128xi32, #tpu.memory_space<vmem>> -> memref<128xi32, #tpu.memory_space<vmem>>
      %dma_start3A_408 = arith.constant 0 : i32
      %dma_start3A_409 = tpu.memref_slice %dma_start3A_407[%dma_start3A_408] : memref<128xi32, #tpu.memory_space<vmem>> -> memref<64xi32, #tpu.memory_space<vmem>>
      %dma_start3A_410 = arith.constant 0 : i32
      %dma_start3A_411 = arith.constant 0 : i32
      %dma_start3A_412 = tpu.memref_slice %arg2[%dma_start3A_410, %dma_start3A_411] : memref<10112x128xf32, #tpu.memory_space<hbm>> -> memref<10112x128xf32, #tpu.memory_space<hbm>>
      tpu.enqueue_indirect_dma source(%dma_start3A_412 : memref<10112x128xf32, #tpu.memory_space<hbm>>) target(%dma_start3A_404 : memref<64x128xf32, #tpu.memory_space<vmem>>) offsets(%dma_start3A_409 : memref<64xi32, #tpu.memory_space<vmem>>) semaphore(%arg13 : memref<!tpu.dma_semaphore, #tpu.memory_space<semaphore_mem>>)
      %dma_start3A_413 = arith.constant 4 : i32
      %dma_start3A_414 = arith.constant 64 : i32
      %dma_start3A_415 = arith.constant 0 : i32
      %dma_start3A_416 = tpu.memref_slice %arg10[%dma_start3A_414, %dma_start3A_415] : memref<128x128xf32, #tpu.memory_space<vmem>> -> memref<64x128xf32, #tpu.memory_space<vmem>>
      %dma_start3A_417 = arith.constant 0 : i32
      %dma_start3A_418 = tpu.memref_slice %arg9[%dma_start3A_413, %dma_start3A_417] : memref<8x128xi32, #tpu.memory_space<vmem>> -> memref<1x128xi32, #tpu.memory_space<vmem>>
      %dma_start3A_419 = tpu.memref_squeeze %dma_start3A_418 : memref<1x128xi32, #tpu.memory_space<vmem>> -> memref<128xi32, #tpu.memory_space<vmem>>
      %dma_start3A_420 = arith.constant 64 : i32
      %dma_start3A_421 = tpu.memref_slice %dma_start3A_419[%dma_start3A_420] : memref<128xi32, #tpu.memory_space<vmem>> -> memref<64xi32, #tpu.memory_space<vmem>>
      %dma_start3A_422 = arith.constant 0 : i32
      %dma_start3A_423 = arith.constant 0 : i32
      %dma_start3A_424 = tpu.memref_slice %arg2[%dma_start3A_422, %dma_start3A_423] : memref<10112x128xf32, #tpu.memory_space<hbm>> -> memref<10112x128xf32, #tpu.memory_space<hbm>>
      tpu.enqueue_indirect_dma source(%dma_start3A_424 : memref<10112x128xf32, #tpu.memory_space<hbm>>) target(%dma_start3A_416 : memref<64x128xf32, #tpu.memory_space<vmem>>) offsets(%dma_start3A_421 : memref<64xi32, #tpu.memory_space<vmem>>) semaphore(%arg13 : memref<!tpu.dma_semaphore, #tpu.memory_space<semaphore_mem>>)
      %dma_wait3A_425 = arith.constant 0 : i32
      %dma_wait3A_426 = arith.constant 0 : i32
      %dma_wait3A_427 = tpu.memref_slice %arg2[%dma_wait3A_425, %dma_wait3A_426] : memref<10112x128xf32, #tpu.memory_space<hbm>> -> memref<128x128xf32, #tpu.memory_space<hbm>>
      %dma_wait3A_428 = arith.constant 0 : i32
      %dma_wait3A_429 = arith.constant 0 : i32
      %dma_wait3A_430 = tpu.memref_slice %arg2[%dma_wait3A_428, %dma_wait3A_429] : memref<10112x128xf32, #tpu.memory_space<hbm>> -> memref<128x128xf32, #tpu.memory_space<hbm>>
      tpu.wait_dma2 semaphore(%arg14 : memref<!tpu.dma_semaphore, #tpu.memory_space<semaphore_mem>>) src(%dma_wait3A_430 : memref<128x128xf32, #tpu.memory_space<hbm>>) dst(%arg11 : memref<128x128xf32, #tpu.memory_space<vmem>>)
      %mul3A_431 = arith.constant 8 : i32
      %mul3A_432 = arith.muli %add3A_322, %mul3A_431 : i32
      %add3A_433 = arith.constant 3 : i32
      %add3A_434 = arith.addi %mul3A_432, %add3A_433 : i32
      "tpu.region"() ({
        %run_scoped3A_568 = tpu.sem_alloc : memref<!tpu.dma_semaphore, #tpu.memory_space<semaphore_mem>>
        %dma_start3A_569 = arith.constant 0 : i32
        %dma_start3A_570 = tpu.memref_slice %arg7[%add3A_434, %dma_start3A_569] : memref<80x128xi32, #tpu.memory_space<vmem>> -> memref<1x128xi32, #tpu.memory_space<vmem>>
        %dma_start3A_571 = tpu.memref_squeeze %dma_start3A_570 : memref<1x128xi32, #tpu.memory_space<vmem>> -> memref<128xi32, #tpu.memory_space<vmem>>
        %dma_start3A_572 = arith.constant 0 : i32
        %dma_start3A_573 = arith.constant 0 : i32
        %dma_start3A_574 = tpu.memref_slice %arg12[%dma_start3A_572, %dma_start3A_573] : memref<10112x128xf32, #tpu.memory_space<vmem_shared>> -> memref<10112x128xf32, #tpu.memory_space<vmem_shared>>
        tpu.enqueue_indirect_dma source(%arg11 : memref<128x128xf32, #tpu.memory_space<vmem>>) target(%dma_start3A_574 : memref<10112x128xf32, #tpu.memory_space<vmem_shared>>) offsets(%dma_start3A_571 : memref<128xi32, #tpu.memory_space<vmem>>) semaphore(%run_scoped3A_568 : memref<!tpu.dma_semaphore, #tpu.memory_space<semaphore_mem>>) {add = true}
        %dma_wait3A_575 = arith.constant 0 : i32
        %dma_wait3A_576 = tpu.memref_slice %arg7[%add3A_434, %dma_wait3A_575] : memref<80x128xi32, #tpu.memory_space<vmem>> -> memref<1x128xi32, #tpu.memory_space<vmem>>
        %dma_wait3A_577 = tpu.memref_squeeze %dma_wait3A_576 : memref<1x128xi32, #tpu.memory_space<vmem>> -> memref<128xi32, #tpu.memory_space<vmem>>
        %dma_wait3A_578 = arith.constant 0 : i32
        %dma_wait3A_579 = arith.constant 0 : i32
        %dma_wait3A_580 = tpu.memref_slice %arg12[%dma_wait3A_578, %dma_wait3A_579] : memref<10112x128xf32, #tpu.memory_space<vmem_shared>> -> memref<10112x128xf32, #tpu.memory_space<vmem_shared>>
        tpu.wait_indirect_dma semaphore(%run_scoped3A_568 : memref<!tpu.dma_semaphore, #tpu.memory_space<semaphore_mem>>) src(%arg11 : memref<128x128xf32, #tpu.memory_space<vmem>>) dst(%dma_wait3A_580 : memref<10112x128xf32, #tpu.memory_space<vmem_shared>>)
        tpu.yield
      }) : () -> ()
      %dma_start3A_435 = arith.constant 5 : i32
      %dma_start3A_436 = arith.constant 0 : i32
      %dma_start3A_437 = arith.constant 0 : i32
      %dma_start3A_438 = tpu.memref_slice %arg11[%dma_start3A_436, %dma_start3A_437] : memref<128x128xf32, #tpu.memory_space<vmem>> -> memref<64x128xf32, #tpu.memory_space<vmem>>
      %dma_start3A_439 = arith.constant 0 : i32
      %dma_start3A_440 = tpu.memref_slice %arg9[%dma_start3A_435, %dma_start3A_439] : memref<8x128xi32, #tpu.memory_space<vmem>> -> memref<1x128xi32, #tpu.memory_space<vmem>>
      %dma_start3A_441 = tpu.memref_squeeze %dma_start3A_440 : memref<1x128xi32, #tpu.memory_space<vmem>> -> memref<128xi32, #tpu.memory_space<vmem>>
      %dma_start3A_442 = arith.constant 0 : i32
      %dma_start3A_443 = tpu.memref_slice %dma_start3A_441[%dma_start3A_442] : memref<128xi32, #tpu.memory_space<vmem>> -> memref<64xi32, #tpu.memory_space<vmem>>
      %dma_start3A_444 = arith.constant 0 : i32
      %dma_start3A_445 = arith.constant 0 : i32
      %dma_start3A_446 = tpu.memref_slice %arg2[%dma_start3A_444, %dma_start3A_445] : memref<10112x128xf32, #tpu.memory_space<hbm>> -> memref<10112x128xf32, #tpu.memory_space<hbm>>
      tpu.enqueue_indirect_dma source(%dma_start3A_446 : memref<10112x128xf32, #tpu.memory_space<hbm>>) target(%dma_start3A_438 : memref<64x128xf32, #tpu.memory_space<vmem>>) offsets(%dma_start3A_443 : memref<64xi32, #tpu.memory_space<vmem>>) semaphore(%arg14 : memref<!tpu.dma_semaphore, #tpu.memory_space<semaphore_mem>>)
      %dma_start3A_447 = arith.constant 5 : i32
      %dma_start3A_448 = arith.constant 64 : i32
      %dma_start3A_449 = arith.constant 0 : i32
      %dma_start3A_450 = tpu.memref_slice %arg11[%dma_start3A_448, %dma_start3A_449] : memref<128x128xf32, #tpu.memory_space<vmem>> -> memref<64x128xf32, #tpu.memory_space<vmem>>
      %dma_start3A_451 = arith.constant 0 : i32
      %dma_start3A_452 = tpu.memref_slice %arg9[%dma_start3A_447, %dma_start3A_451] : memref<8x128xi32, #tpu.memory_space<vmem>> -> memref<1x128xi32, #tpu.memory_space<vmem>>
      %dma_start3A_453 = tpu.memref_squeeze %dma_start3A_452 : memref<1x128xi32, #tpu.memory_space<vmem>> -> memref<128xi32, #tpu.memory_space<vmem>>
      %dma_start3A_454 = arith.constant 64 : i32
      %dma_start3A_455 = tpu.memref_slice %dma_start3A_453[%dma_start3A_454] : memref<128xi32, #tpu.memory_space<vmem>> -> memref<64xi32, #tpu.memory_space<vmem>>
      %dma_start3A_456 = arith.constant 0 : i32
      %dma_start3A_457 = arith.constant 0 : i32
      %dma_start3A_458 = tpu.memref_slice %arg2[%dma_start3A_456, %dma_start3A_457] : memref<10112x128xf32, #tpu.memory_space<hbm>> -> memref<10112x128xf32, #tpu.memory_space<hbm>>
      tpu.enqueue_indirect_dma source(%dma_start3A_458 : memref<10112x128xf32, #tpu.memory_space<hbm>>) target(%dma_start3A_450 : memref<64x128xf32, #tpu.memory_space<vmem>>) offsets(%dma_start3A_455 : memref<64xi32, #tpu.memory_space<vmem>>) semaphore(%arg14 : memref<!tpu.dma_semaphore, #tpu.memory_space<semaphore_mem>>)
      %dma_wait3A_459 = arith.constant 0 : i32
      %dma_wait3A_460 = arith.constant 0 : i32
      %dma_wait3A_461 = tpu.memref_slice %arg2[%dma_wait3A_459, %dma_wait3A_460] : memref<10112x128xf32, #tpu.memory_space<hbm>> -> memref<128x128xf32, #tpu.memory_space<hbm>>
      %dma_wait3A_462 = arith.constant 0 : i32
      %dma_wait3A_463 = arith.constant 0 : i32
      %dma_wait3A_464 = tpu.memref_slice %arg2[%dma_wait3A_462, %dma_wait3A_463] : memref<10112x128xf32, #tpu.memory_space<hbm>> -> memref<128x128xf32, #tpu.memory_space<hbm>>
      tpu.wait_dma2 semaphore(%arg13 : memref<!tpu.dma_semaphore, #tpu.memory_space<semaphore_mem>>) src(%dma_wait3A_464 : memref<128x128xf32, #tpu.memory_space<hbm>>) dst(%arg10 : memref<128x128xf32, #tpu.memory_space<vmem>>)
      %mul3A_465 = arith.constant 8 : i32
      %mul3A_466 = arith.muli %add3A_322, %mul3A_465 : i32
      %add3A_467 = arith.constant 4 : i32
      %add3A_468 = arith.addi %mul3A_466, %add3A_467 : i32
      "tpu.region"() ({
        %run_scoped3A_568 = tpu.sem_alloc : memref<!tpu.dma_semaphore, #tpu.memory_space<semaphore_mem>>
        %dma_start3A_569 = arith.constant 0 : i32
        %dma_start3A_570 = tpu.memref_slice %arg7[%add3A_468, %dma_start3A_569] : memref<80x128xi32, #tpu.memory_space<vmem>> -> memref<1x128xi32, #tpu.memory_space<vmem>>
        %dma_start3A_571 = tpu.memref_squeeze %dma_start3A_570 : memref<1x128xi32, #tpu.memory_space<vmem>> -> memref<128xi32, #tpu.memory_space<vmem>>
        %dma_start3A_572 = arith.constant 0 : i32
        %dma_start3A_573 = arith.constant 0 : i32
        %dma_start3A_574 = tpu.memref_slice %arg12[%dma_start3A_572, %dma_start3A_573] : memref<10112x128xf32, #tpu.memory_space<vmem_shared>> -> memref<10112x128xf32, #tpu.memory_space<vmem_shared>>
        tpu.enqueue_indirect_dma source(%arg10 : memref<128x128xf32, #tpu.memory_space<vmem>>) target(%dma_start3A_574 : memref<10112x128xf32, #tpu.memory_space<vmem_shared>>) offsets(%dma_start3A_571 : memref<128xi32, #tpu.memory_space<vmem>>) semaphore(%run_scoped3A_568 : memref<!tpu.dma_semaphore, #tpu.memory_space<semaphore_mem>>) {add = true}
        %dma_wait3A_575 = arith.constant 0 : i32
        %dma_wait3A_576 = tpu.memref_slice %arg7[%add3A_468, %dma_wait3A_575] : memref<80x128xi32, #tpu.memory_space<vmem>> -> memref<1x128xi32, #tpu.memory_space<vmem>>
        %dma_wait3A_577 = tpu.memref_squeeze %dma_wait3A_576 : memref<1x128xi32, #tpu.memory_space<vmem>> -> memref<128xi32, #tpu.memory_space<vmem>>
        %dma_wait3A_578 = arith.constant 0 : i32
        %dma_wait3A_579 = arith.constant 0 : i32
        %dma_wait3A_580 = tpu.memref_slice %arg12[%dma_wait3A_578, %dma_wait3A_579] : memref<10112x128xf32, #tpu.memory_space<vmem_shared>> -> memref<10112x128xf32, #tpu.memory_space<vmem_shared>>
        tpu.wait_indirect_dma semaphore(%run_scoped3A_568 : memref<!tpu.dma_semaphore, #tpu.memory_space<semaphore_mem>>) src(%arg10 : memref<128x128xf32, #tpu.memory_space<vmem>>) dst(%dma_wait3A_580 : memref<10112x128xf32, #tpu.memory_space<vmem_shared>>)
        tpu.yield
      }) : () -> ()
      %dma_start3A_469 = arith.constant 6 : i32
      %dma_start3A_470 = arith.constant 0 : i32
      %dma_start3A_471 = arith.constant 0 : i32
      %dma_start3A_472 = tpu.memref_slice %arg10[%dma_start3A_470, %dma_start3A_471] : memref<128x128xf32, #tpu.memory_space<vmem>> -> memref<64x128xf32, #tpu.memory_space<vmem>>
      %dma_start3A_473 = arith.constant 0 : i32
      %dma_start3A_474 = tpu.memref_slice %arg9[%dma_start3A_469, %dma_start3A_473] : memref<8x128xi32, #tpu.memory_space<vmem>> -> memref<1x128xi32, #tpu.memory_space<vmem>>
      %dma_start3A_475 = tpu.memref_squeeze %dma_start3A_474 : memref<1x128xi32, #tpu.memory_space<vmem>> -> memref<128xi32, #tpu.memory_space<vmem>>
      %dma_start3A_476 = arith.constant 0 : i32
      %dma_start3A_477 = tpu.memref_slice %dma_start3A_475[%dma_start3A_476] : memref<128xi32, #tpu.memory_space<vmem>> -> memref<64xi32, #tpu.memory_space<vmem>>
      %dma_start3A_478 = arith.constant 0 : i32
      %dma_start3A_479 = arith.constant 0 : i32
      %dma_start3A_480 = tpu.memref_slice %arg2[%dma_start3A_478, %dma_start3A_479] : memref<10112x128xf32, #tpu.memory_space<hbm>> -> memref<10112x128xf32, #tpu.memory_space<hbm>>
      tpu.enqueue_indirect_dma source(%dma_start3A_480 : memref<10112x128xf32, #tpu.memory_space<hbm>>) target(%dma_start3A_472 : memref<64x128xf32, #tpu.memory_space<vmem>>) offsets(%dma_start3A_477 : memref<64xi32, #tpu.memory_space<vmem>>) semaphore(%arg13 : memref<!tpu.dma_semaphore, #tpu.memory_space<semaphore_mem>>)
      %dma_start3A_481 = arith.constant 6 : i32
      %dma_start3A_482 = arith.constant 64 : i32
      %dma_start3A_483 = arith.constant 0 : i32
      %dma_start3A_484 = tpu.memref_slice %arg10[%dma_start3A_482, %dma_start3A_483] : memref<128x128xf32, #tpu.memory_space<vmem>> -> memref<64x128xf32, #tpu.memory_space<vmem>>
      %dma_start3A_485 = arith.constant 0 : i32
      %dma_start3A_486 = tpu.memref_slice %arg9[%dma_start3A_481, %dma_start3A_485] : memref<8x128xi32, #tpu.memory_space<vmem>> -> memref<1x128xi32, #tpu.memory_space<vmem>>
      %dma_start3A_487 = tpu.memref_squeeze %dma_start3A_486 : memref<1x128xi32, #tpu.memory_space<vmem>> -> memref<128xi32, #tpu.memory_space<vmem>>
      %dma_start3A_488 = arith.constant 64 : i32
      %dma_start3A_489 = tpu.memref_slice %dma_start3A_487[%dma_start3A_488] : memref<128xi32, #tpu.memory_space<vmem>> -> memref<64xi32, #tpu.memory_space<vmem>>
      %dma_start3A_490 = arith.constant 0 : i32
      %dma_start3A_491 = arith.constant 0 : i32
      %dma_start3A_492 = tpu.memref_slice %arg2[%dma_start3A_490, %dma_start3A_491] : memref<10112x128xf32, #tpu.memory_space<hbm>> -> memref<10112x128xf32, #tpu.memory_space<hbm>>
      tpu.enqueue_indirect_dma source(%dma_start3A_492 : memref<10112x128xf32, #tpu.memory_space<hbm>>) target(%dma_start3A_484 : memref<64x128xf32, #tpu.memory_space<vmem>>) offsets(%dma_start3A_489 : memref<64xi32, #tpu.memory_space<vmem>>) semaphore(%arg13 : memref<!tpu.dma_semaphore, #tpu.memory_space<semaphore_mem>>)
      %dma_wait3A_493 = arith.constant 0 : i32
      %dma_wait3A_494 = arith.constant 0 : i32
      %dma_wait3A_495 = tpu.memref_slice %arg2[%dma_wait3A_493, %dma_wait3A_494] : memref<10112x128xf32, #tpu.memory_space<hbm>> -> memref<128x128xf32, #tpu.memory_space<hbm>>
      %dma_wait3A_496 = arith.constant 0 : i32
      %dma_wait3A_497 = arith.constant 0 : i32
      %dma_wait3A_498 = tpu.memref_slice %arg2[%dma_wait3A_496, %dma_wait3A_497] : memref<10112x128xf32, #tpu.memory_space<hbm>> -> memref<128x128xf32, #tpu.memory_space<hbm>>
      tpu.wait_dma2 semaphore(%arg14 : memref<!tpu.dma_semaphore, #tpu.memory_space<semaphore_mem>>) src(%dma_wait3A_498 : memref<128x128xf32, #tpu.memory_space<hbm>>) dst(%arg11 : memref<128x128xf32, #tpu.memory_space<vmem>>)
      %mul3A_499 = arith.constant 8 : i32
      %mul3A_500 = arith.muli %add3A_322, %mul3A_499 : i32
      %add3A_501 = arith.constant 5 : i32
      %add3A_502 = arith.addi %mul3A_500, %add3A_501 : i32
      "tpu.region"() ({
        %run_scoped3A_568 = tpu.sem_alloc : memref<!tpu.dma_semaphore, #tpu.memory_space<semaphore_mem>>
        %dma_start3A_569 = arith.constant 0 : i32
        %dma_start3A_570 = tpu.memref_slice %arg7[%add3A_502, %dma_start3A_569] : memref<80x128xi32, #tpu.memory_space<vmem>> -> memref<1x128xi32, #tpu.memory_space<vmem>>
        %dma_start3A_571 = tpu.memref_squeeze %dma_start3A_570 : memref<1x128xi32, #tpu.memory_space<vmem>> -> memref<128xi32, #tpu.memory_space<vmem>>
        %dma_start3A_572 = arith.constant 0 : i32
        %dma_start3A_573 = arith.constant 0 : i32
        %dma_start3A_574 = tpu.memref_slice %arg12[%dma_start3A_572, %dma_start3A_573] : memref<10112x128xf32, #tpu.memory_space<vmem_shared>> -> memref<10112x128xf32, #tpu.memory_space<vmem_shared>>
        tpu.enqueue_indirect_dma source(%arg11 : memref<128x128xf32, #tpu.memory_space<vmem>>) target(%dma_start3A_574 : memref<10112x128xf32, #tpu.memory_space<vmem_shared>>) offsets(%dma_start3A_571 : memref<128xi32, #tpu.memory_space<vmem>>) semaphore(%run_scoped3A_568 : memref<!tpu.dma_semaphore, #tpu.memory_space<semaphore_mem>>) {add = true}
        %dma_wait3A_575 = arith.constant 0 : i32
        %dma_wait3A_576 = tpu.memref_slice %arg7[%add3A_502, %dma_wait3A_575] : memref<80x128xi32, #tpu.memory_space<vmem>> -> memref<1x128xi32, #tpu.memory_space<vmem>>
        %dma_wait3A_577 = tpu.memref_squeeze %dma_wait3A_576 : memref<1x128xi32, #tpu.memory_space<vmem>> -> memref<128xi32, #tpu.memory_space<vmem>>
        %dma_wait3A_578 = arith.constant 0 : i32
        %dma_wait3A_579 = arith.constant 0 : i32
        %dma_wait3A_580 = tpu.memref_slice %arg12[%dma_wait3A_578, %dma_wait3A_579] : memref<10112x128xf32, #tpu.memory_space<vmem_shared>> -> memref<10112x128xf32, #tpu.memory_space<vmem_shared>>
        tpu.wait_indirect_dma semaphore(%run_scoped3A_568 : memref<!tpu.dma_semaphore, #tpu.memory_space<semaphore_mem>>) src(%arg11 : memref<128x128xf32, #tpu.memory_space<vmem>>) dst(%dma_wait3A_580 : memref<10112x128xf32, #tpu.memory_space<vmem_shared>>)
        tpu.yield
      }) : () -> ()
      %dma_start3A_503 = arith.constant 7 : i32
      %dma_start3A_504 = arith.constant 0 : i32
      %dma_start3A_505 = arith.constant 0 : i32
      %dma_start3A_506 = tpu.memref_slice %arg11[%dma_start3A_504, %dma_start3A_505] : memref<128x128xf32, #tpu.memory_space<vmem>> -> memref<64x128xf32, #tpu.memory_space<vmem>>
      %dma_start3A_507 = arith.constant 0 : i32
      %dma_start3A_508 = tpu.memref_slice %arg9[%dma_start3A_503, %dma_start3A_507] : memref<8x128xi32, #tpu.memory_space<vmem>> -> memref<1x128xi32, #tpu.memory_space<vmem>>
      %dma_start3A_509 = tpu.memref_squeeze %dma_start3A_508 : memref<1x128xi32, #tpu.memory_space<vmem>> -> memref<128xi32, #tpu.memory_space<vmem>>
      %dma_start3A_510 = arith.constant 0 : i32
      %dma_start3A_511 = tpu.memref_slice %dma_start3A_509[%dma_start3A_510] : memref<128xi32, #tpu.memory_space<vmem>> -> memref<64xi32, #tpu.memory_space<vmem>>
      %dma_start3A_512 = arith.constant 0 : i32
      %dma_start3A_513 = arith.constant 0 : i32
      %dma_start3A_514 = tpu.memref_slice %arg2[%dma_start3A_512, %dma_start3A_513] : memref<10112x128xf32, #tpu.memory_space<hbm>> -> memref<10112x128xf32, #tpu.memory_space<hbm>>
      tpu.enqueue_indirect_dma source(%dma_start3A_514 : memref<10112x128xf32, #tpu.memory_space<hbm>>) target(%dma_start3A_506 : memref<64x128xf32, #tpu.memory_space<vmem>>) offsets(%dma_start3A_511 : memref<64xi32, #tpu.memory_space<vmem>>) semaphore(%arg14 : memref<!tpu.dma_semaphore, #tpu.memory_space<semaphore_mem>>)
      %dma_start3A_515 = arith.constant 7 : i32
      %dma_start3A_516 = arith.constant 64 : i32
      %dma_start3A_517 = arith.constant 0 : i32
      %dma_start3A_518 = tpu.memref_slice %arg11[%dma_start3A_516, %dma_start3A_517] : memref<128x128xf32, #tpu.memory_space<vmem>> -> memref<64x128xf32, #tpu.memory_space<vmem>>
      %dma_start3A_519 = arith.constant 0 : i32
      %dma_start3A_520 = tpu.memref_slice %arg9[%dma_start3A_515, %dma_start3A_519] : memref<8x128xi32, #tpu.memory_space<vmem>> -> memref<1x128xi32, #tpu.memory_space<vmem>>
      %dma_start3A_521 = tpu.memref_squeeze %dma_start3A_520 : memref<1x128xi32, #tpu.memory_space<vmem>> -> memref<128xi32, #tpu.memory_space<vmem>>
      %dma_start3A_522 = arith.constant 64 : i32
      %dma_start3A_523 = tpu.memref_slice %dma_start3A_521[%dma_start3A_522] : memref<128xi32, #tpu.memory_space<vmem>> -> memref<64xi32, #tpu.memory_space<vmem>>
      %dma_start3A_524 = arith.constant 0 : i32
      %dma_start3A_525 = arith.constant 0 : i32
      %dma_start3A_526 = tpu.memref_slice %arg2[%dma_start3A_524, %dma_start3A_525] : memref<10112x128xf32, #tpu.memory_space<hbm>> -> memref<10112x128xf32, #tpu.memory_space<hbm>>
      tpu.enqueue_indirect_dma source(%dma_start3A_526 : memref<10112x128xf32, #tpu.memory_space<hbm>>) target(%dma_start3A_518 : memref<64x128xf32, #tpu.memory_space<vmem>>) offsets(%dma_start3A_523 : memref<64xi32, #tpu.memory_space<vmem>>) semaphore(%arg14 : memref<!tpu.dma_semaphore, #tpu.memory_space<semaphore_mem>>)
      %dma_wait3A_527 = arith.constant 0 : i32
      %dma_wait3A_528 = arith.constant 0 : i32
      %dma_wait3A_529 = tpu.memref_slice %arg2[%dma_wait3A_527, %dma_wait3A_528] : memref<10112x128xf32, #tpu.memory_space<hbm>> -> memref<128x128xf32, #tpu.memory_space<hbm>>
      %dma_wait3A_530 = arith.constant 0 : i32
      %dma_wait3A_531 = arith.constant 0 : i32
      %dma_wait3A_532 = tpu.memref_slice %arg2[%dma_wait3A_530, %dma_wait3A_531] : memref<10112x128xf32, #tpu.memory_space<hbm>> -> memref<128x128xf32, #tpu.memory_space<hbm>>
      tpu.wait_dma2 semaphore(%arg13 : memref<!tpu.dma_semaphore, #tpu.memory_space<semaphore_mem>>) src(%dma_wait3A_532 : memref<128x128xf32, #tpu.memory_space<hbm>>) dst(%arg10 : memref<128x128xf32, #tpu.memory_space<vmem>>)
      %mul3A_533 = arith.constant 8 : i32
      %mul3A_534 = arith.muli %add3A_322, %mul3A_533 : i32
      %add3A_535 = arith.constant 6 : i32
      %add3A_536 = arith.addi %mul3A_534, %add3A_535 : i32
      "tpu.region"() ({
        %run_scoped3A_568 = tpu.sem_alloc : memref<!tpu.dma_semaphore, #tpu.memory_space<semaphore_mem>>
        %dma_start3A_569 = arith.constant 0 : i32
        %dma_start3A_570 = tpu.memref_slice %arg7[%add3A_536, %dma_start3A_569] : memref<80x128xi32, #tpu.memory_space<vmem>> -> memref<1x128xi32, #tpu.memory_space<vmem>>
        %dma_start3A_571 = tpu.memref_squeeze %dma_start3A_570 : memref<1x128xi32, #tpu.memory_space<vmem>> -> memref<128xi32, #tpu.memory_space<vmem>>
        %dma_start3A_572 = arith.constant 0 : i32
        %dma_start3A_573 = arith.constant 0 : i32
        %dma_start3A_574 = tpu.memref_slice %arg12[%dma_start3A_572, %dma_start3A_573] : memref<10112x128xf32, #tpu.memory_space<vmem_shared>> -> memref<10112x128xf32, #tpu.memory_space<vmem_shared>>
        tpu.enqueue_indirect_dma source(%arg10 : memref<128x128xf32, #tpu.memory_space<vmem>>) target(%dma_start3A_574 : memref<10112x128xf32, #tpu.memory_space<vmem_shared>>) offsets(%dma_start3A_571 : memref<128xi32, #tpu.memory_space<vmem>>) semaphore(%run_scoped3A_568 : memref<!tpu.dma_semaphore, #tpu.memory_space<semaphore_mem>>) {add = true}
        %dma_wait3A_575 = arith.constant 0 : i32
        %dma_wait3A_576 = tpu.memref_slice %arg7[%add3A_536, %dma_wait3A_575] : memref<80x128xi32, #tpu.memory_space<vmem>> -> memref<1x128xi32, #tpu.memory_space<vmem>>
        %dma_wait3A_577 = tpu.memref_squeeze %dma_wait3A_576 : memref<1x128xi32, #tpu.memory_space<vmem>> -> memref<128xi32, #tpu.memory_space<vmem>>
        %dma_wait3A_578 = arith.constant 0 : i32
        %dma_wait3A_579 = arith.constant 0 : i32
        %dma_wait3A_580 = tpu.memref_slice %arg12[%dma_wait3A_578, %dma_wait3A_579] : memref<10112x128xf32, #tpu.memory_space<vmem_shared>> -> memref<10112x128xf32, #tpu.memory_space<vmem_shared>>
        tpu.wait_indirect_dma semaphore(%run_scoped3A_568 : memref<!tpu.dma_semaphore, #tpu.memory_space<semaphore_mem>>) src(%arg10 : memref<128x128xf32, #tpu.memory_space<vmem>>) dst(%dma_wait3A_580 : memref<10112x128xf32, #tpu.memory_space<vmem_shared>>)
        tpu.yield
      }) : () -> ()
      %add3A_537 = arith.constant 1 : i32
      %add3A_538 = arith.addi %add3A_322, %add3A_537 : i32
      %lt3A_539 = arith.constant 10 : i32
      %lt3A_540 = arith.cmpi slt, %add3A_538, %lt3A_539 : i32
      %convert_element_type3A_541 = arith.extui %lt3A_540 : i1 to i32
      %cond3A_542 = arith.constant 0 : i32
      %cond3A_543 = arith.cmpi ne, %convert_element_type3A_541, %cond3A_542 : i32
      scf.if %cond3A_543 {
        %dma_wait3A_568 = arith.constant 0 : i32
        %dma_wait3A_569 = arith.constant 0 : i32
        %dma_wait3A_570 = arith.constant 0 : i32
        %dma_wait3A_571 = arith.constant 0 : i32
        %dma_wait3A_572 = tpu.memref_slice %arg3[%dma_wait3A_568, %dma_wait3A_569, %dma_wait3A_570, %dma_wait3A_571] : memref<32x10x8x128xi32, #tpu.memory_space<hbm>> -> memref<1x1x8x128xi32, #tpu.memory_space<hbm>>
        %dma_wait3A_573 = tpu.memref_squeeze %dma_wait3A_572 : memref<1x1x8x128xi32, #tpu.memory_space<hbm>> -> memref<8x128xi32, #tpu.memory_space<hbm>>
        %dma_wait3A_574 = arith.constant 0 : i32
        %dma_wait3A_575 = arith.constant 0 : i32
        %dma_wait3A_576 = tpu.memref_slice %arg3[%dma_wait3A_568, %dma_wait3A_569, %dma_wait3A_574, %dma_wait3A_575] : memref<32x10x8x128xi32, #tpu.memory_space<hbm>> -> memref<1x1x8x128xi32, #tpu.memory_space<hbm>>
        %dma_wait3A_577 = tpu.memref_squeeze %dma_wait3A_576 : memref<1x1x8x128xi32, #tpu.memory_space<hbm>> -> memref<8x128xi32, #tpu.memory_space<hbm>>
        tpu.wait_dma2 semaphore(%arg15 : memref<!tpu.dma_semaphore, #tpu.memory_space<semaphore_mem>>) src(%dma_wait3A_577 : memref<8x128xi32, #tpu.memory_space<hbm>>) dst(%arg8 : memref<8x128xi32, #tpu.memory_space<vmem>>)
        %dma_start3A_578 = arith.constant 0 : i32
        %dma_start3A_579 = arith.constant 0 : i32
        %dma_start3A_580 = arith.constant 0 : i32
        %dma_start3A_581 = tpu.memref_slice %arg10[%dma_start3A_579, %dma_start3A_580] : memref<128x128xf32, #tpu.memory_space<vmem>> -> memref<64x128xf32, #tpu.memory_space<vmem>>
        %dma_start3A_582 = arith.constant 0 : i32
        %dma_start3A_583 = tpu.memref_slice %arg8[%dma_start3A_578, %dma_start3A_582] : memref<8x128xi32, #tpu.memory_space<vmem>> -> memref<1x128xi32, #tpu.memory_space<vmem>>
        %dma_start3A_584 = tpu.memref_squeeze %dma_start3A_583 : memref<1x128xi32, #tpu.memory_space<vmem>> -> memref<128xi32, #tpu.memory_space<vmem>>
        %dma_start3A_585 = arith.constant 0 : i32
        %dma_start3A_586 = tpu.memref_slice %dma_start3A_584[%dma_start3A_585] : memref<128xi32, #tpu.memory_space<vmem>> -> memref<64xi32, #tpu.memory_space<vmem>>
        %dma_start3A_587 = arith.constant 0 : i32
        %dma_start3A_588 = arith.constant 0 : i32
        %dma_start3A_589 = tpu.memref_slice %arg2[%dma_start3A_587, %dma_start3A_588] : memref<10112x128xf32, #tpu.memory_space<hbm>> -> memref<10112x128xf32, #tpu.memory_space<hbm>>
        tpu.enqueue_indirect_dma source(%dma_start3A_589 : memref<10112x128xf32, #tpu.memory_space<hbm>>) target(%dma_start3A_581 : memref<64x128xf32, #tpu.memory_space<vmem>>) offsets(%dma_start3A_586 : memref<64xi32, #tpu.memory_space<vmem>>) semaphore(%arg13 : memref<!tpu.dma_semaphore, #tpu.memory_space<semaphore_mem>>)
        %dma_start3A_590 = arith.constant 0 : i32
        %dma_start3A_591 = arith.constant 64 : i32
        %dma_start3A_592 = arith.constant 0 : i32
        %dma_start3A_593 = tpu.memref_slice %arg10[%dma_start3A_591, %dma_start3A_592] : memref<128x128xf32, #tpu.memory_space<vmem>> -> memref<64x128xf32, #tpu.memory_space<vmem>>
        %dma_start3A_594 = arith.constant 0 : i32
        %dma_start3A_595 = tpu.memref_slice %arg8[%dma_start3A_590, %dma_start3A_594] : memref<8x128xi32, #tpu.memory_space<vmem>> -> memref<1x128xi32, #tpu.memory_space<vmem>>
        %dma_start3A_596 = tpu.memref_squeeze %dma_start3A_595 : memref<1x128xi32, #tpu.memory_space<vmem>> -> memref<128xi32, #tpu.memory_space<vmem>>
        %dma_start3A_597 = arith.constant 64 : i32
        %dma_start3A_598 = tpu.memref_slice %dma_start3A_596[%dma_start3A_597] : memref<128xi32, #tpu.memory_space<vmem>> -> memref<64xi32, #tpu.memory_space<vmem>>
        %dma_start3A_599 = arith.constant 0 : i32
        %dma_start3A_600 = arith.constant 0 : i32
        %dma_start3A_601 = tpu.memref_slice %arg2[%dma_start3A_599, %dma_start3A_600] : memref<10112x128xf32, #tpu.memory_space<hbm>> -> memref<10112x128xf32, #tpu.memory_space<hbm>>
        tpu.enqueue_indirect_dma source(%dma_start3A_601 : memref<10112x128xf32, #tpu.memory_space<hbm>>) target(%dma_start3A_593 : memref<64x128xf32, #tpu.memory_space<vmem>>) offsets(%dma_start3A_598 : memref<64xi32, #tpu.memory_space<vmem>>) semaphore(%arg13 : memref<!tpu.dma_semaphore, #tpu.memory_space<semaphore_mem>>)
      } else {
      }
      %dma_wait3A_544 = arith.constant 0 : i32
      %dma_wait3A_545 = arith.constant 0 : i32
      %dma_wait3A_546 = tpu.memref_slice %arg2[%dma_wait3A_544, %dma_wait3A_545] : memref<10112x128xf32, #tpu.memory_space<hbm>> -> memref<128x128xf32, #tpu.memory_space<hbm>>
      %dma_wait3A_547 = arith.constant 0 : i32
      %dma_wait3A_548 = arith.constant 0 : i32
      %dma_wait3A_549 = tpu.memref_slice %arg2[%dma_wait3A_547, %dma_wait3A_548] : memref<10112x128xf32, #tpu.memory_space<hbm>> -> memref<128x128xf32, #tpu.memory_space<hbm>>
      tpu.wait_dma2 semaphore(%arg14 : memref<!tpu.dma_semaphore, #tpu.memory_space<semaphore_mem>>) src(%dma_wait3A_549 : memref<128x128xf32, #tpu.memory_space<hbm>>) dst(%arg11 : memref<128x128xf32, #tpu.memory_space<vmem>>)
      %mul3A_550 = arith.constant 8 : i32
      %mul3A_551 = arith.muli %add3A_322, %mul3A_550 : i32
      %add3A_552 = arith.constant 7 : i32
      %add3A_553 = arith.addi %mul3A_551, %add3A_552 : i32
      "tpu.region"() ({
        %run_scoped3A_568 = tpu.sem_alloc : memref<!tpu.dma_semaphore, #tpu.memory_space<semaphore_mem>>
        %dma_start3A_569 = arith.constant 0 : i32
        %dma_start3A_570 = tpu.memref_slice %arg7[%add3A_553, %dma_start3A_569] : memref<80x128xi32, #tpu.memory_space<vmem>> -> memref<1x128xi32, #tpu.memory_space<vmem>>
        %dma_start3A_571 = tpu.memref_squeeze %dma_start3A_570 : memref<1x128xi32, #tpu.memory_space<vmem>> -> memref<128xi32, #tpu.memory_space<vmem>>
        %dma_start3A_572 = arith.constant 0 : i32
        %dma_start3A_573 = arith.constant 0 : i32
        %dma_start3A_574 = tpu.memref_slice %arg12[%dma_start3A_572, %dma_start3A_573] : memref<10112x128xf32, #tpu.memory_space<vmem_shared>> -> memref<10112x128xf32, #tpu.memory_space<vmem_shared>>
        tpu.enqueue_indirect_dma source(%arg11 : memref<128x128xf32, #tpu.memory_space<vmem>>) target(%dma_start3A_574 : memref<10112x128xf32, #tpu.memory_space<vmem_shared>>) offsets(%dma_start3A_571 : memref<128xi32, #tpu.memory_space<vmem>>) semaphore(%run_scoped3A_568 : memref<!tpu.dma_semaphore, #tpu.memory_space<semaphore_mem>>) {add = true}
        %dma_wait3A_575 = arith.constant 0 : i32
        %dma_wait3A_576 = tpu.memref_slice %arg7[%add3A_553, %dma_wait3A_575] : memref<80x128xi32, #tpu.memory_space<vmem>> -> memref<1x128xi32, #tpu.memory_space<vmem>>
        %dma_wait3A_577 = tpu.memref_squeeze %dma_wait3A_576 : memref<1x128xi32, #tpu.memory_space<vmem>> -> memref<128xi32, #tpu.memory_space<vmem>>
        %dma_wait3A_578 = arith.constant 0 : i32
        %dma_wait3A_579 = arith.constant 0 : i32
        %dma_wait3A_580 = tpu.memref_slice %arg12[%dma_wait3A_578, %dma_wait3A_579] : memref<10112x128xf32, #tpu.memory_space<vmem_shared>> -> memref<10112x128xf32, #tpu.memory_space<vmem_shared>>
        tpu.wait_indirect_dma semaphore(%run_scoped3A_568 : memref<!tpu.dma_semaphore, #tpu.memory_space<semaphore_mem>>) src(%arg11 : memref<128x128xf32, #tpu.memory_space<vmem>>) dst(%dma_wait3A_580 : memref<10112x128xf32, #tpu.memory_space<vmem_shared>>)
        tpu.yield
      }) : () -> ()
      %add3A_554 = arith.constant 1 : i32
      %add3A_555 = arith.addi %add3A_322, %add3A_554 : i32
      %lt3A_556 = arith.constant 10 : i32
      %lt3A_557 = arith.cmpi slt, %add3A_555, %lt3A_556 : i32
      %convert_element_type3A_558 = arith.extui %lt3A_557 : i1 to i32
      %cond3A_559 = arith.constant 0 : i32
      %cond3A_560 = arith.cmpi ne, %convert_element_type3A_558, %cond3A_559 : i32
      scf.if %cond3A_560 {
        %dma_start3A_568 = arith.constant 1 : i32
        %dma_start3A_569 = arith.constant 0 : i32
        %dma_start3A_570 = arith.constant 0 : i32
        %dma_start3A_571 = tpu.memref_slice %arg11[%dma_start3A_569, %dma_start3A_570] : memref<128x128xf32, #tpu.memory_space<vmem>> -> memref<64x128xf32, #tpu.memory_space<vmem>>
        %dma_start3A_572 = arith.constant 0 : i32
        %dma_start3A_573 = tpu.memref_slice %arg8[%dma_start3A_568, %dma_start3A_572] : memref<8x128xi32, #tpu.memory_space<vmem>> -> memref<1x128xi32, #tpu.memory_space<vmem>>
        %dma_start3A_574 = tpu.memref_squeeze %dma_start3A_573 : memref<1x128xi32, #tpu.memory_space<vmem>> -> memref<128xi32, #tpu.memory_space<vmem>>
        %dma_start3A_575 = arith.constant 0 : i32
        %dma_start3A_576 = tpu.memref_slice %dma_start3A_574[%dma_start3A_575] : memref<128xi32, #tpu.memory_space<vmem>> -> memref<64xi32, #tpu.memory_space<vmem>>
        %dma_start3A_577 = arith.constant 0 : i32
        %dma_start3A_578 = arith.constant 0 : i32
        %dma_start3A_579 = tpu.memref_slice %arg2[%dma_start3A_577, %dma_start3A_578] : memref<10112x128xf32, #tpu.memory_space<hbm>> -> memref<10112x128xf32, #tpu.memory_space<hbm>>
        tpu.enqueue_indirect_dma source(%dma_start3A_579 : memref<10112x128xf32, #tpu.memory_space<hbm>>) target(%dma_start3A_571 : memref<64x128xf32, #tpu.memory_space<vmem>>) offsets(%dma_start3A_576 : memref<64xi32, #tpu.memory_space<vmem>>) semaphore(%arg14 : memref<!tpu.dma_semaphore, #tpu.memory_space<semaphore_mem>>)
        %dma_start3A_580 = arith.constant 1 : i32
        %dma_start3A_581 = arith.constant 64 : i32
        %dma_start3A_582 = arith.constant 0 : i32
        %dma_start3A_583 = tpu.memref_slice %arg11[%dma_start3A_581, %dma_start3A_582] : memref<128x128xf32, #tpu.memory_space<vmem>> -> memref<64x128xf32, #tpu.memory_space<vmem>>
        %dma_start3A_584 = arith.constant 0 : i32
        %dma_start3A_585 = tpu.memref_slice %arg8[%dma_start3A_580, %dma_start3A_584] : memref<8x128xi32, #tpu.memory_space<vmem>> -> memref<1x128xi32, #tpu.memory_space<vmem>>
        %dma_start3A_586 = tpu.memref_squeeze %dma_start3A_585 : memref<1x128xi32, #tpu.memory_space<vmem>> -> memref<128xi32, #tpu.memory_space<vmem>>
        %dma_start3A_587 = arith.constant 64 : i32
        %dma_start3A_588 = tpu.memref_slice %dma_start3A_586[%dma_start3A_587] : memref<128xi32, #tpu.memory_space<vmem>> -> memref<64xi32, #tpu.memory_space<vmem>>
        %dma_start3A_589 = arith.constant 0 : i32
        %dma_start3A_590 = arith.constant 0 : i32
        %dma_start3A_591 = tpu.memref_slice %arg2[%dma_start3A_589, %dma_start3A_590] : memref<10112x128xf32, #tpu.memory_space<hbm>> -> memref<10112x128xf32, #tpu.memory_space<hbm>>
        tpu.enqueue_indirect_dma source(%dma_start3A_591 : memref<10112x128xf32, #tpu.memory_space<hbm>>) target(%dma_start3A_583 : memref<64x128xf32, #tpu.memory_space<vmem>>) offsets(%dma_start3A_588 : memref<64xi32, #tpu.memory_space<vmem>>) semaphore(%arg14 : memref<!tpu.dma_semaphore, #tpu.memory_space<semaphore_mem>>)
      } else {
      }
      %add3A_561 = arith.constant 2 : i32
      %add3A_562 = arith.addi %add3A_322, %add3A_561 : i32
      %lt3A_563 = arith.constant 10 : i32
      %lt3A_564 = arith.cmpi slt, %add3A_562, %lt3A_563 : i32
      %convert_element_type3A_565 = arith.extui %lt3A_564 : i1 to i32
      %cond3A_566 = arith.constant 0 : i32
      %cond3A_567 = arith.cmpi ne, %convert_element_type3A_565, %cond3A_566 : i32
      scf.if %cond3A_567 {
        %add3A_568 = arith.constant 2 : i32
        %add3A_569 = arith.addi %add3A_322, %add3A_568 : i32
        %dma_start3A_570 = arith.constant 0 : i32
        %dma_start3A_571 = arith.constant 0 : i32
        %dma_start3A_572 = tpu.memref_slice %arg3[%add3A, %add3A_569, %dma_start3A_570, %dma_start3A_571] : memref<32x10x8x128xi32, #tpu.memory_space<hbm>> -> memref<1x1x8x128xi32, #tpu.memory_space<hbm>>
        %dma_start3A_573 = tpu.memref_squeeze %dma_start3A_572 : memref<1x1x8x128xi32, #tpu.memory_space<hbm>> -> memref<8x128xi32, #tpu.memory_space<hbm>>
        %dma_start3A_574 = arith.constant 0 : i32
        %dma_start3A_575 = arith.constant 0 : i32
        %dma_start3A_576 = tpu.memref_slice %arg3[%add3A, %add3A_569, %dma_start3A_574, %dma_start3A_575] : memref<32x10x8x128xi32, #tpu.memory_space<hbm>> -> memref<1x1x8x128xi32, #tpu.memory_space<hbm>>
        %dma_start3A_577 = tpu.memref_squeeze %dma_start3A_576 : memref<1x1x8x128xi32, #tpu.memory_space<hbm>> -> memref<8x128xi32, #tpu.memory_space<hbm>>
        tpu.enqueue_dma source(%dma_start3A_577 : memref<8x128xi32, #tpu.memory_space<hbm>>) target(%arg9 : memref<8x128xi32, #tpu.memory_space<vmem>>) target_semaphore(%arg16 : memref<!tpu.dma_semaphore, #tpu.memory_space<semaphore_mem>>)
      } else {
      }
    }
    %scan3A_69 = arith.constant 5 : i32
    %barrier3A_70 = arith.constant 0 : index
    tpu.barrier barrier_id(%barrier3A_70)
    "tpu.region"() ({
      %run_scoped3A_71 = tpu.sem_alloc : memref<!tpu.dma_semaphore, #tpu.memory_space<semaphore_mem>>
      %dma_start3A_72 = arith.constant 0 : i32
      %dma_start3A_73 = tpu.memref_slice %arg6[%arg0, %mul3A_2, %dma_start3A_72] : memref<2x10112x128xf32, #tpu.memory_space<hbm>> -> memref<1x632x128xf32, #tpu.memory_space<hbm>>
      %dma_start3A_74 = tpu.memref_squeeze %dma_start3A_73 : memref<1x632x128xf32, #tpu.memory_space<hbm>> -> memref<632x128xf32, #tpu.memory_space<hbm>>
      %dma_start3A_75 = arith.constant 0 : i32
      %dma_start3A_76 = tpu.memref_slice %arg12[%mul3A_2, %dma_start3A_75] : memref<10112x128xf32, #tpu.memory_space<vmem_shared>> -> memref<632x128xf32, #tpu.memory_space<vmem_shared>>
      tpu.enqueue_dma source(%dma_start3A_76 : memref<632x128xf32, #tpu.memory_space<vmem_shared>>) target(%dma_start3A_74 : memref<632x128xf32, #tpu.memory_space<hbm>>) target_semaphore(%run_scoped3A_71 : memref<!tpu.dma_semaphore, #tpu.memory_space<semaphore_mem>>)
      %dma_wait3A = arith.constant 0 : i32
      %dma_wait3A_77 = tpu.memref_slice %arg6[%arg0, %mul3A_2, %dma_wait3A] : memref<2x10112x128xf32, #tpu.memory_space<hbm>> -> memref<1x632x128xf32, #tpu.memory_space<hbm>>
      %dma_wait3A_78 = tpu.memref_squeeze %dma_wait3A_77 : memref<1x632x128xf32, #tpu.memory_space<hbm>> -> memref<632x128xf32, #tpu.memory_space<hbm>>
      %dma_wait3A_79 = arith.constant 0 : i32
      %dma_wait3A_80 = tpu.memref_slice %arg12[%mul3A_2, %dma_wait3A_79] : memref<10112x128xf32, #tpu.memory_space<vmem_shared>> -> memref<632x128xf32, #tpu.memory_space<vmem_shared>>
      tpu.wait_dma2 semaphore(%run_scoped3A_71 : memref<!tpu.dma_semaphore, #tpu.memory_space<semaphore_mem>>) src(%dma_wait3A_80 : memref<632x128xf32, #tpu.memory_space<vmem_shared>>) dst(%dma_wait3A_78 : memref<632x128xf32, #tpu.memory_space<hbm>>)
      tpu.yield
    }) : () -> ()
    return
  }
}

#map = affine_map<(d0, d1) -> (0, 0, 0)>
#map1 = affine_map<(d0, d1) -> (0, 0)>
module attributes {stable_mosaic.version = 14 : i64} {
  func.func @_deg_body(%arg0: i32, %arg1: i32, %arg2: memref<32x80x128xi32, #tpu.memory_space<hbm>>, %arg3: memref<128x128xf32, #tpu.memory_space<hbm>>, %arg4: memref<10112x128xf32, #tpu.memory_space<hbm>>, %arg5: memref<2x10112x128xf32, #tpu.memory_space<hbm>>, %arg6: memref<80x128xi32, #tpu.memory_space<vmem>>, %arg7: memref<128x128xf32, #tpu.memory_space<vmem>>, %arg8: memref<10112x128xf32, #tpu.memory_space<vmem_shared>>, %arg9: memref<!tpu.dma_semaphore, #tpu.memory_space<semaphore_mem>>) attributes {dimension_semantics = [#tpu.dimension_semantics<core_parallel>, #tpu.dimension_semantics<subcore_parallel>], iteration_bounds = array<i64: 2, 16>, scalar_prefetch = 0 : i64, scratch_operands = 4 : i64, tpu.core_type = #tpu.core_type<sc_vector_subcore>, window_params = [{transform_indices = #map}, {transform_indices = #map1}, {transform_indices = #map1}, {transform_indices = #map}]} {
    %mul3A = arith.constant 2 : i32
    %mul3A_0 = arith.muli %arg1, %mul3A : i32
    %add3A = arith.addi %mul3A_0, %arg0 : i32
    %mul3A_1 = arith.constant 632 : i32
    %mul3A_2 = arith.muli %arg1, %mul3A_1 : i32
    "tpu.region"() ({
      %run_scoped3A = tpu.sem_alloc : memref<!tpu.dma_semaphore, #tpu.memory_space<semaphore_mem>>
      tpu.enqueue_dma source(%arg3 : memref<128x128xf32, #tpu.memory_space<hbm>>) target(%arg7 : memref<128x128xf32, #tpu.memory_space<vmem>>) target_semaphore(%run_scoped3A : memref<!tpu.dma_semaphore, #tpu.memory_space<semaphore_mem>>)
      tpu.wait_dma2 semaphore(%run_scoped3A : memref<!tpu.dma_semaphore, #tpu.memory_space<semaphore_mem>>) src(%arg3 : memref<128x128xf32, #tpu.memory_space<hbm>>) dst(%arg7 : memref<128x128xf32, #tpu.memory_space<vmem>>)
      tpu.yield
    }) : () -> ()
    "tpu.region"() ({
      %run_scoped3A = tpu.sem_alloc : memref<!tpu.dma_semaphore, #tpu.memory_space<semaphore_mem>>
      %dma_start3A = arith.constant 0 : i32
      %dma_start3A_8 = tpu.memref_slice %arg8[%mul3A_2, %dma_start3A] : memref<10112x128xf32, #tpu.memory_space<vmem_shared>> -> memref<632x128xf32, #tpu.memory_space<vmem_shared>>
      %dma_start3A_9 = arith.constant 0 : i32
      %dma_start3A_10 = tpu.memref_slice %arg4[%mul3A_2, %dma_start3A_9] : memref<10112x128xf32, #tpu.memory_space<hbm>> -> memref<632x128xf32, #tpu.memory_space<hbm>>
      tpu.enqueue_dma source(%dma_start3A_10 : memref<632x128xf32, #tpu.memory_space<hbm>>) target(%dma_start3A_8 : memref<632x128xf32, #tpu.memory_space<vmem_shared>>) target_semaphore(%run_scoped3A : memref<!tpu.dma_semaphore, #tpu.memory_space<semaphore_mem>>)
      %dma_wait3A = arith.constant 0 : i32
      %dma_wait3A_11 = tpu.memref_slice %arg8[%mul3A_2, %dma_wait3A] : memref<10112x128xf32, #tpu.memory_space<vmem_shared>> -> memref<632x128xf32, #tpu.memory_space<vmem_shared>>
      %dma_wait3A_12 = arith.constant 0 : i32
      %dma_wait3A_13 = tpu.memref_slice %arg4[%mul3A_2, %dma_wait3A_12] : memref<10112x128xf32, #tpu.memory_space<hbm>> -> memref<632x128xf32, #tpu.memory_space<hbm>>
      tpu.wait_dma2 semaphore(%run_scoped3A : memref<!tpu.dma_semaphore, #tpu.memory_space<semaphore_mem>>) src(%dma_wait3A_13 : memref<632x128xf32, #tpu.memory_space<hbm>>) dst(%dma_wait3A_11 : memref<632x128xf32, #tpu.memory_space<vmem_shared>>)
      tpu.yield
    }) : () -> ()
    "tpu.region"() ({
      %run_scoped3A = tpu.sem_alloc : memref<!tpu.dma_semaphore, #tpu.memory_space<semaphore_mem>>
      %dma_start3A = arith.constant 0 : i32
      %dma_start3A_8 = arith.constant 0 : i32
      %dma_start3A_9 = tpu.memref_slice %arg2[%add3A, %dma_start3A, %dma_start3A_8] : memref<32x80x128xi32, #tpu.memory_space<hbm>> -> memref<1x80x128xi32, #tpu.memory_space<hbm>>
      %dma_start3A_10 = tpu.memref_squeeze %dma_start3A_9 : memref<1x80x128xi32, #tpu.memory_space<hbm>> -> memref<80x128xi32, #tpu.memory_space<hbm>>
      %dma_start3A_11 = arith.constant 0 : i32
      %dma_start3A_12 = arith.constant 0 : i32
      %dma_start3A_13 = tpu.memref_slice %arg2[%add3A, %dma_start3A_11, %dma_start3A_12] : memref<32x80x128xi32, #tpu.memory_space<hbm>> -> memref<1x80x128xi32, #tpu.memory_space<hbm>>
      %dma_start3A_14 = tpu.memref_squeeze %dma_start3A_13 : memref<1x80x128xi32, #tpu.memory_space<hbm>> -> memref<80x128xi32, #tpu.memory_space<hbm>>
      tpu.enqueue_dma source(%dma_start3A_14 : memref<80x128xi32, #tpu.memory_space<hbm>>) target(%arg6 : memref<80x128xi32, #tpu.memory_space<vmem>>) target_semaphore(%run_scoped3A : memref<!tpu.dma_semaphore, #tpu.memory_space<semaphore_mem>>)
      %dma_wait3A = arith.constant 0 : i32
      %dma_wait3A_15 = arith.constant 0 : i32
      %dma_wait3A_16 = tpu.memref_slice %arg2[%add3A, %dma_wait3A, %dma_wait3A_15] : memref<32x80x128xi32, #tpu.memory_space<hbm>> -> memref<1x80x128xi32, #tpu.memory_space<hbm>>
      %dma_wait3A_17 = tpu.memref_squeeze %dma_wait3A_16 : memref<1x80x128xi32, #tpu.memory_space<hbm>> -> memref<80x128xi32, #tpu.memory_space<hbm>>
      %dma_wait3A_18 = arith.constant 0 : i32
      %dma_wait3A_19 = arith.constant 0 : i32
      %dma_wait3A_20 = tpu.memref_slice %arg2[%add3A, %dma_wait3A_18, %dma_wait3A_19] : memref<32x80x128xi32, #tpu.memory_space<hbm>> -> memref<1x80x128xi32, #tpu.memory_space<hbm>>
      %dma_wait3A_21 = tpu.memref_squeeze %dma_wait3A_20 : memref<1x80x128xi32, #tpu.memory_space<hbm>> -> memref<80x128xi32, #tpu.memory_space<hbm>>
      tpu.wait_dma2 semaphore(%run_scoped3A : memref<!tpu.dma_semaphore, #tpu.memory_space<semaphore_mem>>) src(%dma_wait3A_21 : memref<80x128xi32, #tpu.memory_space<hbm>>) dst(%arg6 : memref<80x128xi32, #tpu.memory_space<vmem>>)
      tpu.yield
    }) : () -> ()
    %barrier3A = arith.constant 0 : index
    tpu.barrier barrier_id(%barrier3A)
    %scan3A = arith.constant 0 : i32
    %scan3A_3 = arith.constant 80 : i32
    %scan3A_4 = arith.addi %scan3A, %scan3A_3 : i32
    %scan3A_5 = arith.constant 1 : i32
    scf.for %scan3A_8 = %scan3A to %scan3A_4 step %scan3A_5  : i32 {
      %mul3A_9 = arith.constant 1 : i32
      %mul3A_10 = arith.muli %scan3A_8, %mul3A_9 : i32
      %add3A_11 = arith.constant 0 : i32
      %add3A_12 = arith.addi %add3A_11, %mul3A_10 : i32
      "tpu.region"() ({
        %run_scoped3A = tpu.sem_alloc : memref<!tpu.dma_semaphore, #tpu.memory_space<semaphore_mem>>
        %dma_start3A = arith.constant 0 : i32
        %dma_start3A_13 = tpu.memref_slice %arg6[%add3A_12, %dma_start3A] : memref<80x128xi32, #tpu.memory_space<vmem>> -> memref<1x128xi32, #tpu.memory_space<vmem>>
        %dma_start3A_14 = tpu.memref_squeeze %dma_start3A_13 : memref<1x128xi32, #tpu.memory_space<vmem>> -> memref<128xi32, #tpu.memory_space<vmem>>
        %dma_start3A_15 = arith.constant 0 : i32
        %dma_start3A_16 = arith.constant 0 : i32
        %dma_start3A_17 = tpu.memref_slice %arg8[%dma_start3A_15, %dma_start3A_16] : memref<10112x128xf32, #tpu.memory_space<vmem_shared>> -> memref<10112x128xf32, #tpu.memory_space<vmem_shared>>
        tpu.enqueue_indirect_dma source(%arg7 : memref<128x128xf32, #tpu.memory_space<vmem>>) target(%dma_start3A_17 : memref<10112x128xf32, #tpu.memory_space<vmem_shared>>) offsets(%dma_start3A_14 : memref<128xi32, #tpu.memory_space<vmem>>) semaphore(%run_scoped3A : memref<!tpu.dma_semaphore, #tpu.memory_space<semaphore_mem>>) {add = true}
        %dma_wait3A = arith.constant 0 : i32
        %dma_wait3A_18 = tpu.memref_slice %arg6[%add3A_12, %dma_wait3A] : memref<80x128xi32, #tpu.memory_space<vmem>> -> memref<1x128xi32, #tpu.memory_space<vmem>>
        %dma_wait3A_19 = tpu.memref_squeeze %dma_wait3A_18 : memref<1x128xi32, #tpu.memory_space<vmem>> -> memref<128xi32, #tpu.memory_space<vmem>>
        %dma_wait3A_20 = arith.constant 0 : i32
        %dma_wait3A_21 = arith.constant 0 : i32
        %dma_wait3A_22 = tpu.memref_slice %arg8[%dma_wait3A_20, %dma_wait3A_21] : memref<10112x128xf32, #tpu.memory_space<vmem_shared>> -> memref<10112x128xf32, #tpu.memory_space<vmem_shared>>
        tpu.wait_indirect_dma semaphore(%run_scoped3A : memref<!tpu.dma_semaphore, #tpu.memory_space<semaphore_mem>>) src(%arg7 : memref<128x128xf32, #tpu.memory_space<vmem>>) dst(%dma_wait3A_22 : memref<10112x128xf32, #tpu.memory_space<vmem_shared>>)
        tpu.yield
      }) : () -> ()
    }
    %scan3A_6 = arith.constant 80 : i32
    %barrier3A_7 = arith.constant 0 : index
    tpu.barrier barrier_id(%barrier3A_7)
    "tpu.region"() ({
      %run_scoped3A = tpu.sem_alloc : memref<!tpu.dma_semaphore, #tpu.memory_space<semaphore_mem>>
      %dma_start3A = arith.constant 0 : i32
      %dma_start3A_8 = tpu.memref_slice %arg5[%arg0, %mul3A_2, %dma_start3A] : memref<2x10112x128xf32, #tpu.memory_space<hbm>> -> memref<1x632x128xf32, #tpu.memory_space<hbm>>
      %dma_start3A_9 = tpu.memref_squeeze %dma_start3A_8 : memref<1x632x128xf32, #tpu.memory_space<hbm>> -> memref<632x128xf32, #tpu.memory_space<hbm>>
      %dma_start3A_10 = arith.constant 0 : i32
      %dma_start3A_11 = tpu.memref_slice %arg8[%mul3A_2, %dma_start3A_10] : memref<10112x128xf32, #tpu.memory_space<vmem_shared>> -> memref<632x128xf32, #tpu.memory_space<vmem_shared>>
      tpu.enqueue_dma source(%dma_start3A_11 : memref<632x128xf32, #tpu.memory_space<vmem_shared>>) target(%dma_start3A_9 : memref<632x128xf32, #tpu.memory_space<hbm>>) target_semaphore(%run_scoped3A : memref<!tpu.dma_semaphore, #tpu.memory_space<semaphore_mem>>)
      %dma_wait3A = arith.constant 0 : i32
      %dma_wait3A_12 = tpu.memref_slice %arg5[%arg0, %mul3A_2, %dma_wait3A] : memref<2x10112x128xf32, #tpu.memory_space<hbm>> -> memref<1x632x128xf32, #tpu.memory_space<hbm>>
      %dma_wait3A_13 = tpu.memref_squeeze %dma_wait3A_12 : memref<1x632x128xf32, #tpu.memory_space<hbm>> -> memref<632x128xf32, #tpu.memory_space<hbm>>
      %dma_wait3A_14 = arith.constant 0 : i32
      %dma_wait3A_15 = tpu.memref_slice %arg8[%mul3A_2, %dma_wait3A_14] : memref<10112x128xf32, #tpu.memory_space<vmem_shared>> -> memref<632x128xf32, #tpu.memory_space<vmem_shared>>
      tpu.wait_dma2 semaphore(%run_scoped3A : memref<!tpu.dma_semaphore, #tpu.memory_space<semaphore_mem>>) src(%dma_wait3A_15 : memref<632x128xf32, #tpu.memory_space<vmem_shared>>) dst(%dma_wait3A_13 : memref<632x128xf32, #tpu.memory_space<hbm>>)
      tpu.yield
    }) : () -> ()
    return
  }
}

#map = affine_map<(d0, d1) -> (0, 0)>
#map1 = affine_map<(d0, d1) -> (0, 0, 0, 0)>
#map2 = affine_map<(d0, d1) -> (0, 0, 0)>
module attributes {stable_mosaic.version = 14 : i64} {
  func.func @_agg_body(%arg0: i32, %arg1: i32, %arg2: memref<10112x128xf32, #tpu.memory_space<hbm>>, %arg3: memref<32x10x8x128xi32, #tpu.memory_space<hbm>>, %arg4: memref<32x80x128xi32, #tpu.memory_space<hbm>>, %arg5: memref<10112x128xf32, #tpu.memory_space<hbm>>, %arg6: memref<2x10112x128xf32, #tpu.memory_space<hbm>>, %arg7: memref<80x128xi32, #tpu.memory_space<vmem>>, %arg8: memref<8x128xi32, #tpu.memory_space<vmem>>, %arg9: memref<8x128xi32, #tpu.memory_space<vmem>>, %arg10: memref<128x128xf32, #tpu.memory_space<vmem>>, %arg11: memref<128x128xf32, #tpu.memory_space<vmem>>, %arg12: memref<10112x128xf32, #tpu.memory_space<vmem_shared>>, %arg13: memref<!tpu.dma_semaphore, #tpu.memory_space<semaphore_mem>>, %arg14: memref<!tpu.dma_semaphore, #tpu.memory_space<semaphore_mem>>, %arg15: memref<!tpu.dma_semaphore, #tpu.memory_space<semaphore_mem>>, %arg16: memref<!tpu.dma_semaphore, #tpu.memory_space<semaphore_mem>>) attributes {dimension_semantics = [#tpu.dimension_semantics<core_parallel>, #tpu.dimension_semantics<subcore_parallel>], iteration_bounds = array<i64: 2, 16>, scalar_prefetch = 0 : i64, scratch_operands = 10 : i64, tpu.core_type = #tpu.core_type<sc_vector_subcore>, window_params = [{transform_indices = #map}, {transform_indices = #map1}, {transform_indices = #map2}, {transform_indices = #map}, {transform_indices = #map2}]} {
    %mul3A = arith.constant 2 : i32
    %mul3A_0 = arith.muli %arg1, %mul3A : i32
    %add3A = arith.addi %mul3A_0, %arg0 : i32
    %mul3A_1 = arith.constant 632 : i32
    %mul3A_2 = arith.muli %arg1, %mul3A_1 : i32
    %eq3A = arith.constant 0 : i32
    %eq3A_3 = arith.cmpi eq, %arg0, %eq3A : i32
    %convert_element_type3A = arith.extui %eq3A_3 : i1 to i32
    %cond3A = arith.constant 0 : i32
    %cond3A_4 = arith.cmpi ne, %convert_element_type3A, %cond3A : i32
    scf.if %cond3A_4 {
      "tpu.region"() ({
        %run_scoped3A_71 = tpu.sem_alloc : memref<!tpu.dma_semaphore, #tpu.memory_space<semaphore_mem>>
        %dma_start3A_72 = arith.constant 0 : i32
        %dma_start3A_73 = tpu.memref_slice %arg12[%mul3A_2, %dma_start3A_72] : memref<10112x128xf32, #tpu.memory_space<vmem_shared>> -> memref<632x128xf32, #tpu.memory_space<vmem_shared>>
        %dma_start3A_74 = arith.constant 0 : i32
        %dma_start3A_75 = tpu.memref_slice %arg2[%mul3A_2, %dma_start3A_74] : memref<10112x128xf32, #tpu.memory_space<hbm>> -> memref<632x128xf32, #tpu.memory_space<hbm>>
        tpu.enqueue_dma source(%dma_start3A_75 : memref<632x128xf32, #tpu.memory_space<hbm>>) target(%dma_start3A_73 : memref<632x128xf32, #tpu.memory_space<vmem_shared>>) target_semaphore(%run_scoped3A_71 : memref<!tpu.dma_semaphore, #tpu.memory_space<semaphore_mem>>)
        %dma_wait3A = arith.constant 0 : i32
        %dma_wait3A_76 = tpu.memref_slice %arg12[%mul3A_2, %dma_wait3A] : memref<10112x128xf32, #tpu.memory_space<vmem_shared>> -> memref<632x128xf32, #tpu.memory_space<vmem_shared>>
        %dma_wait3A_77 = arith.constant 0 : i32
        %dma_wait3A_78 = tpu.memref_slice %arg2[%mul3A_2, %dma_wait3A_77] : memref<10112x128xf32, #tpu.memory_space<hbm>> -> memref<632x128xf32, #tpu.memory_space<hbm>>
        tpu.wait_dma2 semaphore(%run_scoped3A_71 : memref<!tpu.dma_semaphore, #tpu.memory_space<semaphore_mem>>) src(%dma_wait3A_78 : memref<632x128xf32, #tpu.memory_space<hbm>>) dst(%dma_wait3A_76 : memref<632x128xf32, #tpu.memory_space<vmem_shared>>)
        tpu.yield
      }) : () -> ()
    } else {
    }
    %eq3A_5 = arith.constant 1 : i32
    %eq3A_6 = arith.cmpi eq, %arg0, %eq3A_5 : i32
    %convert_element_type3A_7 = arith.extui %eq3A_6 : i1 to i32
    %cond3A_8 = arith.constant 0 : i32
    %cond3A_9 = arith.cmpi ne, %convert_element_type3A_7, %cond3A_8 : i32
    scf.if %cond3A_9 {
      "tpu.region"() ({
        %run_scoped3A_71 = tpu.sem_alloc : memref<!tpu.dma_semaphore, #tpu.memory_space<semaphore_mem>>
        %dma_start3A_72 = arith.constant 0 : i32
        %dma_start3A_73 = tpu.memref_slice %arg12[%mul3A_2, %dma_start3A_72] : memref<10112x128xf32, #tpu.memory_space<vmem_shared>> -> memref<632x128xf32, #tpu.memory_space<vmem_shared>>
        %dma_start3A_74 = arith.constant 0 : i32
        %dma_start3A_75 = tpu.memref_slice %arg5[%mul3A_2, %dma_start3A_74] : memref<10112x128xf32, #tpu.memory_space<hbm>> -> memref<632x128xf32, #tpu.memory_space<hbm>>
        tpu.enqueue_dma source(%dma_start3A_75 : memref<632x128xf32, #tpu.memory_space<hbm>>) target(%dma_start3A_73 : memref<632x128xf32, #tpu.memory_space<vmem_shared>>) target_semaphore(%run_scoped3A_71 : memref<!tpu.dma_semaphore, #tpu.memory_space<semaphore_mem>>)
        %dma_wait3A = arith.constant 0 : i32
        %dma_wait3A_76 = tpu.memref_slice %arg12[%mul3A_2, %dma_wait3A] : memref<10112x128xf32, #tpu.memory_space<vmem_shared>> -> memref<632x128xf32, #tpu.memory_space<vmem_shared>>
        %dma_wait3A_77 = arith.constant 0 : i32
        %dma_wait3A_78 = tpu.memref_slice %arg5[%mul3A_2, %dma_wait3A_77] : memref<10112x128xf32, #tpu.memory_space<hbm>> -> memref<632x128xf32, #tpu.memory_space<hbm>>
        tpu.wait_dma2 semaphore(%run_scoped3A_71 : memref<!tpu.dma_semaphore, #tpu.memory_space<semaphore_mem>>) src(%dma_wait3A_78 : memref<632x128xf32, #tpu.memory_space<hbm>>) dst(%dma_wait3A_76 : memref<632x128xf32, #tpu.memory_space<vmem_shared>>)
        tpu.yield
      }) : () -> ()
    } else {
    }
    "tpu.region"() ({
      %run_scoped3A_71 = tpu.sem_alloc : memref<!tpu.dma_semaphore, #tpu.memory_space<semaphore_mem>>
      %dma_start3A_72 = arith.constant 0 : i32
      %dma_start3A_73 = arith.constant 0 : i32
      %dma_start3A_74 = tpu.memref_slice %arg4[%add3A, %dma_start3A_72, %dma_start3A_73] : memref<32x80x128xi32, #tpu.memory_space<hbm>> -> memref<1x80x128xi32, #tpu.memory_space<hbm>>
      %dma_start3A_75 = tpu.memref_squeeze %dma_start3A_74 : memref<1x80x128xi32, #tpu.memory_space<hbm>> -> memref<80x128xi32, #tpu.memory_space<hbm>>
      %dma_start3A_76 = arith.constant 0 : i32
      %dma_start3A_77 = arith.constant 0 : i32
      %dma_start3A_78 = tpu.memref_slice %arg4[%add3A, %dma_start3A_76, %dma_start3A_77] : memref<32x80x128xi32, #tpu.memory_space<hbm>> -> memref<1x80x128xi32, #tpu.memory_space<hbm>>
      %dma_start3A_79 = tpu.memref_squeeze %dma_start3A_78 : memref<1x80x128xi32, #tpu.memory_space<hbm>> -> memref<80x128xi32, #tpu.memory_space<hbm>>
      tpu.enqueue_dma source(%dma_start3A_79 : memref<80x128xi32, #tpu.memory_space<hbm>>) target(%arg7 : memref<80x128xi32, #tpu.memory_space<vmem>>) target_semaphore(%run_scoped3A_71 : memref<!tpu.dma_semaphore, #tpu.memory_space<semaphore_mem>>)
      %dma_wait3A = arith.constant 0 : i32
      %dma_wait3A_80 = arith.constant 0 : i32
      %dma_wait3A_81 = tpu.memref_slice %arg4[%add3A, %dma_wait3A, %dma_wait3A_80] : memref<32x80x128xi32, #tpu.memory_space<hbm>> -> memref<1x80x128xi32, #tpu.memory_space<hbm>>
      %dma_wait3A_82 = tpu.memref_squeeze %dma_wait3A_81 : memref<1x80x128xi32, #tpu.memory_space<hbm>> -> memref<80x128xi32, #tpu.memory_space<hbm>>
      %dma_wait3A_83 = arith.constant 0 : i32
      %dma_wait3A_84 = arith.constant 0 : i32
      %dma_wait3A_85 = tpu.memref_slice %arg4[%add3A, %dma_wait3A_83, %dma_wait3A_84] : memref<32x80x128xi32, #tpu.memory_space<hbm>> -> memref<1x80x128xi32, #tpu.memory_space<hbm>>
      %dma_wait3A_86 = tpu.memref_squeeze %dma_wait3A_85 : memref<1x80x128xi32, #tpu.memory_space<hbm>> -> memref<80x128xi32, #tpu.memory_space<hbm>>
      tpu.wait_dma2 semaphore(%run_scoped3A_71 : memref<!tpu.dma_semaphore, #tpu.memory_space<semaphore_mem>>) src(%dma_wait3A_86 : memref<80x128xi32, #tpu.memory_space<hbm>>) dst(%arg7 : memref<80x128xi32, #tpu.memory_space<vmem>>)
      tpu.yield
    }) : () -> ()
    %run_scoped3A = arith.constant 0 : i32
    "tpu.region"() ({
      %run_scoped3A_71 = tpu.sem_alloc : memref<!tpu.dma_semaphore, #tpu.memory_space<semaphore_mem>>
      %dma_start3A_72 = arith.constant 0 : i32
      %dma_start3A_73 = arith.constant 0 : i32
      %dma_start3A_74 = tpu.memref_slice %arg3[%add3A, %run_scoped3A, %dma_start3A_72, %dma_start3A_73] : memref<32x10x8x128xi32, #tpu.memory_space<hbm>> -> memref<1x1x8x128xi32, #tpu.memory_space<hbm>>
      %dma_start3A_75 = tpu.memref_squeeze %dma_start3A_74 : memref<1x1x8x128xi32, #tpu.memory_space<hbm>> -> memref<8x128xi32, #tpu.memory_space<hbm>>
      %dma_start3A_76 = arith.constant 0 : i32
      %dma_start3A_77 = arith.constant 0 : i32
      %dma_start3A_78 = tpu.memref_slice %arg3[%add3A, %run_scoped3A, %dma_start3A_76, %dma_start3A_77] : memref<32x10x8x128xi32, #tpu.memory_space<hbm>> -> memref<1x1x8x128xi32, #tpu.memory_space<hbm>>
      %dma_start3A_79 = tpu.memref_squeeze %dma_start3A_78 : memref<1x1x8x128xi32, #tpu.memory_space<hbm>> -> memref<8x128xi32, #tpu.memory_space<hbm>>
      tpu.enqueue_dma source(%dma_start3A_79 : memref<8x128xi32, #tpu.memory_space<hbm>>) target(%arg8 : memref<8x128xi32, #tpu.memory_space<vmem>>) target_semaphore(%run_scoped3A_71 : memref<!tpu.dma_semaphore, #tpu.memory_space<semaphore_mem>>)
      %dma_wait3A = arith.constant 0 : i32
      %dma_wait3A_80 = arith.constant 0 : i32
      %dma_wait3A_81 = tpu.memref_slice %arg3[%add3A, %run_scoped3A, %dma_wait3A, %dma_wait3A_80] : memref<32x10x8x128xi32, #tpu.memory_space<hbm>> -> memref<1x1x8x128xi32, #tpu.memory_space<hbm>>
      %dma_wait3A_82 = tpu.memref_squeeze %dma_wait3A_81 : memref<1x1x8x128xi32, #tpu.memory_space<hbm>> -> memref<8x128xi32, #tpu.memory_space<hbm>>
      %dma_wait3A_83 = arith.constant 0 : i32
      %dma_wait3A_84 = arith.constant 0 : i32
      %dma_wait3A_85 = tpu.memref_slice %arg3[%add3A, %run_scoped3A, %dma_wait3A_83, %dma_wait3A_84] : memref<32x10x8x128xi32, #tpu.memory_space<hbm>> -> memref<1x1x8x128xi32, #tpu.memory_space<hbm>>
      %dma_wait3A_86 = tpu.memref_squeeze %dma_wait3A_85 : memref<1x1x8x128xi32, #tpu.memory_space<hbm>> -> memref<8x128xi32, #tpu.memory_space<hbm>>
      tpu.wait_dma2 semaphore(%run_scoped3A_71 : memref<!tpu.dma_semaphore, #tpu.memory_space<semaphore_mem>>) src(%dma_wait3A_86 : memref<8x128xi32, #tpu.memory_space<hbm>>) dst(%arg8 : memref<8x128xi32, #tpu.memory_space<vmem>>)
      tpu.yield
    }) : () -> ()
    %barrier3A = arith.constant 0 : index
    tpu.barrier barrier_id(%barrier3A)
    %dma_start3A = arith.constant 0 : i32
    %dma_start3A_10 = arith.constant 0 : i32
    %dma_start3A_11 = arith.constant 0 : i32
    %dma_start3A_12 = tpu.memref_slice %arg10[%dma_start3A_10, %dma_start3A_11] : memref<128x128xf32, #tpu.memory_space<vmem>> -> memref<64x128xf32, #tpu.memory_space<vmem>>
    %dma_start3A_13 = arith.constant 0 : i32
    %dma_start3A_14 = tpu.memref_slice %arg8[%dma_start3A, %dma_start3A_13] : memref<8x128xi32, #tpu.memory_space<vmem>> -> memref<1x128xi32, #tpu.memory_space<vmem>>
    %dma_start3A_15 = tpu.memref_squeeze %dma_start3A_14 : memref<1x128xi32, #tpu.memory_space<vmem>> -> memref<128xi32, #tpu.memory_space<vmem>>
    %dma_start3A_16 = arith.constant 0 : i32
    %dma_start3A_17 = tpu.memref_slice %dma_start3A_15[%dma_start3A_16] : memref<128xi32, #tpu.memory_space<vmem>> -> memref<64xi32, #tpu.memory_space<vmem>>
    %dma_start3A_18 = arith.constant 0 : i32
    %dma_start3A_19 = arith.constant 0 : i32
    %dma_start3A_20 = tpu.memref_slice %arg2[%dma_start3A_18, %dma_start3A_19] : memref<10112x128xf32, #tpu.memory_space<hbm>> -> memref<10112x128xf32, #tpu.memory_space<hbm>>
    tpu.enqueue_indirect_dma source(%dma_start3A_20 : memref<10112x128xf32, #tpu.memory_space<hbm>>) target(%dma_start3A_12 : memref<64x128xf32, #tpu.memory_space<vmem>>) offsets(%dma_start3A_17 : memref<64xi32, #tpu.memory_space<vmem>>) semaphore(%arg13 : memref<!tpu.dma_semaphore, #tpu.memory_space<semaphore_mem>>)
    %dma_start3A_21 = arith.constant 0 : i32
    %dma_start3A_22 = arith.constant 64 : i32
    %dma_start3A_23 = arith.constant 0 : i32
    %dma_start3A_24 = tpu.memref_slice %arg10[%dma_start3A_22, %dma_start3A_23] : memref<128x128xf32, #tpu.memory_space<vmem>> -> memref<64x128xf32, #tpu.memory_space<vmem>>
    %dma_start3A_25 = arith.constant 0 : i32
    %dma_start3A_26 = tpu.memref_slice %arg8[%dma_start3A_21, %dma_start3A_25] : memref<8x128xi32, #tpu.memory_space<vmem>> -> memref<1x128xi32, #tpu.memory_space<vmem>>
    %dma_start3A_27 = tpu.memref_squeeze %dma_start3A_26 : memref<1x128xi32, #tpu.memory_space<vmem>> -> memref<128xi32, #tpu.memory_space<vmem>>
    %dma_start3A_28 = arith.constant 64 : i32
    %dma_start3A_29 = tpu.memref_slice %dma_start3A_27[%dma_start3A_28] : memref<128xi32, #tpu.memory_space<vmem>> -> memref<64xi32, #tpu.memory_space<vmem>>
    %dma_start3A_30 = arith.constant 0 : i32
    %dma_start3A_31 = arith.constant 0 : i32
    %dma_start3A_32 = tpu.memref_slice %arg2[%dma_start3A_30, %dma_start3A_31] : memref<10112x128xf32, #tpu.memory_space<hbm>> -> memref<10112x128xf32, #tpu.memory_space<hbm>>
    tpu.enqueue_indirect_dma source(%dma_start3A_32 : memref<10112x128xf32, #tpu.memory_space<hbm>>) target(%dma_start3A_24 : memref<64x128xf32, #tpu.memory_space<vmem>>) offsets(%dma_start3A_29 : memref<64xi32, #tpu.memory_space<vmem>>) semaphore(%arg13 : memref<!tpu.dma_semaphore, #tpu.memory_space<semaphore_mem>>)
    %dma_start3A_33 = arith.constant 1 : i32
    %dma_start3A_34 = arith.constant 0 : i32
    %dma_start3A_35 = arith.constant 0 : i32
    %dma_start3A_36 = tpu.memref_slice %arg11[%dma_start3A_34, %dma_start3A_35] : memref<128x128xf32, #tpu.memory_space<vmem>> -> memref<64x128xf32, #tpu.memory_space<vmem>>
    %dma_start3A_37 = arith.constant 0 : i32
    %dma_start3A_38 = tpu.memref_slice %arg8[%dma_start3A_33, %dma_start3A_37] : memref<8x128xi32, #tpu.memory_space<vmem>> -> memref<1x128xi32, #tpu.memory_space<vmem>>
    %dma_start3A_39 = tpu.memref_squeeze %dma_start3A_38 : memref<1x128xi32, #tpu.memory_space<vmem>> -> memref<128xi32, #tpu.memory_space<vmem>>
    %dma_start3A_40 = arith.constant 0 : i32
    %dma_start3A_41 = tpu.memref_slice %dma_start3A_39[%dma_start3A_40] : memref<128xi32, #tpu.memory_space<vmem>> -> memref<64xi32, #tpu.memory_space<vmem>>
    %dma_start3A_42 = arith.constant 0 : i32
    %dma_start3A_43 = arith.constant 0 : i32
    %dma_start3A_44 = tpu.memref_slice %arg2[%dma_start3A_42, %dma_start3A_43] : memref<10112x128xf32, #tpu.memory_space<hbm>> -> memref<10112x128xf32, #tpu.memory_space<hbm>>
    tpu.enqueue_indirect_dma source(%dma_start3A_44 : memref<10112x128xf32, #tpu.memory_space<hbm>>) target(%dma_start3A_36 : memref<64x128xf32, #tpu.memory_space<vmem>>) offsets(%dma_start3A_41 : memref<64xi32, #tpu.memory_space<vmem>>) semaphore(%arg14 : memref<!tpu.dma_semaphore, #tpu.memory_space<semaphore_mem>>)
    %dma_start3A_45 = arith.constant 1 : i32
    %dma_start3A_46 = arith.constant 64 : i32
    %dma_start3A_47 = arith.constant 0 : i32
    %dma_start3A_48 = tpu.memref_slice %arg11[%dma_start3A_46, %dma_start3A_47] : memref<128x128xf32, #tpu.memory_space<vmem>> -> memref<64x128xf32, #tpu.memory_space<vmem>>
    %dma_start3A_49 = arith.constant 0 : i32
    %dma_start3A_50 = tpu.memref_slice %arg8[%dma_start3A_45, %dma_start3A_49] : memref<8x128xi32, #tpu.memory_space<vmem>> -> memref<1x128xi32, #tpu.memory_space<vmem>>
    %dma_start3A_51 = tpu.memref_squeeze %dma_start3A_50 : memref<1x128xi32, #tpu.memory_space<vmem>> -> memref<128xi32, #tpu.memory_space<vmem>>
    %dma_start3A_52 = arith.constant 64 : i32
    %dma_start3A_53 = tpu.memref_slice %dma_start3A_51[%dma_start3A_52] : memref<128xi32, #tpu.memory_space<vmem>> -> memref<64xi32, #tpu.memory_space<vmem>>
    %dma_start3A_54 = arith.constant 0 : i32
    %dma_start3A_55 = arith.constant 0 : i32
    %dma_start3A_56 = tpu.memref_slice %arg2[%dma_start3A_54, %dma_start3A_55] : memref<10112x128xf32, #tpu.memory_space<hbm>> -> memref<10112x128xf32, #tpu.memory_space<hbm>>
    tpu.enqueue_indirect_dma source(%dma_start3A_56 : memref<10112x128xf32, #tpu.memory_space<hbm>>) target(%dma_start3A_48 : memref<64x128xf32, #tpu.memory_space<vmem>>) offsets(%dma_start3A_53 : memref<64xi32, #tpu.memory_space<vmem>>) semaphore(%arg14 : memref<!tpu.dma_semaphore, #tpu.memory_space<semaphore_mem>>)
    %dma_start3A_57 = arith.constant 1 : i32
    %dma_start3A_58 = arith.constant 0 : i32
    %dma_start3A_59 = arith.constant 0 : i32
    %dma_start3A_60 = tpu.memref_slice %arg3[%add3A, %dma_start3A_57, %dma_start3A_58, %dma_start3A_59] : memref<32x10x8x128xi32, #tpu.memory_space<hbm>> -> memref<1x1x8x128xi32, #tpu.memory_space<hbm>>
    %dma_start3A_61 = tpu.memref_squeeze %dma_start3A_60 : memref<1x1x8x128xi32, #tpu.memory_space<hbm>> -> memref<8x128xi32, #tpu.memory_space<hbm>>
    %dma_start3A_62 = arith.constant 0 : i32
    %dma_start3A_63 = arith.constant 0 : i32
    %dma_start3A_64 = tpu.memref_slice %arg3[%add3A, %dma_start3A_57, %dma_start3A_62, %dma_start3A_63] : memref<32x10x8x128xi32, #tpu.memory_space<hbm>> -> memref<1x1x8x128xi32, #tpu.memory_space<hbm>>
    %dma_start3A_65 = tpu.memref_squeeze %dma_start3A_64 : memref<1x1x8x128xi32, #tpu.memory_space<hbm>> -> memref<8x128xi32, #tpu.memory_space<hbm>>
    tpu.enqueue_dma source(%dma_start3A_65 : memref<8x128xi32, #tpu.memory_space<hbm>>) target(%arg9 : memref<8x128xi32, #tpu.memory_space<vmem>>) target_semaphore(%arg16 : memref<!tpu.dma_semaphore, #tpu.memory_space<semaphore_mem>>)
    %scan3A = arith.constant 0 : i32
    %scan3A_66 = arith.constant 5 : i32
    %scan3A_67 = arith.addi %scan3A, %scan3A_66 : i32
    %scan3A_68 = arith.constant 1 : i32
    scf.for %scan3A_71 = %scan3A to %scan3A_67 step %scan3A_68  : i32 {
      %mul3A_72 = arith.constant 2 : i32
      %mul3A_73 = arith.muli %scan3A_71, %mul3A_72 : i32
      %add3A_74 = arith.constant 0 : i32
      %add3A_75 = arith.addi %add3A_74, %mul3A_73 : i32
      %add3A_76 = arith.constant 0 : i32
      %add3A_77 = arith.addi %add3A_75, %add3A_76 : i32
      %dma_wait3A = arith.constant 0 : i32
      %dma_wait3A_78 = arith.constant 0 : i32
      %dma_wait3A_79 = tpu.memref_slice %arg2[%dma_wait3A, %dma_wait3A_78] : memref<10112x128xf32, #tpu.memory_space<hbm>> -> memref<128x128xf32, #tpu.memory_space<hbm>>
      %dma_wait3A_80 = arith.constant 0 : i32
      %dma_wait3A_81 = arith.constant 0 : i32
      %dma_wait3A_82 = tpu.memref_slice %arg2[%dma_wait3A_80, %dma_wait3A_81] : memref<10112x128xf32, #tpu.memory_space<hbm>> -> memref<128x128xf32, #tpu.memory_space<hbm>>
      tpu.wait_dma2 semaphore(%arg13 : memref<!tpu.dma_semaphore, #tpu.memory_space<semaphore_mem>>) src(%dma_wait3A_82 : memref<128x128xf32, #tpu.memory_space<hbm>>) dst(%arg10 : memref<128x128xf32, #tpu.memory_space<vmem>>)
      %mul3A_83 = arith.constant 8 : i32
      %mul3A_84 = arith.muli %add3A_77, %mul3A_83 : i32
      %add3A_85 = arith.constant 0 : i32
      %add3A_86 = arith.addi %mul3A_84, %add3A_85 : i32
      "tpu.region"() ({
        %run_scoped3A_568 = tpu.sem_alloc : memref<!tpu.dma_semaphore, #tpu.memory_space<semaphore_mem>>
        %dma_start3A_569 = arith.constant 0 : i32
        %dma_start3A_570 = tpu.memref_slice %arg7[%add3A_86, %dma_start3A_569] : memref<80x128xi32, #tpu.memory_space<vmem>> -> memref<1x128xi32, #tpu.memory_space<vmem>>
        %dma_start3A_571 = tpu.memref_squeeze %dma_start3A_570 : memref<1x128xi32, #tpu.memory_space<vmem>> -> memref<128xi32, #tpu.memory_space<vmem>>
        %dma_start3A_572 = arith.constant 0 : i32
        %dma_start3A_573 = arith.constant 0 : i32
        %dma_start3A_574 = tpu.memref_slice %arg12[%dma_start3A_572, %dma_start3A_573] : memref<10112x128xf32, #tpu.memory_space<vmem_shared>> -> memref<10112x128xf32, #tpu.memory_space<vmem_shared>>
        tpu.enqueue_indirect_dma source(%arg10 : memref<128x128xf32, #tpu.memory_space<vmem>>) target(%dma_start3A_574 : memref<10112x128xf32, #tpu.memory_space<vmem_shared>>) offsets(%dma_start3A_571 : memref<128xi32, #tpu.memory_space<vmem>>) semaphore(%run_scoped3A_568 : memref<!tpu.dma_semaphore, #tpu.memory_space<semaphore_mem>>) {add = true}
        %dma_wait3A_575 = arith.constant 0 : i32
        %dma_wait3A_576 = tpu.memref_slice %arg7[%add3A_86, %dma_wait3A_575] : memref<80x128xi32, #tpu.memory_space<vmem>> -> memref<1x128xi32, #tpu.memory_space<vmem>>
        %dma_wait3A_577 = tpu.memref_squeeze %dma_wait3A_576 : memref<1x128xi32, #tpu.memory_space<vmem>> -> memref<128xi32, #tpu.memory_space<vmem>>
        %dma_wait3A_578 = arith.constant 0 : i32
        %dma_wait3A_579 = arith.constant 0 : i32
        %dma_wait3A_580 = tpu.memref_slice %arg12[%dma_wait3A_578, %dma_wait3A_579] : memref<10112x128xf32, #tpu.memory_space<vmem_shared>> -> memref<10112x128xf32, #tpu.memory_space<vmem_shared>>
        tpu.wait_indirect_dma semaphore(%run_scoped3A_568 : memref<!tpu.dma_semaphore, #tpu.memory_space<semaphore_mem>>) src(%arg10 : memref<128x128xf32, #tpu.memory_space<vmem>>) dst(%dma_wait3A_580 : memref<10112x128xf32, #tpu.memory_space<vmem_shared>>)
        tpu.yield
      }) : () -> ()
      %dma_start3A_87 = arith.constant 2 : i32
      %dma_start3A_88 = arith.constant 0 : i32
      %dma_start3A_89 = arith.constant 0 : i32
      %dma_start3A_90 = tpu.memref_slice %arg10[%dma_start3A_88, %dma_start3A_89] : memref<128x128xf32, #tpu.memory_space<vmem>> -> memref<64x128xf32, #tpu.memory_space<vmem>>
      %dma_start3A_91 = arith.constant 0 : i32
      %dma_start3A_92 = tpu.memref_slice %arg8[%dma_start3A_87, %dma_start3A_91] : memref<8x128xi32, #tpu.memory_space<vmem>> -> memref<1x128xi32, #tpu.memory_space<vmem>>
      %dma_start3A_93 = tpu.memref_squeeze %dma_start3A_92 : memref<1x128xi32, #tpu.memory_space<vmem>> -> memref<128xi32, #tpu.memory_space<vmem>>
      %dma_start3A_94 = arith.constant 0 : i32
      %dma_start3A_95 = tpu.memref_slice %dma_start3A_93[%dma_start3A_94] : memref<128xi32, #tpu.memory_space<vmem>> -> memref<64xi32, #tpu.memory_space<vmem>>
      %dma_start3A_96 = arith.constant 0 : i32
      %dma_start3A_97 = arith.constant 0 : i32
      %dma_start3A_98 = tpu.memref_slice %arg2[%dma_start3A_96, %dma_start3A_97] : memref<10112x128xf32, #tpu.memory_space<hbm>> -> memref<10112x128xf32, #tpu.memory_space<hbm>>
      tpu.enqueue_indirect_dma source(%dma_start3A_98 : memref<10112x128xf32, #tpu.memory_space<hbm>>) target(%dma_start3A_90 : memref<64x128xf32, #tpu.memory_space<vmem>>) offsets(%dma_start3A_95 : memref<64xi32, #tpu.memory_space<vmem>>) semaphore(%arg13 : memref<!tpu.dma_semaphore, #tpu.memory_space<semaphore_mem>>)
      %dma_start3A_99 = arith.constant 2 : i32
      %dma_start3A_100 = arith.constant 64 : i32
      %dma_start3A_101 = arith.constant 0 : i32
      %dma_start3A_102 = tpu.memref_slice %arg10[%dma_start3A_100, %dma_start3A_101] : memref<128x128xf32, #tpu.memory_space<vmem>> -> memref<64x128xf32, #tpu.memory_space<vmem>>
      %dma_start3A_103 = arith.constant 0 : i32
      %dma_start3A_104 = tpu.memref_slice %arg8[%dma_start3A_99, %dma_start3A_103] : memref<8x128xi32, #tpu.memory_space<vmem>> -> memref<1x128xi32, #tpu.memory_space<vmem>>
      %dma_start3A_105 = tpu.memref_squeeze %dma_start3A_104 : memref<1x128xi32, #tpu.memory_space<vmem>> -> memref<128xi32, #tpu.memory_space<vmem>>
      %dma_start3A_106 = arith.constant 64 : i32
      %dma_start3A_107 = tpu.memref_slice %dma_start3A_105[%dma_start3A_106] : memref<128xi32, #tpu.memory_space<vmem>> -> memref<64xi32, #tpu.memory_space<vmem>>
      %dma_start3A_108 = arith.constant 0 : i32
      %dma_start3A_109 = arith.constant 0 : i32
      %dma_start3A_110 = tpu.memref_slice %arg2[%dma_start3A_108, %dma_start3A_109] : memref<10112x128xf32, #tpu.memory_space<hbm>> -> memref<10112x128xf32, #tpu.memory_space<hbm>>
      tpu.enqueue_indirect_dma source(%dma_start3A_110 : memref<10112x128xf32, #tpu.memory_space<hbm>>) target(%dma_start3A_102 : memref<64x128xf32, #tpu.memory_space<vmem>>) offsets(%dma_start3A_107 : memref<64xi32, #tpu.memory_space<vmem>>) semaphore(%arg13 : memref<!tpu.dma_semaphore, #tpu.memory_space<semaphore_mem>>)
      %dma_wait3A_111 = arith.constant 0 : i32
      %dma_wait3A_112 = arith.constant 0 : i32
      %dma_wait3A_113 = tpu.memref_slice %arg2[%dma_wait3A_111, %dma_wait3A_112] : memref<10112x128xf32, #tpu.memory_space<hbm>> -> memref<128x128xf32, #tpu.memory_space<hbm>>
      %dma_wait3A_114 = arith.constant 0 : i32
      %dma_wait3A_115 = arith.constant 0 : i32
      %dma_wait3A_116 = tpu.memref_slice %arg2[%dma_wait3A_114, %dma_wait3A_115] : memref<10112x128xf32, #tpu.memory_space<hbm>> -> memref<128x128xf32, #tpu.memory_space<hbm>>
      tpu.wait_dma2 semaphore(%arg14 : memref<!tpu.dma_semaphore, #tpu.memory_space<semaphore_mem>>) src(%dma_wait3A_116 : memref<128x128xf32, #tpu.memory_space<hbm>>) dst(%arg11 : memref<128x128xf32, #tpu.memory_space<vmem>>)
      %mul3A_117 = arith.constant 8 : i32
      %mul3A_118 = arith.muli %add3A_77, %mul3A_117 : i32
      %add3A_119 = arith.constant 1 : i32
      %add3A_120 = arith.addi %mul3A_118, %add3A_119 : i32
      "tpu.region"() ({
        %run_scoped3A_568 = tpu.sem_alloc : memref<!tpu.dma_semaphore, #tpu.memory_space<semaphore_mem>>
        %dma_start3A_569 = arith.constant 0 : i32
        %dma_start3A_570 = tpu.memref_slice %arg7[%add3A_120, %dma_start3A_569] : memref<80x128xi32, #tpu.memory_space<vmem>> -> memref<1x128xi32, #tpu.memory_space<vmem>>
        %dma_start3A_571 = tpu.memref_squeeze %dma_start3A_570 : memref<1x128xi32, #tpu.memory_space<vmem>> -> memref<128xi32, #tpu.memory_space<vmem>>
        %dma_start3A_572 = arith.constant 0 : i32
        %dma_start3A_573 = arith.constant 0 : i32
        %dma_start3A_574 = tpu.memref_slice %arg12[%dma_start3A_572, %dma_start3A_573] : memref<10112x128xf32, #tpu.memory_space<vmem_shared>> -> memref<10112x128xf32, #tpu.memory_space<vmem_shared>>
        tpu.enqueue_indirect_dma source(%arg11 : memref<128x128xf32, #tpu.memory_space<vmem>>) target(%dma_start3A_574 : memref<10112x128xf32, #tpu.memory_space<vmem_shared>>) offsets(%dma_start3A_571 : memref<128xi32, #tpu.memory_space<vmem>>) semaphore(%run_scoped3A_568 : memref<!tpu.dma_semaphore, #tpu.memory_space<semaphore_mem>>) {add = true}
        %dma_wait3A_575 = arith.constant 0 : i32
        %dma_wait3A_576 = tpu.memref_slice %arg7[%add3A_120, %dma_wait3A_575] : memref<80x128xi32, #tpu.memory_space<vmem>> -> memref<1x128xi32, #tpu.memory_space<vmem>>
        %dma_wait3A_577 = tpu.memref_squeeze %dma_wait3A_576 : memref<1x128xi32, #tpu.memory_space<vmem>> -> memref<128xi32, #tpu.memory_space<vmem>>
        %dma_wait3A_578 = arith.constant 0 : i32
        %dma_wait3A_579 = arith.constant 0 : i32
        %dma_wait3A_580 = tpu.memref_slice %arg12[%dma_wait3A_578, %dma_wait3A_579] : memref<10112x128xf32, #tpu.memory_space<vmem_shared>> -> memref<10112x128xf32, #tpu.memory_space<vmem_shared>>
        tpu.wait_indirect_dma semaphore(%run_scoped3A_568 : memref<!tpu.dma_semaphore, #tpu.memory_space<semaphore_mem>>) src(%arg11 : memref<128x128xf32, #tpu.memory_space<vmem>>) dst(%dma_wait3A_580 : memref<10112x128xf32, #tpu.memory_space<vmem_shared>>)
        tpu.yield
      }) : () -> ()
      %dma_start3A_121 = arith.constant 3 : i32
      %dma_start3A_122 = arith.constant 0 : i32
      %dma_start3A_123 = arith.constant 0 : i32
      %dma_start3A_124 = tpu.memref_slice %arg11[%dma_start3A_122, %dma_start3A_123] : memref<128x128xf32, #tpu.memory_space<vmem>> -> memref<64x128xf32, #tpu.memory_space<vmem>>
      %dma_start3A_125 = arith.constant 0 : i32
      %dma_start3A_126 = tpu.memref_slice %arg8[%dma_start3A_121, %dma_start3A_125] : memref<8x128xi32, #tpu.memory_space<vmem>> -> memref<1x128xi32, #tpu.memory_space<vmem>>
      %dma_start3A_127 = tpu.memref_squeeze %dma_start3A_126 : memref<1x128xi32, #tpu.memory_space<vmem>> -> memref<128xi32, #tpu.memory_space<vmem>>
      %dma_start3A_128 = arith.constant 0 : i32
      %dma_start3A_129 = tpu.memref_slice %dma_start3A_127[%dma_start3A_128] : memref<128xi32, #tpu.memory_space<vmem>> -> memref<64xi32, #tpu.memory_space<vmem>>
      %dma_start3A_130 = arith.constant 0 : i32
      %dma_start3A_131 = arith.constant 0 : i32
      %dma_start3A_132 = tpu.memref_slice %arg2[%dma_start3A_130, %dma_start3A_131] : memref<10112x128xf32, #tpu.memory_space<hbm>> -> memref<10112x128xf32, #tpu.memory_space<hbm>>
      tpu.enqueue_indirect_dma source(%dma_start3A_132 : memref<10112x128xf32, #tpu.memory_space<hbm>>) target(%dma_start3A_124 : memref<64x128xf32, #tpu.memory_space<vmem>>) offsets(%dma_start3A_129 : memref<64xi32, #tpu.memory_space<vmem>>) semaphore(%arg14 : memref<!tpu.dma_semaphore, #tpu.memory_space<semaphore_mem>>)
      %dma_start3A_133 = arith.constant 3 : i32
      %dma_start3A_134 = arith.constant 64 : i32
      %dma_start3A_135 = arith.constant 0 : i32
      %dma_start3A_136 = tpu.memref_slice %arg11[%dma_start3A_134, %dma_start3A_135] : memref<128x128xf32, #tpu.memory_space<vmem>> -> memref<64x128xf32, #tpu.memory_space<vmem>>
      %dma_start3A_137 = arith.constant 0 : i32
      %dma_start3A_138 = tpu.memref_slice %arg8[%dma_start3A_133, %dma_start3A_137] : memref<8x128xi32, #tpu.memory_space<vmem>> -> memref<1x128xi32, #tpu.memory_space<vmem>>
      %dma_start3A_139 = tpu.memref_squeeze %dma_start3A_138 : memref<1x128xi32, #tpu.memory_space<vmem>> -> memref<128xi32, #tpu.memory_space<vmem>>
      %dma_start3A_140 = arith.constant 64 : i32
      %dma_start3A_141 = tpu.memref_slice %dma_start3A_139[%dma_start3A_140] : memref<128xi32, #tpu.memory_space<vmem>> -> memref<64xi32, #tpu.memory_space<vmem>>
      %dma_start3A_142 = arith.constant 0 : i32
      %dma_start3A_143 = arith.constant 0 : i32
      %dma_start3A_144 = tpu.memref_slice %arg2[%dma_start3A_142, %dma_start3A_143] : memref<10112x128xf32, #tpu.memory_space<hbm>> -> memref<10112x128xf32, #tpu.memory_space<hbm>>
      tpu.enqueue_indirect_dma source(%dma_start3A_144 : memref<10112x128xf32, #tpu.memory_space<hbm>>) target(%dma_start3A_136 : memref<64x128xf32, #tpu.memory_space<vmem>>) offsets(%dma_start3A_141 : memref<64xi32, #tpu.memory_space<vmem>>) semaphore(%arg14 : memref<!tpu.dma_semaphore, #tpu.memory_space<semaphore_mem>>)
      %dma_wait3A_145 = arith.constant 0 : i32
      %dma_wait3A_146 = arith.constant 0 : i32
      %dma_wait3A_147 = tpu.memref_slice %arg2[%dma_wait3A_145, %dma_wait3A_146] : memref<10112x128xf32, #tpu.memory_space<hbm>> -> memref<128x128xf32, #tpu.memory_space<hbm>>
      %dma_wait3A_148 = arith.constant 0 : i32
      %dma_wait3A_149 = arith.constant 0 : i32
      %dma_wait3A_150 = tpu.memref_slice %arg2[%dma_wait3A_148, %dma_wait3A_149] : memref<10112x128xf32, #tpu.memory_space<hbm>> -> memref<128x128xf32, #tpu.memory_space<hbm>>
      tpu.wait_dma2 semaphore(%arg13 : memref<!tpu.dma_semaphore, #tpu.memory_space<semaphore_mem>>) src(%dma_wait3A_150 : memref<128x128xf32, #tpu.memory_space<hbm>>) dst(%arg10 : memref<128x128xf32, #tpu.memory_space<vmem>>)
      %mul3A_151 = arith.constant 8 : i32
      %mul3A_152 = arith.muli %add3A_77, %mul3A_151 : i32
      %add3A_153 = arith.constant 2 : i32
      %add3A_154 = arith.addi %mul3A_152, %add3A_153 : i32
      "tpu.region"() ({
        %run_scoped3A_568 = tpu.sem_alloc : memref<!tpu.dma_semaphore, #tpu.memory_space<semaphore_mem>>
        %dma_start3A_569 = arith.constant 0 : i32
        %dma_start3A_570 = tpu.memref_slice %arg7[%add3A_154, %dma_start3A_569] : memref<80x128xi32, #tpu.memory_space<vmem>> -> memref<1x128xi32, #tpu.memory_space<vmem>>
        %dma_start3A_571 = tpu.memref_squeeze %dma_start3A_570 : memref<1x128xi32, #tpu.memory_space<vmem>> -> memref<128xi32, #tpu.memory_space<vmem>>
        %dma_start3A_572 = arith.constant 0 : i32
        %dma_start3A_573 = arith.constant 0 : i32
        %dma_start3A_574 = tpu.memref_slice %arg12[%dma_start3A_572, %dma_start3A_573] : memref<10112x128xf32, #tpu.memory_space<vmem_shared>> -> memref<10112x128xf32, #tpu.memory_space<vmem_shared>>
        tpu.enqueue_indirect_dma source(%arg10 : memref<128x128xf32, #tpu.memory_space<vmem>>) target(%dma_start3A_574 : memref<10112x128xf32, #tpu.memory_space<vmem_shared>>) offsets(%dma_start3A_571 : memref<128xi32, #tpu.memory_space<vmem>>) semaphore(%run_scoped3A_568 : memref<!tpu.dma_semaphore, #tpu.memory_space<semaphore_mem>>) {add = true}
        %dma_wait3A_575 = arith.constant 0 : i32
        %dma_wait3A_576 = tpu.memref_slice %arg7[%add3A_154, %dma_wait3A_575] : memref<80x128xi32, #tpu.memory_space<vmem>> -> memref<1x128xi32, #tpu.memory_space<vmem>>
        %dma_wait3A_577 = tpu.memref_squeeze %dma_wait3A_576 : memref<1x128xi32, #tpu.memory_space<vmem>> -> memref<128xi32, #tpu.memory_space<vmem>>
        %dma_wait3A_578 = arith.constant 0 : i32
        %dma_wait3A_579 = arith.constant 0 : i32
        %dma_wait3A_580 = tpu.memref_slice %arg12[%dma_wait3A_578, %dma_wait3A_579] : memref<10112x128xf32, #tpu.memory_space<vmem_shared>> -> memref<10112x128xf32, #tpu.memory_space<vmem_shared>>
        tpu.wait_indirect_dma semaphore(%run_scoped3A_568 : memref<!tpu.dma_semaphore, #tpu.memory_space<semaphore_mem>>) src(%arg10 : memref<128x128xf32, #tpu.memory_space<vmem>>) dst(%dma_wait3A_580 : memref<10112x128xf32, #tpu.memory_space<vmem_shared>>)
        tpu.yield
      }) : () -> ()
      %dma_start3A_155 = arith.constant 4 : i32
      %dma_start3A_156 = arith.constant 0 : i32
      %dma_start3A_157 = arith.constant 0 : i32
      %dma_start3A_158 = tpu.memref_slice %arg10[%dma_start3A_156, %dma_start3A_157] : memref<128x128xf32, #tpu.memory_space<vmem>> -> memref<64x128xf32, #tpu.memory_space<vmem>>
      %dma_start3A_159 = arith.constant 0 : i32
      %dma_start3A_160 = tpu.memref_slice %arg8[%dma_start3A_155, %dma_start3A_159] : memref<8x128xi32, #tpu.memory_space<vmem>> -> memref<1x128xi32, #tpu.memory_space<vmem>>
      %dma_start3A_161 = tpu.memref_squeeze %dma_start3A_160 : memref<1x128xi32, #tpu.memory_space<vmem>> -> memref<128xi32, #tpu.memory_space<vmem>>
      %dma_start3A_162 = arith.constant 0 : i32
      %dma_start3A_163 = tpu.memref_slice %dma_start3A_161[%dma_start3A_162] : memref<128xi32, #tpu.memory_space<vmem>> -> memref<64xi32, #tpu.memory_space<vmem>>
      %dma_start3A_164 = arith.constant 0 : i32
      %dma_start3A_165 = arith.constant 0 : i32
      %dma_start3A_166 = tpu.memref_slice %arg2[%dma_start3A_164, %dma_start3A_165] : memref<10112x128xf32, #tpu.memory_space<hbm>> -> memref<10112x128xf32, #tpu.memory_space<hbm>>
      tpu.enqueue_indirect_dma source(%dma_start3A_166 : memref<10112x128xf32, #tpu.memory_space<hbm>>) target(%dma_start3A_158 : memref<64x128xf32, #tpu.memory_space<vmem>>) offsets(%dma_start3A_163 : memref<64xi32, #tpu.memory_space<vmem>>) semaphore(%arg13 : memref<!tpu.dma_semaphore, #tpu.memory_space<semaphore_mem>>)
      %dma_start3A_167 = arith.constant 4 : i32
      %dma_start3A_168 = arith.constant 64 : i32
      %dma_start3A_169 = arith.constant 0 : i32
      %dma_start3A_170 = tpu.memref_slice %arg10[%dma_start3A_168, %dma_start3A_169] : memref<128x128xf32, #tpu.memory_space<vmem>> -> memref<64x128xf32, #tpu.memory_space<vmem>>
      %dma_start3A_171 = arith.constant 0 : i32
      %dma_start3A_172 = tpu.memref_slice %arg8[%dma_start3A_167, %dma_start3A_171] : memref<8x128xi32, #tpu.memory_space<vmem>> -> memref<1x128xi32, #tpu.memory_space<vmem>>
      %dma_start3A_173 = tpu.memref_squeeze %dma_start3A_172 : memref<1x128xi32, #tpu.memory_space<vmem>> -> memref<128xi32, #tpu.memory_space<vmem>>
      %dma_start3A_174 = arith.constant 64 : i32
      %dma_start3A_175 = tpu.memref_slice %dma_start3A_173[%dma_start3A_174] : memref<128xi32, #tpu.memory_space<vmem>> -> memref<64xi32, #tpu.memory_space<vmem>>
      %dma_start3A_176 = arith.constant 0 : i32
      %dma_start3A_177 = arith.constant 0 : i32
      %dma_start3A_178 = tpu.memref_slice %arg2[%dma_start3A_176, %dma_start3A_177] : memref<10112x128xf32, #tpu.memory_space<hbm>> -> memref<10112x128xf32, #tpu.memory_space<hbm>>
      tpu.enqueue_indirect_dma source(%dma_start3A_178 : memref<10112x128xf32, #tpu.memory_space<hbm>>) target(%dma_start3A_170 : memref<64x128xf32, #tpu.memory_space<vmem>>) offsets(%dma_start3A_175 : memref<64xi32, #tpu.memory_space<vmem>>) semaphore(%arg13 : memref<!tpu.dma_semaphore, #tpu.memory_space<semaphore_mem>>)
      %dma_wait3A_179 = arith.constant 0 : i32
      %dma_wait3A_180 = arith.constant 0 : i32
      %dma_wait3A_181 = tpu.memref_slice %arg2[%dma_wait3A_179, %dma_wait3A_180] : memref<10112x128xf32, #tpu.memory_space<hbm>> -> memref<128x128xf32, #tpu.memory_space<hbm>>
      %dma_wait3A_182 = arith.constant 0 : i32
      %dma_wait3A_183 = arith.constant 0 : i32
      %dma_wait3A_184 = tpu.memref_slice %arg2[%dma_wait3A_182, %dma_wait3A_183] : memref<10112x128xf32, #tpu.memory_space<hbm>> -> memref<128x128xf32, #tpu.memory_space<hbm>>
      tpu.wait_dma2 semaphore(%arg14 : memref<!tpu.dma_semaphore, #tpu.memory_space<semaphore_mem>>) src(%dma_wait3A_184 : memref<128x128xf32, #tpu.memory_space<hbm>>) dst(%arg11 : memref<128x128xf32, #tpu.memory_space<vmem>>)
      %mul3A_185 = arith.constant 8 : i32
      %mul3A_186 = arith.muli %add3A_77, %mul3A_185 : i32
      %add3A_187 = arith.constant 3 : i32
      %add3A_188 = arith.addi %mul3A_186, %add3A_187 : i32
      "tpu.region"() ({
        %run_scoped3A_568 = tpu.sem_alloc : memref<!tpu.dma_semaphore, #tpu.memory_space<semaphore_mem>>
        %dma_start3A_569 = arith.constant 0 : i32
        %dma_start3A_570 = tpu.memref_slice %arg7[%add3A_188, %dma_start3A_569] : memref<80x128xi32, #tpu.memory_space<vmem>> -> memref<1x128xi32, #tpu.memory_space<vmem>>
        %dma_start3A_571 = tpu.memref_squeeze %dma_start3A_570 : memref<1x128xi32, #tpu.memory_space<vmem>> -> memref<128xi32, #tpu.memory_space<vmem>>
        %dma_start3A_572 = arith.constant 0 : i32
        %dma_start3A_573 = arith.constant 0 : i32
        %dma_start3A_574 = tpu.memref_slice %arg12[%dma_start3A_572, %dma_start3A_573] : memref<10112x128xf32, #tpu.memory_space<vmem_shared>> -> memref<10112x128xf32, #tpu.memory_space<vmem_shared>>
        tpu.enqueue_indirect_dma source(%arg11 : memref<128x128xf32, #tpu.memory_space<vmem>>) target(%dma_start3A_574 : memref<10112x128xf32, #tpu.memory_space<vmem_shared>>) offsets(%dma_start3A_571 : memref<128xi32, #tpu.memory_space<vmem>>) semaphore(%run_scoped3A_568 : memref<!tpu.dma_semaphore, #tpu.memory_space<semaphore_mem>>) {add = true}
        %dma_wait3A_575 = arith.constant 0 : i32
        %dma_wait3A_576 = tpu.memref_slice %arg7[%add3A_188, %dma_wait3A_575] : memref<80x128xi32, #tpu.memory_space<vmem>> -> memref<1x128xi32, #tpu.memory_space<vmem>>
        %dma_wait3A_577 = tpu.memref_squeeze %dma_wait3A_576 : memref<1x128xi32, #tpu.memory_space<vmem>> -> memref<128xi32, #tpu.memory_space<vmem>>
        %dma_wait3A_578 = arith.constant 0 : i32
        %dma_wait3A_579 = arith.constant 0 : i32
        %dma_wait3A_580 = tpu.memref_slice %arg12[%dma_wait3A_578, %dma_wait3A_579] : memref<10112x128xf32, #tpu.memory_space<vmem_shared>> -> memref<10112x128xf32, #tpu.memory_space<vmem_shared>>
        tpu.wait_indirect_dma semaphore(%run_scoped3A_568 : memref<!tpu.dma_semaphore, #tpu.memory_space<semaphore_mem>>) src(%arg11 : memref<128x128xf32, #tpu.memory_space<vmem>>) dst(%dma_wait3A_580 : memref<10112x128xf32, #tpu.memory_space<vmem_shared>>)
        tpu.yield
      }) : () -> ()
      %dma_start3A_189 = arith.constant 5 : i32
      %dma_start3A_190 = arith.constant 0 : i32
      %dma_start3A_191 = arith.constant 0 : i32
      %dma_start3A_192 = tpu.memref_slice %arg11[%dma_start3A_190, %dma_start3A_191] : memref<128x128xf32, #tpu.memory_space<vmem>> -> memref<64x128xf32, #tpu.memory_space<vmem>>
      %dma_start3A_193 = arith.constant 0 : i32
      %dma_start3A_194 = tpu.memref_slice %arg8[%dma_start3A_189, %dma_start3A_193] : memref<8x128xi32, #tpu.memory_space<vmem>> -> memref<1x128xi32, #tpu.memory_space<vmem>>
      %dma_start3A_195 = tpu.memref_squeeze %dma_start3A_194 : memref<1x128xi32, #tpu.memory_space<vmem>> -> memref<128xi32, #tpu.memory_space<vmem>>
      %dma_start3A_196 = arith.constant 0 : i32
      %dma_start3A_197 = tpu.memref_slice %dma_start3A_195[%dma_start3A_196] : memref<128xi32, #tpu.memory_space<vmem>> -> memref<64xi32, #tpu.memory_space<vmem>>
      %dma_start3A_198 = arith.constant 0 : i32
      %dma_start3A_199 = arith.constant 0 : i32
      %dma_start3A_200 = tpu.memref_slice %arg2[%dma_start3A_198, %dma_start3A_199] : memref<10112x128xf32, #tpu.memory_space<hbm>> -> memref<10112x128xf32, #tpu.memory_space<hbm>>
      tpu.enqueue_indirect_dma source(%dma_start3A_200 : memref<10112x128xf32, #tpu.memory_space<hbm>>) target(%dma_start3A_192 : memref<64x128xf32, #tpu.memory_space<vmem>>) offsets(%dma_start3A_197 : memref<64xi32, #tpu.memory_space<vmem>>) semaphore(%arg14 : memref<!tpu.dma_semaphore, #tpu.memory_space<semaphore_mem>>)
      %dma_start3A_201 = arith.constant 5 : i32
      %dma_start3A_202 = arith.constant 64 : i32
      %dma_start3A_203 = arith.constant 0 : i32
      %dma_start3A_204 = tpu.memref_slice %arg11[%dma_start3A_202, %dma_start3A_203] : memref<128x128xf32, #tpu.memory_space<vmem>> -> memref<64x128xf32, #tpu.memory_space<vmem>>
      %dma_start3A_205 = arith.constant 0 : i32
      %dma_start3A_206 = tpu.memref_slice %arg8[%dma_start3A_201, %dma_start3A_205] : memref<8x128xi32, #tpu.memory_space<vmem>> -> memref<1x128xi32, #tpu.memory_space<vmem>>
      %dma_start3A_207 = tpu.memref_squeeze %dma_start3A_206 : memref<1x128xi32, #tpu.memory_space<vmem>> -> memref<128xi32, #tpu.memory_space<vmem>>
      %dma_start3A_208 = arith.constant 64 : i32
      %dma_start3A_209 = tpu.memref_slice %dma_start3A_207[%dma_start3A_208] : memref<128xi32, #tpu.memory_space<vmem>> -> memref<64xi32, #tpu.memory_space<vmem>>
      %dma_start3A_210 = arith.constant 0 : i32
      %dma_start3A_211 = arith.constant 0 : i32
      %dma_start3A_212 = tpu.memref_slice %arg2[%dma_start3A_210, %dma_start3A_211] : memref<10112x128xf32, #tpu.memory_space<hbm>> -> memref<10112x128xf32, #tpu.memory_space<hbm>>
      tpu.enqueue_indirect_dma source(%dma_start3A_212 : memref<10112x128xf32, #tpu.memory_space<hbm>>) target(%dma_start3A_204 : memref<64x128xf32, #tpu.memory_space<vmem>>) offsets(%dma_start3A_209 : memref<64xi32, #tpu.memory_space<vmem>>) semaphore(%arg14 : memref<!tpu.dma_semaphore, #tpu.memory_space<semaphore_mem>>)
      %dma_wait3A_213 = arith.constant 0 : i32
      %dma_wait3A_214 = arith.constant 0 : i32
      %dma_wait3A_215 = tpu.memref_slice %arg2[%dma_wait3A_213, %dma_wait3A_214] : memref<10112x128xf32, #tpu.memory_space<hbm>> -> memref<128x128xf32, #tpu.memory_space<hbm>>
      %dma_wait3A_216 = arith.constant 0 : i32
      %dma_wait3A_217 = arith.constant 0 : i32
      %dma_wait3A_218 = tpu.memref_slice %arg2[%dma_wait3A_216, %dma_wait3A_217] : memref<10112x128xf32, #tpu.memory_space<hbm>> -> memref<128x128xf32, #tpu.memory_space<hbm>>
      tpu.wait_dma2 semaphore(%arg13 : memref<!tpu.dma_semaphore, #tpu.memory_space<semaphore_mem>>) src(%dma_wait3A_218 : memref<128x128xf32, #tpu.memory_space<hbm>>) dst(%arg10 : memref<128x128xf32, #tpu.memory_space<vmem>>)
      %mul3A_219 = arith.constant 8 : i32
      %mul3A_220 = arith.muli %add3A_77, %mul3A_219 : i32
      %add3A_221 = arith.constant 4 : i32
      %add3A_222 = arith.addi %mul3A_220, %add3A_221 : i32
      "tpu.region"() ({
        %run_scoped3A_568 = tpu.sem_alloc : memref<!tpu.dma_semaphore, #tpu.memory_space<semaphore_mem>>
        %dma_start3A_569 = arith.constant 0 : i32
        %dma_start3A_570 = tpu.memref_slice %arg7[%add3A_222, %dma_start3A_569] : memref<80x128xi32, #tpu.memory_space<vmem>> -> memref<1x128xi32, #tpu.memory_space<vmem>>
        %dma_start3A_571 = tpu.memref_squeeze %dma_start3A_570 : memref<1x128xi32, #tpu.memory_space<vmem>> -> memref<128xi32, #tpu.memory_space<vmem>>
        %dma_start3A_572 = arith.constant 0 : i32
        %dma_start3A_573 = arith.constant 0 : i32
        %dma_start3A_574 = tpu.memref_slice %arg12[%dma_start3A_572, %dma_start3A_573] : memref<10112x128xf32, #tpu.memory_space<vmem_shared>> -> memref<10112x128xf32, #tpu.memory_space<vmem_shared>>
        tpu.enqueue_indirect_dma source(%arg10 : memref<128x128xf32, #tpu.memory_space<vmem>>) target(%dma_start3A_574 : memref<10112x128xf32, #tpu.memory_space<vmem_shared>>) offsets(%dma_start3A_571 : memref<128xi32, #tpu.memory_space<vmem>>) semaphore(%run_scoped3A_568 : memref<!tpu.dma_semaphore, #tpu.memory_space<semaphore_mem>>) {add = true}
        %dma_wait3A_575 = arith.constant 0 : i32
        %dma_wait3A_576 = tpu.memref_slice %arg7[%add3A_222, %dma_wait3A_575] : memref<80x128xi32, #tpu.memory_space<vmem>> -> memref<1x128xi32, #tpu.memory_space<vmem>>
        %dma_wait3A_577 = tpu.memref_squeeze %dma_wait3A_576 : memref<1x128xi32, #tpu.memory_space<vmem>> -> memref<128xi32, #tpu.memory_space<vmem>>
        %dma_wait3A_578 = arith.constant 0 : i32
        %dma_wait3A_579 = arith.constant 0 : i32
        %dma_wait3A_580 = tpu.memref_slice %arg12[%dma_wait3A_578, %dma_wait3A_579] : memref<10112x128xf32, #tpu.memory_space<vmem_shared>> -> memref<10112x128xf32, #tpu.memory_space<vmem_shared>>
        tpu.wait_indirect_dma semaphore(%run_scoped3A_568 : memref<!tpu.dma_semaphore, #tpu.memory_space<semaphore_mem>>) src(%arg10 : memref<128x128xf32, #tpu.memory_space<vmem>>) dst(%dma_wait3A_580 : memref<10112x128xf32, #tpu.memory_space<vmem_shared>>)
        tpu.yield
      }) : () -> ()
      %dma_start3A_223 = arith.constant 6 : i32
      %dma_start3A_224 = arith.constant 0 : i32
      %dma_start3A_225 = arith.constant 0 : i32
      %dma_start3A_226 = tpu.memref_slice %arg10[%dma_start3A_224, %dma_start3A_225] : memref<128x128xf32, #tpu.memory_space<vmem>> -> memref<64x128xf32, #tpu.memory_space<vmem>>
      %dma_start3A_227 = arith.constant 0 : i32
      %dma_start3A_228 = tpu.memref_slice %arg8[%dma_start3A_223, %dma_start3A_227] : memref<8x128xi32, #tpu.memory_space<vmem>> -> memref<1x128xi32, #tpu.memory_space<vmem>>
      %dma_start3A_229 = tpu.memref_squeeze %dma_start3A_228 : memref<1x128xi32, #tpu.memory_space<vmem>> -> memref<128xi32, #tpu.memory_space<vmem>>
      %dma_start3A_230 = arith.constant 0 : i32
      %dma_start3A_231 = tpu.memref_slice %dma_start3A_229[%dma_start3A_230] : memref<128xi32, #tpu.memory_space<vmem>> -> memref<64xi32, #tpu.memory_space<vmem>>
      %dma_start3A_232 = arith.constant 0 : i32
      %dma_start3A_233 = arith.constant 0 : i32
      %dma_start3A_234 = tpu.memref_slice %arg2[%dma_start3A_232, %dma_start3A_233] : memref<10112x128xf32, #tpu.memory_space<hbm>> -> memref<10112x128xf32, #tpu.memory_space<hbm>>
      tpu.enqueue_indirect_dma source(%dma_start3A_234 : memref<10112x128xf32, #tpu.memory_space<hbm>>) target(%dma_start3A_226 : memref<64x128xf32, #tpu.memory_space<vmem>>) offsets(%dma_start3A_231 : memref<64xi32, #tpu.memory_space<vmem>>) semaphore(%arg13 : memref<!tpu.dma_semaphore, #tpu.memory_space<semaphore_mem>>)
      %dma_start3A_235 = arith.constant 6 : i32
      %dma_start3A_236 = arith.constant 64 : i32
      %dma_start3A_237 = arith.constant 0 : i32
      %dma_start3A_238 = tpu.memref_slice %arg10[%dma_start3A_236, %dma_start3A_237] : memref<128x128xf32, #tpu.memory_space<vmem>> -> memref<64x128xf32, #tpu.memory_space<vmem>>
      %dma_start3A_239 = arith.constant 0 : i32
      %dma_start3A_240 = tpu.memref_slice %arg8[%dma_start3A_235, %dma_start3A_239] : memref<8x128xi32, #tpu.memory_space<vmem>> -> memref<1x128xi32, #tpu.memory_space<vmem>>
      %dma_start3A_241 = tpu.memref_squeeze %dma_start3A_240 : memref<1x128xi32, #tpu.memory_space<vmem>> -> memref<128xi32, #tpu.memory_space<vmem>>
      %dma_start3A_242 = arith.constant 64 : i32
      %dma_start3A_243 = tpu.memref_slice %dma_start3A_241[%dma_start3A_242] : memref<128xi32, #tpu.memory_space<vmem>> -> memref<64xi32, #tpu.memory_space<vmem>>
      %dma_start3A_244 = arith.constant 0 : i32
      %dma_start3A_245 = arith.constant 0 : i32
      %dma_start3A_246 = tpu.memref_slice %arg2[%dma_start3A_244, %dma_start3A_245] : memref<10112x128xf32, #tpu.memory_space<hbm>> -> memref<10112x128xf32, #tpu.memory_space<hbm>>
      tpu.enqueue_indirect_dma source(%dma_start3A_246 : memref<10112x128xf32, #tpu.memory_space<hbm>>) target(%dma_start3A_238 : memref<64x128xf32, #tpu.memory_space<vmem>>) offsets(%dma_start3A_243 : memref<64xi32, #tpu.memory_space<vmem>>) semaphore(%arg13 : memref<!tpu.dma_semaphore, #tpu.memory_space<semaphore_mem>>)
      %dma_wait3A_247 = arith.constant 0 : i32
      %dma_wait3A_248 = arith.constant 0 : i32
      %dma_wait3A_249 = tpu.memref_slice %arg2[%dma_wait3A_247, %dma_wait3A_248] : memref<10112x128xf32, #tpu.memory_space<hbm>> -> memref<128x128xf32, #tpu.memory_space<hbm>>
      %dma_wait3A_250 = arith.constant 0 : i32
      %dma_wait3A_251 = arith.constant 0 : i32
      %dma_wait3A_252 = tpu.memref_slice %arg2[%dma_wait3A_250, %dma_wait3A_251] : memref<10112x128xf32, #tpu.memory_space<hbm>> -> memref<128x128xf32, #tpu.memory_space<hbm>>
      tpu.wait_dma2 semaphore(%arg14 : memref<!tpu.dma_semaphore, #tpu.memory_space<semaphore_mem>>) src(%dma_wait3A_252 : memref<128x128xf32, #tpu.memory_space<hbm>>) dst(%arg11 : memref<128x128xf32, #tpu.memory_space<vmem>>)
      %mul3A_253 = arith.constant 8 : i32
      %mul3A_254 = arith.muli %add3A_77, %mul3A_253 : i32
      %add3A_255 = arith.constant 5 : i32
      %add3A_256 = arith.addi %mul3A_254, %add3A_255 : i32
      "tpu.region"() ({
        %run_scoped3A_568 = tpu.sem_alloc : memref<!tpu.dma_semaphore, #tpu.memory_space<semaphore_mem>>
        %dma_start3A_569 = arith.constant 0 : i32
        %dma_start3A_570 = tpu.memref_slice %arg7[%add3A_256, %dma_start3A_569] : memref<80x128xi32, #tpu.memory_space<vmem>> -> memref<1x128xi32, #tpu.memory_space<vmem>>
        %dma_start3A_571 = tpu.memref_squeeze %dma_start3A_570 : memref<1x128xi32, #tpu.memory_space<vmem>> -> memref<128xi32, #tpu.memory_space<vmem>>
        %dma_start3A_572 = arith.constant 0 : i32
        %dma_start3A_573 = arith.constant 0 : i32
        %dma_start3A_574 = tpu.memref_slice %arg12[%dma_start3A_572, %dma_start3A_573] : memref<10112x128xf32, #tpu.memory_space<vmem_shared>> -> memref<10112x128xf32, #tpu.memory_space<vmem_shared>>
        tpu.enqueue_indirect_dma source(%arg11 : memref<128x128xf32, #tpu.memory_space<vmem>>) target(%dma_start3A_574 : memref<10112x128xf32, #tpu.memory_space<vmem_shared>>) offsets(%dma_start3A_571 : memref<128xi32, #tpu.memory_space<vmem>>) semaphore(%run_scoped3A_568 : memref<!tpu.dma_semaphore, #tpu.memory_space<semaphore_mem>>) {add = true}
        %dma_wait3A_575 = arith.constant 0 : i32
        %dma_wait3A_576 = tpu.memref_slice %arg7[%add3A_256, %dma_wait3A_575] : memref<80x128xi32, #tpu.memory_space<vmem>> -> memref<1x128xi32, #tpu.memory_space<vmem>>
        %dma_wait3A_577 = tpu.memref_squeeze %dma_wait3A_576 : memref<1x128xi32, #tpu.memory_space<vmem>> -> memref<128xi32, #tpu.memory_space<vmem>>
        %dma_wait3A_578 = arith.constant 0 : i32
        %dma_wait3A_579 = arith.constant 0 : i32
        %dma_wait3A_580 = tpu.memref_slice %arg12[%dma_wait3A_578, %dma_wait3A_579] : memref<10112x128xf32, #tpu.memory_space<vmem_shared>> -> memref<10112x128xf32, #tpu.memory_space<vmem_shared>>
        tpu.wait_indirect_dma semaphore(%run_scoped3A_568 : memref<!tpu.dma_semaphore, #tpu.memory_space<semaphore_mem>>) src(%arg11 : memref<128x128xf32, #tpu.memory_space<vmem>>) dst(%dma_wait3A_580 : memref<10112x128xf32, #tpu.memory_space<vmem_shared>>)
        tpu.yield
      }) : () -> ()
      %dma_start3A_257 = arith.constant 7 : i32
      %dma_start3A_258 = arith.constant 0 : i32
      %dma_start3A_259 = arith.constant 0 : i32
      %dma_start3A_260 = tpu.memref_slice %arg11[%dma_start3A_258, %dma_start3A_259] : memref<128x128xf32, #tpu.memory_space<vmem>> -> memref<64x128xf32, #tpu.memory_space<vmem>>
      %dma_start3A_261 = arith.constant 0 : i32
      %dma_start3A_262 = tpu.memref_slice %arg8[%dma_start3A_257, %dma_start3A_261] : memref<8x128xi32, #tpu.memory_space<vmem>> -> memref<1x128xi32, #tpu.memory_space<vmem>>
      %dma_start3A_263 = tpu.memref_squeeze %dma_start3A_262 : memref<1x128xi32, #tpu.memory_space<vmem>> -> memref<128xi32, #tpu.memory_space<vmem>>
      %dma_start3A_264 = arith.constant 0 : i32
      %dma_start3A_265 = tpu.memref_slice %dma_start3A_263[%dma_start3A_264] : memref<128xi32, #tpu.memory_space<vmem>> -> memref<64xi32, #tpu.memory_space<vmem>>
      %dma_start3A_266 = arith.constant 0 : i32
      %dma_start3A_267 = arith.constant 0 : i32
      %dma_start3A_268 = tpu.memref_slice %arg2[%dma_start3A_266, %dma_start3A_267] : memref<10112x128xf32, #tpu.memory_space<hbm>> -> memref<10112x128xf32, #tpu.memory_space<hbm>>
      tpu.enqueue_indirect_dma source(%dma_start3A_268 : memref<10112x128xf32, #tpu.memory_space<hbm>>) target(%dma_start3A_260 : memref<64x128xf32, #tpu.memory_space<vmem>>) offsets(%dma_start3A_265 : memref<64xi32, #tpu.memory_space<vmem>>) semaphore(%arg14 : memref<!tpu.dma_semaphore, #tpu.memory_space<semaphore_mem>>)
      %dma_start3A_269 = arith.constant 7 : i32
      %dma_start3A_270 = arith.constant 64 : i32
      %dma_start3A_271 = arith.constant 0 : i32
      %dma_start3A_272 = tpu.memref_slice %arg11[%dma_start3A_270, %dma_start3A_271] : memref<128x128xf32, #tpu.memory_space<vmem>> -> memref<64x128xf32, #tpu.memory_space<vmem>>
      %dma_start3A_273 = arith.constant 0 : i32
      %dma_start3A_274 = tpu.memref_slice %arg8[%dma_start3A_269, %dma_start3A_273] : memref<8x128xi32, #tpu.memory_space<vmem>> -> memref<1x128xi32, #tpu.memory_space<vmem>>
      %dma_start3A_275 = tpu.memref_squeeze %dma_start3A_274 : memref<1x128xi32, #tpu.memory_space<vmem>> -> memref<128xi32, #tpu.memory_space<vmem>>
      %dma_start3A_276 = arith.constant 64 : i32
      %dma_start3A_277 = tpu.memref_slice %dma_start3A_275[%dma_start3A_276] : memref<128xi32, #tpu.memory_space<vmem>> -> memref<64xi32, #tpu.memory_space<vmem>>
      %dma_start3A_278 = arith.constant 0 : i32
      %dma_start3A_279 = arith.constant 0 : i32
      %dma_start3A_280 = tpu.memref_slice %arg2[%dma_start3A_278, %dma_start3A_279] : memref<10112x128xf32, #tpu.memory_space<hbm>> -> memref<10112x128xf32, #tpu.memory_space<hbm>>
      tpu.enqueue_indirect_dma source(%dma_start3A_280 : memref<10112x128xf32, #tpu.memory_space<hbm>>) target(%dma_start3A_272 : memref<64x128xf32, #tpu.memory_space<vmem>>) offsets(%dma_start3A_277 : memref<64xi32, #tpu.memory_space<vmem>>) semaphore(%arg14 : memref<!tpu.dma_semaphore, #tpu.memory_space<semaphore_mem>>)
      %dma_wait3A_281 = arith.constant 0 : i32
      %dma_wait3A_282 = arith.constant 0 : i32
      %dma_wait3A_283 = tpu.memref_slice %arg2[%dma_wait3A_281, %dma_wait3A_282] : memref<10112x128xf32, #tpu.memory_space<hbm>> -> memref<128x128xf32, #tpu.memory_space<hbm>>
      %dma_wait3A_284 = arith.constant 0 : i32
      %dma_wait3A_285 = arith.constant 0 : i32
      %dma_wait3A_286 = tpu.memref_slice %arg2[%dma_wait3A_284, %dma_wait3A_285] : memref<10112x128xf32, #tpu.memory_space<hbm>> -> memref<128x128xf32, #tpu.memory_space<hbm>>
      tpu.wait_dma2 semaphore(%arg13 : memref<!tpu.dma_semaphore, #tpu.memory_space<semaphore_mem>>) src(%dma_wait3A_286 : memref<128x128xf32, #tpu.memory_space<hbm>>) dst(%arg10 : memref<128x128xf32, #tpu.memory_space<vmem>>)
      %mul3A_287 = arith.constant 8 : i32
      %mul3A_288 = arith.muli %add3A_77, %mul3A_287 : i32
      %add3A_289 = arith.constant 6 : i32
      %add3A_290 = arith.addi %mul3A_288, %add3A_289 : i32
      "tpu.region"() ({
        %run_scoped3A_568 = tpu.sem_alloc : memref<!tpu.dma_semaphore, #tpu.memory_space<semaphore_mem>>
        %dma_start3A_569 = arith.constant 0 : i32
        %dma_start3A_570 = tpu.memref_slice %arg7[%add3A_290, %dma_start3A_569] : memref<80x128xi32, #tpu.memory_space<vmem>> -> memref<1x128xi32, #tpu.memory_space<vmem>>
        %dma_start3A_571 = tpu.memref_squeeze %dma_start3A_570 : memref<1x128xi32, #tpu.memory_space<vmem>> -> memref<128xi32, #tpu.memory_space<vmem>>
        %dma_start3A_572 = arith.constant 0 : i32
        %dma_start3A_573 = arith.constant 0 : i32
        %dma_start3A_574 = tpu.memref_slice %arg12[%dma_start3A_572, %dma_start3A_573] : memref<10112x128xf32, #tpu.memory_space<vmem_shared>> -> memref<10112x128xf32, #tpu.memory_space<vmem_shared>>
        tpu.enqueue_indirect_dma source(%arg10 : memref<128x128xf32, #tpu.memory_space<vmem>>) target(%dma_start3A_574 : memref<10112x128xf32, #tpu.memory_space<vmem_shared>>) offsets(%dma_start3A_571 : memref<128xi32, #tpu.memory_space<vmem>>) semaphore(%run_scoped3A_568 : memref<!tpu.dma_semaphore, #tpu.memory_space<semaphore_mem>>) {add = true}
        %dma_wait3A_575 = arith.constant 0 : i32
        %dma_wait3A_576 = tpu.memref_slice %arg7[%add3A_290, %dma_wait3A_575] : memref<80x128xi32, #tpu.memory_space<vmem>> -> memref<1x128xi32, #tpu.memory_space<vmem>>
        %dma_wait3A_577 = tpu.memref_squeeze %dma_wait3A_576 : memref<1x128xi32, #tpu.memory_space<vmem>> -> memref<128xi32, #tpu.memory_space<vmem>>
        %dma_wait3A_578 = arith.constant 0 : i32
        %dma_wait3A_579 = arith.constant 0 : i32
        %dma_wait3A_580 = tpu.memref_slice %arg12[%dma_wait3A_578, %dma_wait3A_579] : memref<10112x128xf32, #tpu.memory_space<vmem_shared>> -> memref<10112x128xf32, #tpu.memory_space<vmem_shared>>
        tpu.wait_indirect_dma semaphore(%run_scoped3A_568 : memref<!tpu.dma_semaphore, #tpu.memory_space<semaphore_mem>>) src(%arg10 : memref<128x128xf32, #tpu.memory_space<vmem>>) dst(%dma_wait3A_580 : memref<10112x128xf32, #tpu.memory_space<vmem_shared>>)
        tpu.yield
      }) : () -> ()
      %add3A_291 = arith.constant 1 : i32
      %add3A_292 = arith.addi %add3A_77, %add3A_291 : i32
      %lt3A = arith.constant 10 : i32
      %lt3A_293 = arith.cmpi slt, %add3A_292, %lt3A : i32
      %convert_element_type3A_294 = arith.extui %lt3A_293 : i1 to i32
      %cond3A_295 = arith.constant 0 : i32
      %cond3A_296 = arith.cmpi ne, %convert_element_type3A_294, %cond3A_295 : i32
      scf.if %cond3A_296 {
        %dma_wait3A_568 = arith.constant 0 : i32
        %dma_wait3A_569 = arith.constant 0 : i32
        %dma_wait3A_570 = arith.constant 0 : i32
        %dma_wait3A_571 = arith.constant 0 : i32
        %dma_wait3A_572 = tpu.memref_slice %arg3[%dma_wait3A_568, %dma_wait3A_569, %dma_wait3A_570, %dma_wait3A_571] : memref<32x10x8x128xi32, #tpu.memory_space<hbm>> -> memref<1x1x8x128xi32, #tpu.memory_space<hbm>>
        %dma_wait3A_573 = tpu.memref_squeeze %dma_wait3A_572 : memref<1x1x8x128xi32, #tpu.memory_space<hbm>> -> memref<8x128xi32, #tpu.memory_space<hbm>>
        %dma_wait3A_574 = arith.constant 0 : i32
        %dma_wait3A_575 = arith.constant 0 : i32
        %dma_wait3A_576 = tpu.memref_slice %arg3[%dma_wait3A_568, %dma_wait3A_569, %dma_wait3A_574, %dma_wait3A_575] : memref<32x10x8x128xi32, #tpu.memory_space<hbm>> -> memref<1x1x8x128xi32, #tpu.memory_space<hbm>>
        %dma_wait3A_577 = tpu.memref_squeeze %dma_wait3A_576 : memref<1x1x8x128xi32, #tpu.memory_space<hbm>> -> memref<8x128xi32, #tpu.memory_space<hbm>>
        tpu.wait_dma2 semaphore(%arg16 : memref<!tpu.dma_semaphore, #tpu.memory_space<semaphore_mem>>) src(%dma_wait3A_577 : memref<8x128xi32, #tpu.memory_space<hbm>>) dst(%arg9 : memref<8x128xi32, #tpu.memory_space<vmem>>)
        %dma_start3A_578 = arith.constant 0 : i32
        %dma_start3A_579 = arith.constant 0 : i32
        %dma_start3A_580 = arith.constant 0 : i32
        %dma_start3A_581 = tpu.memref_slice %arg10[%dma_start3A_579, %dma_start3A_580] : memref<128x128xf32, #tpu.memory_space<vmem>> -> memref<64x128xf32, #tpu.memory_space<vmem>>
        %dma_start3A_582 = arith.constant 0 : i32
        %dma_start3A_583 = tpu.memref_slice %arg9[%dma_start3A_578, %dma_start3A_582] : memref<8x128xi32, #tpu.memory_space<vmem>> -> memref<1x128xi32, #tpu.memory_space<vmem>>
        %dma_start3A_584 = tpu.memref_squeeze %dma_start3A_583 : memref<1x128xi32, #tpu.memory_space<vmem>> -> memref<128xi32, #tpu.memory_space<vmem>>
        %dma_start3A_585 = arith.constant 0 : i32
        %dma_start3A_586 = tpu.memref_slice %dma_start3A_584[%dma_start3A_585] : memref<128xi32, #tpu.memory_space<vmem>> -> memref<64xi32, #tpu.memory_space<vmem>>
        %dma_start3A_587 = arith.constant 0 : i32
        %dma_start3A_588 = arith.constant 0 : i32
        %dma_start3A_589 = tpu.memref_slice %arg2[%dma_start3A_587, %dma_start3A_588] : memref<10112x128xf32, #tpu.memory_space<hbm>> -> memref<10112x128xf32, #tpu.memory_space<hbm>>
        tpu.enqueue_indirect_dma source(%dma_start3A_589 : memref<10112x128xf32, #tpu.memory_space<hbm>>) target(%dma_start3A_581 : memref<64x128xf32, #tpu.memory_space<vmem>>) offsets(%dma_start3A_586 : memref<64xi32, #tpu.memory_space<vmem>>) semaphore(%arg13 : memref<!tpu.dma_semaphore, #tpu.memory_space<semaphore_mem>>)
        %dma_start3A_590 = arith.constant 0 : i32
        %dma_start3A_591 = arith.constant 64 : i32
        %dma_start3A_592 = arith.constant 0 : i32
        %dma_start3A_593 = tpu.memref_slice %arg10[%dma_start3A_591, %dma_start3A_592] : memref<128x128xf32, #tpu.memory_space<vmem>> -> memref<64x128xf32, #tpu.memory_space<vmem>>
        %dma_start3A_594 = arith.constant 0 : i32
        %dma_start3A_595 = tpu.memref_slice %arg9[%dma_start3A_590, %dma_start3A_594] : memref<8x128xi32, #tpu.memory_space<vmem>> -> memref<1x128xi32, #tpu.memory_space<vmem>>
        %dma_start3A_596 = tpu.memref_squeeze %dma_start3A_595 : memref<1x128xi32, #tpu.memory_space<vmem>> -> memref<128xi32, #tpu.memory_space<vmem>>
        %dma_start3A_597 = arith.constant 64 : i32
        %dma_start3A_598 = tpu.memref_slice %dma_start3A_596[%dma_start3A_597] : memref<128xi32, #tpu.memory_space<vmem>> -> memref<64xi32, #tpu.memory_space<vmem>>
        %dma_start3A_599 = arith.constant 0 : i32
        %dma_start3A_600 = arith.constant 0 : i32
        %dma_start3A_601 = tpu.memref_slice %arg2[%dma_start3A_599, %dma_start3A_600] : memref<10112x128xf32, #tpu.memory_space<hbm>> -> memref<10112x128xf32, #tpu.memory_space<hbm>>
        tpu.enqueue_indirect_dma source(%dma_start3A_601 : memref<10112x128xf32, #tpu.memory_space<hbm>>) target(%dma_start3A_593 : memref<64x128xf32, #tpu.memory_space<vmem>>) offsets(%dma_start3A_598 : memref<64xi32, #tpu.memory_space<vmem>>) semaphore(%arg13 : memref<!tpu.dma_semaphore, #tpu.memory_space<semaphore_mem>>)
      } else {
      }
      %dma_wait3A_297 = arith.constant 0 : i32
      %dma_wait3A_298 = arith.constant 0 : i32
      %dma_wait3A_299 = tpu.memref_slice %arg2[%dma_wait3A_297, %dma_wait3A_298] : memref<10112x128xf32, #tpu.memory_space<hbm>> -> memref<128x128xf32, #tpu.memory_space<hbm>>
      %dma_wait3A_300 = arith.constant 0 : i32
      %dma_wait3A_301 = arith.constant 0 : i32
      %dma_wait3A_302 = tpu.memref_slice %arg2[%dma_wait3A_300, %dma_wait3A_301] : memref<10112x128xf32, #tpu.memory_space<hbm>> -> memref<128x128xf32, #tpu.memory_space<hbm>>
      tpu.wait_dma2 semaphore(%arg14 : memref<!tpu.dma_semaphore, #tpu.memory_space<semaphore_mem>>) src(%dma_wait3A_302 : memref<128x128xf32, #tpu.memory_space<hbm>>) dst(%arg11 : memref<128x128xf32, #tpu.memory_space<vmem>>)
      %mul3A_303 = arith.constant 8 : i32
      %mul3A_304 = arith.muli %add3A_77, %mul3A_303 : i32
      %add3A_305 = arith.constant 7 : i32
      %add3A_306 = arith.addi %mul3A_304, %add3A_305 : i32
      "tpu.region"() ({
        %run_scoped3A_568 = tpu.sem_alloc : memref<!tpu.dma_semaphore, #tpu.memory_space<semaphore_mem>>
        %dma_start3A_569 = arith.constant 0 : i32
        %dma_start3A_570 = tpu.memref_slice %arg7[%add3A_306, %dma_start3A_569] : memref<80x128xi32, #tpu.memory_space<vmem>> -> memref<1x128xi32, #tpu.memory_space<vmem>>
        %dma_start3A_571 = tpu.memref_squeeze %dma_start3A_570 : memref<1x128xi32, #tpu.memory_space<vmem>> -> memref<128xi32, #tpu.memory_space<vmem>>
        %dma_start3A_572 = arith.constant 0 : i32
        %dma_start3A_573 = arith.constant 0 : i32
        %dma_start3A_574 = tpu.memref_slice %arg12[%dma_start3A_572, %dma_start3A_573] : memref<10112x128xf32, #tpu.memory_space<vmem_shared>> -> memref<10112x128xf32, #tpu.memory_space<vmem_shared>>
        tpu.enqueue_indirect_dma source(%arg11 : memref<128x128xf32, #tpu.memory_space<vmem>>) target(%dma_start3A_574 : memref<10112x128xf32, #tpu.memory_space<vmem_shared>>) offsets(%dma_start3A_571 : memref<128xi32, #tpu.memory_space<vmem>>) semaphore(%run_scoped3A_568 : memref<!tpu.dma_semaphore, #tpu.memory_space<semaphore_mem>>) {add = true}
        %dma_wait3A_575 = arith.constant 0 : i32
        %dma_wait3A_576 = tpu.memref_slice %arg7[%add3A_306, %dma_wait3A_575] : memref<80x128xi32, #tpu.memory_space<vmem>> -> memref<1x128xi32, #tpu.memory_space<vmem>>
        %dma_wait3A_577 = tpu.memref_squeeze %dma_wait3A_576 : memref<1x128xi32, #tpu.memory_space<vmem>> -> memref<128xi32, #tpu.memory_space<vmem>>
        %dma_wait3A_578 = arith.constant 0 : i32
        %dma_wait3A_579 = arith.constant 0 : i32
        %dma_wait3A_580 = tpu.memref_slice %arg12[%dma_wait3A_578, %dma_wait3A_579] : memref<10112x128xf32, #tpu.memory_space<vmem_shared>> -> memref<10112x128xf32, #tpu.memory_space<vmem_shared>>
        tpu.wait_indirect_dma semaphore(%run_scoped3A_568 : memref<!tpu.dma_semaphore, #tpu.memory_space<semaphore_mem>>) src(%arg11 : memref<128x128xf32, #tpu.memory_space<vmem>>) dst(%dma_wait3A_580 : memref<10112x128xf32, #tpu.memory_space<vmem_shared>>)
        tpu.yield
      }) : () -> ()
      %add3A_307 = arith.constant 1 : i32
      %add3A_308 = arith.addi %add3A_77, %add3A_307 : i32
      %lt3A_309 = arith.constant 10 : i32
      %lt3A_310 = arith.cmpi slt, %add3A_308, %lt3A_309 : i32
      %convert_element_type3A_311 = arith.extui %lt3A_310 : i1 to i32
      %cond3A_312 = arith.constant 0 : i32
      %cond3A_313 = arith.cmpi ne, %convert_element_type3A_311, %cond3A_312 : i32
      scf.if %cond3A_313 {
        %dma_start3A_568 = arith.constant 1 : i32
        %dma_start3A_569 = arith.constant 0 : i32
        %dma_start3A_570 = arith.constant 0 : i32
        %dma_start3A_571 = tpu.memref_slice %arg11[%dma_start3A_569, %dma_start3A_570] : memref<128x128xf32, #tpu.memory_space<vmem>> -> memref<64x128xf32, #tpu.memory_space<vmem>>
        %dma_start3A_572 = arith.constant 0 : i32
        %dma_start3A_573 = tpu.memref_slice %arg9[%dma_start3A_568, %dma_start3A_572] : memref<8x128xi32, #tpu.memory_space<vmem>> -> memref<1x128xi32, #tpu.memory_space<vmem>>
        %dma_start3A_574 = tpu.memref_squeeze %dma_start3A_573 : memref<1x128xi32, #tpu.memory_space<vmem>> -> memref<128xi32, #tpu.memory_space<vmem>>
        %dma_start3A_575 = arith.constant 0 : i32
        %dma_start3A_576 = tpu.memref_slice %dma_start3A_574[%dma_start3A_575] : memref<128xi32, #tpu.memory_space<vmem>> -> memref<64xi32, #tpu.memory_space<vmem>>
        %dma_start3A_577 = arith.constant 0 : i32
        %dma_start3A_578 = arith.constant 0 : i32
        %dma_start3A_579 = tpu.memref_slice %arg2[%dma_start3A_577, %dma_start3A_578] : memref<10112x128xf32, #tpu.memory_space<hbm>> -> memref<10112x128xf32, #tpu.memory_space<hbm>>
        tpu.enqueue_indirect_dma source(%dma_start3A_579 : memref<10112x128xf32, #tpu.memory_space<hbm>>) target(%dma_start3A_571 : memref<64x128xf32, #tpu.memory_space<vmem>>) offsets(%dma_start3A_576 : memref<64xi32, #tpu.memory_space<vmem>>) semaphore(%arg14 : memref<!tpu.dma_semaphore, #tpu.memory_space<semaphore_mem>>)
        %dma_start3A_580 = arith.constant 1 : i32
        %dma_start3A_581 = arith.constant 64 : i32
        %dma_start3A_582 = arith.constant 0 : i32
        %dma_start3A_583 = tpu.memref_slice %arg11[%dma_start3A_581, %dma_start3A_582] : memref<128x128xf32, #tpu.memory_space<vmem>> -> memref<64x128xf32, #tpu.memory_space<vmem>>
        %dma_start3A_584 = arith.constant 0 : i32
        %dma_start3A_585 = tpu.memref_slice %arg9[%dma_start3A_580, %dma_start3A_584] : memref<8x128xi32, #tpu.memory_space<vmem>> -> memref<1x128xi32, #tpu.memory_space<vmem>>
        %dma_start3A_586 = tpu.memref_squeeze %dma_start3A_585 : memref<1x128xi32, #tpu.memory_space<vmem>> -> memref<128xi32, #tpu.memory_space<vmem>>
        %dma_start3A_587 = arith.constant 64 : i32
        %dma_start3A_588 = tpu.memref_slice %dma_start3A_586[%dma_start3A_587] : memref<128xi32, #tpu.memory_space<vmem>> -> memref<64xi32, #tpu.memory_space<vmem>>
        %dma_start3A_589 = arith.constant 0 : i32
        %dma_start3A_590 = arith.constant 0 : i32
        %dma_start3A_591 = tpu.memref_slice %arg2[%dma_start3A_589, %dma_start3A_590] : memref<10112x128xf32, #tpu.memory_space<hbm>> -> memref<10112x128xf32, #tpu.memory_space<hbm>>
        tpu.enqueue_indirect_dma source(%dma_start3A_591 : memref<10112x128xf32, #tpu.memory_space<hbm>>) target(%dma_start3A_583 : memref<64x128xf32, #tpu.memory_space<vmem>>) offsets(%dma_start3A_588 : memref<64xi32, #tpu.memory_space<vmem>>) semaphore(%arg14 : memref<!tpu.dma_semaphore, #tpu.memory_space<semaphore_mem>>)
      } else {
      }
      %add3A_314 = arith.constant 2 : i32
      %add3A_315 = arith.addi %add3A_77, %add3A_314 : i32
      %lt3A_316 = arith.constant 10 : i32
      %lt3A_317 = arith.cmpi slt, %add3A_315, %lt3A_316 : i32
      %convert_element_type3A_318 = arith.extui %lt3A_317 : i1 to i32
      %cond3A_319 = arith.constant 0 : i32
      %cond3A_320 = arith.cmpi ne, %convert_element_type3A_318, %cond3A_319 : i32
      scf.if %cond3A_320 {
        %add3A_568 = arith.constant 2 : i32
        %add3A_569 = arith.addi %add3A_77, %add3A_568 : i32
        %dma_start3A_570 = arith.constant 0 : i32
        %dma_start3A_571 = arith.constant 0 : i32
        %dma_start3A_572 = tpu.memref_slice %arg3[%add3A, %add3A_569, %dma_start3A_570, %dma_start3A_571] : memref<32x10x8x128xi32, #tpu.memory_space<hbm>> -> memref<1x1x8x128xi32, #tpu.memory_space<hbm>>
        %dma_start3A_573 = tpu.memref_squeeze %dma_start3A_572 : memref<1x1x8x128xi32, #tpu.memory_space<hbm>> -> memref<8x128xi32, #tpu.memory_space<hbm>>
        %dma_start3A_574 = arith.constant 0 : i32
        %dma_start3A_575 = arith.constant 0 : i32
        %dma_start3A_576 = tpu.memref_slice %arg3[%add3A, %add3A_569, %dma_start3A_574, %dma_start3A_575] : memref<32x10x8x128xi32, #tpu.memory_space<hbm>> -> memref<1x1x8x128xi32, #tpu.memory_space<hbm>>
        %dma_start3A_577 = tpu.memref_squeeze %dma_start3A_576 : memref<1x1x8x128xi32, #tpu.memory_space<hbm>> -> memref<8x128xi32, #tpu.memory_space<hbm>>
        tpu.enqueue_dma source(%dma_start3A_577 : memref<8x128xi32, #tpu.memory_space<hbm>>) target(%arg8 : memref<8x128xi32, #tpu.memory_space<vmem>>) target_semaphore(%arg15 : memref<!tpu.dma_semaphore, #tpu.memory_space<semaphore_mem>>)
      } else {
      }
      %add3A_321 = arith.constant 1 : i32
      %add3A_322 = arith.addi %add3A_75, %add3A_321 : i32
      %dma_wait3A_323 = arith.constant 0 : i32
      %dma_wait3A_324 = arith.constant 0 : i32
      %dma_wait3A_325 = tpu.memref_slice %arg2[%dma_wait3A_323, %dma_wait3A_324] : memref<10112x128xf32, #tpu.memory_space<hbm>> -> memref<128x128xf32, #tpu.memory_space<hbm>>
      %dma_wait3A_326 = arith.constant 0 : i32
      %dma_wait3A_327 = arith.constant 0 : i32
      %dma_wait3A_328 = tpu.memref_slice %arg2[%dma_wait3A_326, %dma_wait3A_327] : memref<10112x128xf32, #tpu.memory_space<hbm>> -> memref<128x128xf32, #tpu.memory_space<hbm>>
      tpu.wait_dma2 semaphore(%arg13 : memref<!tpu.dma_semaphore, #tpu.memory_space<semaphore_mem>>) src(%dma_wait3A_328 : memref<128x128xf32, #tpu.memory_space<hbm>>) dst(%arg10 : memref<128x128xf32, #tpu.memory_space<vmem>>)
      %mul3A_329 = arith.constant 8 : i32
      %mul3A_330 = arith.muli %add3A_322, %mul3A_329 : i32
      %add3A_331 = arith.constant 0 : i32
      %add3A_332 = arith.addi %mul3A_330, %add3A_331 : i32
      "tpu.region"() ({
        %run_scoped3A_568 = tpu.sem_alloc : memref<!tpu.dma_semaphore, #tpu.memory_space<semaphore_mem>>
        %dma_start3A_569 = arith.constant 0 : i32
        %dma_start3A_570 = tpu.memref_slice %arg7[%add3A_332, %dma_start3A_569] : memref<80x128xi32, #tpu.memory_space<vmem>> -> memref<1x128xi32, #tpu.memory_space<vmem>>
        %dma_start3A_571 = tpu.memref_squeeze %dma_start3A_570 : memref<1x128xi32, #tpu.memory_space<vmem>> -> memref<128xi32, #tpu.memory_space<vmem>>
        %dma_start3A_572 = arith.constant 0 : i32
        %dma_start3A_573 = arith.constant 0 : i32
        %dma_start3A_574 = tpu.memref_slice %arg12[%dma_start3A_572, %dma_start3A_573] : memref<10112x128xf32, #tpu.memory_space<vmem_shared>> -> memref<10112x128xf32, #tpu.memory_space<vmem_shared>>
        tpu.enqueue_indirect_dma source(%arg10 : memref<128x128xf32, #tpu.memory_space<vmem>>) target(%dma_start3A_574 : memref<10112x128xf32, #tpu.memory_space<vmem_shared>>) offsets(%dma_start3A_571 : memref<128xi32, #tpu.memory_space<vmem>>) semaphore(%run_scoped3A_568 : memref<!tpu.dma_semaphore, #tpu.memory_space<semaphore_mem>>) {add = true}
        %dma_wait3A_575 = arith.constant 0 : i32
        %dma_wait3A_576 = tpu.memref_slice %arg7[%add3A_332, %dma_wait3A_575] : memref<80x128xi32, #tpu.memory_space<vmem>> -> memref<1x128xi32, #tpu.memory_space<vmem>>
        %dma_wait3A_577 = tpu.memref_squeeze %dma_wait3A_576 : memref<1x128xi32, #tpu.memory_space<vmem>> -> memref<128xi32, #tpu.memory_space<vmem>>
        %dma_wait3A_578 = arith.constant 0 : i32
        %dma_wait3A_579 = arith.constant 0 : i32
        %dma_wait3A_580 = tpu.memref_slice %arg12[%dma_wait3A_578, %dma_wait3A_579] : memref<10112x128xf32, #tpu.memory_space<vmem_shared>> -> memref<10112x128xf32, #tpu.memory_space<vmem_shared>>
        tpu.wait_indirect_dma semaphore(%run_scoped3A_568 : memref<!tpu.dma_semaphore, #tpu.memory_space<semaphore_mem>>) src(%arg10 : memref<128x128xf32, #tpu.memory_space<vmem>>) dst(%dma_wait3A_580 : memref<10112x128xf32, #tpu.memory_space<vmem_shared>>)
        tpu.yield
      }) : () -> ()
      %dma_start3A_333 = arith.constant 2 : i32
      %dma_start3A_334 = arith.constant 0 : i32
      %dma_start3A_335 = arith.constant 0 : i32
      %dma_start3A_336 = tpu.memref_slice %arg10[%dma_start3A_334, %dma_start3A_335] : memref<128x128xf32, #tpu.memory_space<vmem>> -> memref<64x128xf32, #tpu.memory_space<vmem>>
      %dma_start3A_337 = arith.constant 0 : i32
      %dma_start3A_338 = tpu.memref_slice %arg9[%dma_start3A_333, %dma_start3A_337] : memref<8x128xi32, #tpu.memory_space<vmem>> -> memref<1x128xi32, #tpu.memory_space<vmem>>
      %dma_start3A_339 = tpu.memref_squeeze %dma_start3A_338 : memref<1x128xi32, #tpu.memory_space<vmem>> -> memref<128xi32, #tpu.memory_space<vmem>>
      %dma_start3A_340 = arith.constant 0 : i32
      %dma_start3A_341 = tpu.memref_slice %dma_start3A_339[%dma_start3A_340] : memref<128xi32, #tpu.memory_space<vmem>> -> memref<64xi32, #tpu.memory_space<vmem>>
      %dma_start3A_342 = arith.constant 0 : i32
      %dma_start3A_343 = arith.constant 0 : i32
      %dma_start3A_344 = tpu.memref_slice %arg2[%dma_start3A_342, %dma_start3A_343] : memref<10112x128xf32, #tpu.memory_space<hbm>> -> memref<10112x128xf32, #tpu.memory_space<hbm>>
      tpu.enqueue_indirect_dma source(%dma_start3A_344 : memref<10112x128xf32, #tpu.memory_space<hbm>>) target(%dma_start3A_336 : memref<64x128xf32, #tpu.memory_space<vmem>>) offsets(%dma_start3A_341 : memref<64xi32, #tpu.memory_space<vmem>>) semaphore(%arg13 : memref<!tpu.dma_semaphore, #tpu.memory_space<semaphore_mem>>)
      %dma_start3A_345 = arith.constant 2 : i32
      %dma_start3A_346 = arith.constant 64 : i32
      %dma_start3A_347 = arith.constant 0 : i32
      %dma_start3A_348 = tpu.memref_slice %arg10[%dma_start3A_346, %dma_start3A_347] : memref<128x128xf32, #tpu.memory_space<vmem>> -> memref<64x128xf32, #tpu.memory_space<vmem>>
      %dma_start3A_349 = arith.constant 0 : i32
      %dma_start3A_350 = tpu.memref_slice %arg9[%dma_start3A_345, %dma_start3A_349] : memref<8x128xi32, #tpu.memory_space<vmem>> -> memref<1x128xi32, #tpu.memory_space<vmem>>
      %dma_start3A_351 = tpu.memref_squeeze %dma_start3A_350 : memref<1x128xi32, #tpu.memory_space<vmem>> -> memref<128xi32, #tpu.memory_space<vmem>>
      %dma_start3A_352 = arith.constant 64 : i32
      %dma_start3A_353 = tpu.memref_slice %dma_start3A_351[%dma_start3A_352] : memref<128xi32, #tpu.memory_space<vmem>> -> memref<64xi32, #tpu.memory_space<vmem>>
      %dma_start3A_354 = arith.constant 0 : i32
      %dma_start3A_355 = arith.constant 0 : i32
      %dma_start3A_356 = tpu.memref_slice %arg2[%dma_start3A_354, %dma_start3A_355] : memref<10112x128xf32, #tpu.memory_space<hbm>> -> memref<10112x128xf32, #tpu.memory_space<hbm>>
      tpu.enqueue_indirect_dma source(%dma_start3A_356 : memref<10112x128xf32, #tpu.memory_space<hbm>>) target(%dma_start3A_348 : memref<64x128xf32, #tpu.memory_space<vmem>>) offsets(%dma_start3A_353 : memref<64xi32, #tpu.memory_space<vmem>>) semaphore(%arg13 : memref<!tpu.dma_semaphore, #tpu.memory_space<semaphore_mem>>)
      %dma_wait3A_357 = arith.constant 0 : i32
      %dma_wait3A_358 = arith.constant 0 : i32
      %dma_wait3A_359 = tpu.memref_slice %arg2[%dma_wait3A_357, %dma_wait3A_358] : memref<10112x128xf32, #tpu.memory_space<hbm>> -> memref<128x128xf32, #tpu.memory_space<hbm>>
      %dma_wait3A_360 = arith.constant 0 : i32
      %dma_wait3A_361 = arith.constant 0 : i32
      %dma_wait3A_362 = tpu.memref_slice %arg2[%dma_wait3A_360, %dma_wait3A_361] : memref<10112x128xf32, #tpu.memory_space<hbm>> -> memref<128x128xf32, #tpu.memory_space<hbm>>
      tpu.wait_dma2 semaphore(%arg14 : memref<!tpu.dma_semaphore, #tpu.memory_space<semaphore_mem>>) src(%dma_wait3A_362 : memref<128x128xf32, #tpu.memory_space<hbm>>) dst(%arg11 : memref<128x128xf32, #tpu.memory_space<vmem>>)
      %mul3A_363 = arith.constant 8 : i32
      %mul3A_364 = arith.muli %add3A_322, %mul3A_363 : i32
      %add3A_365 = arith.constant 1 : i32
      %add3A_366 = arith.addi %mul3A_364, %add3A_365 : i32
      "tpu.region"() ({
        %run_scoped3A_568 = tpu.sem_alloc : memref<!tpu.dma_semaphore, #tpu.memory_space<semaphore_mem>>
        %dma_start3A_569 = arith.constant 0 : i32
        %dma_start3A_570 = tpu.memref_slice %arg7[%add3A_366, %dma_start3A_569] : memref<80x128xi32, #tpu.memory_space<vmem>> -> memref<1x128xi32, #tpu.memory_space<vmem>>
        %dma_start3A_571 = tpu.memref_squeeze %dma_start3A_570 : memref<1x128xi32, #tpu.memory_space<vmem>> -> memref<128xi32, #tpu.memory_space<vmem>>
        %dma_start3A_572 = arith.constant 0 : i32
        %dma_start3A_573 = arith.constant 0 : i32
        %dma_start3A_574 = tpu.memref_slice %arg12[%dma_start3A_572, %dma_start3A_573] : memref<10112x128xf32, #tpu.memory_space<vmem_shared>> -> memref<10112x128xf32, #tpu.memory_space<vmem_shared>>
        tpu.enqueue_indirect_dma source(%arg11 : memref<128x128xf32, #tpu.memory_space<vmem>>) target(%dma_start3A_574 : memref<10112x128xf32, #tpu.memory_space<vmem_shared>>) offsets(%dma_start3A_571 : memref<128xi32, #tpu.memory_space<vmem>>) semaphore(%run_scoped3A_568 : memref<!tpu.dma_semaphore, #tpu.memory_space<semaphore_mem>>) {add = true}
        %dma_wait3A_575 = arith.constant 0 : i32
        %dma_wait3A_576 = tpu.memref_slice %arg7[%add3A_366, %dma_wait3A_575] : memref<80x128xi32, #tpu.memory_space<vmem>> -> memref<1x128xi32, #tpu.memory_space<vmem>>
        %dma_wait3A_577 = tpu.memref_squeeze %dma_wait3A_576 : memref<1x128xi32, #tpu.memory_space<vmem>> -> memref<128xi32, #tpu.memory_space<vmem>>
        %dma_wait3A_578 = arith.constant 0 : i32
        %dma_wait3A_579 = arith.constant 0 : i32
        %dma_wait3A_580 = tpu.memref_slice %arg12[%dma_wait3A_578, %dma_wait3A_579] : memref<10112x128xf32, #tpu.memory_space<vmem_shared>> -> memref<10112x128xf32, #tpu.memory_space<vmem_shared>>
        tpu.wait_indirect_dma semaphore(%run_scoped3A_568 : memref<!tpu.dma_semaphore, #tpu.memory_space<semaphore_mem>>) src(%arg11 : memref<128x128xf32, #tpu.memory_space<vmem>>) dst(%dma_wait3A_580 : memref<10112x128xf32, #tpu.memory_space<vmem_shared>>)
        tpu.yield
      }) : () -> ()
      %dma_start3A_367 = arith.constant 3 : i32
      %dma_start3A_368 = arith.constant 0 : i32
      %dma_start3A_369 = arith.constant 0 : i32
      %dma_start3A_370 = tpu.memref_slice %arg11[%dma_start3A_368, %dma_start3A_369] : memref<128x128xf32, #tpu.memory_space<vmem>> -> memref<64x128xf32, #tpu.memory_space<vmem>>
      %dma_start3A_371 = arith.constant 0 : i32
      %dma_start3A_372 = tpu.memref_slice %arg9[%dma_start3A_367, %dma_start3A_371] : memref<8x128xi32, #tpu.memory_space<vmem>> -> memref<1x128xi32, #tpu.memory_space<vmem>>
      %dma_start3A_373 = tpu.memref_squeeze %dma_start3A_372 : memref<1x128xi32, #tpu.memory_space<vmem>> -> memref<128xi32, #tpu.memory_space<vmem>>
      %dma_start3A_374 = arith.constant 0 : i32
      %dma_start3A_375 = tpu.memref_slice %dma_start3A_373[%dma_start3A_374] : memref<128xi32, #tpu.memory_space<vmem>> -> memref<64xi32, #tpu.memory_space<vmem>>
      %dma_start3A_376 = arith.constant 0 : i32
      %dma_start3A_377 = arith.constant 0 : i32
      %dma_start3A_378 = tpu.memref_slice %arg2[%dma_start3A_376, %dma_start3A_377] : memref<10112x128xf32, #tpu.memory_space<hbm>> -> memref<10112x128xf32, #tpu.memory_space<hbm>>
      tpu.enqueue_indirect_dma source(%dma_start3A_378 : memref<10112x128xf32, #tpu.memory_space<hbm>>) target(%dma_start3A_370 : memref<64x128xf32, #tpu.memory_space<vmem>>) offsets(%dma_start3A_375 : memref<64xi32, #tpu.memory_space<vmem>>) semaphore(%arg14 : memref<!tpu.dma_semaphore, #tpu.memory_space<semaphore_mem>>)
      %dma_start3A_379 = arith.constant 3 : i32
      %dma_start3A_380 = arith.constant 64 : i32
      %dma_start3A_381 = arith.constant 0 : i32
      %dma_start3A_382 = tpu.memref_slice %arg11[%dma_start3A_380, %dma_start3A_381] : memref<128x128xf32, #tpu.memory_space<vmem>> -> memref<64x128xf32, #tpu.memory_space<vmem>>
      %dma_start3A_383 = arith.constant 0 : i32
      %dma_start3A_384 = tpu.memref_slice %arg9[%dma_start3A_379, %dma_start3A_383] : memref<8x128xi32, #tpu.memory_space<vmem>> -> memref<1x128xi32, #tpu.memory_space<vmem>>
      %dma_start3A_385 = tpu.memref_squeeze %dma_start3A_384 : memref<1x128xi32, #tpu.memory_space<vmem>> -> memref<128xi32, #tpu.memory_space<vmem>>
      %dma_start3A_386 = arith.constant 64 : i32
      %dma_start3A_387 = tpu.memref_slice %dma_start3A_385[%dma_start3A_386] : memref<128xi32, #tpu.memory_space<vmem>> -> memref<64xi32, #tpu.memory_space<vmem>>
      %dma_start3A_388 = arith.constant 0 : i32
      %dma_start3A_389 = arith.constant 0 : i32
      %dma_start3A_390 = tpu.memref_slice %arg2[%dma_start3A_388, %dma_start3A_389] : memref<10112x128xf32, #tpu.memory_space<hbm>> -> memref<10112x128xf32, #tpu.memory_space<hbm>>
      tpu.enqueue_indirect_dma source(%dma_start3A_390 : memref<10112x128xf32, #tpu.memory_space<hbm>>) target(%dma_start3A_382 : memref<64x128xf32, #tpu.memory_space<vmem>>) offsets(%dma_start3A_387 : memref<64xi32, #tpu.memory_space<vmem>>) semaphore(%arg14 : memref<!tpu.dma_semaphore, #tpu.memory_space<semaphore_mem>>)
      %dma_wait3A_391 = arith.constant 0 : i32
      %dma_wait3A_392 = arith.constant 0 : i32
      %dma_wait3A_393 = tpu.memref_slice %arg2[%dma_wait3A_391, %dma_wait3A_392] : memref<10112x128xf32, #tpu.memory_space<hbm>> -> memref<128x128xf32, #tpu.memory_space<hbm>>
      %dma_wait3A_394 = arith.constant 0 : i32
      %dma_wait3A_395 = arith.constant 0 : i32
      %dma_wait3A_396 = tpu.memref_slice %arg2[%dma_wait3A_394, %dma_wait3A_395] : memref<10112x128xf32, #tpu.memory_space<hbm>> -> memref<128x128xf32, #tpu.memory_space<hbm>>
      tpu.wait_dma2 semaphore(%arg13 : memref<!tpu.dma_semaphore, #tpu.memory_space<semaphore_mem>>) src(%dma_wait3A_396 : memref<128x128xf32, #tpu.memory_space<hbm>>) dst(%arg10 : memref<128x128xf32, #tpu.memory_space<vmem>>)
      %mul3A_397 = arith.constant 8 : i32
      %mul3A_398 = arith.muli %add3A_322, %mul3A_397 : i32
      %add3A_399 = arith.constant 2 : i32
      %add3A_400 = arith.addi %mul3A_398, %add3A_399 : i32
      "tpu.region"() ({
        %run_scoped3A_568 = tpu.sem_alloc : memref<!tpu.dma_semaphore, #tpu.memory_space<semaphore_mem>>
        %dma_start3A_569 = arith.constant 0 : i32
        %dma_start3A_570 = tpu.memref_slice %arg7[%add3A_400, %dma_start3A_569] : memref<80x128xi32, #tpu.memory_space<vmem>> -> memref<1x128xi32, #tpu.memory_space<vmem>>
        %dma_start3A_571 = tpu.memref_squeeze %dma_start3A_570 : memref<1x128xi32, #tpu.memory_space<vmem>> -> memref<128xi32, #tpu.memory_space<vmem>>
        %dma_start3A_572 = arith.constant 0 : i32
        %dma_start3A_573 = arith.constant 0 : i32
        %dma_start3A_574 = tpu.memref_slice %arg12[%dma_start3A_572, %dma_start3A_573] : memref<10112x128xf32, #tpu.memory_space<vmem_shared>> -> memref<10112x128xf32, #tpu.memory_space<vmem_shared>>
        tpu.enqueue_indirect_dma source(%arg10 : memref<128x128xf32, #tpu.memory_space<vmem>>) target(%dma_start3A_574 : memref<10112x128xf32, #tpu.memory_space<vmem_shared>>) offsets(%dma_start3A_571 : memref<128xi32, #tpu.memory_space<vmem>>) semaphore(%run_scoped3A_568 : memref<!tpu.dma_semaphore, #tpu.memory_space<semaphore_mem>>) {add = true}
        %dma_wait3A_575 = arith.constant 0 : i32
        %dma_wait3A_576 = tpu.memref_slice %arg7[%add3A_400, %dma_wait3A_575] : memref<80x128xi32, #tpu.memory_space<vmem>> -> memref<1x128xi32, #tpu.memory_space<vmem>>
        %dma_wait3A_577 = tpu.memref_squeeze %dma_wait3A_576 : memref<1x128xi32, #tpu.memory_space<vmem>> -> memref<128xi32, #tpu.memory_space<vmem>>
        %dma_wait3A_578 = arith.constant 0 : i32
        %dma_wait3A_579 = arith.constant 0 : i32
        %dma_wait3A_580 = tpu.memref_slice %arg12[%dma_wait3A_578, %dma_wait3A_579] : memref<10112x128xf32, #tpu.memory_space<vmem_shared>> -> memref<10112x128xf32, #tpu.memory_space<vmem_shared>>
        tpu.wait_indirect_dma semaphore(%run_scoped3A_568 : memref<!tpu.dma_semaphore, #tpu.memory_space<semaphore_mem>>) src(%arg10 : memref<128x128xf32, #tpu.memory_space<vmem>>) dst(%dma_wait3A_580 : memref<10112x128xf32, #tpu.memory_space<vmem_shared>>)
        tpu.yield
      }) : () -> ()
      %dma_start3A_401 = arith.constant 4 : i32
      %dma_start3A_402 = arith.constant 0 : i32
      %dma_start3A_403 = arith.constant 0 : i32
      %dma_start3A_404 = tpu.memref_slice %arg10[%dma_start3A_402, %dma_start3A_403] : memref<128x128xf32, #tpu.memory_space<vmem>> -> memref<64x128xf32, #tpu.memory_space<vmem>>
      %dma_start3A_405 = arith.constant 0 : i32
      %dma_start3A_406 = tpu.memref_slice %arg9[%dma_start3A_401, %dma_start3A_405] : memref<8x128xi32, #tpu.memory_space<vmem>> -> memref<1x128xi32, #tpu.memory_space<vmem>>
      %dma_start3A_407 = tpu.memref_squeeze %dma_start3A_406 : memref<1x128xi32, #tpu.memory_space<vmem>> -> memref<128xi32, #tpu.memory_space<vmem>>
      %dma_start3A_408 = arith.constant 0 : i32
      %dma_start3A_409 = tpu.memref_slice %dma_start3A_407[%dma_start3A_408] : memref<128xi32, #tpu.memory_space<vmem>> -> memref<64xi32, #tpu.memory_space<vmem>>
      %dma_start3A_410 = arith.constant 0 : i32
      %dma_start3A_411 = arith.constant 0 : i32
      %dma_start3A_412 = tpu.memref_slice %arg2[%dma_start3A_410, %dma_start3A_411] : memref<10112x128xf32, #tpu.memory_space<hbm>> -> memref<10112x128xf32, #tpu.memory_space<hbm>>
      tpu.enqueue_indirect_dma source(%dma_start3A_412 : memref<10112x128xf32, #tpu.memory_space<hbm>>) target(%dma_start3A_404 : memref<64x128xf32, #tpu.memory_space<vmem>>) offsets(%dma_start3A_409 : memref<64xi32, #tpu.memory_space<vmem>>) semaphore(%arg13 : memref<!tpu.dma_semaphore, #tpu.memory_space<semaphore_mem>>)
      %dma_start3A_413 = arith.constant 4 : i32
      %dma_start3A_414 = arith.constant 64 : i32
      %dma_start3A_415 = arith.constant 0 : i32
      %dma_start3A_416 = tpu.memref_slice %arg10[%dma_start3A_414, %dma_start3A_415] : memref<128x128xf32, #tpu.memory_space<vmem>> -> memref<64x128xf32, #tpu.memory_space<vmem>>
      %dma_start3A_417 = arith.constant 0 : i32
      %dma_start3A_418 = tpu.memref_slice %arg9[%dma_start3A_413, %dma_start3A_417] : memref<8x128xi32, #tpu.memory_space<vmem>> -> memref<1x128xi32, #tpu.memory_space<vmem>>
      %dma_start3A_419 = tpu.memref_squeeze %dma_start3A_418 : memref<1x128xi32, #tpu.memory_space<vmem>> -> memref<128xi32, #tpu.memory_space<vmem>>
      %dma_start3A_420 = arith.constant 64 : i32
      %dma_start3A_421 = tpu.memref_slice %dma_start3A_419[%dma_start3A_420] : memref<128xi32, #tpu.memory_space<vmem>> -> memref<64xi32, #tpu.memory_space<vmem>>
      %dma_start3A_422 = arith.constant 0 : i32
      %dma_start3A_423 = arith.constant 0 : i32
      %dma_start3A_424 = tpu.memref_slice %arg2[%dma_start3A_422, %dma_start3A_423] : memref<10112x128xf32, #tpu.memory_space<hbm>> -> memref<10112x128xf32, #tpu.memory_space<hbm>>
      tpu.enqueue_indirect_dma source(%dma_start3A_424 : memref<10112x128xf32, #tpu.memory_space<hbm>>) target(%dma_start3A_416 : memref<64x128xf32, #tpu.memory_space<vmem>>) offsets(%dma_start3A_421 : memref<64xi32, #tpu.memory_space<vmem>>) semaphore(%arg13 : memref<!tpu.dma_semaphore, #tpu.memory_space<semaphore_mem>>)
      %dma_wait3A_425 = arith.constant 0 : i32
      %dma_wait3A_426 = arith.constant 0 : i32
      %dma_wait3A_427 = tpu.memref_slice %arg2[%dma_wait3A_425, %dma_wait3A_426] : memref<10112x128xf32, #tpu.memory_space<hbm>> -> memref<128x128xf32, #tpu.memory_space<hbm>>
      %dma_wait3A_428 = arith.constant 0 : i32
      %dma_wait3A_429 = arith.constant 0 : i32
      %dma_wait3A_430 = tpu.memref_slice %arg2[%dma_wait3A_428, %dma_wait3A_429] : memref<10112x128xf32, #tpu.memory_space<hbm>> -> memref<128x128xf32, #tpu.memory_space<hbm>>
      tpu.wait_dma2 semaphore(%arg14 : memref<!tpu.dma_semaphore, #tpu.memory_space<semaphore_mem>>) src(%dma_wait3A_430 : memref<128x128xf32, #tpu.memory_space<hbm>>) dst(%arg11 : memref<128x128xf32, #tpu.memory_space<vmem>>)
      %mul3A_431 = arith.constant 8 : i32
      %mul3A_432 = arith.muli %add3A_322, %mul3A_431 : i32
      %add3A_433 = arith.constant 3 : i32
      %add3A_434 = arith.addi %mul3A_432, %add3A_433 : i32
      "tpu.region"() ({
        %run_scoped3A_568 = tpu.sem_alloc : memref<!tpu.dma_semaphore, #tpu.memory_space<semaphore_mem>>
        %dma_start3A_569 = arith.constant 0 : i32
        %dma_start3A_570 = tpu.memref_slice %arg7[%add3A_434, %dma_start3A_569] : memref<80x128xi32, #tpu.memory_space<vmem>> -> memref<1x128xi32, #tpu.memory_space<vmem>>
        %dma_start3A_571 = tpu.memref_squeeze %dma_start3A_570 : memref<1x128xi32, #tpu.memory_space<vmem>> -> memref<128xi32, #tpu.memory_space<vmem>>
        %dma_start3A_572 = arith.constant 0 : i32
        %dma_start3A_573 = arith.constant 0 : i32
        %dma_start3A_574 = tpu.memref_slice %arg12[%dma_start3A_572, %dma_start3A_573] : memref<10112x128xf32, #tpu.memory_space<vmem_shared>> -> memref<10112x128xf32, #tpu.memory_space<vmem_shared>>
        tpu.enqueue_indirect_dma source(%arg11 : memref<128x128xf32, #tpu.memory_space<vmem>>) target(%dma_start3A_574 : memref<10112x128xf32, #tpu.memory_space<vmem_shared>>) offsets(%dma_start3A_571 : memref<128xi32, #tpu.memory_space<vmem>>) semaphore(%run_scoped3A_568 : memref<!tpu.dma_semaphore, #tpu.memory_space<semaphore_mem>>) {add = true}
        %dma_wait3A_575 = arith.constant 0 : i32
        %dma_wait3A_576 = tpu.memref_slice %arg7[%add3A_434, %dma_wait3A_575] : memref<80x128xi32, #tpu.memory_space<vmem>> -> memref<1x128xi32, #tpu.memory_space<vmem>>
        %dma_wait3A_577 = tpu.memref_squeeze %dma_wait3A_576 : memref<1x128xi32, #tpu.memory_space<vmem>> -> memref<128xi32, #tpu.memory_space<vmem>>
        %dma_wait3A_578 = arith.constant 0 : i32
        %dma_wait3A_579 = arith.constant 0 : i32
        %dma_wait3A_580 = tpu.memref_slice %arg12[%dma_wait3A_578, %dma_wait3A_579] : memref<10112x128xf32, #tpu.memory_space<vmem_shared>> -> memref<10112x128xf32, #tpu.memory_space<vmem_shared>>
        tpu.wait_indirect_dma semaphore(%run_scoped3A_568 : memref<!tpu.dma_semaphore, #tpu.memory_space<semaphore_mem>>) src(%arg11 : memref<128x128xf32, #tpu.memory_space<vmem>>) dst(%dma_wait3A_580 : memref<10112x128xf32, #tpu.memory_space<vmem_shared>>)
        tpu.yield
      }) : () -> ()
      %dma_start3A_435 = arith.constant 5 : i32
      %dma_start3A_436 = arith.constant 0 : i32
      %dma_start3A_437 = arith.constant 0 : i32
      %dma_start3A_438 = tpu.memref_slice %arg11[%dma_start3A_436, %dma_start3A_437] : memref<128x128xf32, #tpu.memory_space<vmem>> -> memref<64x128xf32, #tpu.memory_space<vmem>>
      %dma_start3A_439 = arith.constant 0 : i32
      %dma_start3A_440 = tpu.memref_slice %arg9[%dma_start3A_435, %dma_start3A_439] : memref<8x128xi32, #tpu.memory_space<vmem>> -> memref<1x128xi32, #tpu.memory_space<vmem>>
      %dma_start3A_441 = tpu.memref_squeeze %dma_start3A_440 : memref<1x128xi32, #tpu.memory_space<vmem>> -> memref<128xi32, #tpu.memory_space<vmem>>
      %dma_start3A_442 = arith.constant 0 : i32
      %dma_start3A_443 = tpu.memref_slice %dma_start3A_441[%dma_start3A_442] : memref<128xi32, #tpu.memory_space<vmem>> -> memref<64xi32, #tpu.memory_space<vmem>>
      %dma_start3A_444 = arith.constant 0 : i32
      %dma_start3A_445 = arith.constant 0 : i32
      %dma_start3A_446 = tpu.memref_slice %arg2[%dma_start3A_444, %dma_start3A_445] : memref<10112x128xf32, #tpu.memory_space<hbm>> -> memref<10112x128xf32, #tpu.memory_space<hbm>>
      tpu.enqueue_indirect_dma source(%dma_start3A_446 : memref<10112x128xf32, #tpu.memory_space<hbm>>) target(%dma_start3A_438 : memref<64x128xf32, #tpu.memory_space<vmem>>) offsets(%dma_start3A_443 : memref<64xi32, #tpu.memory_space<vmem>>) semaphore(%arg14 : memref<!tpu.dma_semaphore, #tpu.memory_space<semaphore_mem>>)
      %dma_start3A_447 = arith.constant 5 : i32
      %dma_start3A_448 = arith.constant 64 : i32
      %dma_start3A_449 = arith.constant 0 : i32
      %dma_start3A_450 = tpu.memref_slice %arg11[%dma_start3A_448, %dma_start3A_449] : memref<128x128xf32, #tpu.memory_space<vmem>> -> memref<64x128xf32, #tpu.memory_space<vmem>>
      %dma_start3A_451 = arith.constant 0 : i32
      %dma_start3A_452 = tpu.memref_slice %arg9[%dma_start3A_447, %dma_start3A_451] : memref<8x128xi32, #tpu.memory_space<vmem>> -> memref<1x128xi32, #tpu.memory_space<vmem>>
      %dma_start3A_453 = tpu.memref_squeeze %dma_start3A_452 : memref<1x128xi32, #tpu.memory_space<vmem>> -> memref<128xi32, #tpu.memory_space<vmem>>
      %dma_start3A_454 = arith.constant 64 : i32
      %dma_start3A_455 = tpu.memref_slice %dma_start3A_453[%dma_start3A_454] : memref<128xi32, #tpu.memory_space<vmem>> -> memref<64xi32, #tpu.memory_space<vmem>>
      %dma_start3A_456 = arith.constant 0 : i32
      %dma_start3A_457 = arith.constant 0 : i32
      %dma_start3A_458 = tpu.memref_slice %arg2[%dma_start3A_456, %dma_start3A_457] : memref<10112x128xf32, #tpu.memory_space<hbm>> -> memref<10112x128xf32, #tpu.memory_space<hbm>>
      tpu.enqueue_indirect_dma source(%dma_start3A_458 : memref<10112x128xf32, #tpu.memory_space<hbm>>) target(%dma_start3A_450 : memref<64x128xf32, #tpu.memory_space<vmem>>) offsets(%dma_start3A_455 : memref<64xi32, #tpu.memory_space<vmem>>) semaphore(%arg14 : memref<!tpu.dma_semaphore, #tpu.memory_space<semaphore_mem>>)
      %dma_wait3A_459 = arith.constant 0 : i32
      %dma_wait3A_460 = arith.constant 0 : i32
      %dma_wait3A_461 = tpu.memref_slice %arg2[%dma_wait3A_459, %dma_wait3A_460] : memref<10112x128xf32, #tpu.memory_space<hbm>> -> memref<128x128xf32, #tpu.memory_space<hbm>>
      %dma_wait3A_462 = arith.constant 0 : i32
      %dma_wait3A_463 = arith.constant 0 : i32
      %dma_wait3A_464 = tpu.memref_slice %arg2[%dma_wait3A_462, %dma_wait3A_463] : memref<10112x128xf32, #tpu.memory_space<hbm>> -> memref<128x128xf32, #tpu.memory_space<hbm>>
      tpu.wait_dma2 semaphore(%arg13 : memref<!tpu.dma_semaphore, #tpu.memory_space<semaphore_mem>>) src(%dma_wait3A_464 : memref<128x128xf32, #tpu.memory_space<hbm>>) dst(%arg10 : memref<128x128xf32, #tpu.memory_space<vmem>>)
      %mul3A_465 = arith.constant 8 : i32
      %mul3A_466 = arith.muli %add3A_322, %mul3A_465 : i32
      %add3A_467 = arith.constant 4 : i32
      %add3A_468 = arith.addi %mul3A_466, %add3A_467 : i32
      "tpu.region"() ({
        %run_scoped3A_568 = tpu.sem_alloc : memref<!tpu.dma_semaphore, #tpu.memory_space<semaphore_mem>>
        %dma_start3A_569 = arith.constant 0 : i32
        %dma_start3A_570 = tpu.memref_slice %arg7[%add3A_468, %dma_start3A_569] : memref<80x128xi32, #tpu.memory_space<vmem>> -> memref<1x128xi32, #tpu.memory_space<vmem>>
        %dma_start3A_571 = tpu.memref_squeeze %dma_start3A_570 : memref<1x128xi32, #tpu.memory_space<vmem>> -> memref<128xi32, #tpu.memory_space<vmem>>
        %dma_start3A_572 = arith.constant 0 : i32
        %dma_start3A_573 = arith.constant 0 : i32
        %dma_start3A_574 = tpu.memref_slice %arg12[%dma_start3A_572, %dma_start3A_573] : memref<10112x128xf32, #tpu.memory_space<vmem_shared>> -> memref<10112x128xf32, #tpu.memory_space<vmem_shared>>
        tpu.enqueue_indirect_dma source(%arg10 : memref<128x128xf32, #tpu.memory_space<vmem>>) target(%dma_start3A_574 : memref<10112x128xf32, #tpu.memory_space<vmem_shared>>) offsets(%dma_start3A_571 : memref<128xi32, #tpu.memory_space<vmem>>) semaphore(%run_scoped3A_568 : memref<!tpu.dma_semaphore, #tpu.memory_space<semaphore_mem>>) {add = true}
        %dma_wait3A_575 = arith.constant 0 : i32
        %dma_wait3A_576 = tpu.memref_slice %arg7[%add3A_468, %dma_wait3A_575] : memref<80x128xi32, #tpu.memory_space<vmem>> -> memref<1x128xi32, #tpu.memory_space<vmem>>
        %dma_wait3A_577 = tpu.memref_squeeze %dma_wait3A_576 : memref<1x128xi32, #tpu.memory_space<vmem>> -> memref<128xi32, #tpu.memory_space<vmem>>
        %dma_wait3A_578 = arith.constant 0 : i32
        %dma_wait3A_579 = arith.constant 0 : i32
        %dma_wait3A_580 = tpu.memref_slice %arg12[%dma_wait3A_578, %dma_wait3A_579] : memref<10112x128xf32, #tpu.memory_space<vmem_shared>> -> memref<10112x128xf32, #tpu.memory_space<vmem_shared>>
        tpu.wait_indirect_dma semaphore(%run_scoped3A_568 : memref<!tpu.dma_semaphore, #tpu.memory_space<semaphore_mem>>) src(%arg10 : memref<128x128xf32, #tpu.memory_space<vmem>>) dst(%dma_wait3A_580 : memref<10112x128xf32, #tpu.memory_space<vmem_shared>>)
        tpu.yield
      }) : () -> ()
      %dma_start3A_469 = arith.constant 6 : i32
      %dma_start3A_470 = arith.constant 0 : i32
      %dma_start3A_471 = arith.constant 0 : i32
      %dma_start3A_472 = tpu.memref_slice %arg10[%dma_start3A_470, %dma_start3A_471] : memref<128x128xf32, #tpu.memory_space<vmem>> -> memref<64x128xf32, #tpu.memory_space<vmem>>
      %dma_start3A_473 = arith.constant 0 : i32
      %dma_start3A_474 = tpu.memref_slice %arg9[%dma_start3A_469, %dma_start3A_473] : memref<8x128xi32, #tpu.memory_space<vmem>> -> memref<1x128xi32, #tpu.memory_space<vmem>>
      %dma_start3A_475 = tpu.memref_squeeze %dma_start3A_474 : memref<1x128xi32, #tpu.memory_space<vmem>> -> memref<128xi32, #tpu.memory_space<vmem>>
      %dma_start3A_476 = arith.constant 0 : i32
      %dma_start3A_477 = tpu.memref_slice %dma_start3A_475[%dma_start3A_476] : memref<128xi32, #tpu.memory_space<vmem>> -> memref<64xi32, #tpu.memory_space<vmem>>
      %dma_start3A_478 = arith.constant 0 : i32
      %dma_start3A_479 = arith.constant 0 : i32
      %dma_start3A_480 = tpu.memref_slice %arg2[%dma_start3A_478, %dma_start3A_479] : memref<10112x128xf32, #tpu.memory_space<hbm>> -> memref<10112x128xf32, #tpu.memory_space<hbm>>
      tpu.enqueue_indirect_dma source(%dma_start3A_480 : memref<10112x128xf32, #tpu.memory_space<hbm>>) target(%dma_start3A_472 : memref<64x128xf32, #tpu.memory_space<vmem>>) offsets(%dma_start3A_477 : memref<64xi32, #tpu.memory_space<vmem>>) semaphore(%arg13 : memref<!tpu.dma_semaphore, #tpu.memory_space<semaphore_mem>>)
      %dma_start3A_481 = arith.constant 6 : i32
      %dma_start3A_482 = arith.constant 64 : i32
      %dma_start3A_483 = arith.constant 0 : i32
      %dma_start3A_484 = tpu.memref_slice %arg10[%dma_start3A_482, %dma_start3A_483] : memref<128x128xf32, #tpu.memory_space<vmem>> -> memref<64x128xf32, #tpu.memory_space<vmem>>
      %dma_start3A_485 = arith.constant 0 : i32
      %dma_start3A_486 = tpu.memref_slice %arg9[%dma_start3A_481, %dma_start3A_485] : memref<8x128xi32, #tpu.memory_space<vmem>> -> memref<1x128xi32, #tpu.memory_space<vmem>>
      %dma_start3A_487 = tpu.memref_squeeze %dma_start3A_486 : memref<1x128xi32, #tpu.memory_space<vmem>> -> memref<128xi32, #tpu.memory_space<vmem>>
      %dma_start3A_488 = arith.constant 64 : i32
      %dma_start3A_489 = tpu.memref_slice %dma_start3A_487[%dma_start3A_488] : memref<128xi32, #tpu.memory_space<vmem>> -> memref<64xi32, #tpu.memory_space<vmem>>
      %dma_start3A_490 = arith.constant 0 : i32
      %dma_start3A_491 = arith.constant 0 : i32
      %dma_start3A_492 = tpu.memref_slice %arg2[%dma_start3A_490, %dma_start3A_491] : memref<10112x128xf32, #tpu.memory_space<hbm>> -> memref<10112x128xf32, #tpu.memory_space<hbm>>
      tpu.enqueue_indirect_dma source(%dma_start3A_492 : memref<10112x128xf32, #tpu.memory_space<hbm>>) target(%dma_start3A_484 : memref<64x128xf32, #tpu.memory_space<vmem>>) offsets(%dma_start3A_489 : memref<64xi32, #tpu.memory_space<vmem>>) semaphore(%arg13 : memref<!tpu.dma_semaphore, #tpu.memory_space<semaphore_mem>>)
      %dma_wait3A_493 = arith.constant 0 : i32
      %dma_wait3A_494 = arith.constant 0 : i32
      %dma_wait3A_495 = tpu.memref_slice %arg2[%dma_wait3A_493, %dma_wait3A_494] : memref<10112x128xf32, #tpu.memory_space<hbm>> -> memref<128x128xf32, #tpu.memory_space<hbm>>
      %dma_wait3A_496 = arith.constant 0 : i32
      %dma_wait3A_497 = arith.constant 0 : i32
      %dma_wait3A_498 = tpu.memref_slice %arg2[%dma_wait3A_496, %dma_wait3A_497] : memref<10112x128xf32, #tpu.memory_space<hbm>> -> memref<128x128xf32, #tpu.memory_space<hbm>>
      tpu.wait_dma2 semaphore(%arg14 : memref<!tpu.dma_semaphore, #tpu.memory_space<semaphore_mem>>) src(%dma_wait3A_498 : memref<128x128xf32, #tpu.memory_space<hbm>>) dst(%arg11 : memref<128x128xf32, #tpu.memory_space<vmem>>)
      %mul3A_499 = arith.constant 8 : i32
      %mul3A_500 = arith.muli %add3A_322, %mul3A_499 : i32
      %add3A_501 = arith.constant 5 : i32
      %add3A_502 = arith.addi %mul3A_500, %add3A_501 : i32
      "tpu.region"() ({
        %run_scoped3A_568 = tpu.sem_alloc : memref<!tpu.dma_semaphore, #tpu.memory_space<semaphore_mem>>
        %dma_start3A_569 = arith.constant 0 : i32
        %dma_start3A_570 = tpu.memref_slice %arg7[%add3A_502, %dma_start3A_569] : memref<80x128xi32, #tpu.memory_space<vmem>> -> memref<1x128xi32, #tpu.memory_space<vmem>>
        %dma_start3A_571 = tpu.memref_squeeze %dma_start3A_570 : memref<1x128xi32, #tpu.memory_space<vmem>> -> memref<128xi32, #tpu.memory_space<vmem>>
        %dma_start3A_572 = arith.constant 0 : i32
        %dma_start3A_573 = arith.constant 0 : i32
        %dma_start3A_574 = tpu.memref_slice %arg12[%dma_start3A_572, %dma_start3A_573] : memref<10112x128xf32, #tpu.memory_space<vmem_shared>> -> memref<10112x128xf32, #tpu.memory_space<vmem_shared>>
        tpu.enqueue_indirect_dma source(%arg11 : memref<128x128xf32, #tpu.memory_space<vmem>>) target(%dma_start3A_574 : memref<10112x128xf32, #tpu.memory_space<vmem_shared>>) offsets(%dma_start3A_571 : memref<128xi32, #tpu.memory_space<vmem>>) semaphore(%run_scoped3A_568 : memref<!tpu.dma_semaphore, #tpu.memory_space<semaphore_mem>>) {add = true}
        %dma_wait3A_575 = arith.constant 0 : i32
        %dma_wait3A_576 = tpu.memref_slice %arg7[%add3A_502, %dma_wait3A_575] : memref<80x128xi32, #tpu.memory_space<vmem>> -> memref<1x128xi32, #tpu.memory_space<vmem>>
        %dma_wait3A_577 = tpu.memref_squeeze %dma_wait3A_576 : memref<1x128xi32, #tpu.memory_space<vmem>> -> memref<128xi32, #tpu.memory_space<vmem>>
        %dma_wait3A_578 = arith.constant 0 : i32
        %dma_wait3A_579 = arith.constant 0 : i32
        %dma_wait3A_580 = tpu.memref_slice %arg12[%dma_wait3A_578, %dma_wait3A_579] : memref<10112x128xf32, #tpu.memory_space<vmem_shared>> -> memref<10112x128xf32, #tpu.memory_space<vmem_shared>>
        tpu.wait_indirect_dma semaphore(%run_scoped3A_568 : memref<!tpu.dma_semaphore, #tpu.memory_space<semaphore_mem>>) src(%arg11 : memref<128x128xf32, #tpu.memory_space<vmem>>) dst(%dma_wait3A_580 : memref<10112x128xf32, #tpu.memory_space<vmem_shared>>)
        tpu.yield
      }) : () -> ()
      %dma_start3A_503 = arith.constant 7 : i32
      %dma_start3A_504 = arith.constant 0 : i32
      %dma_start3A_505 = arith.constant 0 : i32
      %dma_start3A_506 = tpu.memref_slice %arg11[%dma_start3A_504, %dma_start3A_505] : memref<128x128xf32, #tpu.memory_space<vmem>> -> memref<64x128xf32, #tpu.memory_space<vmem>>
      %dma_start3A_507 = arith.constant 0 : i32
      %dma_start3A_508 = tpu.memref_slice %arg9[%dma_start3A_503, %dma_start3A_507] : memref<8x128xi32, #tpu.memory_space<vmem>> -> memref<1x128xi32, #tpu.memory_space<vmem>>
      %dma_start3A_509 = tpu.memref_squeeze %dma_start3A_508 : memref<1x128xi32, #tpu.memory_space<vmem>> -> memref<128xi32, #tpu.memory_space<vmem>>
      %dma_start3A_510 = arith.constant 0 : i32
      %dma_start3A_511 = tpu.memref_slice %dma_start3A_509[%dma_start3A_510] : memref<128xi32, #tpu.memory_space<vmem>> -> memref<64xi32, #tpu.memory_space<vmem>>
      %dma_start3A_512 = arith.constant 0 : i32
      %dma_start3A_513 = arith.constant 0 : i32
      %dma_start3A_514 = tpu.memref_slice %arg2[%dma_start3A_512, %dma_start3A_513] : memref<10112x128xf32, #tpu.memory_space<hbm>> -> memref<10112x128xf32, #tpu.memory_space<hbm>>
      tpu.enqueue_indirect_dma source(%dma_start3A_514 : memref<10112x128xf32, #tpu.memory_space<hbm>>) target(%dma_start3A_506 : memref<64x128xf32, #tpu.memory_space<vmem>>) offsets(%dma_start3A_511 : memref<64xi32, #tpu.memory_space<vmem>>) semaphore(%arg14 : memref<!tpu.dma_semaphore, #tpu.memory_space<semaphore_mem>>)
      %dma_start3A_515 = arith.constant 7 : i32
      %dma_start3A_516 = arith.constant 64 : i32
      %dma_start3A_517 = arith.constant 0 : i32
      %dma_start3A_518 = tpu.memref_slice %arg11[%dma_start3A_516, %dma_start3A_517] : memref<128x128xf32, #tpu.memory_space<vmem>> -> memref<64x128xf32, #tpu.memory_space<vmem>>
      %dma_start3A_519 = arith.constant 0 : i32
      %dma_start3A_520 = tpu.memref_slice %arg9[%dma_start3A_515, %dma_start3A_519] : memref<8x128xi32, #tpu.memory_space<vmem>> -> memref<1x128xi32, #tpu.memory_space<vmem>>
      %dma_start3A_521 = tpu.memref_squeeze %dma_start3A_520 : memref<1x128xi32, #tpu.memory_space<vmem>> -> memref<128xi32, #tpu.memory_space<vmem>>
      %dma_start3A_522 = arith.constant 64 : i32
      %dma_start3A_523 = tpu.memref_slice %dma_start3A_521[%dma_start3A_522] : memref<128xi32, #tpu.memory_space<vmem>> -> memref<64xi32, #tpu.memory_space<vmem>>
      %dma_start3A_524 = arith.constant 0 : i32
      %dma_start3A_525 = arith.constant 0 : i32
      %dma_start3A_526 = tpu.memref_slice %arg2[%dma_start3A_524, %dma_start3A_525] : memref<10112x128xf32, #tpu.memory_space<hbm>> -> memref<10112x128xf32, #tpu.memory_space<hbm>>
      tpu.enqueue_indirect_dma source(%dma_start3A_526 : memref<10112x128xf32, #tpu.memory_space<hbm>>) target(%dma_start3A_518 : memref<64x128xf32, #tpu.memory_space<vmem>>) offsets(%dma_start3A_523 : memref<64xi32, #tpu.memory_space<vmem>>) semaphore(%arg14 : memref<!tpu.dma_semaphore, #tpu.memory_space<semaphore_mem>>)
      %dma_wait3A_527 = arith.constant 0 : i32
      %dma_wait3A_528 = arith.constant 0 : i32
      %dma_wait3A_529 = tpu.memref_slice %arg2[%dma_wait3A_527, %dma_wait3A_528] : memref<10112x128xf32, #tpu.memory_space<hbm>> -> memref<128x128xf32, #tpu.memory_space<hbm>>
      %dma_wait3A_530 = arith.constant 0 : i32
      %dma_wait3A_531 = arith.constant 0 : i32
      %dma_wait3A_532 = tpu.memref_slice %arg2[%dma_wait3A_530, %dma_wait3A_531] : memref<10112x128xf32, #tpu.memory_space<hbm>> -> memref<128x128xf32, #tpu.memory_space<hbm>>
      tpu.wait_dma2 semaphore(%arg13 : memref<!tpu.dma_semaphore, #tpu.memory_space<semaphore_mem>>) src(%dma_wait3A_532 : memref<128x128xf32, #tpu.memory_space<hbm>>) dst(%arg10 : memref<128x128xf32, #tpu.memory_space<vmem>>)
      %mul3A_533 = arith.constant 8 : i32
      %mul3A_534 = arith.muli %add3A_322, %mul3A_533 : i32
      %add3A_535 = arith.constant 6 : i32
      %add3A_536 = arith.addi %mul3A_534, %add3A_535 : i32
      "tpu.region"() ({
        %run_scoped3A_568 = tpu.sem_alloc : memref<!tpu.dma_semaphore, #tpu.memory_space<semaphore_mem>>
        %dma_start3A_569 = arith.constant 0 : i32
        %dma_start3A_570 = tpu.memref_slice %arg7[%add3A_536, %dma_start3A_569] : memref<80x128xi32, #tpu.memory_space<vmem>> -> memref<1x128xi32, #tpu.memory_space<vmem>>
        %dma_start3A_571 = tpu.memref_squeeze %dma_start3A_570 : memref<1x128xi32, #tpu.memory_space<vmem>> -> memref<128xi32, #tpu.memory_space<vmem>>
        %dma_start3A_572 = arith.constant 0 : i32
        %dma_start3A_573 = arith.constant 0 : i32
        %dma_start3A_574 = tpu.memref_slice %arg12[%dma_start3A_572, %dma_start3A_573] : memref<10112x128xf32, #tpu.memory_space<vmem_shared>> -> memref<10112x128xf32, #tpu.memory_space<vmem_shared>>
        tpu.enqueue_indirect_dma source(%arg10 : memref<128x128xf32, #tpu.memory_space<vmem>>) target(%dma_start3A_574 : memref<10112x128xf32, #tpu.memory_space<vmem_shared>>) offsets(%dma_start3A_571 : memref<128xi32, #tpu.memory_space<vmem>>) semaphore(%run_scoped3A_568 : memref<!tpu.dma_semaphore, #tpu.memory_space<semaphore_mem>>) {add = true}
        %dma_wait3A_575 = arith.constant 0 : i32
        %dma_wait3A_576 = tpu.memref_slice %arg7[%add3A_536, %dma_wait3A_575] : memref<80x128xi32, #tpu.memory_space<vmem>> -> memref<1x128xi32, #tpu.memory_space<vmem>>
        %dma_wait3A_577 = tpu.memref_squeeze %dma_wait3A_576 : memref<1x128xi32, #tpu.memory_space<vmem>> -> memref<128xi32, #tpu.memory_space<vmem>>
        %dma_wait3A_578 = arith.constant 0 : i32
        %dma_wait3A_579 = arith.constant 0 : i32
        %dma_wait3A_580 = tpu.memref_slice %arg12[%dma_wait3A_578, %dma_wait3A_579] : memref<10112x128xf32, #tpu.memory_space<vmem_shared>> -> memref<10112x128xf32, #tpu.memory_space<vmem_shared>>
        tpu.wait_indirect_dma semaphore(%run_scoped3A_568 : memref<!tpu.dma_semaphore, #tpu.memory_space<semaphore_mem>>) src(%arg10 : memref<128x128xf32, #tpu.memory_space<vmem>>) dst(%dma_wait3A_580 : memref<10112x128xf32, #tpu.memory_space<vmem_shared>>)
        tpu.yield
      }) : () -> ()
      %add3A_537 = arith.constant 1 : i32
      %add3A_538 = arith.addi %add3A_322, %add3A_537 : i32
      %lt3A_539 = arith.constant 10 : i32
      %lt3A_540 = arith.cmpi slt, %add3A_538, %lt3A_539 : i32
      %convert_element_type3A_541 = arith.extui %lt3A_540 : i1 to i32
      %cond3A_542 = arith.constant 0 : i32
      %cond3A_543 = arith.cmpi ne, %convert_element_type3A_541, %cond3A_542 : i32
      scf.if %cond3A_543 {
        %dma_wait3A_568 = arith.constant 0 : i32
        %dma_wait3A_569 = arith.constant 0 : i32
        %dma_wait3A_570 = arith.constant 0 : i32
        %dma_wait3A_571 = arith.constant 0 : i32
        %dma_wait3A_572 = tpu.memref_slice %arg3[%dma_wait3A_568, %dma_wait3A_569, %dma_wait3A_570, %dma_wait3A_571] : memref<32x10x8x128xi32, #tpu.memory_space<hbm>> -> memref<1x1x8x128xi32, #tpu.memory_space<hbm>>
        %dma_wait3A_573 = tpu.memref_squeeze %dma_wait3A_572 : memref<1x1x8x128xi32, #tpu.memory_space<hbm>> -> memref<8x128xi32, #tpu.memory_space<hbm>>
        %dma_wait3A_574 = arith.constant 0 : i32
        %dma_wait3A_575 = arith.constant 0 : i32
        %dma_wait3A_576 = tpu.memref_slice %arg3[%dma_wait3A_568, %dma_wait3A_569, %dma_wait3A_574, %dma_wait3A_575] : memref<32x10x8x128xi32, #tpu.memory_space<hbm>> -> memref<1x1x8x128xi32, #tpu.memory_space<hbm>>
        %dma_wait3A_577 = tpu.memref_squeeze %dma_wait3A_576 : memref<1x1x8x128xi32, #tpu.memory_space<hbm>> -> memref<8x128xi32, #tpu.memory_space<hbm>>
        tpu.wait_dma2 semaphore(%arg15 : memref<!tpu.dma_semaphore, #tpu.memory_space<semaphore_mem>>) src(%dma_wait3A_577 : memref<8x128xi32, #tpu.memory_space<hbm>>) dst(%arg8 : memref<8x128xi32, #tpu.memory_space<vmem>>)
        %dma_start3A_578 = arith.constant 0 : i32
        %dma_start3A_579 = arith.constant 0 : i32
        %dma_start3A_580 = arith.constant 0 : i32
        %dma_start3A_581 = tpu.memref_slice %arg10[%dma_start3A_579, %dma_start3A_580] : memref<128x128xf32, #tpu.memory_space<vmem>> -> memref<64x128xf32, #tpu.memory_space<vmem>>
        %dma_start3A_582 = arith.constant 0 : i32
        %dma_start3A_583 = tpu.memref_slice %arg8[%dma_start3A_578, %dma_start3A_582] : memref<8x128xi32, #tpu.memory_space<vmem>> -> memref<1x128xi32, #tpu.memory_space<vmem>>
        %dma_start3A_584 = tpu.memref_squeeze %dma_start3A_583 : memref<1x128xi32, #tpu.memory_space<vmem>> -> memref<128xi32, #tpu.memory_space<vmem>>
        %dma_start3A_585 = arith.constant 0 : i32
        %dma_start3A_586 = tpu.memref_slice %dma_start3A_584[%dma_start3A_585] : memref<128xi32, #tpu.memory_space<vmem>> -> memref<64xi32, #tpu.memory_space<vmem>>
        %dma_start3A_587 = arith.constant 0 : i32
        %dma_start3A_588 = arith.constant 0 : i32
        %dma_start3A_589 = tpu.memref_slice %arg2[%dma_start3A_587, %dma_start3A_588] : memref<10112x128xf32, #tpu.memory_space<hbm>> -> memref<10112x128xf32, #tpu.memory_space<hbm>>
        tpu.enqueue_indirect_dma source(%dma_start3A_589 : memref<10112x128xf32, #tpu.memory_space<hbm>>) target(%dma_start3A_581 : memref<64x128xf32, #tpu.memory_space<vmem>>) offsets(%dma_start3A_586 : memref<64xi32, #tpu.memory_space<vmem>>) semaphore(%arg13 : memref<!tpu.dma_semaphore, #tpu.memory_space<semaphore_mem>>)
        %dma_start3A_590 = arith.constant 0 : i32
        %dma_start3A_591 = arith.constant 64 : i32
        %dma_start3A_592 = arith.constant 0 : i32
        %dma_start3A_593 = tpu.memref_slice %arg10[%dma_start3A_591, %dma_start3A_592] : memref<128x128xf32, #tpu.memory_space<vmem>> -> memref<64x128xf32, #tpu.memory_space<vmem>>
        %dma_start3A_594 = arith.constant 0 : i32
        %dma_start3A_595 = tpu.memref_slice %arg8[%dma_start3A_590, %dma_start3A_594] : memref<8x128xi32, #tpu.memory_space<vmem>> -> memref<1x128xi32, #tpu.memory_space<vmem>>
        %dma_start3A_596 = tpu.memref_squeeze %dma_start3A_595 : memref<1x128xi32, #tpu.memory_space<vmem>> -> memref<128xi32, #tpu.memory_space<vmem>>
        %dma_start3A_597 = arith.constant 64 : i32
        %dma_start3A_598 = tpu.memref_slice %dma_start3A_596[%dma_start3A_597] : memref<128xi32, #tpu.memory_space<vmem>> -> memref<64xi32, #tpu.memory_space<vmem>>
        %dma_start3A_599 = arith.constant 0 : i32
        %dma_start3A_600 = arith.constant 0 : i32
        %dma_start3A_601 = tpu.memref_slice %arg2[%dma_start3A_599, %dma_start3A_600] : memref<10112x128xf32, #tpu.memory_space<hbm>> -> memref<10112x128xf32, #tpu.memory_space<hbm>>
        tpu.enqueue_indirect_dma source(%dma_start3A_601 : memref<10112x128xf32, #tpu.memory_space<hbm>>) target(%dma_start3A_593 : memref<64x128xf32, #tpu.memory_space<vmem>>) offsets(%dma_start3A_598 : memref<64xi32, #tpu.memory_space<vmem>>) semaphore(%arg13 : memref<!tpu.dma_semaphore, #tpu.memory_space<semaphore_mem>>)
      } else {
      }
      %dma_wait3A_544 = arith.constant 0 : i32
      %dma_wait3A_545 = arith.constant 0 : i32
      %dma_wait3A_546 = tpu.memref_slice %arg2[%dma_wait3A_544, %dma_wait3A_545] : memref<10112x128xf32, #tpu.memory_space<hbm>> -> memref<128x128xf32, #tpu.memory_space<hbm>>
      %dma_wait3A_547 = arith.constant 0 : i32
      %dma_wait3A_548 = arith.constant 0 : i32
      %dma_wait3A_549 = tpu.memref_slice %arg2[%dma_wait3A_547, %dma_wait3A_548] : memref<10112x128xf32, #tpu.memory_space<hbm>> -> memref<128x128xf32, #tpu.memory_space<hbm>>
      tpu.wait_dma2 semaphore(%arg14 : memref<!tpu.dma_semaphore, #tpu.memory_space<semaphore_mem>>) src(%dma_wait3A_549 : memref<128x128xf32, #tpu.memory_space<hbm>>) dst(%arg11 : memref<128x128xf32, #tpu.memory_space<vmem>>)
      %mul3A_550 = arith.constant 8 : i32
      %mul3A_551 = arith.muli %add3A_322, %mul3A_550 : i32
      %add3A_552 = arith.constant 7 : i32
      %add3A_553 = arith.addi %mul3A_551, %add3A_552 : i32
      "tpu.region"() ({
        %run_scoped3A_568 = tpu.sem_alloc : memref<!tpu.dma_semaphore, #tpu.memory_space<semaphore_mem>>
        %dma_start3A_569 = arith.constant 0 : i32
        %dma_start3A_570 = tpu.memref_slice %arg7[%add3A_553, %dma_start3A_569] : memref<80x128xi32, #tpu.memory_space<vmem>> -> memref<1x128xi32, #tpu.memory_space<vmem>>
        %dma_start3A_571 = tpu.memref_squeeze %dma_start3A_570 : memref<1x128xi32, #tpu.memory_space<vmem>> -> memref<128xi32, #tpu.memory_space<vmem>>
        %dma_start3A_572 = arith.constant 0 : i32
        %dma_start3A_573 = arith.constant 0 : i32
        %dma_start3A_574 = tpu.memref_slice %arg12[%dma_start3A_572, %dma_start3A_573] : memref<10112x128xf32, #tpu.memory_space<vmem_shared>> -> memref<10112x128xf32, #tpu.memory_space<vmem_shared>>
        tpu.enqueue_indirect_dma source(%arg11 : memref<128x128xf32, #tpu.memory_space<vmem>>) target(%dma_start3A_574 : memref<10112x128xf32, #tpu.memory_space<vmem_shared>>) offsets(%dma_start3A_571 : memref<128xi32, #tpu.memory_space<vmem>>) semaphore(%run_scoped3A_568 : memref<!tpu.dma_semaphore, #tpu.memory_space<semaphore_mem>>) {add = true}
        %dma_wait3A_575 = arith.constant 0 : i32
        %dma_wait3A_576 = tpu.memref_slice %arg7[%add3A_553, %dma_wait3A_575] : memref<80x128xi32, #tpu.memory_space<vmem>> -> memref<1x128xi32, #tpu.memory_space<vmem>>
        %dma_wait3A_577 = tpu.memref_squeeze %dma_wait3A_576 : memref<1x128xi32, #tpu.memory_space<vmem>> -> memref<128xi32, #tpu.memory_space<vmem>>
        %dma_wait3A_578 = arith.constant 0 : i32
        %dma_wait3A_579 = arith.constant 0 : i32
        %dma_wait3A_580 = tpu.memref_slice %arg12[%dma_wait3A_578, %dma_wait3A_579] : memref<10112x128xf32, #tpu.memory_space<vmem_shared>> -> memref<10112x128xf32, #tpu.memory_space<vmem_shared>>
        tpu.wait_indirect_dma semaphore(%run_scoped3A_568 : memref<!tpu.dma_semaphore, #tpu.memory_space<semaphore_mem>>) src(%arg11 : memref<128x128xf32, #tpu.memory_space<vmem>>) dst(%dma_wait3A_580 : memref<10112x128xf32, #tpu.memory_space<vmem_shared>>)
        tpu.yield
      }) : () -> ()
      %add3A_554 = arith.constant 1 : i32
      %add3A_555 = arith.addi %add3A_322, %add3A_554 : i32
      %lt3A_556 = arith.constant 10 : i32
      %lt3A_557 = arith.cmpi slt, %add3A_555, %lt3A_556 : i32
      %convert_element_type3A_558 = arith.extui %lt3A_557 : i1 to i32
      %cond3A_559 = arith.constant 0 : i32
      %cond3A_560 = arith.cmpi ne, %convert_element_type3A_558, %cond3A_559 : i32
      scf.if %cond3A_560 {
        %dma_start3A_568 = arith.constant 1 : i32
        %dma_start3A_569 = arith.constant 0 : i32
        %dma_start3A_570 = arith.constant 0 : i32
        %dma_start3A_571 = tpu.memref_slice %arg11[%dma_start3A_569, %dma_start3A_570] : memref<128x128xf32, #tpu.memory_space<vmem>> -> memref<64x128xf32, #tpu.memory_space<vmem>>
        %dma_start3A_572 = arith.constant 0 : i32
        %dma_start3A_573 = tpu.memref_slice %arg8[%dma_start3A_568, %dma_start3A_572] : memref<8x128xi32, #tpu.memory_space<vmem>> -> memref<1x128xi32, #tpu.memory_space<vmem>>
        %dma_start3A_574 = tpu.memref_squeeze %dma_start3A_573 : memref<1x128xi32, #tpu.memory_space<vmem>> -> memref<128xi32, #tpu.memory_space<vmem>>
        %dma_start3A_575 = arith.constant 0 : i32
        %dma_start3A_576 = tpu.memref_slice %dma_start3A_574[%dma_start3A_575] : memref<128xi32, #tpu.memory_space<vmem>> -> memref<64xi32, #tpu.memory_space<vmem>>
        %dma_start3A_577 = arith.constant 0 : i32
        %dma_start3A_578 = arith.constant 0 : i32
        %dma_start3A_579 = tpu.memref_slice %arg2[%dma_start3A_577, %dma_start3A_578] : memref<10112x128xf32, #tpu.memory_space<hbm>> -> memref<10112x128xf32, #tpu.memory_space<hbm>>
        tpu.enqueue_indirect_dma source(%dma_start3A_579 : memref<10112x128xf32, #tpu.memory_space<hbm>>) target(%dma_start3A_571 : memref<64x128xf32, #tpu.memory_space<vmem>>) offsets(%dma_start3A_576 : memref<64xi32, #tpu.memory_space<vmem>>) semaphore(%arg14 : memref<!tpu.dma_semaphore, #tpu.memory_space<semaphore_mem>>)
        %dma_start3A_580 = arith.constant 1 : i32
        %dma_start3A_581 = arith.constant 64 : i32
        %dma_start3A_582 = arith.constant 0 : i32
        %dma_start3A_583 = tpu.memref_slice %arg11[%dma_start3A_581, %dma_start3A_582] : memref<128x128xf32, #tpu.memory_space<vmem>> -> memref<64x128xf32, #tpu.memory_space<vmem>>
        %dma_start3A_584 = arith.constant 0 : i32
        %dma_start3A_585 = tpu.memref_slice %arg8[%dma_start3A_580, %dma_start3A_584] : memref<8x128xi32, #tpu.memory_space<vmem>> -> memref<1x128xi32, #tpu.memory_space<vmem>>
        %dma_start3A_586 = tpu.memref_squeeze %dma_start3A_585 : memref<1x128xi32, #tpu.memory_space<vmem>> -> memref<128xi32, #tpu.memory_space<vmem>>
        %dma_start3A_587 = arith.constant 64 : i32
        %dma_start3A_588 = tpu.memref_slice %dma_start3A_586[%dma_start3A_587] : memref<128xi32, #tpu.memory_space<vmem>> -> memref<64xi32, #tpu.memory_space<vmem>>
        %dma_start3A_589 = arith.constant 0 : i32
        %dma_start3A_590 = arith.constant 0 : i32
        %dma_start3A_591 = tpu.memref_slice %arg2[%dma_start3A_589, %dma_start3A_590] : memref<10112x128xf32, #tpu.memory_space<hbm>> -> memref<10112x128xf32, #tpu.memory_space<hbm>>
        tpu.enqueue_indirect_dma source(%dma_start3A_591 : memref<10112x128xf32, #tpu.memory_space<hbm>>) target(%dma_start3A_583 : memref<64x128xf32, #tpu.memory_space<vmem>>) offsets(%dma_start3A_588 : memref<64xi32, #tpu.memory_space<vmem>>) semaphore(%arg14 : memref<!tpu.dma_semaphore, #tpu.memory_space<semaphore_mem>>)
      } else {
      }
      %add3A_561 = arith.constant 2 : i32
      %add3A_562 = arith.addi %add3A_322, %add3A_561 : i32
      %lt3A_563 = arith.constant 10 : i32
      %lt3A_564 = arith.cmpi slt, %add3A_562, %lt3A_563 : i32
      %convert_element_type3A_565 = arith.extui %lt3A_564 : i1 to i32
      %cond3A_566 = arith.constant 0 : i32
      %cond3A_567 = arith.cmpi ne, %convert_element_type3A_565, %cond3A_566 : i32
      scf.if %cond3A_567 {
        %add3A_568 = arith.constant 2 : i32
        %add3A_569 = arith.addi %add3A_322, %add3A_568 : i32
        %dma_start3A_570 = arith.constant 0 : i32
        %dma_start3A_571 = arith.constant 0 : i32
        %dma_start3A_572 = tpu.memref_slice %arg3[%add3A, %add3A_569, %dma_start3A_570, %dma_start3A_571] : memref<32x10x8x128xi32, #tpu.memory_space<hbm>> -> memref<1x1x8x128xi32, #tpu.memory_space<hbm>>
        %dma_start3A_573 = tpu.memref_squeeze %dma_start3A_572 : memref<1x1x8x128xi32, #tpu.memory_space<hbm>> -> memref<8x128xi32, #tpu.memory_space<hbm>>
        %dma_start3A_574 = arith.constant 0 : i32
        %dma_start3A_575 = arith.constant 0 : i32
        %dma_start3A_576 = tpu.memref_slice %arg3[%add3A, %add3A_569, %dma_start3A_574, %dma_start3A_575] : memref<32x10x8x128xi32, #tpu.memory_space<hbm>> -> memref<1x1x8x128xi32, #tpu.memory_space<hbm>>
        %dma_start3A_577 = tpu.memref_squeeze %dma_start3A_576 : memref<1x1x8x128xi32, #tpu.memory_space<hbm>> -> memref<8x128xi32, #tpu.memory_space<hbm>>
        tpu.enqueue_dma source(%dma_start3A_577 : memref<8x128xi32, #tpu.memory_space<hbm>>) target(%arg9 : memref<8x128xi32, #tpu.memory_space<vmem>>) target_semaphore(%arg16 : memref<!tpu.dma_semaphore, #tpu.memory_space<semaphore_mem>>)
      } else {
      }
    }
    %scan3A_69 = arith.constant 5 : i32
    %barrier3A_70 = arith.constant 0 : index
    tpu.barrier barrier_id(%barrier3A_70)
    "tpu.region"() ({
      %run_scoped3A_71 = tpu.sem_alloc : memref<!tpu.dma_semaphore, #tpu.memory_space<semaphore_mem>>
      %dma_start3A_72 = arith.constant 0 : i32
      %dma_start3A_73 = tpu.memref_slice %arg6[%arg0, %mul3A_2, %dma_start3A_72] : memref<2x10112x128xf32, #tpu.memory_space<hbm>> -> memref<1x632x128xf32, #tpu.memory_space<hbm>>
      %dma_start3A_74 = tpu.memref_squeeze %dma_start3A_73 : memref<1x632x128xf32, #tpu.memory_space<hbm>> -> memref<632x128xf32, #tpu.memory_space<hbm>>
      %dma_start3A_75 = arith.constant 0 : i32
      %dma_start3A_76 = tpu.memref_slice %arg12[%mul3A_2, %dma_start3A_75] : memref<10112x128xf32, #tpu.memory_space<vmem_shared>> -> memref<632x128xf32, #tpu.memory_space<vmem_shared>>
      tpu.enqueue_dma source(%dma_start3A_76 : memref<632x128xf32, #tpu.memory_space<vmem_shared>>) target(%dma_start3A_74 : memref<632x128xf32, #tpu.memory_space<hbm>>) target_semaphore(%run_scoped3A_71 : memref<!tpu.dma_semaphore, #tpu.memory_space<semaphore_mem>>)
      %dma_wait3A = arith.constant 0 : i32
      %dma_wait3A_77 = tpu.memref_slice %arg6[%arg0, %mul3A_2, %dma_wait3A] : memref<2x10112x128xf32, #tpu.memory_space<hbm>> -> memref<1x632x128xf32, #tpu.memory_space<hbm>>
      %dma_wait3A_78 = tpu.memref_squeeze %dma_wait3A_77 : memref<1x632x128xf32, #tpu.memory_space<hbm>> -> memref<632x128xf32, #tpu.memory_space<hbm>>
      %dma_wait3A_79 = arith.constant 0 : i32
      %dma_wait3A_80 = tpu.memref_slice %arg12[%mul3A_2, %dma_wait3A_79] : memref<10112x128xf32, #tpu.memory_space<vmem_shared>> -> memref<632x128xf32, #tpu.memory_space<vmem_shared>>
      tpu.wait_dma2 semaphore(%run_scoped3A_71 : memref<!tpu.dma_semaphore, #tpu.memory_space<semaphore_mem>>) src(%dma_wait3A_80 : memref<632x128xf32, #tpu.memory_space<vmem_shared>>) dst(%dma_wait3A_78 : memref<632x128xf32, #tpu.memory_space<hbm>>)
      tpu.yield
    }) : () -> ()
    return
  }
}

module attributes {stable_mosaic.version = 14 : i64} {
  func.func @_mm_scale_body(%arg0: i32, %arg1: memref<512x128xf32, #tpu.memory_space<vmem>>, %arg2: memref<128x128xf32, #tpu.memory_space<vmem>>, %arg3: memref<2x512x128xf32, #tpu.memory_space<vmem>>, %arg4: memref<512x128xf32, #tpu.memory_space<vmem>>, %arg5: memref<512x16xf32, #tpu.memory_space<vmem>>) attributes {dimension_semantics = [#tpu.dimension_semantics<arbitrary>], iteration_bounds = array<i64: 20>, scalar_prefetch = 0 : i64, scratch_operands = 0 : i64, tpu.core_type = #tpu.core_type<tc>, window_params = [{transform_indices = @transform_0, window_bounds = array<i64: 512, 128>}, {pipeline_mode = #tpu.pipeline_mode<synchronous>, transform_indices = @transform_1, window_bounds = array<i64: 128, 128>}, {transform_indices = @transform_2, window_bounds = array<i64: 2, 512, 128>}, {transform_indices = @transform_3, window_bounds = array<i64: 512, 128>}, {transform_indices = @transform_4, window_bounds = array<i64: 512, 16>}]} {
    %get3A = arith.constant 0 : index
    %get3A_0 = arith.constant 0 : index
    %get3A_1 = vector.load %arg1[%get3A, %get3A_0] : memref<512x128xf32, #tpu.memory_space<vmem>>, vector<512x128xf32>
    %get3A_2 = arith.constant 0 : index
    %get3A_3 = arith.constant 0 : index
    %get3A_4 = vector.load %arg2[%get3A_2, %get3A_3] : memref<128x128xf32, #tpu.memory_space<vmem>>, vector<128x128xf32>
    %dot_general3A = arith.constant dense<0.000000e+00> : vector<512x128xf32>
    %dot_general3A_5 = tpu.matmul %get3A_1, %get3A_4, %dot_general3A {dimension_numbers = #tpu.dot_dimension_numbers<[1], [0], [0], [1], [0, 0, 1, 1], [], []>, transpose_lhs_hint = false} : vector<512x128xf32>, vector<128x128xf32>, vector<512x128xf32> -> vector<512x128xf32>
    %get3A_6 = arith.constant 0 : index
    %get3A_7 = arith.constant 0 : index
    %get3A_8 = arith.constant 0 : index
    %get3A_9 = vector.load %arg3[%get3A_6, %get3A_7, %get3A_8] : memref<2x512x128xf32, #tpu.memory_space<vmem>>, vector<1x512x1xf32>
    %get3A_10 = vector.shape_cast %get3A_9 : vector<1x512x1xf32> to vector<512xf32>
    %get3A_11 = arith.constant 1 : index
    %get3A_12 = arith.constant 0 : index
    %get3A_13 = arith.constant 0 : index
    %get3A_14 = vector.load %arg3[%get3A_11, %get3A_12, %get3A_13] : memref<2x512x128xf32, #tpu.memory_space<vmem>>, vector<1x512x1xf32>
    %get3A_15 = vector.shape_cast %get3A_14 : vector<1x512x1xf32> to vector<512xf32>
    %add3A = arith.addf %get3A_10, %get3A_15 : vector<512xf32>
    %add3A_16 = arith.constant 1.000000e+00 : f32
    %add3A_17 = vector.broadcast %add3A_16 : f32 to vector<512xf32>
    %add3A_18 = arith.addf %add3A, %add3A_17 : vector<512xf32>
    %rsqrt3A = math.rsqrt %add3A_18 : vector<512xf32>
    %broadcast_in_dim3A = vector.shape_cast %rsqrt3A : vector<512xf32> to vector<512x1xf32>
    %mul3A = vector.broadcast %broadcast_in_dim3A : vector<512x1xf32> to vector<512x128xf32>
    %mul3A_19 = arith.mulf %dot_general3A_5, %mul3A : vector<512x128xf32>
    %swap3A = arith.constant 0 : index
    %swap3A_20 = arith.constant 0 : index
    %swap3A_21 = vector.load %arg4[%swap3A, %swap3A_20] : memref<512x128xf32, #tpu.memory_space<vmem>>, vector<512x128xf32>
    tpu.vector_store %arg4[%swap3A, %swap3A_20], %mul3A_19 {strides = array<i32>} : memref<512x128xf32, #tpu.memory_space<vmem>>, vector<512x128xf32>,
    %broadcast_in_dim3A_22 = vector.shape_cast %rsqrt3A : vector<512xf32> to vector<512x1xf32>
    %broadcast_in_dim3A_23 = vector.shape_cast %broadcast_in_dim3A_22 : vector<512x1xf32> to vector<512x1xf32>
    %broadcast_in_dim3A_24 = vector.broadcast %broadcast_in_dim3A_23 : vector<512x1xf32> to vector<512x16xf32>
    %swap3A_25 = arith.constant 0 : index
    %swap3A_26 = arith.constant 0 : index
    %swap3A_27 = vector.load %arg5[%swap3A_25, %swap3A_26] : memref<512x16xf32, #tpu.memory_space<vmem>>, vector<512x16xf32>
    tpu.vector_store %arg5[%swap3A_25, %swap3A_26], %broadcast_in_dim3A_24 {strides = array<i32>} : memref<512x16xf32, #tpu.memory_space<vmem>>, vector<512x16xf32>,
    return
  }
  func.func @transform_0(%arg0: i32) -> (i32, i32) {
    %c0_i32 = arith.constant 0 : i32
    %c0_i32_0 = arith.constant 0 : i32
    return %arg0, %c0_i32 : i32, i32
  }
  func.func @transform_1(%arg0: i32) -> (i32, i32) {
    %c0_i32 = arith.constant 0 : i32
    %c0_i32_0 = arith.constant 0 : i32
    %c0_i32_1 = arith.constant 0 : i32
    return %c0_i32, %c0_i32_0 : i32, i32
  }
  func.func @transform_2(%arg0: i32) -> (i32, i32, i32) {
    %c0_i32 = arith.constant 0 : i32
    %c0_i32_0 = arith.constant 0 : i32
    %c0_i32_1 = arith.constant 0 : i32
    return %c0_i32, %arg0, %c0_i32_0 : i32, i32, i32
  }
  func.func @transform_3(%arg0: i32) -> (i32, i32) {
    %c0_i32 = arith.constant 0 : i32
    %c0_i32_0 = arith.constant 0 : i32
    return %arg0, %c0_i32 : i32, i32
  }
  func.func @transform_4(%arg0: i32) -> (i32, i32) {
    %c0_i32 = arith.constant 0 : i32
    %c0_i32_0 = arith.constant 0 : i32
    return %arg0, %c0_i32 : i32, i32
  }
}

module attributes {stable_mosaic.version = 14 : i64} {
  func.func @_combine_body(%arg0: i32, %arg1: memref<2x512x128xf32, #tpu.memory_space<vmem>>, %arg2: memref<512x16xf32, #tpu.memory_space<vmem>>, %arg3: memref<1x128xf32, #tpu.memory_space<vmem>>, %arg4: memref<128x128xf32, #tpu.memory_space<vmem>>, %arg5: memref<512x128xf32, #tpu.memory_space<vmem>>) attributes {dimension_semantics = [#tpu.dimension_semantics<arbitrary>], iteration_bounds = array<i64: 20>, scalar_prefetch = 0 : i64, scratch_operands = 0 : i64, tpu.core_type = #tpu.core_type<tc>, window_params = [{transform_indices = @transform_0, window_bounds = array<i64: 2, 512, 128>}, {transform_indices = @transform_1, window_bounds = array<i64: 512, 16>}, {pipeline_mode = #tpu.pipeline_mode<synchronous>, transform_indices = @transform_2, window_bounds = array<i64: 1, 128>}, {pipeline_mode = #tpu.pipeline_mode<synchronous>, transform_indices = @transform_3, window_bounds = array<i64: 128, 128>}, {transform_indices = @transform_4, window_bounds = array<i64: 512, 128>}]} {
    %get3A = arith.constant 0 : index
    %get3A_0 = arith.constant 0 : index
    %get3A_1 = vector.load %arg2[%get3A, %get3A_0] : memref<512x16xf32, #tpu.memory_space<vmem>>, vector<512x1xf32>
    %get3A_2 = vector.shape_cast %get3A_1 : vector<512x1xf32> to vector<512xf32>
    %get3A_3 = arith.constant 0 : index
    %get3A_4 = arith.constant 0 : index
    %get3A_5 = arith.constant 0 : index
    %get3A_6 = vector.load %arg1[%get3A_3, %get3A_4, %get3A_5] : memref<2x512x128xf32, #tpu.memory_space<vmem>>, vector<1x512x128xf32>
    %get3A_7 = vector.shape_cast %get3A_6 : vector<1x512x128xf32> to vector<512x128xf32>
    %get3A_8 = arith.constant 1 : index
    %get3A_9 = arith.constant 0 : index
    %get3A_10 = arith.constant 0 : index
    %get3A_11 = vector.load %arg1[%get3A_8, %get3A_9, %get3A_10] : memref<2x512x128xf32, #tpu.memory_space<vmem>>, vector<1x512x128xf32>
    %get3A_12 = vector.shape_cast %get3A_11 : vector<1x512x128xf32> to vector<512x128xf32>
    %add3A = arith.addf %get3A_7, %get3A_12 : vector<512x128xf32>
    %broadcast_in_dim3A = vector.shape_cast %get3A_2 : vector<512xf32> to vector<512x1xf32>
    %mul3A = vector.broadcast %broadcast_in_dim3A : vector<512x1xf32> to vector<512x128xf32>
    %mul3A_13 = arith.mulf %add3A, %mul3A : vector<512x128xf32>
    %get3A_14 = arith.constant 0 : index
    %get3A_15 = arith.constant 0 : index
    %get3A_16 = vector.load %arg3[%get3A_14, %get3A_15] : memref<1x128xf32, #tpu.memory_space<vmem>>, vector<1x128xf32>
    %add3A_17 = vector.broadcast %get3A_16 : vector<1x128xf32> to vector<512x128xf32>
    %add3A_18 = arith.addf %mul3A_13, %add3A_17 : vector<512x128xf32>
    %max3A = arith.constant 0.000000e+00 : f32
    %max3A_19 = vector.broadcast %max3A : f32 to vector<512x128xf32>
    %max3A_20 = arith.maximumf %add3A_18, %max3A_19 : vector<512x128xf32>
    %get3A_21 = arith.constant 0 : index
    %get3A_22 = arith.constant 0 : index
    %get3A_23 = vector.load %arg4[%get3A_21, %get3A_22] : memref<128x128xf32, #tpu.memory_space<vmem>>, vector<128x128xf32>
    %dot_general3A = arith.constant dense<0.000000e+00> : vector<512x128xf32>
    %dot_general3A_24 = tpu.matmul %max3A_20, %get3A_23, %dot_general3A {dimension_numbers = #tpu.dot_dimension_numbers<[1], [0], [0], [1], [0, 0, 1, 1], [], []>, transpose_lhs_hint = false} : vector<512x128xf32>, vector<128x128xf32>, vector<512x128xf32> -> vector<512x128xf32>
    %broadcast_in_dim3A_25 = vector.shape_cast %get3A_2 : vector<512xf32> to vector<512x1xf32>
    %mul3A_26 = vector.broadcast %broadcast_in_dim3A_25 : vector<512x1xf32> to vector<512x128xf32>
    %mul3A_27 = arith.mulf %dot_general3A_24, %mul3A_26 : vector<512x128xf32>
    %swap3A = arith.constant 0 : index
    %swap3A_28 = arith.constant 0 : index
    %swap3A_29 = vector.load %arg5[%swap3A, %swap3A_28] : memref<512x128xf32, #tpu.memory_space<vmem>>, vector<512x128xf32>
    tpu.vector_store %arg5[%swap3A, %swap3A_28], %mul3A_27 {strides = array<i32>} : memref<512x128xf32, #tpu.memory_space<vmem>>, vector<512x128xf32>,
    return
  }
  func.func @transform_0(%arg0: i32) -> (i32, i32, i32) {
    %c0_i32 = arith.constant 0 : i32
    %c0_i32_0 = arith.constant 0 : i32
    %c0_i32_1 = arith.constant 0 : i32
    return %c0_i32, %arg0, %c0_i32_0 : i32, i32, i32
  }
  func.func @transform_1(%arg0: i32) -> (i32, i32) {
    %c0_i32 = arith.constant 0 : i32
    %c0_i32_0 = arith.constant 0 : i32
    return %arg0, %c0_i32 : i32, i32
  }
  func.func @transform_2(%arg0: i32) -> (i32, i32) {
    %c0_i32 = arith.constant 0 : i32
    %c0_i32_0 = arith.constant 0 : i32
    %c0_i32_1 = arith.constant 0 : i32
    return %c0_i32, %c0_i32_0 : i32, i32
  }
  func.func @transform_3(%arg0: i32) -> (i32, i32) {
    %c0_i32 = arith.constant 0 : i32
    %c0_i32_0 = arith.constant 0 : i32
    %c0_i32_1 = arith.constant 0 : i32
    return %c0_i32, %c0_i32_0 : i32, i32
  }
  func.func @transform_4(%arg0: i32) -> (i32, i32) {
    %c0_i32 = arith.constant 0 : i32
    %c0_i32_0 = arith.constant 0 : i32
    return %arg0, %c0_i32 : i32, i32
  }
}

module attributes {stable_mosaic.version = 14 : i64} {
  func.func @_final_body(%arg0: i32, %arg1: memref<2x1000x128xf32, #tpu.memory_space<vmem>>, %arg2: memref<1000x16xf32, #tpu.memory_space<vmem>>, %arg3: memref<1x128xf32, #tpu.memory_space<vmem>>, %arg4: memref<1000x128xf32, #tpu.memory_space<vmem>>) attributes {dimension_semantics = [#tpu.dimension_semantics<arbitrary>], iteration_bounds = array<i64: 10>, scalar_prefetch = 0 : i64, scratch_operands = 0 : i64, tpu.core_type = #tpu.core_type<tc>, window_params = [{transform_indices = @transform_0, window_bounds = array<i64: 2, 1000, 128>}, {transform_indices = @transform_1, window_bounds = array<i64: 1000, 16>}, {pipeline_mode = #tpu.pipeline_mode<synchronous>, transform_indices = @transform_2, window_bounds = array<i64: 1, 128>}, {transform_indices = @transform_3, window_bounds = array<i64: 1000, 128>}]} {
    %get3A = arith.constant 0 : index
    %get3A_0 = arith.constant 0 : index
    %get3A_1 = vector.load %arg2[%get3A, %get3A_0] : memref<1000x16xf32, #tpu.memory_space<vmem>>, vector<1000x1xf32>
    %get3A_2 = vector.shape_cast %get3A_1 : vector<1000x1xf32> to vector<1000xf32>
    %get3A_3 = arith.constant 0 : index
    %get3A_4 = arith.constant 0 : index
    %get3A_5 = arith.constant 0 : index
    %get3A_6 = vector.load %arg1[%get3A_3, %get3A_4, %get3A_5] : memref<2x1000x128xf32, #tpu.memory_space<vmem>>, vector<1x1000x128xf32>
    %get3A_7 = vector.shape_cast %get3A_6 : vector<1x1000x128xf32> to vector<1000x128xf32>
    %get3A_8 = arith.constant 1 : index
    %get3A_9 = arith.constant 0 : index
    %get3A_10 = arith.constant 0 : index
    %get3A_11 = vector.load %arg1[%get3A_8, %get3A_9, %get3A_10] : memref<2x1000x128xf32, #tpu.memory_space<vmem>>, vector<1x1000x128xf32>
    %get3A_12 = vector.shape_cast %get3A_11 : vector<1x1000x128xf32> to vector<1000x128xf32>
    %add3A = arith.addf %get3A_7, %get3A_12 : vector<1000x128xf32>
    %broadcast_in_dim3A = vector.shape_cast %get3A_2 : vector<1000xf32> to vector<1000x1xf32>
    %mul3A = vector.broadcast %broadcast_in_dim3A : vector<1000x1xf32> to vector<1000x128xf32>
    %mul3A_13 = arith.mulf %add3A, %mul3A : vector<1000x128xf32>
    %get3A_14 = arith.constant 0 : index
    %get3A_15 = arith.constant 0 : index
    %get3A_16 = vector.load %arg3[%get3A_14, %get3A_15] : memref<1x128xf32, #tpu.memory_space<vmem>>, vector<1x128xf32>
    %add3A_17 = vector.broadcast %get3A_16 : vector<1x128xf32> to vector<1000x128xf32>
    %add3A_18 = arith.addf %mul3A_13, %add3A_17 : vector<1000x128xf32>
    %max3A = arith.constant 0.000000e+00 : f32
    %max3A_19 = vector.broadcast %max3A : f32 to vector<1000x128xf32>
    %max3A_20 = arith.maximumf %add3A_18, %max3A_19 : vector<1000x128xf32>
    %swap3A = arith.constant 0 : index
    %swap3A_21 = arith.constant 0 : index
    %swap3A_22 = vector.load %arg4[%swap3A, %swap3A_21] : memref<1000x128xf32, #tpu.memory_space<vmem>>, vector<1000x128xf32>
    tpu.vector_store %arg4[%swap3A, %swap3A_21], %max3A_20 {strides = array<i32>} : memref<1000x128xf32, #tpu.memory_space<vmem>>, vector<1000x128xf32>,
    return
  }
  func.func @transform_0(%arg0: i32) -> (i32, i32, i32) {
    %c0_i32 = arith.constant 0 : i32
    %c0_i32_0 = arith.constant 0 : i32
    %c0_i32_1 = arith.constant 0 : i32
    return %c0_i32, %arg0, %c0_i32_0 : i32, i32, i32
  }
  func.func @transform_1(%arg0: i32) -> (i32, i32) {
    %c0_i32 = arith.constant 0 : i32
    %c0_i32_0 = arith.constant 0 : i32
    return %arg0, %c0_i32 : i32, i32
  }
  func.func @transform_2(%arg0: i32) -> (i32, i32) {
    %c0_i32 = arith.constant 0 : i32
    %c0_i32_0 = arith.constant 0 : i32
    %c0_i32_1 = arith.constant 0 : i32
    return %c0_i32, %c0_i32_0 : i32, i32
  }
  func.func @transform_3(%arg0: i32) -> (i32, i32) {
    %c0_i32 = arith.constant 0 : i32
    %c0_i32_0 = arith.constant 0 : i32
    return %arg0, %c0_i32 : i32, i32
  }
}

</mosaic_0001>

<sc_bundles>
// kernel: kernel.11.cloned.1.call-start
scs
__scs_entry_jumppad:
0x0: {  	(pc) =	sbr.rel $0x88, $3  }
0x1: {  	(tag) =	ssettag $0x0;
	lr =	simm.s32 $0x1  }
0x2: {  	[smem:$0x3F9B] =	sst lr;
	_ =	strace $0xD0000000  }
0x3: {  	_ = 	snop  }
0x4: {  	_ = 	snop  }
0x5: {  	_ = 	snop  }
0x6: {  	_ = 	snop  }
0x7: {  	_ = 	snop  }
__scs_overlays_trampoline_lowered:
0x8: {  	[smem:$0x3FAA] =	sst s0  }
0x9: {  	[smem:$0x3FAB] =	sst s1  }
0xa: {  	[smem:$0x3FAC] =	sst s2  }
0xb: {  	[smem:$0x3FAD] =	sst s3  }
0xc: {  	[smem:$0x3FAE] =	sst s4  }
0xd: {  	[smem:$0x3FAF] =	sst s5  }
0xe: {  	[smem:$0x3FB0] =	sst s6  }
0xf: {  	[smem:$0x3FB1] =	sst s7  }
0x10: {  	[smem:$0x3FB2] =	sst s8  }
0x11: {  	[smem:$0x3FB3] =	sst s9;
	s0 =	simm.s32 @!p0 $0x0  }
0x12: {  	s1 =	sld [smem:$0x3F99];
	s0 =	simm.s32 @p0 $0x1  }
0x13: {  	[smem:$0x3FB4] =	sst s0;
	s0 =	simm.s32 @!p1 $0x0  }
0x14: {  	s2 =	sld [smem:$0x3F98];
	s0 =	simm.s32 @p1 $0x1  }
0x15: {  	[smem:$0x3FB5] =	sst s0;
	s0 =	simm.s32 @!p2 $0x0  }
0x16: {  	s3 =	sld [smem:$0x3FDB];
	s0 =	simm.s32 @p2 $0x1  }
0x17: {  	s4 =	simm.s32 $0x1BF5;
	[smem:$0x3FB7] =	sst s0  }
0x18: {  	s0 =	sld [smem:$0x3F9A];
	_ =	swait.ge [sflag:s4], $0x0  }
0x19: {  	s7 =	sld [smem:$0x3F9B]  }
0x1a: {  	s8 =	sadd.s32 $0xFFFFE003, lr  }
0x1b: {  	s9 =	sadd.s32 $0xFFFFFEF7, lr;
	s5 =	simm.s32 $0xFFFFFFFF;
	p2 =	slt.u32 s8, $0xFFFFF086  }
0x1c: {  	p1 =	slt.u32 s9, $0xF7A;
	s5 =	simm.s32 @!p2 $0x0  }
0x1d: {  	s5 =	simm.s32 @p1 $0x1;
	p0 =	seq.s32 s7, s2  }
0x1e: {  	s7 =	smul.u32 @!p0 $0xF7A, s2;
	p2 =	seq.s32 @!p0 s5, $0x0  }
0x1f: {  	s9 =	smul.u32 $0xF7A, s1;
	s8 =	simm.s32 @!p0 $0x1BF5;
	p2 =	por !p2, p0  }
0x20: {  	[sflag:s8] =	ssyncset.s32 @!p0 $0xFFFFF086;
	s6 =	sadd.s32 @!p0 s3, s7;
	s7 =	simm.s32 @!p0 $0x108  }
0x21: {  	s3 =	sadd.s32 s3, s9;
	s6 =	sadd.s32 @!p0 $0x88, s6;
	s7 =	simm.s32 @p2 $0x1082  }
0x22: {  	[simem:s7], [sflag:s8] =	dma.local @!p0 [hbm:s6], $0xF7A  }
0x23: {  	s9 =	sor.u32 $0xD0000000, s2;
	s6 =	simm.s32 $0x108;
	_ =	swait.ge @!p0 [sflag:s8], $0x0  }
0x24: {  	s3 =	sadd.s32 $0x88, s3;
	s6 =	simm.s32 @!p1 $0x1082;
	[sflag:s4] =	ssyncset.s32 $0xFFFFF086  }
0x25: {  	[simem:s6], [sflag:s4] =	dma.local [hbm:s3], $0xF7A  }
0x26: {  	[smem:$0x3F9B] =	sst s1;
	(tag) =	ssettag s2;
	_ =	strace s9  }
0x27: {  	s1 =	sld [smem:$0x3FAB]  }
0x28: {  	s2 =	sld [smem:$0x3FAC]  }
0x29: {  	s4 =	sld [smem:$0x3FAE]  }
0x2a: {  	p0 =	seq.s32 s5, $0x0;
	s5 =	sld [smem:$0x3FAF]  }
0x2b: {  	s6 =	sld [smem:$0x3FB0]  }
0x2c: {  	s7 =	sld [smem:$0x3FB1]  }
0x2d: {  	s3 =	simm.s32 $0x108;
	s8 =	sld [smem:$0x3FB2]  }
0x2e: {  	s3 =	simm.s32 @!p0 $0x1082;
	s9 =	sld [smem:$0x3FB3]  }
0x2f: {  	lr =	sadd.s32 s0, s3;
	s0 =	sld [smem:$0x3FAA]  }
0x30: {  	s3 =	sld [smem:$0x3FAD]  }
0x31: {  	[smem:$0x3FB6] =	sst s10  }
0x32: {  	s10 =	sld [smem:$0x3FB4];
	_ =	sdelay $0x3  }
0x33: {  	p0 =	seq.s32 s10, $0x1;
	s10 =	sld [smem:$0x3FB6];
	_ =	sdelay $0x3  }
0x34: {  	[smem:$0x3FB6] =	sst s10  }
0x35: {  	s10 =	sld [smem:$0x3FB5];
	_ =	sdelay $0x3  }
0x36: {  	p1 =	seq.s32 s10, $0x1;
	s10 =	sld [smem:$0x3FB6];
	_ =	sdelay $0x3  }
0x37: {  	[smem:$0x3FB6] =	sst s10  }
0x38: {  	s10 =	sld [smem:$0x3FB7]  }
0x39: {  	_ = 	snop;
	(pc) =	sbr.ind lr, $3  }
0x3a: {  	_ = 	snop  }
0x3b: {  	_ = 	snop  }
0x3c: {  	p2 =	seq.s32 s10, $0x1;
	s10 =	sld [smem:$0x3FB6]  }
0x3d: {  	_ =	shalt  }
0x3e: {  	_ =	shalt  }
0x3f: {  	_ =	shalt  }
0x40: {  	_ =	shalt  }
0x41: {  	_ =	shalt  }
0x42: {  	_ =	shalt  }
0x43: {  	_ =	shalt  }
0x44: {  	_ =	shalt  }
0x45: {  	_ =	shalt  }
0x46: {  	_ =	shalt  }
0x47: {  	_ =	shalt  }
0x48: {  	_ =	shalt  }
0x49: {  	_ =	shalt  }
0x4a: {  	_ =	shalt  }
0x4b: {  	_ =	shalt  }
0x4c: {  	_ =	shalt  }
0x4d: {  	_ =	shalt  }
0x4e: {  	_ =	shalt  }
0x4f: {  	_ =	shalt  }
0x50: {  	_ =	shalt  }
0x51: {  	_ =	shalt  }
0x52: {  	_ =	shalt  }
0x53: {  	_ =	shalt  }
0x54: {  	_ =	shalt  }
0x55: {  	_ =	shalt  }
0x56: {  	_ =	shalt  }
0x57: {  	_ =	shalt  }
0x58: {  	_ =	shalt  }
0x59: {  	_ =	shalt  }
0x5a: {  	_ =	shalt  }
0x5b: {  	_ =	shalt  }
0x5c: {  	_ =	shalt  }
0x5d: {  	_ =	shalt  }
0x5e: {  	_ =	shalt  }
0x5f: {  	_ =	shalt  }
0x60: {  	_ =	shalt  }
0x61: {  	_ =	shalt  }
0x62: {  	_ =	shalt  }
0x63: {  	_ =	shalt  }
0x64: {  	_ =	shalt  }
0x65: {  	_ =	shalt  }
0x66: {  	_ =	shalt  }
0x67: {  	_ =	shalt  }
0x68: {  	_ =	shalt  }
0x69: {  	_ =	shalt  }
0x6a: {  	_ =	shalt  }
0x6b: {  	_ =	shalt  }
0x6c: {  	_ =	shalt  }
0x6d: {  	_ =	shalt  }
0x6e: {  	_ =	shalt  }
0x6f: {  	_ =	shalt  }
0x70: {  	_ =	shalt  }
0x71: {  	_ =	shalt  }
0x72: {  	_ =	shalt  }
0x73: {  	_ =	shalt  }
0x74: {  	_ =	shalt  }
0x75: {  	_ =	shalt  }
0x76: {  	_ =	shalt  }
0x77: {  	_ =	shalt  }
0x78: {  	_ =	shalt  }
0x79: {  	_ =	shalt  }
0x7a: {  	_ =	shalt  }
0x7b: {  	_ =	shalt  }
0x7c: {  	_ =	shalt  }
0x7d: {  	_ =	shalt  }
0x7e: {  	_ =	shalt  }
0x7f: {  	_ =	shalt  }
0x80: {  	_ =	shalt  }
0x81: {  	_ =	shalt  }
0x82: {  	_ =	shalt  }
0x83: {  	_ =	shalt  }
0x84: {  	_ =	shalt  }
0x85: {  	_ =	shalt  }
0x86: {  	_ =	shalt  }
0x87: {  	_ =	shalt  }
.Lfunc_end0:
.L_simem_size_0:
called_computation.1_lowered:
.L_overlay_start_0:
0x88: {  	s2 =	sld [smem:$0x3FD9]  }
0x89: {  	s3 =	sld [smem:$0x3FFE];
	_ =	sdelay $0x1  }
0x8a: {  	s1 =	srdreg.scid  }
0x8b: {  	s0 =	sand.u32 $0x1, s1  }
0x8c: {  	s17 =	sshll.u32 s0, $0xA;
	s2 =	sadd.s32 s3, s2  }
0x8d: {  	s2 =	sadd.s32 s2, s17  }
0x8e: {  	[smem:$0x3FC2] =	sst s2  }
0x8f: {  	_ = 	snop  }
0x90: {  	s2 =	sld [smem:$0x3FD0];
	(tm) =	ssettm $0x1  }
0x91: {  	s18 =	sld [smem:$0x3FFB];
	_ =	sdelay $0x3  }
0x92: {  	_ =	strace s18  }
0x93: {  	s3 =	sld [smem:$0x3FFC];
	_ =	sdelay $0x3  }
0x94: {  	_ =	strace s3  }
0x95: {  	s3 =	sld [smem:$0x3FFD];
	_ =	sdelay $0x3  }
0x96: {  	_ =	strace s3  }
0x97: {  	_ =	strace $0x8FFFFFFF  }
0x98: {  	s19 =	sld [smem:$0x3FDB];
	_ =	sdelay $0x1  }
0x99: {  	s4 =	simm.s32 $_scs_section_size  }
0x9a: {  	s5 =	simm.s32 $_size__tile_overlayer_lowered;
	s6 =	simm.s32 $_tile_overlayer_lowered  }
0x9b: {  	s22 =	simm.s32 $0x1BFF;
	s21 =	sshll.u32 s6, $0x1;
	s3 =	sadd.s32 s4, s19  }
0x9c: {  	s7 =	simm.s32 $0x0;
	s20 =	sshll.u32 s5, $0x1;
	s5 =	sadd.s32 s21, s3  }
0x9d: {  	[timem:s7], [sflag:s22] =	dma.local [hbm:s5], s20  }
0x9e: {  	_ =	swait.ge [sflag:s22], s20  }
0x9f: {  	s4 =	ssub.s32 $0x0, s20;
	[sflag:s22] =	ssyncset.done $0x0  }
0xa0: {  	[sflag:s22] =	ssyncadd.s32 s4;
	_ =	sdelay $0x1  }
0xa1: {  	s23 =	simm.s32 $0x1B8B  }
0xa2: {  	_ =	swait.ge [sflag:s23], $0x1  }
0xa3: {  	[sflag:s23] =	ssyncset.done $0x0  }
0xa4: {  	s25 =	simm.s32 $0x1B8E;
	s24 =	sld [smem:$0x3FFE];
	[sflag:s23] =	ssyncadd.s32 $0xFFFFFFFF  }
0xa5: {  	s26 =	simm.s32 $execute0_lowered;
	[smem:$0x3FD2] =	sst s25  }
0xa6: {  	s5 =	sshll.u32 s26, $0x1;
	_ =	strace $0x80000049;
	[dreg:$0x1] =	wrdreg $0xFFFFFFFF  }
0xa7: {  	s28 =	simm.s32 $_size_execute0_lowered;
	s3 =	sadd.s32 s3, s5;
	[dreg:$0x0] =	wrdreg $0x0  }
0xa8: {  	s5 =	sshll.u32 s28, $0x1;
	[dreg:$0x2] =	wrdreg s3  }
0xa9: {  	[dreg:$0x3] =	wrdreg s5  }
0xaa: {  	[dreg:$0x4] =	wrdreg $0xC0  }
0xab: {  	_ =	task [dreg:s7], $0x5FFFF  }
0xac: {  	[dreg:$0x1] =	wrdreg $0xFFFFFFFF  }
0xad: {  	[dreg:$0x0] =	wrdreg $0x60  }
0xae: {  	[dreg:$0x2] =	wrdreg s24  }
0xaf: {  	[dreg:$0x3] =	wrdreg s2  }
0xb0: {  	[dreg:$0x4] =	wrdreg $0xB0000  }
0xb1: {  	[dreg:$0x5] =	wrdreg $0x9  }
0xb2: {  	_ =	task.clear_ibuf [dreg:s7], $0x6FFFF;
	_ =	strace $0x90000049  }
0xb3: {  	s29 =	simm.s32 $0x9;
	_ =	strace $0x8000004B  }
0xb4: {  	_ =	swait.ge [sflag:s29], $0x1  }
0xb5: {  	[sflag:s29] =	ssyncadd.s32 $0xFFFFFFFF  }
0xb6: {  	_ =	strace $0x9000004B  }
0xb7: {  	_ =	sfence  }
0xb8: {  	s30 =	sld [smem:$0x0];
	_ =	sdelay $0x2  }
0xb9: {  	s31 =	sshll.u32 s1, $0xD;
	s1 =	sshrl.u32 s1, $0x2  }
0xba: {  	s3 =	sand.u32 $0x4000, s31;
	s1 =	sadd.s32 s1, s30  }
0xbb: {  	s0 =	sor.u32 s3, s0;
	s1 =	sshll.u32 s1, $0x11  }
0xbc: {  	s0 =	sor.u32 s1, s0  }
0xbd: {  	s0 =	sadd.s32 $0x8F2B, s0  }
0xbe: {  	[sflag:s0] =	ssyncadd.remote.s32 $0x1  }
0xbf: {  	_ =	sfence.sel $0xFFFF  }
0xc0: {  	[dreg:$0x0] =	wrdreg $0xFFFFFFFF;
	(pc) =	sbr.abs _section_cstart, $3  }
0xc1: {  	[dreg:$0x1] =	wrdreg $0xFFFFFFFF  }
0xc2: {  	_ =	task.clear_ibuf [dreg:s7], $0x2FFFF;
	_ =	strace $0x9FFFFFFF  }
0xc3: {  	(tm) =	ssettm $0x7FFFFFFF  }
tec
execute0_lowered:
.L_overlay_start_1:
0x0: {  	(tag) =	ssettag $0x1  }
0x1: {  	s0 =	rddreg [dreg:$0x0]  }
0x2: {  	s2 =	rddreg [dreg:$0x1]  }
0x3: {  	s1 =	rddreg [dreg:$0x2];
	s3 =	srdreg.scid  }
0x4: {  	s4 =	simm.s32 $0x0;
	s12 =	stileid.u32;
	s28 =	simm.s32 $0x1  }
0x5: {  	s29 =	simm.s32 $0x80;
	s13 =	simm.s32 $0x2FC0;
	s14 =	simm.s32 $0x3  }
0x6: {  	s31 =	simm.s32 $0x0;
	s3 =	sand.u32 $0x1, s3;
	s7 =	smul.u32 $0x13C00, s12  }
0x7: {  	[smem:$0x7FF] =	sst s4;
	s4 =	sadd.s32 $0x29600, s0;
	s11 =	smul.u32 $0x4F000, s12  }
0x8: {  	s5 =	sadd.s32 $0x78E00, s0;
	s8 =	sadd.s32 $0x1E00, s0;
	s19 =	smul.u32 $0x5000, s12  }
0x9: {  	s9 =	sshll.u32 s12, $0x1;
	s20 =	smul.u32 $0x2780, s12;
	s25 =	sshll.u32 s12, $0x6  }
0xa: {  	s6 =	smul.u32 $0x13C000, s3;
	_ =	strace $0x8000004A;
	s15 =	ssub.s32 $0x2, s3  }
0xb: {  	s9 =	sor.u32 s3, s9;
	p0 =	seq.s32 s3, $0x1;
	s3 =	smul.u32 $0x2800, s3  }
0xc: {  	s12 =	sor.u32 $0x1C05, s25;
	s25 =	simm.s32 $0x9000;
	s10 =	sshrl.u32 s15, $0x1  }
0xd: {  	s17 =	smul.u32 $0x2800, s9;
	s18 =	sshrl.u32 s11, $0x2;
	s11 =	simm.s32 $0x2F40  }
0xe: {  	[dreg:$0xa] =	wrdreg s12;
	s6 =	sadd.s32 s7, s6;
	s16 =	ssub.s32 s15, s10  }
0xf: {  	s9 =	sadd.s32 s18, s1;
	s22 =	sadd.s32 s3, s19;
	s18 =	simm.s32 $0x40  }
0x10: {  	s19 =	simm.s32 $0x3000;
	s15 =	simm.s32 $0x4;
	s10 =	simm.s32 $0x2F00  }
0x11: {  	s6 =	sshrl.u32 s6, $0x3;
	s7 =	sshrl.u32 s17, $0x3;
	s23 =	smax.u32 s16, $0x1  }
0x12: {  	s24 =	sadd.s32 $0xC00, s22;
	s30 =	sadd.s32 $0x800, s22;
	s17 =	sshrl.u32 s9, $0x3  }
0x13: {  	s16 =	simm.s32 $0x5;
	s9 =	simm.s32 $0x2EC0;
	[dreg:$0x8] =	wrdreg s23  }
0x14: {  	s0 =	sadd.s32 s6, s0;
	s2 =	sadd.s32 s2, s7;
	[dreg:$0xc] =	wrdreg s30  }
0x15: {  	s21 =	sadd.s32 s5, s7;
	s3 =	sshrl.u32 s24, $0x3;
	[dreg:$0xd] =	wrdreg s17  }
0x16: {  	s23 =	simm.s32 $0x7000;
	s6 =	simm.s32 $0x2E40;
	[dreg:$0x4] =	wrdreg s2  }
0x17: {  	s7 =	simm.s32 $0x2F80;
	[dreg:$0x5] =	wrdreg s21;
	s2 =	sadd.s32 $0x80, s21  }
.Ltmp0:
0x18: {  	s0 =	sadd.s32 $0x82E00, s0;
	[dreg:$0x6] =	wrdreg s2;
	(pc) =	sbr.rel .LBB2_1-.Ltmp0, $4  }
0x19: {  	s26 =	sadd.s32 s3, s5;
	[dreg:$0x7] =	wrdreg s0;
	s0 =	smov.u32 s4  }
0x1a: {  	s21 =	simm.s32 $0x5000;
	[dreg:$0xb] =	wrdreg s26;
	s0 =	smov.u32 @p0 s8  }
0x1b: {  	s26 =	simm.s32 $0x2C00;
	s2 =	simm.s32 $0x0;
	s0 =	sadd.s32 s0, s20  }
0x1c: {  	s8 =	simm.s32 $0x2E80;
	[dreg:$0x9] =	wrdreg s0;
	s0 =	simm.s32 $0x2  }
.LBB2_4:
0x1d: {  	_ =	swait.ge [sflag:s0], $0x4000  }
0x1e: {  	[sflag:s0] =	ssyncset.done $0x0  }
0x1f: {  	[sflag:s0] =	ssyncadd.s32 $0xFFFFC000  }
0x20: {  	[spmem:s1] =	stream.indirect.scatter.add.f32 [tilespmem:s23], [sflag:$0x5], $0x80, s22, s29, $0xb8;
	[tilespmem:$0x1EC00] =	vst v63  }
0x21: {  	_ =	swait.ge [sflag:s16], $0x4000  }
0x22: {  	[sflag:s16] =	ssyncset.done $0x0  }
0x23: {  	[sflag:s16] =	ssyncadd.s32 $0xFFFFC000  }
0x24: {  	[bflag:$0x0] =	sbarrier.arrive $0xFFFF  }
0x25: {  	s3 =	rddreg [dreg:$0x7]  }
0x26: {  	s12 =	rddreg [dreg:$0xa]  }
0x27: {  	s17 =	rddreg [dreg:$0xd]  }
0x28: {  	[hbm:s3], [sflag:s12] =	dma.local [spmem:s17], $0x2780  }
0x29: {  	_ =	swait.ge [sflag:s16], $0x2780  }
0x2a: {  	s2 =	rddreg [dreg:$0xe]  }
0x2b: {  	s30 =	rddreg [dreg:$0x8];
	s2 =	sadd.s32 $0x1, s2  }
0x2c: {  	p0 =	sne.s32 s2, s30  }
.Ltmp1:
0x2d: {  	_ = 	snop;
	(pc) =	sbr.rel @!p0 .LBB2_5-.Ltmp1, $3  }
0x2e: {  	_ =	sdelay $0x1  }
0x2f: {  	[sflag:s16] =	ssyncset.done $0x0  }
0x30: {  	[sflag:s16] =	ssyncadd.s32 $0xFFFFD880  }
.LBB2_1:
0x31: {  	[dreg:$0xe] =	wrdreg s2  }
0x32: {  	s3 =	rddreg [dreg:$0x9]  }
0x33: {  	[spmem:s17], [sflag:s12] =	dma.local [hbm:s3], $0x2780  }
0x34: {  	_ =	swait.ge [sflag:s16], $0x2780  }
0x35: {  	[sflag:s16] =	ssyncset.done $0x0  }
0x36: {  	s3 =	simm.s32 $0x0;
	s22 =	rddreg [dreg:$0x4];
	[sflag:s16] =	ssyncadd.s32 $0xFFFFD880  }
0x37: {  	[tilespmem:s3], [sflag:$0x5] =	stream.linear.gather [hbm4b:s22+s3], $0x2800, $0x38;
	[tilespmem:$0x1EC00] =	vst v63  }
0x38: {  	_ =	swait.ge [sflag:s16], $0x2800  }
0x39: {  	[sflag:s16] =	ssyncset.done $0x0  }
0x3a: {  	s30 =	simm.s32 $0x2800;
	s24 =	rddreg [dreg:$0x5];
	[sflag:s16] =	ssyncadd.s32 $0xFFFFD800  }
0x3b: {  	[tilespmem:s30], [sflag:$0x5] =	stream.linear.gather [hbm4b:s24+s3], $0x400, $0x38;
	[tilespmem:$0x1EC00] =	vst v63  }
0x3c: {  	_ =	swait.ge [sflag:s16], $0x400  }
0x3d: {  	[sflag:s16] =	ssyncset.done $0x0  }
0x3e: {  	[sflag:s16] =	ssyncadd.s32 $0xFFFFFC00  }
0x3f: {  	[bflag:$0x0] =	sbarrier.arrive $0xFFFF  }
0x40: {  	[tilespmem:s19], [sflag:$0x1] =	stream.indirect.gather [hbm4b:s4+s18], $0x80, s30, s18, $0xb8;
	[tilespmem:$0x1EC00] =	vst v63  }
0x41: {  	s20 =	simm.s32 $0x2840  }
0x42: {  	[tilespmem:s21], [sflag:$0x1] =	stream.indirect.gather [hbm4b:s4+s18], $0x80, s20, s18, $0xb8;
	[tilespmem:$0x1EC00] =	vst v63  }
0x43: {  	s22 =	simm.s32 $0x2880  }
0x44: {  	[tilespmem:s23], [sflag:$0x2] =	stream.indirect.gather [hbm4b:s4+s18], $0x80, s22, s18, $0xb8;
	[tilespmem:$0x1EC00] =	vst v63  }
0x45: {  	s24 =	simm.s32 $0x28C0;
	s30 =	rddreg [dreg:$0x6]  }
0x46: {  	[tilespmem:s25], [sflag:$0x2] =	stream.indirect.gather [hbm4b:s4+s18], $0x80, s24, s18, $0xb8;
	[tilespmem:$0x1EC00] =	vst v63  }
0x47: {  	s20 =	rddreg [dreg:$0xb]  }
0x48: {  	[tilespmem:s26], [sflag:$0x4] =	stream.linear.gather [hbm4b:s30+s3], $0x400, $0x38;
	[tilespmem:$0x1EC00] =	vst v63  }
0x49: {  	s2 =	simm.s32 $0x2800;
	s12 =	simm.s32 $0x0;
	s3 =	rddreg [dreg:$0xc]  }
.LBB2_2:
0x4a: {  	_ =	swait.ge [sflag:s28], $0x4000  }
0x4b: {  	[sflag:s28] =	ssyncset.done $0x0  }
0x4c: {  	s22 =	sshra.s32 s12, $0x2;
	[sflag:s28] =	ssyncadd.s32 $0xFFFFC000  }
0x4d: {  	[spmem:s1] =	stream.indirect.scatter.add.f32 [tilespmem:s19], [sflag:$0x5], $0x80, s22, s29, $0xb8;
	[tilespmem:$0x1EC00] =	vst v63  }
0x4e: {  	_ =	swait.ge [sflag:s16], $0x4000  }
0x4f: {  	[sflag:s16] =	ssyncset.done $0x0  }
0x50: {  	s17 =	simm.s32 $0x2900;
	[sflag:s16] =	ssyncadd.s32 $0xFFFFC000  }
0x51: {  	[tilespmem:s19], [sflag:$0x1] =	stream.indirect.gather [hbm4b:s4+s18], $0x80, s17, s18, $0xb8;
	[tilespmem:$0x1EC00] =	vst v63  }
0x52: {  	s30 =	simm.s32 $0x2940  }
0x53: {  	[tilespmem:s21], [sflag:$0x1] =	stream.indirect.gather [hbm4b:s4+s18], $0x80, s30, s18, $0xb8;
	[tilespmem:$0x1EC00] =	vst v63  }
0x54: {  	_ =	swait.ge [sflag:s0], $0x4000  }
0x55: {  	[sflag:s0] =	ssyncset.done $0x0  }
0x56: {  	s24 =	sadd.s32 $0x80, s22;
	[sflag:s0] =	ssyncadd.s32 $0xFFFFC000  }
0x57: {  	[spmem:s1] =	stream.indirect.scatter.add.f32 [tilespmem:s23], [sflag:$0x5], $0x80, s24, s29, $0xb8;
	[tilespmem:$0x1EC00] =	vst v63  }
0x58: {  	_ =	swait.ge [sflag:s16], $0x4000  }
0x59: {  	[sflag:s16] =	ssyncset.done $0x0  }
0x5a: {  	s24 =	simm.s32 $0x2980;
	[sflag:s16] =	ssyncadd.s32 $0xFFFFC000  }
0x5b: {  	[tilespmem:s23], [sflag:$0x2] =	stream.indirect.gather [hbm4b:s4+s18], $0x80, s24, s18, $0xb8;
	[tilespmem:$0x1EC00] =	vst v63  }
0x5c: {  	s30 =	simm.s32 $0x29C0  }
0x5d: {  	[tilespmem:s25], [sflag:$0x2] =	stream.indirect.gather [hbm4b:s4+s18], $0x80, s30, s18, $0xb8;
	[tilespmem:$0x1EC00] =	vst v63  }
0x5e: {  	_ =	swait.ge [sflag:s28], $0x4000  }
0x5f: {  	[sflag:s28] =	ssyncset.done $0x0  }
0x60: {  	s17 =	sadd.s32 $0x100, s22;
	[sflag:s28] =	ssyncadd.s32 $0xFFFFC000  }
0x61: {  	[spmem:s1] =	stream.indirect.scatter.add.f32 [tilespmem:s19], [sflag:$0x5], $0x80, s17, s29, $0xb8;
	[tilespmem:$0x1EC00] =	vst v63  }
0x62: {  	_ =	swait.ge [sflag:s16], $0x4000  }
0x63: {  	[sflag:s16] =	ssyncset.done $0x0  }
0x64: {  	s24 =	simm.s32 $0x2A00;
	[sflag:s16] =	ssyncadd.s32 $0xFFFFC000  }
0x65: {  	[tilespmem:s19], [sflag:$0x1] =	stream.indirect.gather [hbm4b:s4+s18], $0x80, s24, s18, $0xb8;
	[tilespmem:$0x1EC00] =	vst v63  }
0x66: {  	s30 =	simm.s32 $0x2A40  }
0x67: {  	[tilespmem:s21], [sflag:$0x1] =	stream.indirect.gather [hbm4b:s4+s18], $0x80, s30, s18, $0xb8;
	[tilespmem:$0x1EC00] =	vst v63  }
0x68: {  	_ =	swait.ge [sflag:s0], $0x4000  }
0x69: {  	[sflag:s0] =	ssyncset.done $0x0  }
0x6a: {  	s17 =	sadd.s32 $0x180, s22;
	[sflag:s0] =	ssyncadd.s32 $0xFFFFC000  }
0x6b: {  	[spmem:s1] =	stream.indirect.scatter.add.f32 [tilespmem:s23], [sflag:$0x5], $0x80, s17, s29, $0xb8;
	[tilespmem:$0x1EC00] =	vst v63  }
0x6c: {  	_ =	swait.ge [sflag:s16], $0x4000  }
0x6d: {  	[sflag:s16] =	ssyncset.done $0x0  }
0x6e: {  	s24 =	simm.s32 $0x2A80;
	[sflag:s16] =	ssyncadd.s32 $0xFFFFC000  }
0x6f: {  	[tilespmem:s23], [sflag:$0x2] =	stream.indirect.gather [hbm4b:s4+s18], $0x80, s24, s18, $0xb8;
	[tilespmem:$0x1EC00] =	vst v63  }
0x70: {  	s30 =	simm.s32 $0x2AC0  }
0x71: {  	[tilespmem:s25], [sflag:$0x2] =	stream.indirect.gather [hbm4b:s4+s18], $0x80, s30, s18, $0xb8;
	[tilespmem:$0x1EC00] =	vst v63  }
0x72: {  	_ =	swait.ge [sflag:s28], $0x4000  }
0x73: {  	[sflag:s28] =	ssyncset.done $0x0  }
0x74: {  	s17 =	sadd.s32 $0x200, s22;
	[sflag:s28] =	ssyncadd.s32 $0xFFFFC000  }
0x75: {  	[spmem:s1] =	stream.indirect.scatter.add.f32 [tilespmem:s19], [sflag:$0x5], $0x80, s17, s29, $0xb8;
	[tilespmem:$0x1EC00] =	vst v63  }
0x76: {  	_ =	swait.ge [sflag:s16], $0x4000  }
0x77: {  	[sflag:s16] =	ssyncset.done $0x0  }
0x78: {  	s24 =	simm.s32 $0x2B00;
	[sflag:s16] =	ssyncadd.s32 $0xFFFFC000  }
0x79: {  	[tilespmem:s19], [sflag:$0x1] =	stream.indirect.gather [hbm4b:s4+s18], $0x80, s24, s18, $0xb8;
	[tilespmem:$0x1EC00] =	vst v63  }
0x7a: {  	s30 =	simm.s32 $0x2B40  }
0x7b: {  	[tilespmem:s21], [sflag:$0x1] =	stream.indirect.gather [hbm4b:s4+s18], $0x80, s30, s18, $0xb8;
	[tilespmem:$0x1EC00] =	vst v63  }
0x7c: {  	_ =	swait.ge [sflag:s0], $0x4000  }
0x7d: {  	[sflag:s0] =	ssyncset.done $0x0  }
0x7e: {  	s17 =	sadd.s32 $0x280, s22;
	[sflag:s0] =	ssyncadd.s32 $0xFFFFC000  }
0x7f: {  	[spmem:s1] =	stream.indirect.scatter.add.f32 [tilespmem:s23], [sflag:$0x5], $0x80, s17, s29, $0xb8;
	[tilespmem:$0x1EC00] =	vst v63  }
0x80: {  	_ =	swait.ge [sflag:s16], $0x4000  }
0x81: {  	[sflag:s16] =	ssyncset.done $0x0  }
0x82: {  	s24 =	simm.s32 $0x2B80;
	[sflag:s16] =	ssyncadd.s32 $0xFFFFC000  }
0x83: {  	[tilespmem:s23], [sflag:$0x2] =	stream.indirect.gather [hbm4b:s4+s18], $0x80, s24, s18, $0xb8;
	[tilespmem:$0x1EC00] =	vst v63  }
0x84: {  	s30 =	simm.s32 $0x2BC0  }
0x85: {  	[tilespmem:s25], [sflag:$0x2] =	stream.indirect.gather [hbm4b:s4+s18], $0x80, s30, s18, $0xb8;
	[tilespmem:$0x1EC00] =	vst v63  }
0x86: {  	_ =	swait.ge [sflag:s28], $0x4000  }
0x87: {  	[sflag:s28] =	ssyncset.done $0x0  }
0x88: {  	s17 =	sadd.s32 $0x300, s22;
	[sflag:s28] =	ssyncadd.s32 $0xFFFFC000  }
0x89: {  	[spmem:s1] =	stream.indirect.scatter.add.f32 [tilespmem:s19], [sflag:$0x5], $0x80, s17, s29, $0xb8;
	[tilespmem:$0x1EC00] =	vst v63  }
0x8a: {  	_ =	swait.ge [sflag:s16], $0x4000  }
0x8b: {  	[sflag:s16] =	ssyncset.done $0x0  }
0x8c: {  	[sflag:s16] =	ssyncadd.s32 $0xFFFFC000  }
0x8d: {  	_ =	swait.ge [sflag:s15], $0x400  }
0x8e: {  	[sflag:s15] =	ssyncset.done $0x0  }
0x8f: {  	[sflag:s15] =	ssyncadd.s32 $0xFFFFFC00  }
0x90: {  	[tilespmem:s19], [sflag:$0x1] =	stream.indirect.gather [hbm4b:s4+s18], $0x80, s26, s18, $0xb8;
	[tilespmem:$0x1EC00] =	vst v63  }
0x91: {  	s30 =	simm.s32 $0x2C40  }
0x92: {  	[tilespmem:s21], [sflag:$0x1] =	stream.indirect.gather [hbm4b:s4+s18], $0x80, s30, s18, $0xb8;
	[tilespmem:$0x1EC00] =	vst v63  }
0x93: {  	_ =	swait.ge [sflag:s0], $0x4000  }
0x94: {  	[sflag:s0] =	ssyncset.done $0x0  }
0x95: {  	s17 =	sadd.s32 $0x380, s22;
	[sflag:s0] =	ssyncadd.s32 $0xFFFFC000  }
0x96: {  	[spmem:s1] =	stream.indirect.scatter.add.f32 [tilespmem:s23], [sflag:$0x5], $0x80, s17, s29, $0xb8;
	[tilespmem:$0x1EC00] =	vst v63  }
0x97: {  	_ =	swait.ge [sflag:s16], $0x4000  }
0x98: {  	[sflag:s16] =	ssyncset.done $0x0  }
0x99: {  	p0 =	seq.s32 s12, $0x8000;
	s24 =	simm.s32 $0x2C80;
	[sflag:s16] =	ssyncadd.s32 $0xFFFFC000  }
0x9a: {  	[tilespmem:s23], [sflag:$0x2] =	stream.indirect.gather [hbm4b:s4+s18], $0x80, s24, s18, $0xb8;
	[tilespmem:$0x1EC00] =	vst v63  }
0x9b: {  	s30 =	simm.s32 $0x2CC0;
	s24 =	sshrl.u32 @!p0 s3, $0x3  }
0x9c: {  	[tilespmem:s25], [sflag:$0x2] =	stream.indirect.gather [hbm4b:s4+s18], $0x80, s30, s18, $0xb8;
	[tilespmem:$0x1EC00] =	vst v63  }
0x9d: {  	s17 =	simm.s32 @!p0 $0x0;
	s24 =	sadd.s32 @!p0 s5, s24;
	s30 =	simm.s32 @!p0 $0x2800  }
0x9e: {  	[tilespmem:s30], [sflag:$0x3] =	stream.linear.gather @!p0 [hbm4b:s24+s17], $0x400, $0x38;
	[tilespmem:$0x1EC00] =	vst v63  }
0x9f: {  	_ =	swait.ge [sflag:s28], $0x4000  }
0xa0: {  	[sflag:s28] =	ssyncset.done $0x0  }
0xa1: {  	s24 =	sadd.s32 $0x400, s22;
	[sflag:s28] =	ssyncadd.s32 $0xFFFFC000  }
0xa2: {  	[spmem:s1] =	stream.indirect.scatter.add.f32 [tilespmem:s19], [sflag:$0x5], $0x80, s24, s29, $0xb8;
	[tilespmem:$0x1EC00] =	vst v63  }
0xa3: {  	_ =	swait.ge [sflag:s16], $0x4000  }
0xa4: {  	[sflag:s16] =	ssyncset.done $0x0  }
0xa5: {  	s30 =	simm.s32 $0x2D00;
	[sflag:s16] =	ssyncadd.s32 $0xFFFFC000  }
0xa6: {  	[tilespmem:s19], [sflag:$0x1] =	stream.indirect.gather [hbm4b:s4+s18], $0x80, s30, s18, $0xb8;
	[tilespmem:$0x1EC00] =	vst v63  }
0xa7: {  	s24 =	simm.s32 $0x2D40  }
0xa8: {  	[tilespmem:s21], [sflag:$0x1] =	stream.indirect.gather [hbm4b:s4+s18], $0x80, s24, s18, $0xb8;
	[tilespmem:$0x1EC00] =	vst v63  }
0xa9: {  	_ =	swait.ge [sflag:s0], $0x4000  }
0xaa: {  	[sflag:s0] =	ssyncset.done $0x0  }
0xab: {  	s30 =	sadd.s32 $0x480, s22;
	[sflag:s0] =	ssyncadd.s32 $0xFFFFC000  }
0xac: {  	[spmem:s1] =	stream.indirect.scatter.add.f32 [tilespmem:s23], [sflag:$0x5], $0x80, s30, s29, $0xb8;
	[tilespmem:$0x1EC00] =	vst v63  }
0xad: {  	_ =	swait.ge [sflag:s16], $0x4000  }
0xae: {  	[sflag:s16] =	ssyncset.done $0x0  }
0xaf: {  	s24 =	simm.s32 $0x2D80;
	[sflag:s16] =	ssyncadd.s32 $0xFFFFC000  }
0xb0: {  	[tilespmem:s23], [sflag:$0x2] =	stream.indirect.gather [hbm4b:s4+s18], $0x80, s24, s18, $0xb8;
	[tilespmem:$0x1EC00] =	vst v63  }
0xb1: {  	s30 =	simm.s32 $0x2DC0  }
0xb2: {  	[tilespmem:s25], [sflag:$0x2] =	stream.indirect.gather [hbm4b:s4+s18], $0x80, s30, s18, $0xb8;
	[tilespmem:$0x1EC00] =	vst v63  }
0xb3: {  	_ =	swait.ge [sflag:s28], $0x4000  }
0xb4: {  	[sflag:s28] =	ssyncset.done $0x0  }
0xb5: {  	s24 =	sadd.s32 $0x500, s22;
	[sflag:s28] =	ssyncadd.s32 $0xFFFFC000  }
0xb6: {  	[spmem:s1] =	stream.indirect.scatter.add.f32 [tilespmem:s19], [sflag:$0x5], $0x80, s24, s29, $0xb8;
	[tilespmem:$0x1EC00] =	vst v63  }
0xb7: {  	_ =	swait.ge [sflag:s16], $0x4000  }
0xb8: {  	[sflag:s16] =	ssyncset.done $0x0  }
0xb9: {  	s30 =	simm.s32 $0x2E00;
	[sflag:s16] =	ssyncadd.s32 $0xFFFFC000  }
0xba: {  	[tilespmem:s19], [sflag:$0x1] =	stream.indirect.gather [hbm4b:s4+s18], $0x80, s30, s18, $0xb8;
	[tilespmem:$0x1EC00] =	vst v63  }
0xbb: {  	_ = 	snop  }
0xbc: {  	[tilespmem:s21], [sflag:$0x1] =	stream.indirect.gather [hbm4b:s4+s18], $0x80, s6, s18, $0xb8;
	[tilespmem:$0x1EC00] =	vst v63  }
0xbd: {  	_ =	swait.ge [sflag:s0], $0x4000  }
0xbe: {  	[sflag:s0] =	ssyncset.done $0x0  }
0xbf: {  	s24 =	sadd.s32 $0x580, s22;
	[sflag:s0] =	ssyncadd.s32 $0xFFFFC000  }
0xc0: {  	[spmem:s1] =	stream.indirect.scatter.add.f32 [tilespmem:s23], [sflag:$0x5], $0x80, s24, s29, $0xb8;
	[tilespmem:$0x1EC00] =	vst v63  }
0xc1: {  	_ =	swait.ge [sflag:s16], $0x4000  }
0xc2: {  	[sflag:s16] =	ssyncset.done $0x0  }
0xc3: {  	[sflag:s16] =	ssyncadd.s32 $0xFFFFC000  }
0xc4: {  	[tilespmem:s23], [sflag:$0x2] =	stream.indirect.gather [hbm4b:s4+s18], $0x80, s8, s18, $0xb8;
	[tilespmem:$0x1EC00] =	vst v63  }
0xc5: {  	_ = 	snop  }
0xc6: {  	[tilespmem:s25], [sflag:$0x2] =	stream.indirect.gather [hbm4b:s4+s18], $0x80, s9, s18, $0xb8;
	[tilespmem:$0x1EC00] =	vst v63  }
0xc7: {  	_ =	swait.ge [sflag:s28], $0x4000  }
0xc8: {  	[sflag:s28] =	ssyncset.done $0x0  }
0xc9: {  	s30 =	sadd.s32 $0x600, s22;
	[sflag:s28] =	ssyncadd.s32 $0xFFFFC000  }
0xca: {  	[spmem:s1] =	stream.indirect.scatter.add.f32 [tilespmem:s19], [sflag:$0x5], $0x80, s30, s29, $0xb8;
	[tilespmem:$0x1EC00] =	vst v63  }
0xcb: {  	_ =	swait.ge [sflag:s16], $0x4000  }
0xcc: {  	[sflag:s16] =	ssyncset.done $0x0  }
0xcd: {  	[sflag:s16] =	ssyncadd.s32 $0xFFFFC000  }
0xce: {  	[tilespmem:s19], [sflag:$0x1] =	stream.indirect.gather [hbm4b:s4+s18], $0x80, s10, s18, $0xb8;
	[tilespmem:$0x1EC00] =	vst v63  }
0xcf: {  	_ = 	snop  }
0xd0: {  	[tilespmem:s21], [sflag:$0x1] =	stream.indirect.gather [hbm4b:s4+s18], $0x80, s11, s18, $0xb8;
	[tilespmem:$0x1EC00] =	vst v63  }
0xd1: {  	_ =	swait.ge [sflag:s0], $0x4000  }
0xd2: {  	[sflag:s0] =	ssyncset.done $0x0  }
0xd3: {  	s24 =	sadd.s32 $0x680, s22;
	[sflag:s0] =	ssyncadd.s32 $0xFFFFC000  }
0xd4: {  	[spmem:s1] =	stream.indirect.scatter.add.f32 [tilespmem:s23], [sflag:$0x5], $0x80, s24, s29, $0xb8;
	[tilespmem:$0x1EC00] =	vst v63  }
0xd5: {  	_ =	swait.ge [sflag:s16], $0x4000  }
0xd6: {  	[sflag:s16] =	ssyncset.done $0x0  }
0xd7: {  	[sflag:s16] =	ssyncadd.s32 $0xFFFFC000  }
0xd8: {  	[tilespmem:s23], [sflag:$0x2] =	stream.indirect.gather [hbm4b:s4+s18], $0x80, s7, s18, $0xb8;
	[tilespmem:$0x1EC00] =	vst v63  }
0xd9: {  	_ = 	snop  }
0xda: {  	[tilespmem:s25], [sflag:$0x2] =	stream.indirect.gather [hbm4b:s4+s18], $0x80, s13, s18, $0xb8;
	[tilespmem:$0x1EC00] =	vst v63  }
0xdb: {  	_ =	swait.ge [sflag:s28], $0x4000  }
0xdc: {  	[sflag:s28] =	ssyncset.done $0x0  }
.Ltmp2:
0xdd: {  	s30 =	sadd.s32 $0x700, s22;
	[sflag:s28] =	ssyncadd.s32 $0xFFFFC000;
	(pc) =	sbr.rel @p0 .LBB2_4-.Ltmp2, $4  }
0xde: {  	[spmem:s1] =	stream.indirect.scatter.add.f32 [tilespmem:s19], [sflag:$0x5], $0x80, s30, s29, $0xb8;
	[tilespmem:$0x1EC00] =	vst v63  }
0xdf: {  	_ =	swait.ge [sflag:s16], $0x4000  }
0xe0: {  	[sflag:s16] =	ssyncset.done $0x0  }
0xe1: {  	s22 =	sadd.s32 $0x780, s22;
	[sflag:s16] =	ssyncadd.s32 $0xFFFFC000  }
0xe2: {  	_ =	swait.ge [sflag:s14], $0x400  }
0xe3: {  	[sflag:s14] =	ssyncset.done $0x0  }
0xe4: {  	[sflag:s14] =	ssyncadd.s32 $0xFFFFFC00  }
0xe5: {  	[tilespmem:s19], [sflag:$0x1] =	stream.indirect.gather [hbm4b:s4+s18], $0x80, s2, s18, $0xb8;
	[tilespmem:$0x1EC00] =	vst v63  }
0xe6: {  	s17 =	simm.s32 $0x2840  }
0xe7: {  	[tilespmem:s21], [sflag:$0x1] =	stream.indirect.gather [hbm4b:s4+s18], $0x80, s17, s18, $0xb8;
	[tilespmem:$0x1EC00] =	vst v63  }
0xe8: {  	_ =	swait.ge [sflag:s0], $0x4000  }
0xe9: {  	[sflag:s0] =	ssyncset.done $0x0  }
0xea: {  	[sflag:s0] =	ssyncadd.s32 $0xFFFFC000  }
0xeb: {  	[spmem:s1] =	stream.indirect.scatter.add.f32 [tilespmem:s23], [sflag:$0x5], $0x80, s22, s29, $0xb8;
	[tilespmem:$0x1EC00] =	vst v63  }
0xec: {  	_ =	swait.ge [sflag:s16], $0x4000  }
0xed: {  	[sflag:s16] =	ssyncset.done $0x0  }
0xee: {  	s24 =	simm.s32 $0x2880;
	[sflag:s16] =	ssyncadd.s32 $0xFFFFC000  }
0xef: {  	[tilespmem:s23], [sflag:$0x2] =	stream.indirect.gather [hbm4b:s4+s18], $0x80, s24, s18, $0xb8;
	[tilespmem:$0x1EC00] =	vst v63  }
.Ltmp3:
0xf0: {  	s30 =	simm.s32 $0x28C0;
	(pc) =	sbr.rel .LBB2_2-.Ltmp3, $4  }
0xf1: {  	[tilespmem:s25], [sflag:$0x2] =	stream.indirect.gather [hbm4b:s4+s18], $0x80, s30, s18, $0xb8;
	[tilespmem:$0x1EC00] =	vst v63  }
0xf2: {  	_ = 	snop  }
0xf3: {  	[tilespmem:s26], [sflag:$0x4] =	stream.linear.gather [hbm4b:s20+s31], $0x400, $0x38;
	[tilespmem:$0x1EC00] =	vst v63  }
0xf4: {  	s3 =	sadd.s32 $0x800, s3;
	s12 =	sadd.s32 $0x2000, s12;
	s20 =	sadd.s32 $0x100, s20  }
.LBB2_5:
0xf5: {  	_ =	sfence.sel $0x180000  }
0xf6: {  	[bflag:$0x0] =	sbarrier.arrive $0xFFFF  }
0xf7: {  	_ =	strace $0x9000004A  }
0xf8: {  	s0 =	stileid.u32;
	[bflag:$0x2] =	sbarrier.arrive $0xFFFF  }
0xf9: {  	p0 =	sne.s32 s0, $0x0;
	s0 =	rddreg [dreg:$0x3]  }
0xfa: {  	s0 =	sadd.s32 @!p0 $0x100000, s0  }
0xfb: {  	[sflag:s0] =	ssyncadd.tile.s32 @!p0 $0x1;
	_ =	shalt  }
.Lfunc_end2:
_tile_overlayer_lowered:
.L_overlay_start_2:
0xfc: {  	(tag) =	ssettag $0x2  }
0xfd: {  	s0 =	rddreg [dreg:$0x0];
	s2 =	stileid.u32  }
0xfe: {  	s1 =	rddreg [dreg:$0x1];
	p0 =	sne.s32 s2, $0x0  }
0xff: {  	s3 =	rddreg [dreg:$0x2];
	[bflag:$0x3] =	sbarrier.arrive $0xFFFF;
	s2 =	simm.s32 @!p0 $0x1C05  }
0x100: {  	[timem:s3], [sflag:s2] =	dma.local @!p0 [hbm:s0], s1  }
0x101: {  	s0 =	simm.s32 @!p0 $0x5  }
0x102: {  	_ =	swait.ge @!p0 [sflag:s0], s1  }
0x103: {  	s1 =	ssub.s32 @!p0 $0x0, s1;
	[sflag:s0] =	ssyncset.done @!p0 $0x0  }
0x104: {  	[sflag:s0] =	ssyncadd.s32 @!p0 s1  }
0x105: {  	[bflag:$0x3] =	sbarrier.arrive $0xFFFF  }
0x106: {  	_ =	shalt  }

// kernel: kernel.14.cloned.1.call-start
scs
__scs_entry_jumppad:
0x0: {  	(pc) =	sbr.rel $0x88, $3  }
0x1: {  	(tag) =	ssettag $0x0;
	lr =	simm.s32 $0x1  }
0x2: {  	[smem:$0x3F9B] =	sst lr;
	_ =	strace $0xD0000000  }
0x3: {  	_ = 	snop  }
0x4: {  	_ = 	snop  }
0x5: {  	_ = 	snop  }
0x6: {  	_ = 	snop  }
0x7: {  	_ = 	snop  }
__scs_overlays_trampoline_lowered:
0x8: {  	[smem:$0x3FAA] =	sst s0  }
0x9: {  	[smem:$0x3FAB] =	sst s1  }
0xa: {  	[smem:$0x3FAC] =	sst s2  }
0xb: {  	[smem:$0x3FAD] =	sst s3  }
0xc: {  	[smem:$0x3FAE] =	sst s4  }
0xd: {  	[smem:$0x3FAF] =	sst s5  }
0xe: {  	[smem:$0x3FB0] =	sst s6  }
0xf: {  	[smem:$0x3FB1] =	sst s7  }
0x10: {  	[smem:$0x3FB2] =	sst s8  }
0x11: {  	[smem:$0x3FB3] =	sst s9;
	s0 =	simm.s32 @!p0 $0x0  }
0x12: {  	s1 =	sld [smem:$0x3F99];
	s0 =	simm.s32 @p0 $0x1  }
0x13: {  	[smem:$0x3FB4] =	sst s0;
	s0 =	simm.s32 @!p1 $0x0  }
0x14: {  	s2 =	sld [smem:$0x3F98];
	s0 =	simm.s32 @p1 $0x1  }
0x15: {  	[smem:$0x3FB5] =	sst s0;
	s0 =	simm.s32 @!p2 $0x0  }
0x16: {  	s3 =	sld [smem:$0x3FDB];
	s0 =	simm.s32 @p2 $0x1  }
0x17: {  	s4 =	simm.s32 $0x1BF5;
	[smem:$0x3FB7] =	sst s0  }
0x18: {  	s0 =	sld [smem:$0x3F9A];
	_ =	swait.ge [sflag:s4], $0x0  }
0x19: {  	s7 =	sld [smem:$0x3F9B]  }
0x1a: {  	s8 =	sadd.s32 $0xFFFFE003, lr  }
0x1b: {  	s9 =	sadd.s32 $0xFFFFFEF7, lr;
	s5 =	simm.s32 $0xFFFFFFFF;
	p2 =	slt.u32 s8, $0xFFFFF086  }
0x1c: {  	p1 =	slt.u32 s9, $0xF7A;
	s5 =	simm.s32 @!p2 $0x0  }
0x1d: {  	s5 =	simm.s32 @p1 $0x1;
	p0 =	seq.s32 s7, s2  }
0x1e: {  	s7 =	smul.u32 @!p0 $0xF7A, s2;
	p2 =	seq.s32 @!p0 s5, $0x0  }
0x1f: {  	s9 =	smul.u32 $0xF7A, s1;
	s8 =	simm.s32 @!p0 $0x1BF5;
	p2 =	por !p2, p0  }
0x20: {  	[sflag:s8] =	ssyncset.s32 @!p0 $0xFFFFF086;
	s6 =	sadd.s32 @!p0 s3, s7;
	s7 =	simm.s32 @!p0 $0x108  }
0x21: {  	s3 =	sadd.s32 s3, s9;
	s6 =	sadd.s32 @!p0 $0x88, s6;
	s7 =	simm.s32 @p2 $0x1082  }
0x22: {  	[simem:s7], [sflag:s8] =	dma.local @!p0 [hbm:s6], $0xF7A  }
0x23: {  	s9 =	sor.u32 $0xD0000000, s2;
	s6 =	simm.s32 $0x108;
	_ =	swait.ge @!p0 [sflag:s8], $0x0  }
0x24: {  	s3 =	sadd.s32 $0x88, s3;
	s6 =	simm.s32 @!p1 $0x1082;
	[sflag:s4] =	ssyncset.s32 $0xFFFFF086  }
0x25: {  	[simem:s6], [sflag:s4] =	dma.local [hbm:s3], $0xF7A  }
0x26: {  	[smem:$0x3F9B] =	sst s1;
	(tag) =	ssettag s2;
	_ =	strace s9  }
0x27: {  	s1 =	sld [smem:$0x3FAB]  }
0x28: {  	s2 =	sld [smem:$0x3FAC]  }
0x29: {  	s4 =	sld [smem:$0x3FAE]  }
0x2a: {  	p0 =	seq.s32 s5, $0x0;
	s5 =	sld [smem:$0x3FAF]  }
0x2b: {  	s6 =	sld [smem:$0x3FB0]  }
0x2c: {  	s7 =	sld [smem:$0x3FB1]  }
0x2d: {  	s3 =	simm.s32 $0x108;
	s8 =	sld [smem:$0x3FB2]  }
0x2e: {  	s3 =	simm.s32 @!p0 $0x1082;
	s9 =	sld [smem:$0x3FB3]  }
0x2f: {  	lr =	sadd.s32 s0, s3;
	s0 =	sld [smem:$0x3FAA]  }
0x30: {  	s3 =	sld [smem:$0x3FAD]  }
0x31: {  	[smem:$0x3FB6] =	sst s10  }
0x32: {  	s10 =	sld [smem:$0x3FB4];
	_ =	sdelay $0x3  }
0x33: {  	p0 =	seq.s32 s10, $0x1;
	s10 =	sld [smem:$0x3FB6];
	_ =	sdelay $0x3  }
0x34: {  	[smem:$0x3FB6] =	sst s10  }
0x35: {  	s10 =	sld [smem:$0x3FB5];
	_ =	sdelay $0x3  }
0x36: {  	p1 =	seq.s32 s10, $0x1;
	s10 =	sld [smem:$0x3FB6];
	_ =	sdelay $0x3  }
0x37: {  	[smem:$0x3FB6] =	sst s10  }
0x38: {  	s10 =	sld [smem:$0x3FB7]  }
0x39: {  	_ = 	snop;
	(pc) =	sbr.ind lr, $3  }
0x3a: {  	_ = 	snop  }
0x3b: {  	_ = 	snop  }
0x3c: {  	p2 =	seq.s32 s10, $0x1;
	s10 =	sld [smem:$0x3FB6]  }
0x3d: {  	_ =	shalt  }
0x3e: {  	_ =	shalt  }
0x3f: {  	_ =	shalt  }
0x40: {  	_ =	shalt  }
0x41: {  	_ =	shalt  }
0x42: {  	_ =	shalt  }
0x43: {  	_ =	shalt  }
0x44: {  	_ =	shalt  }
0x45: {  	_ =	shalt  }
0x46: {  	_ =	shalt  }
0x47: {  	_ =	shalt  }
0x48: {  	_ =	shalt  }
0x49: {  	_ =	shalt  }
0x4a: {  	_ =	shalt  }
0x4b: {  	_ =	shalt  }
0x4c: {  	_ =	shalt  }
0x4d: {  	_ =	shalt  }
0x4e: {  	_ =	shalt  }
0x4f: {  	_ =	shalt  }
0x50: {  	_ =	shalt  }
0x51: {  	_ =	shalt  }
0x52: {  	_ =	shalt  }
0x53: {  	_ =	shalt  }
0x54: {  	_ =	shalt  }
0x55: {  	_ =	shalt  }
0x56: {  	_ =	shalt  }
0x57: {  	_ =	shalt  }
0x58: {  	_ =	shalt  }
0x59: {  	_ =	shalt  }
0x5a: {  	_ =	shalt  }
0x5b: {  	_ =	shalt  }
0x5c: {  	_ =	shalt  }
0x5d: {  	_ =	shalt  }
0x5e: {  	_ =	shalt  }
0x5f: {  	_ =	shalt  }
0x60: {  	_ =	shalt  }
0x61: {  	_ =	shalt  }
0x62: {  	_ =	shalt  }
0x63: {  	_ =	shalt  }
0x64: {  	_ =	shalt  }
0x65: {  	_ =	shalt  }
0x66: {  	_ =	shalt  }
0x67: {  	_ =	shalt  }
0x68: {  	_ =	shalt  }
0x69: {  	_ =	shalt  }
0x6a: {  	_ =	shalt  }
0x6b: {  	_ =	shalt  }
0x6c: {  	_ =	shalt  }
0x6d: {  	_ =	shalt  }
0x6e: {  	_ =	shalt  }
0x6f: {  	_ =	shalt  }
0x70: {  	_ =	shalt  }
0x71: {  	_ =	shalt  }
0x72: {  	_ =	shalt  }
0x73: {  	_ =	shalt  }
0x74: {  	_ =	shalt  }
0x75: {  	_ =	shalt  }
0x76: {  	_ =	shalt  }
0x77: {  	_ =	shalt  }
0x78: {  	_ =	shalt  }
0x79: {  	_ =	shalt  }
0x7a: {  	_ =	shalt  }
0x7b: {  	_ =	shalt  }
0x7c: {  	_ =	shalt  }
0x7d: {  	_ =	shalt  }
0x7e: {  	_ =	shalt  }
0x7f: {  	_ =	shalt  }
0x80: {  	_ =	shalt  }
0x81: {  	_ =	shalt  }
0x82: {  	_ =	shalt  }
0x83: {  	_ =	shalt  }
0x84: {  	_ =	shalt  }
0x85: {  	_ =	shalt  }
0x86: {  	_ =	shalt  }
0x87: {  	_ =	shalt  }
.Lfunc_end0:
.L_simem_size_0:
called_computation.2_lowered:
.L_overlay_start_0:
0x88: {  	s2 =	sld [smem:$0x3FD9]  }
0x89: {  	s3 =	sld [smem:$0x3FFE];
	_ =	sdelay $0x1  }
0x8a: {  	s1 =	srdreg.scid  }
0x8b: {  	s0 =	sand.u32 $0x1, s1  }
0x8c: {  	s17 =	sshll.u32 s0, $0xA;
	s2 =	sadd.s32 s3, s2  }
0x8d: {  	s2 =	sadd.s32 s2, s17  }
0x8e: {  	[smem:$0x3FC2] =	sst s2  }
0x8f: {  	_ = 	snop  }
0x90: {  	s2 =	sld [smem:$0x3FD0];
	(tm) =	ssettm $0x1  }
0x91: {  	s18 =	sld [smem:$0x3FFB];
	_ =	sdelay $0x3  }
0x92: {  	_ =	strace s18  }
0x93: {  	s3 =	sld [smem:$0x3FFC];
	_ =	sdelay $0x3  }
0x94: {  	_ =	strace s3  }
0x95: {  	s3 =	sld [smem:$0x3FFD];
	_ =	sdelay $0x3  }
0x96: {  	_ =	strace s3  }
0x97: {  	_ =	strace $0x8FFFFFFF  }
0x98: {  	s19 =	sld [smem:$0x3FDB];
	_ =	sdelay $0x1  }
0x99: {  	s4 =	simm.s32 $_scs_section_size  }
0x9a: {  	s5 =	simm.s32 $_size__tile_overlayer_lowered;
	s6 =	simm.s32 $_tile_overlayer_lowered  }
0x9b: {  	s22 =	simm.s32 $0x1BFF;
	s21 =	sshll.u32 s6, $0x1;
	s3 =	sadd.s32 s4, s19  }
0x9c: {  	s7 =	simm.s32 $0x0;
	s20 =	sshll.u32 s5, $0x1;
	s5 =	sadd.s32 s21, s3  }
0x9d: {  	[timem:s7], [sflag:s22] =	dma.local [hbm:s5], s20  }
0x9e: {  	_ =	swait.ge [sflag:s22], s20  }
0x9f: {  	s4 =	ssub.s32 $0x0, s20;
	[sflag:s22] =	ssyncset.done $0x0  }
0xa0: {  	[sflag:s22] =	ssyncadd.s32 s4;
	_ =	sdelay $0x1  }
0xa1: {  	s23 =	simm.s32 $0x1B8B  }
0xa2: {  	_ =	swait.ge [sflag:s23], $0x1  }
0xa3: {  	[sflag:s23] =	ssyncset.done $0x0  }
0xa4: {  	s25 =	simm.s32 $0x1B8E;
	s24 =	sld [smem:$0x3FFE];
	[sflag:s23] =	ssyncadd.s32 $0xFFFFFFFF  }
0xa5: {  	s26 =	simm.s32 $execute0_lowered;
	[smem:$0x3FD2] =	sst s25  }
0xa6: {  	s5 =	sshll.u32 s26, $0x1;
	_ =	strace $0x8000004C;
	[dreg:$0x1] =	wrdreg $0xFFFFFFFF  }
0xa7: {  	s28 =	simm.s32 $_size_execute0_lowered;
	s3 =	sadd.s32 s3, s5;
	[dreg:$0x0] =	wrdreg $0x0  }
0xa8: {  	s5 =	sshll.u32 s28, $0x1;
	[dreg:$0x2] =	wrdreg s3  }
0xa9: {  	[dreg:$0x3] =	wrdreg s5  }
0xaa: {  	[dreg:$0x4] =	wrdreg $0xC0  }
0xab: {  	_ =	task [dreg:s7], $0x5FFFF  }
0xac: {  	[dreg:$0x1] =	wrdreg $0xFFFFFFFF  }
0xad: {  	[dreg:$0x0] =	wrdreg $0x60  }
0xae: {  	[dreg:$0x2] =	wrdreg s24  }
0xaf: {  	[dreg:$0x3] =	wrdreg s2  }
0xb0: {  	[dreg:$0x4] =	wrdreg $0xB0000  }
0xb1: {  	[dreg:$0x5] =	wrdreg $0x9  }
0xb2: {  	_ =	task.clear_ibuf [dreg:s7], $0x6FFFF;
	_ =	strace $0x9000004C  }
0xb3: {  	s29 =	simm.s32 $0x9;
	_ =	strace $0x8000004E  }
0xb4: {  	_ =	swait.ge [sflag:s29], $0x1  }
0xb5: {  	[sflag:s29] =	ssyncadd.s32 $0xFFFFFFFF  }
0xb6: {  	_ =	strace $0x9000004E  }
0xb7: {  	_ =	sfence  }
0xb8: {  	s30 =	sld [smem:$0x0];
	_ =	sdelay $0x2  }
0xb9: {  	s31 =	sshll.u32 s1, $0xD;
	s1 =	sshrl.u32 s1, $0x2  }
0xba: {  	s3 =	sand.u32 $0x4000, s31;
	s1 =	sadd.s32 s1, s30  }
0xbb: {  	s0 =	sor.u32 s3, s0;
	s1 =	sshll.u32 s1, $0x11  }
0xbc: {  	s0 =	sor.u32 s1, s0  }
0xbd: {  	s0 =	sadd.s32 $0x8F2B, s0  }
0xbe: {  	[sflag:s0] =	ssyncadd.remote.s32 $0x1  }
0xbf: {  	_ =	sfence.sel $0xFFFF  }
0xc0: {  	[dreg:$0x0] =	wrdreg $0xFFFFFFFF;
	(pc) =	sbr.abs _section_cstart, $3  }
0xc1: {  	[dreg:$0x1] =	wrdreg $0xFFFFFFFF  }
0xc2: {  	_ =	task.clear_ibuf [dreg:s7], $0x2FFFF;
	_ =	strace $0x9FFFFFFF  }
0xc3: {  	(tm) =	ssettm $0x7FFFFFFF  }
tec
execute0_lowered:
.L_overlay_start_1:
0x0: {  	(tag) =	ssettag $0x1  }
0x1: {  	s0 =	rddreg [dreg:$0x0]  }
0x2: {  	s2 =	rddreg [dreg:$0x1]  }
0x3: {  	s1 =	rddreg [dreg:$0x2];
	s3 =	srdreg.scid  }
0x4: {  	s4 =	simm.s32 $0x0;
	s12 =	stileid.u32;
	s28 =	simm.s32 $0x1  }
0x5: {  	s29 =	simm.s32 $0x80;
	s13 =	simm.s32 $0x2FC0;
	s14 =	simm.s32 $0x3  }
0x6: {  	s31 =	simm.s32 $0x0;
	s3 =	sand.u32 $0x1, s3;
	s7 =	smul.u32 $0x13C00, s12  }
0x7: {  	[smem:$0x7FF] =	sst s4;
	s4 =	sadd.s32 $0x29600, s0;
	s11 =	smul.u32 $0x4F000, s12  }
0x8: {  	s5 =	sadd.s32 $0x78E00, s0;
	s8 =	sadd.s32 $0x1E00, s0;
	s19 =	smul.u32 $0x5000, s12  }
0x9: {  	s9 =	sshll.u32 s12, $0x1;
	s20 =	smul.u32 $0x2780, s12;
	s25 =	sshll.u32 s12, $0x6  }
0xa: {  	s6 =	smul.u32 $0x13C000, s3;
	_ =	strace $0x8000004D;
	s15 =	ssub.s32 $0x2, s3  }
0xb: {  	s9 =	sor.u32 s3, s9;
	p0 =	seq.s32 s3, $0x1;
	s3 =	smul.u32 $0x2800, s3  }
0xc: {  	s12 =	sor.u32 $0x1C05, s25;
	s25 =	simm.s32 $0x9000;
	s10 =	sshrl.u32 s15, $0x1  }
0xd: {  	s17 =	smul.u32 $0x2800, s9;
	s18 =	sshrl.u32 s11, $0x2;
	s11 =	simm.s32 $0x2F40  }
0xe: {  	[dreg:$0xa] =	wrdreg s12;
	s6 =	sadd.s32 s7, s6;
	s16 =	ssub.s32 s15, s10  }
0xf: {  	s9 =	sadd.s32 s18, s1;
	s22 =	sadd.s32 s3, s19;
	s18 =	simm.s32 $0x40  }
0x10: {  	s19 =	simm.s32 $0x3000;
	s15 =	simm.s32 $0x4;
	s10 =	simm.s32 $0x2F00  }
0x11: {  	s6 =	sshrl.u32 s6, $0x3;
	s7 =	sshrl.u32 s17, $0x3;
	s23 =	smax.u32 s16, $0x1  }
0x12: {  	s24 =	sadd.s32 $0xC00, s22;
	s30 =	sadd.s32 $0x800, s22;
	s17 =	sshrl.u32 s9, $0x3  }
0x13: {  	s16 =	simm.s32 $0x5;
	s9 =	simm.s32 $0x2EC0;
	[dreg:$0x8] =	wrdreg s23  }
0x14: {  	s0 =	sadd.s32 s6, s0;
	s2 =	sadd.s32 s2, s7;
	[dreg:$0xc] =	wrdreg s30  }
0x15: {  	s21 =	sadd.s32 s5, s7;
	s3 =	sshrl.u32 s24, $0x3;
	[dreg:$0xd] =	wrdreg s17  }
0x16: {  	s23 =	simm.s32 $0x7000;
	s6 =	simm.s32 $0x2E40;
	[dreg:$0x4] =	wrdreg s2  }
0x17: {  	s7 =	simm.s32 $0x2F80;
	[dreg:$0x5] =	wrdreg s21;
	s2 =	sadd.s32 $0x80, s21  }
.Ltmp0:
0x18: {  	s0 =	sadd.s32 $0x82E00, s0;
	[dreg:$0x6] =	wrdreg s2;
	(pc) =	sbr.rel .LBB2_1-.Ltmp0, $4  }
0x19: {  	s26 =	sadd.s32 s3, s5;
	[dreg:$0x7] =	wrdreg s0;
	s0 =	smov.u32 s4  }
0x1a: {  	s21 =	simm.s32 $0x5000;
	[dreg:$0xb] =	wrdreg s26;
	s0 =	smov.u32 @p0 s8  }
0x1b: {  	s26 =	simm.s32 $0x2C00;
	s2 =	simm.s32 $0x0;
	s0 =	sadd.s32 s0, s20  }
0x1c: {  	s8 =	simm.s32 $0x2E80;
	[dreg:$0x9] =	wrdreg s0;
	s0 =	simm.s32 $0x2  }
.LBB2_4:
0x1d: {  	_ =	swait.ge [sflag:s0], $0x4000  }
0x1e: {  	[sflag:s0] =	ssyncset.done $0x0  }
0x1f: {  	[sflag:s0] =	ssyncadd.s32 $0xFFFFC000  }
0x20: {  	[spmem:s1] =	stream.indirect.scatter.add.f32 [tilespmem:s23], [sflag:$0x5], $0x80, s22, s29, $0xb8;
	[tilespmem:$0x1EC00] =	vst v63  }
0x21: {  	_ =	swait.ge [sflag:s16], $0x4000  }
0x22: {  	[sflag:s16] =	ssyncset.done $0x0  }
0x23: {  	[sflag:s16] =	ssyncadd.s32 $0xFFFFC000  }
0x24: {  	[bflag:$0x0] =	sbarrier.arrive $0xFFFF  }
0x25: {  	s3 =	rddreg [dreg:$0x7]  }
0x26: {  	s12 =	rddreg [dreg:$0xa]  }
0x27: {  	s17 =	rddreg [dreg:$0xd]  }
0x28: {  	[hbm:s3], [sflag:s12] =	dma.local [spmem:s17], $0x2780  }
0x29: {  	_ =	swait.ge [sflag:s16], $0x2780  }
0x2a: {  	s2 =	rddreg [dreg:$0xe]  }
0x2b: {  	s30 =	rddreg [dreg:$0x8];
	s2 =	sadd.s32 $0x1, s2  }
0x2c: {  	p0 =	sne.s32 s2, s30  }
.Ltmp1:
0x2d: {  	_ = 	snop;
	(pc) =	sbr.rel @!p0 .LBB2_5-.Ltmp1, $3  }
0x2e: {  	_ =	sdelay $0x1  }
0x2f: {  	[sflag:s16] =	ssyncset.done $0x0  }
0x30: {  	[sflag:s16] =	ssyncadd.s32 $0xFFFFD880  }
.LBB2_1:
0x31: {  	[dreg:$0xe] =	wrdreg s2  }
0x32: {  	s3 =	rddreg [dreg:$0x9]  }
0x33: {  	[spmem:s17], [sflag:s12] =	dma.local [hbm:s3], $0x2780  }
0x34: {  	_ =	swait.ge [sflag:s16], $0x2780  }
0x35: {  	[sflag:s16] =	ssyncset.done $0x0  }
0x36: {  	s3 =	simm.s32 $0x0;
	s22 =	rddreg [dreg:$0x4];
	[sflag:s16] =	ssyncadd.s32 $0xFFFFD880  }
0x37: {  	[tilespmem:s3], [sflag:$0x5] =	stream.linear.gather [hbm4b:s22+s3], $0x2800, $0x38;
	[tilespmem:$0x1EC00] =	vst v63  }
0x38: {  	_ =	swait.ge [sflag:s16], $0x2800  }
0x39: {  	[sflag:s16] =	ssyncset.done $0x0  }
0x3a: {  	s30 =	simm.s32 $0x2800;
	s24 =	rddreg [dreg:$0x5];
	[sflag:s16] =	ssyncadd.s32 $0xFFFFD800  }
0x3b: {  	[tilespmem:s30], [sflag:$0x5] =	stream.linear.gather [hbm4b:s24+s3], $0x400, $0x38;
	[tilespmem:$0x1EC00] =	vst v63  }
0x3c: {  	_ =	swait.ge [sflag:s16], $0x400  }
0x3d: {  	[sflag:s16] =	ssyncset.done $0x0  }
0x3e: {  	[sflag:s16] =	ssyncadd.s32 $0xFFFFFC00  }
0x3f: {  	[bflag:$0x0] =	sbarrier.arrive $0xFFFF  }
0x40: {  	[tilespmem:s19], [sflag:$0x1] =	stream.indirect.gather [hbm4b:s4+s18], $0x80, s30, s18, $0xb8;
	[tilespmem:$0x1EC00] =	vst v63  }
0x41: {  	s20 =	simm.s32 $0x2840  }
0x42: {  	[tilespmem:s21], [sflag:$0x1] =	stream.indirect.gather [hbm4b:s4+s18], $0x80, s20, s18, $0xb8;
	[tilespmem:$0x1EC00] =	vst v63  }
0x43: {  	s22 =	simm.s32 $0x2880  }
0x44: {  	[tilespmem:s23], [sflag:$0x2] =	stream.indirect.gather [hbm4b:s4+s18], $0x80, s22, s18, $0xb8;
	[tilespmem:$0x1EC00] =	vst v63  }
0x45: {  	s24 =	simm.s32 $0x28C0;
	s30 =	rddreg [dreg:$0x6]  }
0x46: {  	[tilespmem:s25], [sflag:$0x2] =	stream.indirect.gather [hbm4b:s4+s18], $0x80, s24, s18, $0xb8;
	[tilespmem:$0x1EC00] =	vst v63  }
0x47: {  	s20 =	rddreg [dreg:$0xb]  }
0x48: {  	[tilespmem:s26], [sflag:$0x4] =	stream.linear.gather [hbm4b:s30+s3], $0x400, $0x38;
	[tilespmem:$0x1EC00] =	vst v63  }
0x49: {  	s2 =	simm.s32 $0x2800;
	s12 =	simm.s32 $0x0;
	s3 =	rddreg [dreg:$0xc]  }
.LBB2_2:
0x4a: {  	_ =	swait.ge [sflag:s28], $0x4000  }
0x4b: {  	[sflag:s28] =	ssyncset.done $0x0  }
0x4c: {  	s22 =	sshra.s32 s12, $0x2;
	[sflag:s28] =	ssyncadd.s32 $0xFFFFC000  }
0x4d: {  	[spmem:s1] =	stream.indirect.scatter.add.f32 [tilespmem:s19], [sflag:$0x5], $0x80, s22, s29, $0xb8;
	[tilespmem:$0x1EC00] =	vst v63  }
0x4e: {  	_ =	swait.ge [sflag:s16], $0x4000  }
0x4f: {  	[sflag:s16] =	ssyncset.done $0x0  }
0x50: {  	s17 =	simm.s32 $0x2900;
	[sflag:s16] =	ssyncadd.s32 $0xFFFFC000  }
0x51: {  	[tilespmem:s19], [sflag:$0x1] =	stream.indirect.gather [hbm4b:s4+s18], $0x80, s17, s18, $0xb8;
	[tilespmem:$0x1EC00] =	vst v63  }
0x52: {  	s30 =	simm.s32 $0x2940  }
0x53: {  	[tilespmem:s21], [sflag:$0x1] =	stream.indirect.gather [hbm4b:s4+s18], $0x80, s30, s18, $0xb8;
	[tilespmem:$0x1EC00] =	vst v63  }
0x54: {  	_ =	swait.ge [sflag:s0], $0x4000  }
0x55: {  	[sflag:s0] =	ssyncset.done $0x0  }
0x56: {  	s24 =	sadd.s32 $0x80, s22;
	[sflag:s0] =	ssyncadd.s32 $0xFFFFC000  }
0x57: {  	[spmem:s1] =	stream.indirect.scatter.add.f32 [tilespmem:s23], [sflag:$0x5], $0x80, s24, s29, $0xb8;
	[tilespmem:$0x1EC00] =	vst v63  }
0x58: {  	_ =	swait.ge [sflag:s16], $0x4000  }
0x59: {  	[sflag:s16] =	ssyncset.done $0x0  }
0x5a: {  	s24 =	simm.s32 $0x2980;
	[sflag:s16] =	ssyncadd.s32 $0xFFFFC000  }
0x5b: {  	[tilespmem:s23], [sflag:$0x2] =	stream.indirect.gather [hbm4b:s4+s18], $0x80, s24, s18, $0xb8;
	[tilespmem:$0x1EC00] =	vst v63  }
0x5c: {  	s30 =	simm.s32 $0x29C0  }
0x5d: {  	[tilespmem:s25], [sflag:$0x2] =	stream.indirect.gather [hbm4b:s4+s18], $0x80, s30, s18, $0xb8;
	[tilespmem:$0x1EC00] =	vst v63  }
0x5e: {  	_ =	swait.ge [sflag:s28], $0x4000  }
0x5f: {  	[sflag:s28] =	ssyncset.done $0x0  }
0x60: {  	s17 =	sadd.s32 $0x100, s22;
	[sflag:s28] =	ssyncadd.s32 $0xFFFFC000  }
0x61: {  	[spmem:s1] =	stream.indirect.scatter.add.f32 [tilespmem:s19], [sflag:$0x5], $0x80, s17, s29, $0xb8;
	[tilespmem:$0x1EC00] =	vst v63  }
0x62: {  	_ =	swait.ge [sflag:s16], $0x4000  }
0x63: {  	[sflag:s16] =	ssyncset.done $0x0  }
0x64: {  	s24 =	simm.s32 $0x2A00;
	[sflag:s16] =	ssyncadd.s32 $0xFFFFC000  }
0x65: {  	[tilespmem:s19], [sflag:$0x1] =	stream.indirect.gather [hbm4b:s4+s18], $0x80, s24, s18, $0xb8;
	[tilespmem:$0x1EC00] =	vst v63  }
0x66: {  	s30 =	simm.s32 $0x2A40  }
0x67: {  	[tilespmem:s21], [sflag:$0x1] =	stream.indirect.gather [hbm4b:s4+s18], $0x80, s30, s18, $0xb8;
	[tilespmem:$0x1EC00] =	vst v63  }
0x68: {  	_ =	swait.ge [sflag:s0], $0x4000  }
0x69: {  	[sflag:s0] =	ssyncset.done $0x0  }
0x6a: {  	s17 =	sadd.s32 $0x180, s22;
	[sflag:s0] =	ssyncadd.s32 $0xFFFFC000  }
0x6b: {  	[spmem:s1] =	stream.indirect.scatter.add.f32 [tilespmem:s23], [sflag:$0x5], $0x80, s17, s29, $0xb8;
	[tilespmem:$0x1EC00] =	vst v63  }
0x6c: {  	_ =	swait.ge [sflag:s16], $0x4000  }
0x6d: {  	[sflag:s16] =	ssyncset.done $0x0  }
0x6e: {  	s24 =	simm.s32 $0x2A80;
	[sflag:s16] =	ssyncadd.s32 $0xFFFFC000  }
0x6f: {  	[tilespmem:s23], [sflag:$0x2] =	stream.indirect.gather [hbm4b:s4+s18], $0x80, s24, s18, $0xb8;
	[tilespmem:$0x1EC00] =	vst v63  }
0x70: {  	s30 =	simm.s32 $0x2AC0  }
0x71: {  	[tilespmem:s25], [sflag:$0x2] =	stream.indirect.gather [hbm4b:s4+s18], $0x80, s30, s18, $0xb8;
	[tilespmem:$0x1EC00] =	vst v63  }
0x72: {  	_ =	swait.ge [sflag:s28], $0x4000  }
0x73: {  	[sflag:s28] =	ssyncset.done $0x0  }
0x74: {  	s17 =	sadd.s32 $0x200, s22;
	[sflag:s28] =	ssyncadd.s32 $0xFFFFC000  }
0x75: {  	[spmem:s1] =	stream.indirect.scatter.add.f32 [tilespmem:s19], [sflag:$0x5], $0x80, s17, s29, $0xb8;
	[tilespmem:$0x1EC00] =	vst v63  }
0x76: {  	_ =	swait.ge [sflag:s16], $0x4000  }
0x77: {  	[sflag:s16] =	ssyncset.done $0x0  }
0x78: {  	s24 =	simm.s32 $0x2B00;
	[sflag:s16] =	ssyncadd.s32 $0xFFFFC000  }
0x79: {  	[tilespmem:s19], [sflag:$0x1] =	stream.indirect.gather [hbm4b:s4+s18], $0x80, s24, s18, $0xb8;
	[tilespmem:$0x1EC00] =	vst v63  }
0x7a: {  	s30 =	simm.s32 $0x2B40  }
0x7b: {  	[tilespmem:s21], [sflag:$0x1] =	stream.indirect.gather [hbm4b:s4+s18], $0x80, s30, s18, $0xb8;
	[tilespmem:$0x1EC00] =	vst v63  }
0x7c: {  	_ =	swait.ge [sflag:s0], $0x4000  }
0x7d: {  	[sflag:s0] =	ssyncset.done $0x0  }
0x7e: {  	s17 =	sadd.s32 $0x280, s22;
	[sflag:s0] =	ssyncadd.s32 $0xFFFFC000  }
0x7f: {  	[spmem:s1] =	stream.indirect.scatter.add.f32 [tilespmem:s23], [sflag:$0x5], $0x80, s17, s29, $0xb8;
	[tilespmem:$0x1EC00] =	vst v63  }
0x80: {  	_ =	swait.ge [sflag:s16], $0x4000  }
0x81: {  	[sflag:s16] =	ssyncset.done $0x0  }
0x82: {  	s24 =	simm.s32 $0x2B80;
	[sflag:s16] =	ssyncadd.s32 $0xFFFFC000  }
0x83: {  	[tilespmem:s23], [sflag:$0x2] =	stream.indirect.gather [hbm4b:s4+s18], $0x80, s24, s18, $0xb8;
	[tilespmem:$0x1EC00] =	vst v63  }
0x84: {  	s30 =	simm.s32 $0x2BC0  }
0x85: {  	[tilespmem:s25], [sflag:$0x2] =	stream.indirect.gather [hbm4b:s4+s18], $0x80, s30, s18, $0xb8;
	[tilespmem:$0x1EC00] =	vst v63  }
0x86: {  	_ =	swait.ge [sflag:s28], $0x4000  }
0x87: {  	[sflag:s28] =	ssyncset.done $0x0  }
0x88: {  	s17 =	sadd.s32 $0x300, s22;
	[sflag:s28] =	ssyncadd.s32 $0xFFFFC000  }
0x89: {  	[spmem:s1] =	stream.indirect.scatter.add.f32 [tilespmem:s19], [sflag:$0x5], $0x80, s17, s29, $0xb8;
	[tilespmem:$0x1EC00] =	vst v63  }
0x8a: {  	_ =	swait.ge [sflag:s16], $0x4000  }
0x8b: {  	[sflag:s16] =	ssyncset.done $0x0  }
0x8c: {  	[sflag:s16] =	ssyncadd.s32 $0xFFFFC000  }
0x8d: {  	_ =	swait.ge [sflag:s15], $0x400  }
0x8e: {  	[sflag:s15] =	ssyncset.done $0x0  }
0x8f: {  	[sflag:s15] =	ssyncadd.s32 $0xFFFFFC00  }
0x90: {  	[tilespmem:s19], [sflag:$0x1] =	stream.indirect.gather [hbm4b:s4+s18], $0x80, s26, s18, $0xb8;
	[tilespmem:$0x1EC00] =	vst v63  }
0x91: {  	s30 =	simm.s32 $0x2C40  }
0x92: {  	[tilespmem:s21], [sflag:$0x1] =	stream.indirect.gather [hbm4b:s4+s18], $0x80, s30, s18, $0xb8;
	[tilespmem:$0x1EC00] =	vst v63  }
0x93: {  	_ =	swait.ge [sflag:s0], $0x4000  }
0x94: {  	[sflag:s0] =	ssyncset.done $0x0  }
0x95: {  	s17 =	sadd.s32 $0x380, s22;
	[sflag:s0] =	ssyncadd.s32 $0xFFFFC000  }
0x96: {  	[spmem:s1] =	stream.indirect.scatter.add.f32 [tilespmem:s23], [sflag:$0x5], $0x80, s17, s29, $0xb8;
	[tilespmem:$0x1EC00] =	vst v63  }
0x97: {  	_ =	swait.ge [sflag:s16], $0x4000  }
0x98: {  	[sflag:s16] =	ssyncset.done $0x0  }
0x99: {  	p0 =	seq.s32 s12, $0x8000;
	s24 =	simm.s32 $0x2C80;
	[sflag:s16] =	ssyncadd.s32 $0xFFFFC000  }
0x9a: {  	[tilespmem:s23], [sflag:$0x2] =	stream.indirect.gather [hbm4b:s4+s18], $0x80, s24, s18, $0xb8;
	[tilespmem:$0x1EC00] =	vst v63  }
0x9b: {  	s30 =	simm.s32 $0x2CC0;
	s24 =	sshrl.u32 @!p0 s3, $0x3  }
0x9c: {  	[tilespmem:s25], [sflag:$0x2] =	stream.indirect.gather [hbm4b:s4+s18], $0x80, s30, s18, $0xb8;
	[tilespmem:$0x1EC00] =	vst v63  }
0x9d: {  	s17 =	simm.s32 @!p0 $0x0;
	s24 =	sadd.s32 @!p0 s5, s24;
	s30 =	simm.s32 @!p0 $0x2800  }
0x9e: {  	[tilespmem:s30], [sflag:$0x3] =	stream.linear.gather @!p0 [hbm4b:s24+s17], $0x400, $0x38;
	[tilespmem:$0x1EC00] =	vst v63  }
0x9f: {  	_ =	swait.ge [sflag:s28], $0x4000  }
0xa0: {  	[sflag:s28] =	ssyncset.done $0x0  }
0xa1: {  	s24 =	sadd.s32 $0x400, s22;
	[sflag:s28] =	ssyncadd.s32 $0xFFFFC000  }
0xa2: {  	[spmem:s1] =	stream.indirect.scatter.add.f32 [tilespmem:s19], [sflag:$0x5], $0x80, s24, s29, $0xb8;
	[tilespmem:$0x1EC00] =	vst v63  }
0xa3: {  	_ =	swait.ge [sflag:s16], $0x4000  }
0xa4: {  	[sflag:s16] =	ssyncset.done $0x0  }
0xa5: {  	s30 =	simm.s32 $0x2D00;
	[sflag:s16] =	ssyncadd.s32 $0xFFFFC000  }
0xa6: {  	[tilespmem:s19], [sflag:$0x1] =	stream.indirect.gather [hbm4b:s4+s18], $0x80, s30, s18, $0xb8;
	[tilespmem:$0x1EC00] =	vst v63  }
0xa7: {  	s24 =	simm.s32 $0x2D40  }
0xa8: {  	[tilespmem:s21], [sflag:$0x1] =	stream.indirect.gather [hbm4b:s4+s18], $0x80, s24, s18, $0xb8;
	[tilespmem:$0x1EC00] =	vst v63  }
0xa9: {  	_ =	swait.ge [sflag:s0], $0x4000  }
0xaa: {  	[sflag:s0] =	ssyncset.done $0x0  }
0xab: {  	s30 =	sadd.s32 $0x480, s22;
	[sflag:s0] =	ssyncadd.s32 $0xFFFFC000  }
0xac: {  	[spmem:s1] =	stream.indirect.scatter.add.f32 [tilespmem:s23], [sflag:$0x5], $0x80, s30, s29, $0xb8;
	[tilespmem:$0x1EC00] =	vst v63  }
0xad: {  	_ =	swait.ge [sflag:s16], $0x4000  }
0xae: {  	[sflag:s16] =	ssyncset.done $0x0  }
0xaf: {  	s24 =	simm.s32 $0x2D80;
	[sflag:s16] =	ssyncadd.s32 $0xFFFFC000  }
0xb0: {  	[tilespmem:s23], [sflag:$0x2] =	stream.indirect.gather [hbm4b:s4+s18], $0x80, s24, s18, $0xb8;
	[tilespmem:$0x1EC00] =	vst v63  }
0xb1: {  	s30 =	simm.s32 $0x2DC0  }
0xb2: {  	[tilespmem:s25], [sflag:$0x2] =	stream.indirect.gather [hbm4b:s4+s18], $0x80, s30, s18, $0xb8;
	[tilespmem:$0x1EC00] =	vst v63  }
0xb3: {  	_ =	swait.ge [sflag:s28], $0x4000  }
0xb4: {  	[sflag:s28] =	ssyncset.done $0x0  }
0xb5: {  	s24 =	sadd.s32 $0x500, s22;
	[sflag:s28] =	ssyncadd.s32 $0xFFFFC000  }
0xb6: {  	[spmem:s1] =	stream.indirect.scatter.add.f32 [tilespmem:s19], [sflag:$0x5], $0x80, s24, s29, $0xb8;
	[tilespmem:$0x1EC00] =	vst v63  }
0xb7: {  	_ =	swait.ge [sflag:s16], $0x4000  }
0xb8: {  	[sflag:s16] =	ssyncset.done $0x0  }
0xb9: {  	s30 =	simm.s32 $0x2E00;
	[sflag:s16] =	ssyncadd.s32 $0xFFFFC000  }
0xba: {  	[tilespmem:s19], [sflag:$0x1] =	stream.indirect.gather [hbm4b:s4+s18], $0x80, s30, s18, $0xb8;
	[tilespmem:$0x1EC00] =	vst v63  }
0xbb: {  	_ = 	snop  }
0xbc: {  	[tilespmem:s21], [sflag:$0x1] =	stream.indirect.gather [hbm4b:s4+s18], $0x80, s6, s18, $0xb8;
	[tilespmem:$0x1EC00] =	vst v63  }
0xbd: {  	_ =	swait.ge [sflag:s0], $0x4000  }
0xbe: {  	[sflag:s0] =	ssyncset.done $0x0  }
0xbf: {  	s24 =	sadd.s32 $0x580, s22;
	[sflag:s0] =	ssyncadd.s32 $0xFFFFC000  }
0xc0: {  	[spmem:s1] =	stream.indirect.scatter.add.f32 [tilespmem:s23], [sflag:$0x5], $0x80, s24, s29, $0xb8;
	[tilespmem:$0x1EC00] =	vst v63  }
0xc1: {  	_ =	swait.ge [sflag:s16], $0x4000  }
0xc2: {  	[sflag:s16] =	ssyncset.done $0x0  }
0xc3: {  	[sflag:s16] =	ssyncadd.s32 $0xFFFFC000  }
0xc4: {  	[tilespmem:s23], [sflag:$0x2] =	stream.indirect.gather [hbm4b:s4+s18], $0x80, s8, s18, $0xb8;
	[tilespmem:$0x1EC00] =	vst v63  }
0xc5: {  	_ = 	snop  }
0xc6: {  	[tilespmem:s25], [sflag:$0x2] =	stream.indirect.gather [hbm4b:s4+s18], $0x80, s9, s18, $0xb8;
	[tilespmem:$0x1EC00] =	vst v63  }
0xc7: {  	_ =	swait.ge [sflag:s28], $0x4000  }
0xc8: {  	[sflag:s28] =	ssyncset.done $0x0  }
0xc9: {  	s30 =	sadd.s32 $0x600, s22;
	[sflag:s28] =	ssyncadd.s32 $0xFFFFC000  }
0xca: {  	[spmem:s1] =	stream.indirect.scatter.add.f32 [tilespmem:s19], [sflag:$0x5], $0x80, s30, s29, $0xb8;
	[tilespmem:$0x1EC00] =	vst v63  }
0xcb: {  	_ =	swait.ge [sflag:s16], $0x4000  }
0xcc: {  	[sflag:s16] =	ssyncset.done $0x0  }
0xcd: {  	[sflag:s16] =	ssyncadd.s32 $0xFFFFC000  }
0xce: {  	[tilespmem:s19], [sflag:$0x1] =	stream.indirect.gather [hbm4b:s4+s18], $0x80, s10, s18, $0xb8;
	[tilespmem:$0x1EC00] =	vst v63  }
0xcf: {  	_ = 	snop  }
0xd0: {  	[tilespmem:s21], [sflag:$0x1] =	stream.indirect.gather [hbm4b:s4+s18], $0x80, s11, s18, $0xb8;
	[tilespmem:$0x1EC00] =	vst v63  }
0xd1: {  	_ =	swait.ge [sflag:s0], $0x4000  }
0xd2: {  	[sflag:s0] =	ssyncset.done $0x0  }
0xd3: {  	s24 =	sadd.s32 $0x680, s22;
	[sflag:s0] =	ssyncadd.s32 $0xFFFFC000  }
0xd4: {  	[spmem:s1] =	stream.indirect.scatter.add.f32 [tilespmem:s23], [sflag:$0x5], $0x80, s24, s29, $0xb8;
	[tilespmem:$0x1EC00] =	vst v63  }
0xd5: {  	_ =	swait.ge [sflag:s16], $0x4000  }
0xd6: {  	[sflag:s16] =	ssyncset.done $0x0  }
0xd7: {  	[sflag:s16] =	ssyncadd.s32 $0xFFFFC000  }
0xd8: {  	[tilespmem:s23], [sflag:$0x2] =	stream.indirect.gather [hbm4b:s4+s18], $0x80, s7, s18, $0xb8;
	[tilespmem:$0x1EC00] =	vst v63  }
0xd9: {  	_ = 	snop  }
0xda: {  	[tilespmem:s25], [sflag:$0x2] =	stream.indirect.gather [hbm4b:s4+s18], $0x80, s13, s18, $0xb8;
	[tilespmem:$0x1EC00] =	vst v63  }
0xdb: {  	_ =	swait.ge [sflag:s28], $0x4000  }
0xdc: {  	[sflag:s28] =	ssyncset.done $0x0  }
.Ltmp2:
0xdd: {  	s30 =	sadd.s32 $0x700, s22;
	[sflag:s28] =	ssyncadd.s32 $0xFFFFC000;
	(pc) =	sbr.rel @p0 .LBB2_4-.Ltmp2, $4  }
0xde: {  	[spmem:s1] =	stream.indirect.scatter.add.f32 [tilespmem:s19], [sflag:$0x5], $0x80, s30, s29, $0xb8;
	[tilespmem:$0x1EC00] =	vst v63  }
0xdf: {  	_ =	swait.ge [sflag:s16], $0x4000  }
0xe0: {  	[sflag:s16] =	ssyncset.done $0x0  }
0xe1: {  	s22 =	sadd.s32 $0x780, s22;
	[sflag:s16] =	ssyncadd.s32 $0xFFFFC000  }
0xe2: {  	_ =	swait.ge [sflag:s14], $0x400  }
0xe3: {  	[sflag:s14] =	ssyncset.done $0x0  }
0xe4: {  	[sflag:s14] =	ssyncadd.s32 $0xFFFFFC00  }
0xe5: {  	[tilespmem:s19], [sflag:$0x1] =	stream.indirect.gather [hbm4b:s4+s18], $0x80, s2, s18, $0xb8;
	[tilespmem:$0x1EC00] =	vst v63  }
0xe6: {  	s17 =	simm.s32 $0x2840  }
0xe7: {  	[tilespmem:s21], [sflag:$0x1] =	stream.indirect.gather [hbm4b:s4+s18], $0x80, s17, s18, $0xb8;
	[tilespmem:$0x1EC00] =	vst v63  }
0xe8: {  	_ =	swait.ge [sflag:s0], $0x4000  }
0xe9: {  	[sflag:s0] =	ssyncset.done $0x0  }
0xea: {  	[sflag:s0] =	ssyncadd.s32 $0xFFFFC000  }
0xeb: {  	[spmem:s1] =	stream.indirect.scatter.add.f32 [tilespmem:s23], [sflag:$0x5], $0x80, s22, s29, $0xb8;
	[tilespmem:$0x1EC00] =	vst v63  }
0xec: {  	_ =	swait.ge [sflag:s16], $0x4000  }
0xed: {  	[sflag:s16] =	ssyncset.done $0x0  }
0xee: {  	s24 =	simm.s32 $0x2880;
	[sflag:s16] =	ssyncadd.s32 $0xFFFFC000  }
0xef: {  	[tilespmem:s23], [sflag:$0x2] =	stream.indirect.gather [hbm4b:s4+s18], $0x80, s24, s18, $0xb8;
	[tilespmem:$0x1EC00] =	vst v63  }
.Ltmp3:
0xf0: {  	s30 =	simm.s32 $0x28C0;
	(pc) =	sbr.rel .LBB2_2-.Ltmp3, $4  }
0xf1: {  	[tilespmem:s25], [sflag:$0x2] =	stream.indirect.gather [hbm4b:s4+s18], $0x80, s30, s18, $0xb8;
	[tilespmem:$0x1EC00] =	vst v63  }
0xf2: {  	_ = 	snop  }
0xf3: {  	[tilespmem:s26], [sflag:$0x4] =	stream.linear.gather [hbm4b:s20+s31], $0x400, $0x38;
	[tilespmem:$0x1EC00] =	vst v63  }
0xf4: {  	s3 =	sadd.s32 $0x800, s3;
	s12 =	sadd.s32 $0x2000, s12;
	s20 =	sadd.s32 $0x100, s20  }
.LBB2_5:
0xf5: {  	_ =	sfence.sel $0x180000  }
0xf6: {  	[bflag:$0x0] =	sbarrier.arrive $0xFFFF  }
0xf7: {  	_ =	strace $0x9000004D  }
0xf8: {  	s0 =	stileid.u32;
	[bflag:$0x2] =	sbarrier.arrive $0xFFFF  }
0xf9: {  	p0 =	sne.s32 s0, $0x0;
	s0 =	rddreg [dreg:$0x3]  }
0xfa: {  	s0 =	sadd.s32 @!p0 $0x100000, s0  }
0xfb: {  	[sflag:s0] =	ssyncadd.tile.s32 @!p0 $0x1;
	_ =	shalt  }
.Lfunc_end2:
_tile_overlayer_lowered:
.L_overlay_start_2:
0xfc: {  	(tag) =	ssettag $0x2  }
0xfd: {  	s0 =	rddreg [dreg:$0x0];
	s2 =	stileid.u32  }
0xfe: {  	s1 =	rddreg [dreg:$0x1];
	p0 =	sne.s32 s2, $0x0  }
0xff: {  	s3 =	rddreg [dreg:$0x2];
	[bflag:$0x3] =	sbarrier.arrive $0xFFFF;
	s2 =	simm.s32 @!p0 $0x1C05  }
0x100: {  	[timem:s3], [sflag:s2] =	dma.local @!p0 [hbm:s0], s1  }
0x101: {  	s0 =	simm.s32 @!p0 $0x5  }
0x102: {  	_ =	swait.ge @!p0 [sflag:s0], s1  }
0x103: {  	s1 =	ssub.s32 @!p0 $0x0, s1;
	[sflag:s0] =	ssyncset.done @!p0 $0x0  }
0x104: {  	[sflag:s0] =	ssyncadd.s32 @!p0 s1  }
0x105: {  	[bflag:$0x3] =	sbarrier.arrive $0xFFFF  }
0x106: {  	_ =	shalt  }

// kernel: kernel.8.cloned.1.call-start
scs
__scs_entry_jumppad:
0x0: {  	(pc) =	sbr.rel $0x88, $3  }
0x1: {  	(tag) =	ssettag $0x0;
	lr =	simm.s32 $0x1  }
0x2: {  	[smem:$0x3F9B] =	sst lr;
	_ =	strace $0xD0000000  }
0x3: {  	_ = 	snop  }
0x4: {  	_ = 	snop  }
0x5: {  	_ = 	snop  }
0x6: {  	_ = 	snop  }
0x7: {  	_ = 	snop  }
__scs_overlays_trampoline_lowered:
0x8: {  	[smem:$0x3FAA] =	sst s0  }
0x9: {  	[smem:$0x3FAB] =	sst s1  }
0xa: {  	[smem:$0x3FAC] =	sst s2  }
0xb: {  	[smem:$0x3FAD] =	sst s3  }
0xc: {  	[smem:$0x3FAE] =	sst s4  }
0xd: {  	[smem:$0x3FAF] =	sst s5  }
0xe: {  	[smem:$0x3FB0] =	sst s6  }
0xf: {  	[smem:$0x3FB1] =	sst s7  }
0x10: {  	[smem:$0x3FB2] =	sst s8  }
0x11: {  	[smem:$0x3FB3] =	sst s9;
	s0 =	simm.s32 @!p0 $0x0  }
0x12: {  	s1 =	sld [smem:$0x3F99];
	s0 =	simm.s32 @p0 $0x1  }
0x13: {  	[smem:$0x3FB4] =	sst s0;
	s0 =	simm.s32 @!p1 $0x0  }
0x14: {  	s2 =	sld [smem:$0x3F98];
	s0 =	simm.s32 @p1 $0x1  }
0x15: {  	[smem:$0x3FB5] =	sst s0;
	s0 =	simm.s32 @!p2 $0x0  }
0x16: {  	s3 =	sld [smem:$0x3FDB];
	s0 =	simm.s32 @p2 $0x1  }
0x17: {  	s4 =	simm.s32 $0x1BF5;
	[smem:$0x3FB7] =	sst s0  }
0x18: {  	s0 =	sld [smem:$0x3F9A];
	_ =	swait.ge [sflag:s4], $0x0  }
0x19: {  	s7 =	sld [smem:$0x3F9B]  }
0x1a: {  	s8 =	sadd.s32 $0xFFFFE003, lr  }
0x1b: {  	s9 =	sadd.s32 $0xFFFFFEF7, lr;
	s5 =	simm.s32 $0xFFFFFFFF;
	p2 =	slt.u32 s8, $0xFFFFF086  }
0x1c: {  	p1 =	slt.u32 s9, $0xF7A;
	s5 =	simm.s32 @!p2 $0x0  }
0x1d: {  	s5 =	simm.s32 @p1 $0x1;
	p0 =	seq.s32 s7, s2  }
0x1e: {  	s7 =	smul.u32 @!p0 $0xF7A, s2;
	p2 =	seq.s32 @!p0 s5, $0x0  }
0x1f: {  	s9 =	smul.u32 $0xF7A, s1;
	s8 =	simm.s32 @!p0 $0x1BF5;
	p2 =	por !p2, p0  }
0x20: {  	[sflag:s8] =	ssyncset.s32 @!p0 $0xFFFFF086;
	s6 =	sadd.s32 @!p0 s3, s7;
	s7 =	simm.s32 @!p0 $0x108  }
0x21: {  	s3 =	sadd.s32 s3, s9;
	s6 =	sadd.s32 @!p0 $0x88, s6;
	s7 =	simm.s32 @p2 $0x1082  }
0x22: {  	[simem:s7], [sflag:s8] =	dma.local @!p0 [hbm:s6], $0xF7A  }
0x23: {  	s9 =	sor.u32 $0xD0000000, s2;
	s6 =	simm.s32 $0x108;
	_ =	swait.ge @!p0 [sflag:s8], $0x0  }
0x24: {  	s3 =	sadd.s32 $0x88, s3;
	s6 =	simm.s32 @!p1 $0x1082;
	[sflag:s4] =	ssyncset.s32 $0xFFFFF086  }
0x25: {  	[simem:s6], [sflag:s4] =	dma.local [hbm:s3], $0xF7A  }
0x26: {  	[smem:$0x3F9B] =	sst s1;
	(tag) =	ssettag s2;
	_ =	strace s9  }
0x27: {  	s1 =	sld [smem:$0x3FAB]  }
0x28: {  	s2 =	sld [smem:$0x3FAC]  }
0x29: {  	s4 =	sld [smem:$0x3FAE]  }
0x2a: {  	p0 =	seq.s32 s5, $0x0;
	s5 =	sld [smem:$0x3FAF]  }
0x2b: {  	s6 =	sld [smem:$0x3FB0]  }
0x2c: {  	s7 =	sld [smem:$0x3FB1]  }
0x2d: {  	s3 =	simm.s32 $0x108;
	s8 =	sld [smem:$0x3FB2]  }
0x2e: {  	s3 =	simm.s32 @!p0 $0x1082;
	s9 =	sld [smem:$0x3FB3]  }
0x2f: {  	lr =	sadd.s32 s0, s3;
	s0 =	sld [smem:$0x3FAA]  }
0x30: {  	s3 =	sld [smem:$0x3FAD]  }
0x31: {  	[smem:$0x3FB6] =	sst s10  }
0x32: {  	s10 =	sld [smem:$0x3FB4];
	_ =	sdelay $0x3  }
0x33: {  	p0 =	seq.s32 s10, $0x1;
	s10 =	sld [smem:$0x3FB6];
	_ =	sdelay $0x3  }
0x34: {  	[smem:$0x3FB6] =	sst s10  }
0x35: {  	s10 =	sld [smem:$0x3FB5];
	_ =	sdelay $0x3  }
0x36: {  	p1 =	seq.s32 s10, $0x1;
	s10 =	sld [smem:$0x3FB6];
	_ =	sdelay $0x3  }
0x37: {  	[smem:$0x3FB6] =	sst s10  }
0x38: {  	s10 =	sld [smem:$0x3FB7]  }
0x39: {  	_ = 	snop;
	(pc) =	sbr.ind lr, $3  }
0x3a: {  	_ = 	snop  }
0x3b: {  	_ = 	snop  }
0x3c: {  	p2 =	seq.s32 s10, $0x1;
	s10 =	sld [smem:$0x3FB6]  }
0x3d: {  	_ =	shalt  }
0x3e: {  	_ =	shalt  }
0x3f: {  	_ =	shalt  }
0x40: {  	_ =	shalt  }
0x41: {  	_ =	shalt  }
0x42: {  	_ =	shalt  }
0x43: {  	_ =	shalt  }
0x44: {  	_ =	shalt  }
0x45: {  	_ =	shalt  }
0x46: {  	_ =	shalt  }
0x47: {  	_ =	shalt  }
0x48: {  	_ =	shalt  }
0x49: {  	_ =	shalt  }
0x4a: {  	_ =	shalt  }
0x4b: {  	_ =	shalt  }
0x4c: {  	_ =	shalt  }
0x4d: {  	_ =	shalt  }
0x4e: {  	_ =	shalt  }
0x4f: {  	_ =	shalt  }
0x50: {  	_ =	shalt  }
0x51: {  	_ =	shalt  }
0x52: {  	_ =	shalt  }
0x53: {  	_ =	shalt  }
0x54: {  	_ =	shalt  }
0x55: {  	_ =	shalt  }
0x56: {  	_ =	shalt  }
0x57: {  	_ =	shalt  }
0x58: {  	_ =	shalt  }
0x59: {  	_ =	shalt  }
0x5a: {  	_ =	shalt  }
0x5b: {  	_ =	shalt  }
0x5c: {  	_ =	shalt  }
0x5d: {  	_ =	shalt  }
0x5e: {  	_ =	shalt  }
0x5f: {  	_ =	shalt  }
0x60: {  	_ =	shalt  }
0x61: {  	_ =	shalt  }
0x62: {  	_ =	shalt  }
0x63: {  	_ =	shalt  }
0x64: {  	_ =	shalt  }
0x65: {  	_ =	shalt  }
0x66: {  	_ =	shalt  }
0x67: {  	_ =	shalt  }
0x68: {  	_ =	shalt  }
0x69: {  	_ =	shalt  }
0x6a: {  	_ =	shalt  }
0x6b: {  	_ =	shalt  }
0x6c: {  	_ =	shalt  }
0x6d: {  	_ =	shalt  }
0x6e: {  	_ =	shalt  }
0x6f: {  	_ =	shalt  }
0x70: {  	_ =	shalt  }
0x71: {  	_ =	shalt  }
0x72: {  	_ =	shalt  }
0x73: {  	_ =	shalt  }
0x74: {  	_ =	shalt  }
0x75: {  	_ =	shalt  }
0x76: {  	_ =	shalt  }
0x77: {  	_ =	shalt  }
0x78: {  	_ =	shalt  }
0x79: {  	_ =	shalt  }
0x7a: {  	_ =	shalt  }
0x7b: {  	_ =	shalt  }
0x7c: {  	_ =	shalt  }
0x7d: {  	_ =	shalt  }
0x7e: {  	_ =	shalt  }
0x7f: {  	_ =	shalt  }
0x80: {  	_ =	shalt  }
0x81: {  	_ =	shalt  }
0x82: {  	_ =	shalt  }
0x83: {  	_ =	shalt  }
0x84: {  	_ =	shalt  }
0x85: {  	_ =	shalt  }
0x86: {  	_ =	shalt  }
0x87: {  	_ =	shalt  }
.Lfunc_end0:
.L_simem_size_0:
called_computation_lowered:
.L_overlay_start_0:
0x88: {  	s2 =	sld [smem:$0x3FD9]  }
0x89: {  	s3 =	sld [smem:$0x3FFE];
	_ =	sdelay $0x1  }
0x8a: {  	s1 =	srdreg.scid  }
0x8b: {  	s0 =	sand.u32 $0x1, s1  }
0x8c: {  	s17 =	sshll.u32 s0, $0xA;
	s2 =	sadd.s32 s3, s2  }
0x8d: {  	s2 =	sadd.s32 s2, s17  }
0x8e: {  	[smem:$0x3FC2] =	sst s2  }
0x8f: {  	_ = 	snop  }
0x90: {  	s2 =	sld [smem:$0x3FD0];
	(tm) =	ssettm $0x1  }
0x91: {  	s18 =	sld [smem:$0x3FFB];
	_ =	sdelay $0x3  }
0x92: {  	_ =	strace s18  }
0x93: {  	s3 =	sld [smem:$0x3FFC];
	_ =	sdelay $0x3  }
0x94: {  	_ =	strace s3  }
0x95: {  	s3 =	sld [smem:$0x3FFD];
	_ =	sdelay $0x3  }
0x96: {  	_ =	strace s3  }
0x97: {  	_ =	strace $0x8FFFFFFF  }
0x98: {  	s19 =	sld [smem:$0x3FDB];
	_ =	sdelay $0x1  }
0x99: {  	s4 =	simm.s32 $_scs_section_size  }
0x9a: {  	s5 =	simm.s32 $_size__tile_overlayer_lowered;
	s6 =	simm.s32 $_tile_overlayer_lowered  }
0x9b: {  	s22 =	simm.s32 $0x1BFF;
	s21 =	sshll.u32 s6, $0x1;
	s3 =	sadd.s32 s4, s19  }
0x9c: {  	s7 =	simm.s32 $0x0;
	s20 =	sshll.u32 s5, $0x1;
	s5 =	sadd.s32 s21, s3  }
0x9d: {  	[timem:s7], [sflag:s22] =	dma.local [hbm:s5], s20  }
0x9e: {  	_ =	swait.ge [sflag:s22], s20  }
0x9f: {  	s4 =	ssub.s32 $0x0, s20;
	[sflag:s22] =	ssyncset.done $0x0  }
0xa0: {  	[sflag:s22] =	ssyncadd.s32 s4;
	_ =	sdelay $0x1  }
0xa1: {  	s23 =	simm.s32 $0x1B8B  }
0xa2: {  	_ =	swait.ge [sflag:s23], $0x1  }
0xa3: {  	[sflag:s23] =	ssyncset.done $0x0  }
0xa4: {  	s25 =	simm.s32 $0x1B8E;
	s24 =	sld [smem:$0x3FFE];
	[sflag:s23] =	ssyncadd.s32 $0xFFFFFFFF  }
0xa5: {  	s26 =	simm.s32 $execute0_lowered;
	[smem:$0x3FD2] =	sst s25  }
0xa6: {  	s5 =	sshll.u32 s26, $0x1;
	_ =	strace $0x80000046;
	[dreg:$0x1] =	wrdreg $0xFFFFFFFF  }
0xa7: {  	s28 =	simm.s32 $_size_execute0_lowered;
	s3 =	sadd.s32 s3, s5;
	[dreg:$0x0] =	wrdreg $0x0  }
0xa8: {  	s5 =	sshll.u32 s28, $0x1;
	[dreg:$0x2] =	wrdreg s3  }
0xa9: {  	[dreg:$0x3] =	wrdreg s5  }
0xaa: {  	[dreg:$0x4] =	wrdreg $0xC0  }
0xab: {  	_ =	task [dreg:s7], $0x5FFFF  }
0xac: {  	[dreg:$0x1] =	wrdreg $0xFFFFFFFF  }
0xad: {  	[dreg:$0x0] =	wrdreg $0x60  }
0xae: {  	[dreg:$0x2] =	wrdreg s2  }
0xaf: {  	[dreg:$0x3] =	wrdreg s24  }
0xb0: {  	[dreg:$0x4] =	wrdreg $0x68000  }
0xb1: {  	[dreg:$0x5] =	wrdreg $0x9  }
0xb2: {  	_ =	task.clear_ibuf [dreg:s7], $0x6FFFF;
	_ =	strace $0x90000046  }
0xb3: {  	s29 =	simm.s32 $0x9;
	_ =	strace $0x80000048  }
0xb4: {  	_ =	swait.ge [sflag:s29], $0x1  }
0xb5: {  	[sflag:s29] =	ssyncadd.s32 $0xFFFFFFFF  }
0xb6: {  	_ =	strace $0x90000048  }
0xb7: {  	_ =	sfence  }
0xb8: {  	s30 =	sld [smem:$0x0];
	_ =	sdelay $0x2  }
0xb9: {  	s31 =	sshll.u32 s1, $0xD;
	s1 =	sshrl.u32 s1, $0x2  }
0xba: {  	s3 =	sand.u32 $0x4000, s31;
	s1 =	sadd.s32 s1, s30  }
0xbb: {  	s0 =	sor.u32 s3, s0;
	s1 =	sshll.u32 s1, $0x11  }
0xbc: {  	s0 =	sor.u32 s1, s0  }
0xbd: {  	s0 =	sadd.s32 $0x8F2B, s0  }
0xbe: {  	[sflag:s0] =	ssyncadd.remote.s32 $0x1  }
0xbf: {  	_ =	sfence.sel $0xFFFF  }
0xc0: {  	[dreg:$0x0] =	wrdreg $0xFFFFFFFF;
	(pc) =	sbr.abs _section_cstart, $3  }
0xc1: {  	[dreg:$0x1] =	wrdreg $0xFFFFFFFF  }
0xc2: {  	_ =	task.clear_ibuf [dreg:s7], $0x2FFFF;
	_ =	strace $0x9FFFFFFF  }
0xc3: {  	(tm) =	ssettm $0x7FFFFFFF  }
tec
execute0_lowered:
.L_overlay_start_1:
0x0: {  	(tag) =	ssettag $0x1  }
0x1: {  	s6 =	rddreg [dreg:$0x0]  }
0x2: {  	s5 =	rddreg [dreg:$0x1]  }
0x3: {  	s2 =	rddreg [dreg:$0x2]  }
0x4: {  	s0 =	rddreg [dreg:$0x3];
	s1 =	stileid.u32  }
0x5: {  	s4 =	srdreg.scid;
	s3 =	simm.s32 $0x0;
	s13 =	simm.s32 $0x80  }
0x6: {  	s14 =	simm.s32 $0x0;
	s7 =	smul.u32 $0x13C00, s1;
	s8 =	sand.u32 $0x1, s4  }
0x7: {  	[smem:$0x7FF] =	sst s3;
	s4 =	sadd.s32 $0x29600, s5;
	s12 =	smul.u32 $0x4F000, s1  }
0x8: {  	s28 =	sshll.u32 s1, $0x1;
	s31 =	sshll.u32 s1, $0x6;
	s9 =	smul.u32 $0x13C000, s8  }
0x9: {  	_ =	strace $0x80000047;
	s11 =	ssub.s32 $0x2, s8;
	s8 =	sor.u32 s8, s28  }
0xa: {  	s10 =	sshrl.u32 s7, $0x3;
	s29 =	sshrl.u32 s11, $0x1;
	s8 =	smul.u32 $0x500, s8  }
0xb: {  	s30 =	sshrl.u32 s12, $0x2;
	s10 =	sadd.s32 s10, s5;
	s7 =	sadd.s32 s7, s9  }
0xc: {  	s9 =	ssub.s32 s11, s29;
	s12 =	sadd.s32 s30, s2;
	s11 =	sor.u32 $0x1C01, s31  }
0xd: {  	s7 =	sshrl.u32 s7, $0x3;
	s6 =	sadd.s32 s6, s8;
	s8 =	smax.u32 s9, $0x1  }
0xe: {  	s9 =	simm.s32 $0x2800;
	s12 =	sshrl.u32 s12, $0x3;
	s7 =	sadd.s32 s7, s5  }
0xf: {  	s5 =	sadd.s32 $0x1E00, s10;
	s10 =	simm.s32 $0x1;
	s7 =	sadd.s32 $0x29E00, s7  }
.LBB2_1:
0x10: {  	[tilespmem:s9], [sflag:$0x1] =	stream.linear.gather [hbm4b:s4+s3], $0x4000, $0x38;
	[tilespmem:$0x1A400] =	vst v63  }
0x11: {  	_ =	swait.ge [sflag:s10], $0x4000  }
0x12: {  	[sflag:s10] =	ssyncset.done $0x0  }
0x13: {  	[sflag:s10] =	ssyncadd.s32 $0xFFFFC000  }
0x14: {  	[spmem:s12], [sflag:s11] =	dma.local [hbm:s5], $0x2780  }
0x15: {  	_ =	swait.ge [sflag:s10], $0x2780  }
0x16: {  	[sflag:s10] =	ssyncset.done $0x0  }
0x17: {  	[sflag:s10] =	ssyncadd.s32 $0xFFFFD880  }
0x18: {  	[tilespmem:s3], [sflag:$0x1] =	stream.linear.gather [hbm4b:s6+s3], $0x2800, $0x38;
	[tilespmem:$0x1A400] =	vst v63  }
0x19: {  	_ =	swait.ge [sflag:s10], $0x2800  }
0x1a: {  	[sflag:s10] =	ssyncset.done $0x0  }
0x1b: {  	[sflag:s10] =	ssyncadd.s32 $0xFFFFD800  }
0x1c: {  	s15 =	simm.s32 $0x0;
	[bflag:$0x0] =	sbarrier.arrive $0xFFFF  }
0x1d: {  	[spmem:s2] =	stream.indirect.scatter.add.f32 [tilespmem:s9], [sflag:$0x1], $0x80, s15, s13, $0xb8;
	[tilespmem:$0x1A400] =	vst v63  }
0x1e: {  	_ =	swait.ge [sflag:s10], $0x4000  }
0x1f: {  	s15 =	simm.s32 $0x200;
	[sflag:s10] =	ssyncset.done $0x0  }
.LBB2_2:
0x20: {  	s16 =	sshra.s32 s15, $0x2;
	[sflag:s10] =	ssyncadd.s32 $0xFFFFC000;
	p0 =	sne.s32 s15, $0x9E00  }
0x21: {  	[spmem:s2] =	stream.indirect.scatter.add.f32 [tilespmem:s9], [sflag:$0x1], $0x80, s16, s13, $0xb8;
	[tilespmem:$0x1A400] =	vst v63  }
.Ltmp0:
0x22: {  	_ = 	snop;
	(pc) =	sbr.rel @p0 .LBB2_2-.Ltmp0, $4  }
0x23: {  	_ = 	snop  }
0x24: {  	s15 =	sadd.s32 $0x200, s15  }
0x25: {  	_ =	swait.ge [sflag:s10], $0x4000  }
0x26: {  	[sflag:s10] =	ssyncset.done $0x0  }
0x27: {  	s14 =	sadd.s32 $0x1, s14  }
0x28: {  	[sflag:s10] =	ssyncadd.s32 $0xFFFFC000;
	p0 =	sne.s32 s14, s8  }
.Ltmp1:
0x29: {  	[bflag:$0x0] =	sbarrier.arrive $0xFFFF;
	(pc) =	sbr.rel @p0 .LBB2_1-.Ltmp1, $4  }
0x2a: {  	[hbm:s7], [sflag:s11] =	dma.local [spmem:s12], $0x2780  }
0x2b: {  	_ =	swait.ge [sflag:s10], $0x2780  }
0x2c: {  	[sflag:s10] =	ssyncset.done $0x0  }
0x2d: {  	[sflag:s10] =	ssyncadd.s32 $0xFFFFD880  }
0x2e: {  	_ =	sfence.sel $0x180000  }
0x2f: {  	[bflag:$0x0] =	sbarrier.arrive $0xFFFF  }
0x30: {  	p0 =	sne.s32 s1, $0x0;
	_ =	strace $0x90000047  }
0x31: {  	s0 =	sadd.s32 @!p0 $0x100000, s0;
	[bflag:$0x2] =	sbarrier.arrive $0xFFFF  }
0x32: {  	[sflag:s0] =	ssyncadd.tile.s32 @!p0 $0x1;
	_ =	shalt  }
.Lfunc_end2:
_tile_overlayer_lowered:
.L_overlay_start_2:
0x33: {  	(tag) =	ssettag $0x2  }
0x34: {  	s0 =	rddreg [dreg:$0x0];
	s2 =	stileid.u32  }
0x35: {  	s1 =	rddreg [dreg:$0x1];
	p0 =	sne.s32 s2, $0x0  }
0x36: {  	s3 =	rddreg [dreg:$0x2];
	[bflag:$0x3] =	sbarrier.arrive $0xFFFF;
	s2 =	simm.s32 @!p0 $0x1C01  }
0x37: {  	[timem:s3], [sflag:s2] =	dma.local @!p0 [hbm:s0], s1  }
0x38: {  	s0 =	simm.s32 @!p0 $0x1  }
0x39: {  	_ =	swait.ge @!p0 [sflag:s0], s1  }
0x3a: {  	s1 =	ssub.s32 @!p0 $0x0, s1;
	[sflag:s0] =	ssyncset.done @!p0 $0x0  }
0x3b: {  	[sflag:s0] =	ssyncadd.s32 @!p0 s1  }
0x3c: {  	[bflag:$0x3] =	sbarrier.arrive $0xFFFF  }
0x3d: {  	_ =	shalt  }

</sc_bundles>
